<compile_context>
chip_gen: v7x
topology: tpu7x:2x2x1
jax: 0.10.2.dev20260603
libtpu: 0.0.44.dev20260713+nightly
codegen_flags: <defaults>
</compile_context>

<pallas_src>
import dataclasses
import functools

import jax
import jax.numpy as jnp
from jax import lax
from jax.experimental import pallas as pl
from jax.experimental.pallas import tpu as pltpu
from jax.experimental.pallas import tpu_sc as plsc

N = 10000
D = 256
ED = 16
NC = 2
NS = 16
L = 16

_MESH = dict(mesh=plsc.VectorSubcoreMesh(core_axis_name="c", subcore_axis_name="s"))

_CP = pltpu.CompilerParams()
if "needs_layout_passes" in pltpu.CompilerParams.__dataclass_fields__:
    _CP = dataclasses.replace(_CP, needs_layout_passes=False)


def _make_idx_kernel(EP):
    per_w = EP // (NC * NS)
    n_ch = per_w // 128

    @functools.partial(
        pl.kernel,
        out_type=(
            jax.ShapeDtypeStruct((EP,), jnp.int32),
            jax.ShapeDtypeStruct((EP,), jnp.int32),
        ),
        scratch_types=[
            pltpu.VMEM((per_w,), jnp.int32),
            pltpu.VMEM((per_w,), jnp.int32),
            pltpu.VMEM((per_w,), jnp.int32),
            pltpu.VMEM((per_w,), jnp.int32),
            pltpu.VMEM((128,), jnp.int32),
            pltpu.VMEM((128,), jnp.int32),
            pltpu.SemaphoreType.DMA,
            pltpu.SemaphoreType.DMA,
        ],
        compiler_params=_CP,
        **_MESH,
    )
    def idx_kernel(src_h, dst_h, nt_h, tdst_h, gsrc_h,
                   dss, sss, tds, gss, td0, td1, sg0, sg1):
        wid = lax.axis_index("s") * NC + lax.axis_index("c")
        w0 = wid * per_w
        pltpu.sync_copy(dst_h.at[pl.ds(w0, per_w)], dss)
        pltpu.sync_copy(src_h.at[pl.ds(w0, per_w)], sss)
        tdb = (td0, td1)
        sgs = (sg0, sg1)

        @pl.loop(0, n_ch, step=2)
        def _(ch0):
            for b in range(2):
                off = (ch0 + b) * 128
                pltpu.async_copy(
                    nt_h.at[dss.at[pl.ds(off, 128)]], tdb[b], sgs[b])
            for b in range(2):
                off = (ch0 + b) * 128
                pltpu.make_async_copy(
                    nt_h.at[pl.ds(0, 128)], tdb[b], sgs[b]).wait()
                for v in range(8):
                    sl = pl.ds(off + v * L, L)
                    t = tdb[b][pl.ds(v * L, L)]
                    tds[sl] = t
                    gss[sl] = t * N + sss[sl]

        pltpu.sync_copy(tds, tdst_h.at[pl.ds(w0, per_w)])
        pltpu.sync_copy(gss, gsrc_h.at[pl.ds(w0, per_w)])

    return idx_kernel


def _bnodes_body(h_ref, nt_ref, wl_ref, bl_ref, wr_ref, br_ref, ws_ref, bs_ref,
                 xl_ref, xr_ref, res_ref):
    hb = h_ref[...]
    ntb = nt_ref[...]
    xr = []
    rs = []
    for b in range(3):
        xl_ref[b] = jnp.dot(hb, wl_ref[b], preferred_element_type=jnp.float32) + bl_ref[b][None, :]
        xr.append(jnp.dot(hb, wr_ref[b], preferred_element_type=jnp.float32) + br_ref[b][None, :])
        rs.append(jnp.dot(hb, ws_ref[b], preferred_element_type=jnp.float32) + bs_ref[b][None, :])
    xr_ref[...] = jnp.where(ntb == 0, xr[0], jnp.where(ntb == 1, xr[1], xr[2]))
    res_ref[...] = jnp.where(ntb == 0, rs[0], jnp.where(ntb == 1, rs[1], rs[2]))


def _run_bnodes(h, nt2, Wl3, bl3, Wr3, br3, Wres3, bias3):
    BN = 1000
    full = lambda shp: pl.BlockSpec(shp, lambda i: tuple(0 for _ in shp))
    return pl.pallas_call(
        _bnodes_body,
        grid=(N // BN,),
        in_specs=[
            pl.BlockSpec((BN, D), lambda i: (i, 0)),
            pl.BlockSpec((BN, 1), lambda i: (i, 0)),
            full((3, D, D)), full((3, D)), full((3, D, D)), full((3, D)),
            full((3, D, D)), full((3, D)),
        ],
        out_specs=[
            pl.BlockSpec((3, BN, D), lambda i: (0, i, 0)),
            pl.BlockSpec((BN, D), lambda i: (i, 0)),
            pl.BlockSpec((BN, D), lambda i: (i, 0)),
        ],
        out_shape=[
            jax.ShapeDtypeStruct((3, N, D), jnp.float32),
            jax.ShapeDtypeStruct((N, D), jnp.float32),
            jax.ShapeDtypeStruct((N, D), jnp.float32),
        ],
    )(h, nt2, Wl3, bl3, Wr3, br3, Wres3, bias3)


def _make_gather_kernel(EP):
    per_w = EP // (NC * NS)
    CH = 40
    n_ch = per_w // CH
    NB = 4

    @functools.partial(
        pl.kernel,
        out_type=(
            jax.ShapeDtypeStruct((EP, D), jnp.float32),
            jax.ShapeDtypeStruct((EP, D), jnp.float32),
        ),
        scratch_types=(
            [pltpu.VMEM((per_w,), jnp.int32)] * 2
            + [pltpu.VMEM((CH, D), jnp.float32)] * (2 * NB)
            + [pltpu.SemaphoreType.DMA] * (2 * NB)
        ),
        compiler_params=_CP,
        **_MESH,
    )
    def gather_kernel(xl_h, xr_h, gsrc_h, dst_h, gxl_h, gxr_h,
                      gss, dss, *bufsem):
        xlb = bufsem[0:NB]
        xrb = bufsem[NB:2 * NB]
        sg = bufsem[2 * NB:3 * NB]
        sw = bufsem[3 * NB:4 * NB]
        wid = lax.axis_index("s") * NC + lax.axis_index("c")
        w0 = wid * per_w
        pltpu.sync_copy(gsrc_h.at[pl.ds(w0, per_w)], gss)
        pltpu.sync_copy(dst_h.at[pl.ds(w0, per_w)], dss)

        def issue_g(k, s):
            off = k * CH
            pltpu.async_copy(xl_h.at[gss.at[pl.ds(off, CH)]], xlb[s], sg[s])
            pltpu.async_copy(xr_h.at[dss.at[pl.ds(off, CH)]], xrb[s], sg[s])

        issue_g(0, 0)
        issue_g(1, 1)

        @pl.loop(0, n_ch, step=NB)
        def _(k0):
            for j in range(NB):
                k = k0 + j
                s = j
                pltpu.make_async_copy(gxl_h.at[pl.ds(0, CH)], xlb[s], sg[s]).wait()
                pltpu.make_async_copy(gxl_h.at[pl.ds(0, CH)], xrb[s], sg[s]).wait()
                gout = w0 + k * CH
                pltpu.async_copy(xlb[s], gxl_h.at[pl.ds(gout, CH)], sw[s])
                pltpu.async_copy(xrb[s], gxr_h.at[pl.ds(gout, CH)], sw[s])
                s1 = (j + 3) % NB

                @pl.when(k >= 1)
                def _():
                    pltpu.make_async_copy(gxl_h.at[pl.ds(0, CH)], xlb[s1], sw[s1]).wait()
                    pltpu.make_async_copy(gxl_h.at[pl.ds(0, CH)], xrb[s1], sw[s1]).wait()

                @pl.when(k == 0)
                def _():
                    issue_g(2, (j + 2) % NB)
                    issue_g(3, (j + 3) % NB)

                @pl.when((k + 3 < n_ch) & (k >= 1))
                def _():
                    issue_g(k + 3, s1)

        s_last = (n_ch - 1) % NB
        pltpu.make_async_copy(gxl_h.at[pl.ds(0, CH)], xlb[s_last], sw[s_last]).wait()
        pltpu.make_async_copy(gxl_h.at[pl.ds(0, CH)], xrb[s_last], sw[s_last]).wait()

    return gather_kernel


def _make_c2(EP, E):
    BE = 2048

    def c2_body(xg_ref, xrg_ref, ea_ref, td_ref, att_ref, we_ref,
                pa_ref, pb_ref, ex_ref):
        i = pl.program_id(0)
        td = td_ref[...]
        att = jnp.where(
            td == 0, att_ref[0][None, :],
            jnp.where(td == 1, att_ref[1][None, :], att_ref[2][None, :]))
        eab = ea_ref[...]
        es = [jnp.dot(eab, we_ref[b], preferred_element_type=jnp.float32)
              for b in range(3)]
        e = jnp.where(td == 0, es[0], jnp.where(td == 1, es[1], es[2]))
        xg = xg_ref[...]
        m = xg + xrg_ref[...] + e
        m = jnp.maximum(m, m * 0.2)
        alpha = jnp.sum(m * att, axis=1, keepdims=True)
        ids = i * BE + lax.broadcasted_iota(jnp.int32, (BE, 1), 0)
        ex = jnp.where(ids < E, jnp.exp(alpha), 0.0)
        ex_ref[...] = ex
        pa_ref[...] = xg[:, :128] * ex
        pb_ref[...] = xg[:, 128:] * ex

    def run(xg, xrg, ea_p, td2, att3, We3):
        fullw = pl.BlockSpec((BE, D), lambda i: (i, 0))
        half = pl.BlockSpec((BE, 128), lambda i: (i, 0))
        return pl.pallas_call(
            c2_body,
            grid=(EP // BE,),
            in_specs=[fullw, fullw,
                      pl.BlockSpec((BE, ED), lambda i: (i, 0)),
                      pl.BlockSpec((BE, 1), lambda i: (i, 0)),
                      pl.BlockSpec((3, D), lambda i: (0, 0)),
                      pl.BlockSpec((3, ED, D), lambda i: (0, 0, 0))],
            out_specs=[half, half, pl.BlockSpec((BE, 1), lambda i: (i, 0))],
            out_shape=[
                jax.ShapeDtypeStruct((EP, 128), jnp.float32),
                jax.ShapeDtypeStruct((EP, 128), jnp.float32),
                jax.ShapeDtypeStruct((EP, 1), jnp.float32),
            ],
        )(xg, xrg, ea_p, td2, att3, We3)

    return run


def _make_accum_kernel(EP):
    per_s = EP // NS
    CH = 32
    n_ch = per_s // CH
    NB = 4

    @functools.partial(
        pl.kernel,
        out_type=(
            jax.ShapeDtypeStruct((NC, N, 128), jnp.float32),
            jax.ShapeDtypeStruct((N,), jnp.float32),
        ),
        scratch_types=(
            [pltpu.VMEM((CH, 128), jnp.float32)] * NB
            + [pltpu.VMEM((CH,), jnp.float32)] * NB
            + [pltpu.VMEM((CH,), jnp.int32)] * NB
            + [pltpu.VMEM((32, 128), jnp.float32)]
            + [pltpu.VMEM((640,), jnp.float32)]
            + [pltpu.SemaphoreType.DMA] * (2 * NB)
            + [pltpu.VMEM_SHARED((N, 128), jnp.float32)]
            + [pltpu.VMEM_SHARED((N,), jnp.float32)]
        ),
        compiler_params=_CP,
        **_MESH,
    )
    def accum_kernel(pa_h, pb_h, dst_h, ex_h, out_h, den_h, *rest):
        rbufs = rest[0:NB]
        ebufs = rest[NB:2 * NB]
        ibufs = rest[2 * NB:3 * NB]
        zb = rest[3 * NB]
        zbd = rest[3 * NB + 1]
        srs = rest[3 * NB + 2:3 * NB + 2 + NB]
        sss = rest[3 * NB + 2 + NB:3 * NB + 2 + 2 * NB]
        acc_sh = rest[3 * NB + 2 + 2 * NB]
        den_sh = rest[3 * NB + 3 + 2 * NB]
        cid = lax.axis_index("c")
        sid = lax.axis_index("s")
        s0 = sid * per_s

        @pl.when(sid == 0)
        def _():
            @pl.loop(0, 32)
            def _(r):
                for k in range(8):
                    zb[r, pl.ds(k * L, L)] = jnp.zeros((L,), jnp.float32)

            @pl.loop(0, 640 // L)
            def _(i):
                zbd[pl.ds(i * L, L)] = jnp.zeros((L,), jnp.float32)

            @pl.loop(0, 312)
            def _(i):
                pltpu.sync_copy(zb, acc_sh.at[pl.ds(i * 32, 32)])

            pltpu.sync_copy(zb.at[pl.ds(0, 16)], acc_sh.at[pl.ds(9984, 16)])

            @pl.loop(0, 15)
            def _(i):
                pltpu.sync_copy(zbd, den_sh.at[pl.ds(i * 640, 640)])

            pltpu.sync_copy(zbd.at[pl.ds(0, 400)], den_sh.at[pl.ds(9600, 400)])

        plsc.subcore_barrier()

        def issue_r(k, s):
            gbase = s0 + k * CH
            pltpu.async_copy(dst_h.at[pl.ds(gbase, CH)], ibufs[s], srs[s])

            @pl.when(cid == 0)
            def _():
                pltpu.async_copy(pa_h.at[pl.ds(gbase, CH)], rbufs[s], srs[s])
                pltpu.async_copy(ex_h.at[pl.ds(gbase, CH)], ebufs[s], srs[s])

            @pl.when(cid == 1)
            def _():
                pltpu.async_copy(pb_h.at[pl.ds(gbase, CH)], rbufs[s], srs[s])

        issue_r(0, 0)
        issue_r(1, 1)

        @pl.loop(0, n_ch, step=NB)
        def _(k0):
            for j in range(NB):
                k = k0 + j
                s = j
                pltpu.make_async_copy(pa_h.at[pl.ds(0, CH)], rbufs[s], srs[s]).wait()
                pltpu.make_async_copy(dst_h.at[pl.ds(0, CH)], ibufs[s], srs[s]).wait()

                @pl.when(cid == 0)
                def _():
                    pltpu.make_async_copy(ex_h.at[pl.ds(0, CH)], ebufs[s], srs[s]).wait()

                idx = ibufs[s]
                pltpu.async_copy(rbufs[s], acc_sh.at[idx], sss[s], add=True)

                @pl.when(cid == 0)
                def _():
                    pltpu.async_copy(ebufs[s], den_sh.at[idx], sss[s], add=True)

                s1 = (j + 3) % NB

                @pl.when(k >= 1)
                def _():
                    pltpu.make_async_copy(pa_h.at[pl.ds(0, CH)], rbufs[s1], sss[s1]).wait()

                    @pl.when(cid == 0)
                    def _():
                        pltpu.make_async_copy(ex_h.at[pl.ds(0, CH)], ebufs[s1], sss[s1]).wait()

                @pl.when(k == 0)
                def _():
                    issue_r(2, (j + 2) % NB)
                    issue_r(3, (j + 3) % NB)

                @pl.when((k + 3 < n_ch) & (k >= 1))
                def _():
                    issue_r(k + 3, s1)

        s_last = (n_ch - 1) % NB
        pltpu.make_async_copy(pa_h.at[pl.ds(0, CH)], rbufs[s_last], sss[s_last]).wait()

        @pl.when(cid == 0)
        def _():
            pltpu.make_async_copy(ex_h.at[pl.ds(0, CH)], ebufs[s_last], sss[s_last]).wait()

        plsc.subcore_barrier()

        @pl.when(sid < 15)
        def _():
            pltpu.sync_copy(acc_sh.at[pl.ds(sid * 640, 640)],
                            out_h.at[cid, pl.ds(sid * 640, 640)])

        @pl.when(sid == 15)
        def _():
            pltpu.sync_copy(acc_sh.at[pl.ds(9600, 400)],
                            out_h.at[cid, pl.ds(9600, 400)])

        @pl.when((sid == 0) & (cid == 0))
        def _():
            pltpu.sync_copy(den_sh, den_h)

    return accum_kernel


def _final_body(acc_ref, den_ref, res_ref, o_ref):
    den = den_ref[...] + 1e-16
    o_ref[:, :128] = jax.nn.relu(acc_ref[0] / den + res_ref[:, :128])
    o_ref[:, 128:] = jax.nn.relu(acc_ref[1] / den + res_ref[:, 128:])


def _run_final(acc2, den2, res):
    BN = 1000
    return pl.pallas_call(
        _final_body,
        grid=(N // BN,),
        in_specs=[
            pl.BlockSpec((NC, BN, 128), lambda i: (0, i, 0)),
            pl.BlockSpec((BN, 1), lambda i: (i, 0)),
            pl.BlockSpec((BN, D), lambda i: (i, 0)),
        ],
        out_specs=pl.BlockSpec((BN, D), lambda i: (i, 0)),
        out_shape=jax.ShapeDtypeStruct((N, D), jnp.float32),
    )(acc2, den2, res)


def kernel(h, edge_index, edge_attr, node_type, params):
    src = edge_index[0].astype(jnp.int32)
    dst = edge_index[1].astype(jnp.int32)
    nt = node_type.astype(jnp.int32)
    E = src.shape[0]
    EP = ((E + 4095) // 4096) * 4096
    pad = EP - E

    spread = jnp.arange(pad, dtype=jnp.int32) % N
    src_p = jnp.concatenate([src, spread])
    dst_p = jnp.concatenate([dst, spread])
    ea_p = jnp.concatenate([edge_attr, jnp.zeros((pad, ED), jnp.float32)])

    names = ("var", "red", "irr")
    Wl3 = jnp.stack([params[k]["Wl"] for k in names])
    bl3 = jnp.stack([params[k]["bl"] for k in names])
    Wr3 = jnp.stack([params[k]["Wr"] for k in names])
    br3 = jnp.stack([params[k]["br"] for k in names])
    We3 = jnp.stack([params[k]["We"] for k in names])
    att3 = jnp.stack([params[k]["att"] for k in names])
    Wres3 = jnp.stack([params[k]["Wres"] for k in names])
    bias3 = jnp.stack([params[k]["bias"] for k in names])

    tdst, gsrc = _make_idx_kernel(EP)(src_p, dst_p, nt)
    xl3, xr, res = _run_bnodes(
        h, nt.reshape(N, 1), Wl3, bl3, Wr3, br3, Wres3, bias3)
    xl = xl3.reshape(3 * N, D)

    xg, xrg = _make_gather_kernel(EP)(xl, xr, gsrc, dst_p)
    pa, pb, ex2 = _make_c2(EP, E)(xg, xrg, ea_p, tdst.reshape(EP, 1), att3, We3)

    acc2, den = _make_accum_kernel(EP)(pa, pb, dst_p, ex2.reshape(EP))
    return _run_final(acc2, den.reshape(N, 1), res)

# --- scband reference (transcript-rebuilt; emitter-appended) ---
"""Pipeline reference for scband-cnf-processing-block-59150289601135 (READ-ONLY COPY).

The authoritative reference and input builder live on the scoring server;
editing this copy changes nothing except your own understanding.
"""

import jax, jax.numpy as jnp
import numpy as np

N = 10000
E = 160000
D = 256
ED = 16


def _conv_params(keys, scale=0.05):
    return {
        "Wl": jax.random.normal(keys[0], (D, D), jnp.float32) * scale,
        "bl": jnp.zeros((D,), jnp.float32),
        "Wr": jax.random.normal(keys[1], (D, D), jnp.float32) * scale,
        "br": jnp.zeros((D,), jnp.float32),
        "We": jax.random.normal(keys[2], (ED, D), jnp.float32) * scale,
        "att": jax.random.normal(keys[3], (D,), jnp.float32) * scale,
        "Wres": jax.random.normal(keys[4], (D, D), jnp.float32) * scale,
        "bias": jnp.zeros((D,), jnp.float32),
    }


def setup_inputs(seed: int = 0) -> dict:
    key = jax.random.key(seed)
    ks = jax.random.split(key, 20)
    h = jax.random.normal(ks[0], (N, D), jnp.float32)
    edge_index = jax.random.randint(ks[1], (2, E), 0, N, dtype=jnp.int64)
    edge_attr = jax.random.normal(ks[2], (E, ED), jnp.float32)
    node_type = jax.random.randint(ks[3], (N,), 0, 3, dtype=jnp.int64)
    params = {
        "var": _conv_params(ks[4:9]),
        "red": _conv_params(ks[9:14]),
        "irr": _conv_params(ks[14:19]),
    }
    return {"h": h, "edge_index": edge_index, "edge_attr": edge_attr, "node_type": node_type, "params": params}


def gatv2_conv(h, edge_index, edge_attr, p):
    # Faithful GATv2Conv (heads=1, residual=True, edge_dim=ED)
    src = edge_index[0]
    dst = edge_index[1]
    n = h.shape[0]
    x_l = h @ p["Wl"] + p["bl"]
    x_r = h @ p["Wr"] + p["br"]
    e = edge_attr @ p["We"]
    m = x_l[src] + x_r[dst] + e
    m = jax.nn.leaky_relu(m, 0.2)
    alpha = m @ p["att"]
    amax = jax.ops.segment_max(alpha, dst, num_segments=n)
    amax = jnp.where(jnp.isfinite(amax), amax, 0.0)
    ex = jnp.exp(alpha - amax[dst])
    denom = jax.ops.segment_sum(ex, dst, num_segments=n)
    a = ex / (denom[dst] + 1e-16)
    out = jax.ops.segment_sum(x_l[src] * a[:, None], dst, num_segments=n)
    out = out + h @ p["Wres"] + p["bias"]
    return out


def reference(h, edge_index, edge_attr, node_type, params):
    out_var = gatv2_conv(h, edge_index, edge_attr, params["var"])
    out_red = gatv2_conv(h, edge_index, edge_attr, params["red"])
    out_irr = gatv2_conv(h, edge_index, edge_attr, params["irr"])
    var_mask = (node_type == 0)[:, None]
    red_mask = (node_type == 1)[:, None]
    out = jnp.where(var_mask, out_var, jnp.where(red_mask, out_red, out_irr))
    return jax.nn.relu(out)

if __name__ == "__main__":
    import jax
    _d = setup_inputs()
    print(jax.jit(kernel)(*tuple(_d.values())))

</pallas_src>

<mosaic_0001>
#map = affine_map<(d0, d1) -> (0)>
module attributes {stable_mosaic.version = 14 : i64} {
  func.func @idx_kernel(%arg0: i32, %arg1: i32, %arg2: memref<163840xi32, #tpu.memory_space<hbm>>, %arg3: memref<163840xi32, #tpu.memory_space<hbm>>, %arg4: memref<10000xi32, #tpu.memory_space<hbm>>, %arg5: memref<163840xi32, #tpu.memory_space<hbm>>, %arg6: memref<163840xi32, #tpu.memory_space<hbm>>, %arg7: memref<5120xi32, #tpu.memory_space<vmem>>, %arg8: memref<5120xi32, #tpu.memory_space<vmem>>, %arg9: memref<5120xi32, #tpu.memory_space<vmem>>, %arg10: memref<5120xi32, #tpu.memory_space<vmem>>, %arg11: memref<128xi32, #tpu.memory_space<vmem>>, %arg12: memref<128xi32, #tpu.memory_space<vmem>>, %arg13: memref<!tpu.dma_semaphore, #tpu.memory_space<semaphore_mem>>, %arg14: memref<!tpu.dma_semaphore, #tpu.memory_space<semaphore_mem>>) attributes {dimension_semantics = [#tpu.dimension_semantics<core_parallel>, #tpu.dimension_semantics<subcore_parallel>], iteration_bounds = array<i64: 2, 16>, scalar_prefetch = 0 : i64, scratch_operands = 8 : i64, tpu.core_type = #tpu.core_type<sc_vector_subcore>, window_params = [{transform_indices = #map}, {transform_indices = #map}, {transform_indices = #map}, {transform_indices = #map}, {transform_indices = #map}]} {
    %mul3A = arith.constant 2 : i32
    %mul3A_0 = arith.muli %arg1, %mul3A : i32
    %add3A = arith.addi %mul3A_0, %arg0 : i32
    %mul3A_1 = arith.constant 5120 : i32
    %mul3A_2 = arith.muli %add3A, %mul3A_1 : i32
    "tpu.region"() ({
      %run_scoped3A = tpu.sem_alloc : memref<!tpu.dma_semaphore, #tpu.memory_space<semaphore_mem>>
      %dma_start3A = tpu.memref_slice %arg3[%mul3A_2] : memref<163840xi32, #tpu.memory_space<hbm>> -> memref<5120xi32, #tpu.memory_space<hbm>>
      %dma_start3A_7 = tpu.memref_slice %arg3[%mul3A_2] : memref<163840xi32, #tpu.memory_space<hbm>> -> memref<5120xi32, #tpu.memory_space<hbm>>
      tpu.enqueue_dma source(%dma_start3A_7 : memref<5120xi32, #tpu.memory_space<hbm>>) target(%arg7 : memref<5120xi32, #tpu.memory_space<vmem>>) target_semaphore(%run_scoped3A : memref<!tpu.dma_semaphore, #tpu.memory_space<semaphore_mem>>)
      %dma_wait3A = tpu.memref_slice %arg3[%mul3A_2] : memref<163840xi32, #tpu.memory_space<hbm>> -> memref<5120xi32, #tpu.memory_space<hbm>>
      %dma_wait3A_8 = tpu.memref_slice %arg3[%mul3A_2] : memref<163840xi32, #tpu.memory_space<hbm>> -> memref<5120xi32, #tpu.memory_space<hbm>>
      tpu.wait_dma2 semaphore(%run_scoped3A : memref<!tpu.dma_semaphore, #tpu.memory_space<semaphore_mem>>) src(%dma_wait3A_8 : memref<5120xi32, #tpu.memory_space<hbm>>) dst(%arg7 : memref<5120xi32, #tpu.memory_space<vmem>>)
      tpu.yield
    }) : () -> ()
    "tpu.region"() ({
      %run_scoped3A = tpu.sem_alloc : memref<!tpu.dma_semaphore, #tpu.memory_space<semaphore_mem>>
      %dma_start3A = tpu.memref_slice %arg2[%mul3A_2] : memref<163840xi32, #tpu.memory_space<hbm>> -> memref<5120xi32, #tpu.memory_space<hbm>>
      %dma_start3A_7 = tpu.memref_slice %arg2[%mul3A_2] : memref<163840xi32, #tpu.memory_space<hbm>> -> memref<5120xi32, #tpu.memory_space<hbm>>
      tpu.enqueue_dma source(%dma_start3A_7 : memref<5120xi32, #tpu.memory_space<hbm>>) target(%arg8 : memref<5120xi32, #tpu.memory_space<vmem>>) target_semaphore(%run_scoped3A : memref<!tpu.dma_semaphore, #tpu.memory_space<semaphore_mem>>)
      %dma_wait3A = tpu.memref_slice %arg2[%mul3A_2] : memref<163840xi32, #tpu.memory_space<hbm>> -> memref<5120xi32, #tpu.memory_space<hbm>>
      %dma_wait3A_8 = tpu.memref_slice %arg2[%mul3A_2] : memref<163840xi32, #tpu.memory_space<hbm>> -> memref<5120xi32, #tpu.memory_space<hbm>>
      tpu.wait_dma2 semaphore(%run_scoped3A : memref<!tpu.dma_semaphore, #tpu.memory_space<semaphore_mem>>) src(%dma_wait3A_8 : memref<5120xi32, #tpu.memory_space<hbm>>) dst(%arg8 : memref<5120xi32, #tpu.memory_space<vmem>>)
      tpu.yield
    }) : () -> ()
    %scan3A = arith.constant 0 : i32
    %scan3A_3 = arith.constant 20 : i32
    %scan3A_4 = arith.addi %scan3A, %scan3A_3 : i32
    %scan3A_5 = arith.constant 1 : i32
    scf.for %scan3A_7 = %scan3A to %scan3A_4 step %scan3A_5  : i32 {
      %mul3A_8 = arith.constant 2 : i32
      %mul3A_9 = arith.muli %scan3A_7, %mul3A_8 : i32
      %add3A_10 = arith.constant 0 : i32
      %add3A_11 = arith.addi %add3A_10, %mul3A_9 : i32
      %add3A_12 = arith.constant 0 : i32
      %add3A_13 = arith.addi %add3A_11, %add3A_12 : i32
      %mul3A_14 = arith.constant 128 : i32
      %mul3A_15 = arith.muli %add3A_13, %mul3A_14 : i32
      %dma_start3A = tpu.memref_slice %arg7[%mul3A_15] : memref<5120xi32, #tpu.memory_space<vmem>> -> memref<128xi32, #tpu.memory_space<vmem>>
      %dma_start3A_16 = arith.constant 0 : i32
      %dma_start3A_17 = tpu.memref_slice %arg4[%dma_start3A_16] : memref<10000xi32, #tpu.memory_space<hbm>> -> memref<10000xi32, #tpu.memory_space<hbm>>
      tpu.enqueue_indirect_dma source(%dma_start3A_17 : memref<10000xi32, #tpu.memory_space<hbm>>) target(%arg11 : memref<128xi32, #tpu.memory_space<vmem>>) offsets(%dma_start3A : memref<128xi32, #tpu.memory_space<vmem>>) semaphore(%arg13 : memref<!tpu.dma_semaphore, #tpu.memory_space<semaphore_mem>>)
      %add3A_18 = arith.constant 1 : i32
      %add3A_19 = arith.addi %add3A_11, %add3A_18 : i32
      %mul3A_20 = arith.constant 128 : i32
      %mul3A_21 = arith.muli %add3A_19, %mul3A_20 : i32
      %dma_start3A_22 = tpu.memref_slice %arg7[%mul3A_21] : memref<5120xi32, #tpu.memory_space<vmem>> -> memref<128xi32, #tpu.memory_space<vmem>>
      %dma_start3A_23 = arith.constant 0 : i32
      %dma_start3A_24 = tpu.memref_slice %arg4[%dma_start3A_23] : memref<10000xi32, #tpu.memory_space<hbm>> -> memref<10000xi32, #tpu.memory_space<hbm>>
      tpu.enqueue_indirect_dma source(%dma_start3A_24 : memref<10000xi32, #tpu.memory_space<hbm>>) target(%arg12 : memref<128xi32, #tpu.memory_space<vmem>>) offsets(%dma_start3A_22 : memref<128xi32, #tpu.memory_space<vmem>>) semaphore(%arg14 : memref<!tpu.dma_semaphore, #tpu.memory_space<semaphore_mem>>)
      %add3A_25 = arith.constant 0 : i32
      %add3A_26 = arith.addi %add3A_11, %add3A_25 : i32
      %mul3A_27 = arith.constant 128 : i32
      %mul3A_28 = arith.muli %add3A_26, %mul3A_27 : i32
      %dma_wait3A = arith.constant 0 : i32
      %dma_wait3A_29 = tpu.memref_slice %arg4[%dma_wait3A] : memref<10000xi32, #tpu.memory_space<hbm>> -> memref<128xi32, #tpu.memory_space<hbm>>
      %dma_wait3A_30 = arith.constant 0 : i32
      %dma_wait3A_31 = tpu.memref_slice %arg4[%dma_wait3A_30] : memref<10000xi32, #tpu.memory_space<hbm>> -> memref<128xi32, #tpu.memory_space<hbm>>
      tpu.wait_dma2 semaphore(%arg13 : memref<!tpu.dma_semaphore, #tpu.memory_space<semaphore_mem>>) src(%dma_wait3A_31 : memref<128xi32, #tpu.memory_space<hbm>>) dst(%arg11 : memref<128xi32, #tpu.memory_space<vmem>>)
      %add3A_32 = arith.constant 0 : i32
      %add3A_33 = arith.addi %mul3A_28, %add3A_32 : i32
      %get3A = arith.constant 0 : index
      %get3A_34 = tpu.vector_load %arg11[%get3A] {strides = array<i32>} : memref<128xi32, #tpu.memory_space<vmem>>, vector<16xi32>,
      %swap3A = arith.index_cast %add3A_33 : i32 to index
      %swap3A_35 = tpu.vector_load %arg9[%swap3A] {strides = array<i32>} : memref<5120xi32, #tpu.memory_space<vmem>>, vector<16xi32>,
      tpu.vector_store %arg9[%swap3A], %get3A_34 {strides = array<i32>} : memref<5120xi32, #tpu.memory_space<vmem>>, vector<16xi32>,
      %mul3A_36 = arith.constant 10000 : i32
      %mul3A_37 = vector.broadcast %mul3A_36 : i32 to vector<16xi32>
      %mul3A_38 = arith.muli %get3A_34, %mul3A_37 : vector<16xi32>
      %get3A_39 = arith.index_cast %add3A_33 : i32 to index
      %get3A_40 = tpu.vector_load %arg8[%get3A_39] {strides = array<i32>} : memref<5120xi32, #tpu.memory_space<vmem>>, vector<16xi32>,
      %add3A_41 = arith.addi %mul3A_38, %get3A_40 : vector<16xi32>
      %swap3A_42 = arith.index_cast %add3A_33 : i32 to index
      %swap3A_43 = tpu.vector_load %arg10[%swap3A_42] {strides = array<i32>} : memref<5120xi32, #tpu.memory_space<vmem>>, vector<16xi32>,
      tpu.vector_store %arg10[%swap3A_42], %add3A_41 {strides = array<i32>} : memref<5120xi32, #tpu.memory_space<vmem>>, vector<16xi32>,
      %add3A_44 = arith.constant 16 : i32
      %add3A_45 = arith.addi %mul3A_28, %add3A_44 : i32
      %get3A_46 = arith.constant 16 : index
      %get3A_47 = tpu.vector_load %arg11[%get3A_46] {strides = array<i32>} : memref<128xi32, #tpu.memory_space<vmem>>, vector<16xi32>,
      %swap3A_48 = arith.index_cast %add3A_45 : i32 to index
      %swap3A_49 = tpu.vector_load %arg9[%swap3A_48] {strides = array<i32>} : memref<5120xi32, #tpu.memory_space<vmem>>, vector<16xi32>,
      tpu.vector_store %arg9[%swap3A_48], %get3A_47 {strides = array<i32>} : memref<5120xi32, #tpu.memory_space<vmem>>, vector<16xi32>,
      %mul3A_50 = arith.constant 10000 : i32
      %mul3A_51 = vector.broadcast %mul3A_50 : i32 to vector<16xi32>
      %mul3A_52 = arith.muli %get3A_47, %mul3A_51 : vector<16xi32>
      %get3A_53 = arith.index_cast %add3A_45 : i32 to index
      %get3A_54 = tpu.vector_load %arg8[%get3A_53] {strides = array<i32>} : memref<5120xi32, #tpu.memory_space<vmem>>, vector<16xi32>,
      %add3A_55 = arith.addi %mul3A_52, %get3A_54 : vector<16xi32>
      %swap3A_56 = arith.index_cast %add3A_45 : i32 to index
      %swap3A_57 = tpu.vector_load %arg10[%swap3A_56] {strides = array<i32>} : memref<5120xi32, #tpu.memory_space<vmem>>, vector<16xi32>,
      tpu.vector_store %arg10[%swap3A_56], %add3A_55 {strides = array<i32>} : memref<5120xi32, #tpu.memory_space<vmem>>, vector<16xi32>,
      %add3A_58 = arith.constant 32 : i32
      %add3A_59 = arith.addi %mul3A_28, %add3A_58 : i32
      %get3A_60 = arith.constant 32 : index
      %get3A_61 = tpu.vector_load %arg11[%get3A_60] {strides = array<i32>} : memref<128xi32, #tpu.memory_space<vmem>>, vector<16xi32>,
      %swap3A_62 = arith.index_cast %add3A_59 : i32 to index
      %swap3A_63 = tpu.vector_load %arg9[%swap3A_62] {strides = array<i32>} : memref<5120xi32, #tpu.memory_space<vmem>>, vector<16xi32>,
      tpu.vector_store %arg9[%swap3A_62], %get3A_61 {strides = array<i32>} : memref<5120xi32, #tpu.memory_space<vmem>>, vector<16xi32>,
      %mul3A_64 = arith.constant 10000 : i32
      %mul3A_65 = vector.broadcast %mul3A_64 : i32 to vector<16xi32>
      %mul3A_66 = arith.muli %get3A_61, %mul3A_65 : vector<16xi32>
      %get3A_67 = arith.index_cast %add3A_59 : i32 to index
      %get3A_68 = tpu.vector_load %arg8[%get3A_67] {strides = array<i32>} : memref<5120xi32, #tpu.memory_space<vmem>>, vector<16xi32>,
      %add3A_69 = arith.addi %mul3A_66, %get3A_68 : vector<16xi32>
      %swap3A_70 = arith.index_cast %add3A_59 : i32 to index
      %swap3A_71 = tpu.vector_load %arg10[%swap3A_70] {strides = array<i32>} : memref<5120xi32, #tpu.memory_space<vmem>>, vector<16xi32>,
      tpu.vector_store %arg10[%swap3A_70], %add3A_69 {strides = array<i32>} : memref<5120xi32, #tpu.memory_space<vmem>>, vector<16xi32>,
      %add3A_72 = arith.constant 48 : i32
      %add3A_73 = arith.addi %mul3A_28, %add3A_72 : i32
      %get3A_74 = arith.constant 48 : index
      %get3A_75 = tpu.vector_load %arg11[%get3A_74] {strides = array<i32>} : memref<128xi32, #tpu.memory_space<vmem>>, vector<16xi32>,
      %swap3A_76 = arith.index_cast %add3A_73 : i32 to index
      %swap3A_77 = tpu.vector_load %arg9[%swap3A_76] {strides = array<i32>} : memref<5120xi32, #tpu.memory_space<vmem>>, vector<16xi32>,
      tpu.vector_store %arg9[%swap3A_76], %get3A_75 {strides = array<i32>} : memref<5120xi32, #tpu.memory_space<vmem>>, vector<16xi32>,
      %mul3A_78 = arith.constant 10000 : i32
      %mul3A_79 = vector.broadcast %mul3A_78 : i32 to vector<16xi32>
      %mul3A_80 = arith.muli %get3A_75, %mul3A_79 : vector<16xi32>
      %get3A_81 = arith.index_cast %add3A_73 : i32 to index
      %get3A_82 = tpu.vector_load %arg8[%get3A_81] {strides = array<i32>} : memref<5120xi32, #tpu.memory_space<vmem>>, vector<16xi32>,
      %add3A_83 = arith.addi %mul3A_80, %get3A_82 : vector<16xi32>
      %swap3A_84 = arith.index_cast %add3A_73 : i32 to index
      %swap3A_85 = tpu.vector_load %arg10[%swap3A_84] {strides = array<i32>} : memref<5120xi32, #tpu.memory_space<vmem>>, vector<16xi32>,
      tpu.vector_store %arg10[%swap3A_84], %add3A_83 {strides = array<i32>} : memref<5120xi32, #tpu.memory_space<vmem>>, vector<16xi32>,
      %add3A_86 = arith.constant 64 : i32
      %add3A_87 = arith.addi %mul3A_28, %add3A_86 : i32
      %get3A_88 = arith.constant 64 : index
      %get3A_89 = tpu.vector_load %arg11[%get3A_88] {strides = array<i32>} : memref<128xi32, #tpu.memory_space<vmem>>, vector<16xi32>,
      %swap3A_90 = arith.index_cast %add3A_87 : i32 to index
      %swap3A_91 = tpu.vector_load %arg9[%swap3A_90] {strides = array<i32>} : memref<5120xi32, #tpu.memory_space<vmem>>, vector<16xi32>,
      tpu.vector_store %arg9[%swap3A_90], %get3A_89 {strides = array<i32>} : memref<5120xi32, #tpu.memory_space<vmem>>, vector<16xi32>,
      %mul3A_92 = arith.constant 10000 : i32
      %mul3A_93 = vector.broadcast %mul3A_92 : i32 to vector<16xi32>
      %mul3A_94 = arith.muli %get3A_89, %mul3A_93 : vector<16xi32>
      %get3A_95 = arith.index_cast %add3A_87 : i32 to index
      %get3A_96 = tpu.vector_load %arg8[%get3A_95] {strides = array<i32>} : memref<5120xi32, #tpu.memory_space<vmem>>, vector<16xi32>,
      %add3A_97 = arith.addi %mul3A_94, %get3A_96 : vector<16xi32>
      %swap3A_98 = arith.index_cast %add3A_87 : i32 to index
      %swap3A_99 = tpu.vector_load %arg10[%swap3A_98] {strides = array<i32>} : memref<5120xi32, #tpu.memory_space<vmem>>, vector<16xi32>,
      tpu.vector_store %arg10[%swap3A_98], %add3A_97 {strides = array<i32>} : memref<5120xi32, #tpu.memory_space<vmem>>, vector<16xi32>,
      %add3A_100 = arith.constant 80 : i32
      %add3A_101 = arith.addi %mul3A_28, %add3A_100 : i32
      %get3A_102 = arith.constant 80 : index
      %get3A_103 = tpu.vector_load %arg11[%get3A_102] {strides = array<i32>} : memref<128xi32, #tpu.memory_space<vmem>>, vector<16xi32>,
      %swap3A_104 = arith.index_cast %add3A_101 : i32 to index
      %swap3A_105 = tpu.vector_load %arg9[%swap3A_104] {strides = array<i32>} : memref<5120xi32, #tpu.memory_space<vmem>>, vector<16xi32>,
      tpu.vector_store %arg9[%swap3A_104], %get3A_103 {strides = array<i32>} : memref<5120xi32, #tpu.memory_space<vmem>>, vector<16xi32>,
      %mul3A_106 = arith.constant 10000 : i32
      %mul3A_107 = vector.broadcast %mul3A_106 : i32 to vector<16xi32>
      %mul3A_108 = arith.muli %get3A_103, %mul3A_107 : vector<16xi32>
      %get3A_109 = arith.index_cast %add3A_101 : i32 to index
      %get3A_110 = tpu.vector_load %arg8[%get3A_109] {strides = array<i32>} : memref<5120xi32, #tpu.memory_space<vmem>>, vector<16xi32>,
      %add3A_111 = arith.addi %mul3A_108, %get3A_110 : vector<16xi32>
      %swap3A_112 = arith.index_cast %add3A_101 : i32 to index
      %swap3A_113 = tpu.vector_load %arg10[%swap3A_112] {strides = array<i32>} : memref<5120xi32, #tpu.memory_space<vmem>>, vector<16xi32>,
      tpu.vector_store %arg10[%swap3A_112], %add3A_111 {strides = array<i32>} : memref<5120xi32, #tpu.memory_space<vmem>>, vector<16xi32>,
      %add3A_114 = arith.constant 96 : i32
      %add3A_115 = arith.addi %mul3A_28, %add3A_114 : i32
      %get3A_116 = arith.constant 96 : index
      %get3A_117 = tpu.vector_load %arg11[%get3A_116] {strides = array<i32>} : memref<128xi32, #tpu.memory_space<vmem>>, vector<16xi32>,
      %swap3A_118 = arith.index_cast %add3A_115 : i32 to index
      %swap3A_119 = tpu.vector_load %arg9[%swap3A_118] {strides = array<i32>} : memref<5120xi32, #tpu.memory_space<vmem>>, vector<16xi32>,
      tpu.vector_store %arg9[%swap3A_118], %get3A_117 {strides = array<i32>} : memref<5120xi32, #tpu.memory_space<vmem>>, vector<16xi32>,
      %mul3A_120 = arith.constant 10000 : i32
      %mul3A_121 = vector.broadcast %mul3A_120 : i32 to vector<16xi32>
      %mul3A_122 = arith.muli %get3A_117, %mul3A_121 : vector<16xi32>
      %get3A_123 = arith.index_cast %add3A_115 : i32 to index
      %get3A_124 = tpu.vector_load %arg8[%get3A_123] {strides = array<i32>} : memref<5120xi32, #tpu.memory_space<vmem>>, vector<16xi32>,
      %add3A_125 = arith.addi %mul3A_122, %get3A_124 : vector<16xi32>
      %swap3A_126 = arith.index_cast %add3A_115 : i32 to index
      %swap3A_127 = tpu.vector_load %arg10[%swap3A_126] {strides = array<i32>} : memref<5120xi32, #tpu.memory_space<vmem>>, vector<16xi32>,
      tpu.vector_store %arg10[%swap3A_126], %add3A_125 {strides = array<i32>} : memref<5120xi32, #tpu.memory_space<vmem>>, vector<16xi32>,
      %add3A_128 = arith.constant 112 : i32
      %add3A_129 = arith.addi %mul3A_28, %add3A_128 : i32
      %get3A_130 = arith.constant 112 : index
      %get3A_131 = tpu.vector_load %arg11[%get3A_130] {strides = array<i32>} : memref<128xi32, #tpu.memory_space<vmem>>, vector<16xi32>,
      %swap3A_132 = arith.index_cast %add3A_129 : i32 to index
      %swap3A_133 = tpu.vector_load %arg9[%swap3A_132] {strides = array<i32>} : memref<5120xi32, #tpu.memory_space<vmem>>, vector<16xi32>,
      tpu.vector_store %arg9[%swap3A_132], %get3A_131 {strides = array<i32>} : memref<5120xi32, #tpu.memory_space<vmem>>, vector<16xi32>,
      %mul3A_134 = arith.constant 10000 : i32
      %mul3A_135 = vector.broadcast %mul3A_134 : i32 to vector<16xi32>
      %mul3A_136 = arith.muli %get3A_131, %mul3A_135 : vector<16xi32>
      %get3A_137 = arith.index_cast %add3A_129 : i32 to index
      %get3A_138 = tpu.vector_load %arg8[%get3A_137] {strides = array<i32>} : memref<5120xi32, #tpu.memory_space<vmem>>, vector<16xi32>,
      %add3A_139 = arith.addi %mul3A_136, %get3A_138 : vector<16xi32>
      %swap3A_140 = arith.index_cast %add3A_129 : i32 to index
      %swap3A_141 = tpu.vector_load %arg10[%swap3A_140] {strides = array<i32>} : memref<5120xi32, #tpu.memory_space<vmem>>, vector<16xi32>,
      tpu.vector_store %arg10[%swap3A_140], %add3A_139 {strides = array<i32>} : memref<5120xi32, #tpu.memory_space<vmem>>, vector<16xi32>,
      %add3A_142 = arith.constant 1 : i32
      %add3A_143 = arith.addi %add3A_11, %add3A_142 : i32
      %mul3A_144 = arith.constant 128 : i32
      %mul3A_145 = arith.muli %add3A_143, %mul3A_144 : i32
      %dma_wait3A_146 = arith.constant 0 : i32
      %dma_wait3A_147 = tpu.memref_slice %arg4[%dma_wait3A_146] : memref<10000xi32, #tpu.memory_space<hbm>> -> memref<128xi32, #tpu.memory_space<hbm>>
      %dma_wait3A_148 = arith.constant 0 : i32
      %dma_wait3A_149 = tpu.memref_slice %arg4[%dma_wait3A_148] : memref<10000xi32, #tpu.memory_space<hbm>> -> memref<128xi32, #tpu.memory_space<hbm>>
      tpu.wait_dma2 semaphore(%arg14 : memref<!tpu.dma_semaphore, #tpu.memory_space<semaphore_mem>>) src(%dma_wait3A_149 : memref<128xi32, #tpu.memory_space<hbm>>) dst(%arg12 : memref<128xi32, #tpu.memory_space<vmem>>)
      %add3A_150 = arith.constant 0 : i32
      %add3A_151 = arith.addi %mul3A_145, %add3A_150 : i32
      %get3A_152 = arith.constant 0 : index
      %get3A_153 = tpu.vector_load %arg12[%get3A_152] {strides = array<i32>} : memref<128xi32, #tpu.memory_space<vmem>>, vector<16xi32>,
      %swap3A_154 = arith.index_cast %add3A_151 : i32 to index
      %swap3A_155 = tpu.vector_load %arg9[%swap3A_154] {strides = array<i32>} : memref<5120xi32, #tpu.memory_space<vmem>>, vector<16xi32>,
      tpu.vector_store %arg9[%swap3A_154], %get3A_153 {strides = array<i32>} : memref<5120xi32, #tpu.memory_space<vmem>>, vector<16xi32>,
      %mul3A_156 = arith.constant 10000 : i32
      %mul3A_157 = vector.broadcast %mul3A_156 : i32 to vector<16xi32>
      %mul3A_158 = arith.muli %get3A_153, %mul3A_157 : vector<16xi32>
      %get3A_159 = arith.index_cast %add3A_151 : i32 to index
      %get3A_160 = tpu.vector_load %arg8[%get3A_159] {strides = array<i32>} : memref<5120xi32, #tpu.memory_space<vmem>>, vector<16xi32>,
      %add3A_161 = arith.addi %mul3A_158, %get3A_160 : vector<16xi32>
      %swap3A_162 = arith.index_cast %add3A_151 : i32 to index
      %swap3A_163 = tpu.vector_load %arg10[%swap3A_162] {strides = array<i32>} : memref<5120xi32, #tpu.memory_space<vmem>>, vector<16xi32>,
      tpu.vector_store %arg10[%swap3A_162], %add3A_161 {strides = array<i32>} : memref<5120xi32, #tpu.memory_space<vmem>>, vector<16xi32>,
      %add3A_164 = arith.constant 16 : i32
      %add3A_165 = arith.addi %mul3A_145, %add3A_164 : i32
      %get3A_166 = arith.constant 16 : index
      %get3A_167 = tpu.vector_load %arg12[%get3A_166] {strides = array<i32>} : memref<128xi32, #tpu.memory_space<vmem>>, vector<16xi32>,
      %swap3A_168 = arith.index_cast %add3A_165 : i32 to index
      %swap3A_169 = tpu.vector_load %arg9[%swap3A_168] {strides = array<i32>} : memref<5120xi32, #tpu.memory_space<vmem>>, vector<16xi32>,
      tpu.vector_store %arg9[%swap3A_168], %get3A_167 {strides = array<i32>} : memref<5120xi32, #tpu.memory_space<vmem>>, vector<16xi32>,
      %mul3A_170 = arith.constant 10000 : i32
      %mul3A_171 = vector.broadcast %mul3A_170 : i32 to vector<16xi32>
      %mul3A_172 = arith.muli %get3A_167, %mul3A_171 : vector<16xi32>
      %get3A_173 = arith.index_cast %add3A_165 : i32 to index
      %get3A_174 = tpu.vector_load %arg8[%get3A_173] {strides = array<i32>} : memref<5120xi32, #tpu.memory_space<vmem>>, vector<16xi32>,
      %add3A_175 = arith.addi %mul3A_172, %get3A_174 : vector<16xi32>
      %swap3A_176 = arith.index_cast %add3A_165 : i32 to index
      %swap3A_177 = tpu.vector_load %arg10[%swap3A_176] {strides = array<i32>} : memref<5120xi32, #tpu.memory_space<vmem>>, vector<16xi32>,
      tpu.vector_store %arg10[%swap3A_176], %add3A_175 {strides = array<i32>} : memref<5120xi32, #tpu.memory_space<vmem>>, vector<16xi32>,
      %add3A_178 = arith.constant 32 : i32
      %add3A_179 = arith.addi %mul3A_145, %add3A_178 : i32
      %get3A_180 = arith.constant 32 : index
      %get3A_181 = tpu.vector_load %arg12[%get3A_180] {strides = array<i32>} : memref<128xi32, #tpu.memory_space<vmem>>, vector<16xi32>,
      %swap3A_182 = arith.index_cast %add3A_179 : i32 to index
      %swap3A_183 = tpu.vector_load %arg9[%swap3A_182] {strides = array<i32>} : memref<5120xi32, #tpu.memory_space<vmem>>, vector<16xi32>,
      tpu.vector_store %arg9[%swap3A_182], %get3A_181 {strides = array<i32>} : memref<5120xi32, #tpu.memory_space<vmem>>, vector<16xi32>,
      %mul3A_184 = arith.constant 10000 : i32
      %mul3A_185 = vector.broadcast %mul3A_184 : i32 to vector<16xi32>
      %mul3A_186 = arith.muli %get3A_181, %mul3A_185 : vector<16xi32>
      %get3A_187 = arith.index_cast %add3A_179 : i32 to index
      %get3A_188 = tpu.vector_load %arg8[%get3A_187] {strides = array<i32>} : memref<5120xi32, #tpu.memory_space<vmem>>, vector<16xi32>,
      %add3A_189 = arith.addi %mul3A_186, %get3A_188 : vector<16xi32>
      %swap3A_190 = arith.index_cast %add3A_179 : i32 to index
      %swap3A_191 = tpu.vector_load %arg10[%swap3A_190] {strides = array<i32>} : memref<5120xi32, #tpu.memory_space<vmem>>, vector<16xi32>,
      tpu.vector_store %arg10[%swap3A_190], %add3A_189 {strides = array<i32>} : memref<5120xi32, #tpu.memory_space<vmem>>, vector<16xi32>,
      %add3A_192 = arith.constant 48 : i32
      %add3A_193 = arith.addi %mul3A_145, %add3A_192 : i32
      %get3A_194 = arith.constant 48 : index
      %get3A_195 = tpu.vector_load %arg12[%get3A_194] {strides = array<i32>} : memref<128xi32, #tpu.memory_space<vmem>>, vector<16xi32>,
      %swap3A_196 = arith.index_cast %add3A_193 : i32 to index
      %swap3A_197 = tpu.vector_load %arg9[%swap3A_196] {strides = array<i32>} : memref<5120xi32, #tpu.memory_space<vmem>>, vector<16xi32>,
      tpu.vector_store %arg9[%swap3A_196], %get3A_195 {strides = array<i32>} : memref<5120xi32, #tpu.memory_space<vmem>>, vector<16xi32>,
      %mul3A_198 = arith.constant 10000 : i32
      %mul3A_199 = vector.broadcast %mul3A_198 : i32 to vector<16xi32>
      %mul3A_200 = arith.muli %get3A_195, %mul3A_199 : vector<16xi32>
      %get3A_201 = arith.index_cast %add3A_193 : i32 to index
      %get3A_202 = tpu.vector_load %arg8[%get3A_201] {strides = array<i32>} : memref<5120xi32, #tpu.memory_space<vmem>>, vector<16xi32>,
      %add3A_203 = arith.addi %mul3A_200, %get3A_202 : vector<16xi32>
      %swap3A_204 = arith.index_cast %add3A_193 : i32 to index
      %swap3A_205 = tpu.vector_load %arg10[%swap3A_204] {strides = array<i32>} : memref<5120xi32, #tpu.memory_space<vmem>>, vector<16xi32>,
      tpu.vector_store %arg10[%swap3A_204], %add3A_203 {strides = array<i32>} : memref<5120xi32, #tpu.memory_space<vmem>>, vector<16xi32>,
      %add3A_206 = arith.constant 64 : i32
      %add3A_207 = arith.addi %mul3A_145, %add3A_206 : i32
      %get3A_208 = arith.constant 64 : index
      %get3A_209 = tpu.vector_load %arg12[%get3A_208] {strides = array<i32>} : memref<128xi32, #tpu.memory_space<vmem>>, vector<16xi32>,
      %swap3A_210 = arith.index_cast %add3A_207 : i32 to index
      %swap3A_211 = tpu.vector_load %arg9[%swap3A_210] {strides = array<i32>} : memref<5120xi32, #tpu.memory_space<vmem>>, vector<16xi32>,
      tpu.vector_store %arg9[%swap3A_210], %get3A_209 {strides = array<i32>} : memref<5120xi32, #tpu.memory_space<vmem>>, vector<16xi32>,
      %mul3A_212 = arith.constant 10000 : i32
      %mul3A_213 = vector.broadcast %mul3A_212 : i32 to vector<16xi32>
      %mul3A_214 = arith.muli %get3A_209, %mul3A_213 : vector<16xi32>
      %get3A_215 = arith.index_cast %add3A_207 : i32 to index
      %get3A_216 = tpu.vector_load %arg8[%get3A_215] {strides = array<i32>} : memref<5120xi32, #tpu.memory_space<vmem>>, vector<16xi32>,
      %add3A_217 = arith.addi %mul3A_214, %get3A_216 : vector<16xi32>
      %swap3A_218 = arith.index_cast %add3A_207 : i32 to index
      %swap3A_219 = tpu.vector_load %arg10[%swap3A_218] {strides = array<i32>} : memref<5120xi32, #tpu.memory_space<vmem>>, vector<16xi32>,
      tpu.vector_store %arg10[%swap3A_218], %add3A_217 {strides = array<i32>} : memref<5120xi32, #tpu.memory_space<vmem>>, vector<16xi32>,
      %add3A_220 = arith.constant 80 : i32
      %add3A_221 = arith.addi %mul3A_145, %add3A_220 : i32
      %get3A_222 = arith.constant 80 : index
      %get3A_223 = tpu.vector_load %arg12[%get3A_222] {strides = array<i32>} : memref<128xi32, #tpu.memory_space<vmem>>, vector<16xi32>,
      %swap3A_224 = arith.index_cast %add3A_221 : i32 to index
      %swap3A_225 = tpu.vector_load %arg9[%swap3A_224] {strides = array<i32>} : memref<5120xi32, #tpu.memory_space<vmem>>, vector<16xi32>,
      tpu.vector_store %arg9[%swap3A_224], %get3A_223 {strides = array<i32>} : memref<5120xi32, #tpu.memory_space<vmem>>, vector<16xi32>,
      %mul3A_226 = arith.constant 10000 : i32
      %mul3A_227 = vector.broadcast %mul3A_226 : i32 to vector<16xi32>
      %mul3A_228 = arith.muli %get3A_223, %mul3A_227 : vector<16xi32>
      %get3A_229 = arith.index_cast %add3A_221 : i32 to index
      %get3A_230 = tpu.vector_load %arg8[%get3A_229] {strides = array<i32>} : memref<5120xi32, #tpu.memory_space<vmem>>, vector<16xi32>,
      %add3A_231 = arith.addi %mul3A_228, %get3A_230 : vector<16xi32>
      %swap3A_232 = arith.index_cast %add3A_221 : i32 to index
      %swap3A_233 = tpu.vector_load %arg10[%swap3A_232] {strides = array<i32>} : memref<5120xi32, #tpu.memory_space<vmem>>, vector<16xi32>,
      tpu.vector_store %arg10[%swap3A_232], %add3A_231 {strides = array<i32>} : memref<5120xi32, #tpu.memory_space<vmem>>, vector<16xi32>,
      %add3A_234 = arith.constant 96 : i32
      %add3A_235 = arith.addi %mul3A_145, %add3A_234 : i32
      %get3A_236 = arith.constant 96 : index
      %get3A_237 = tpu.vector_load %arg12[%get3A_236] {strides = array<i32>} : memref<128xi32, #tpu.memory_space<vmem>>, vector<16xi32>,
      %swap3A_238 = arith.index_cast %add3A_235 : i32 to index
      %swap3A_239 = tpu.vector_load %arg9[%swap3A_238] {strides = array<i32>} : memref<5120xi32, #tpu.memory_space<vmem>>, vector<16xi32>,
      tpu.vector_store %arg9[%swap3A_238], %get3A_237 {strides = array<i32>} : memref<5120xi32, #tpu.memory_space<vmem>>, vector<16xi32>,
      %mul3A_240 = arith.constant 10000 : i32
      %mul3A_241 = vector.broadcast %mul3A_240 : i32 to vector<16xi32>
      %mul3A_242 = arith.muli %get3A_237, %mul3A_241 : vector<16xi32>
      %get3A_243 = arith.index_cast %add3A_235 : i32 to index
      %get3A_244 = tpu.vector_load %arg8[%get3A_243] {strides = array<i32>} : memref<5120xi32, #tpu.memory_space<vmem>>, vector<16xi32>,
      %add3A_245 = arith.addi %mul3A_242, %get3A_244 : vector<16xi32>
      %swap3A_246 = arith.index_cast %add3A_235 : i32 to index
      %swap3A_247 = tpu.vector_load %arg10[%swap3A_246] {strides = array<i32>} : memref<5120xi32, #tpu.memory_space<vmem>>, vector<16xi32>,
      tpu.vector_store %arg10[%swap3A_246], %add3A_245 {strides = array<i32>} : memref<5120xi32, #tpu.memory_space<vmem>>, vector<16xi32>,
      %add3A_248 = arith.constant 112 : i32
      %add3A_249 = arith.addi %mul3A_145, %add3A_248 : i32
      %get3A_250 = arith.constant 112 : index
      %get3A_251 = tpu.vector_load %arg12[%get3A_250] {strides = array<i32>} : memref<128xi32, #tpu.memory_space<vmem>>, vector<16xi32>,
      %swap3A_252 = arith.index_cast %add3A_249 : i32 to index
      %swap3A_253 = tpu.vector_load %arg9[%swap3A_252] {strides = array<i32>} : memref<5120xi32, #tpu.memory_space<vmem>>, vector<16xi32>,
      tpu.vector_store %arg9[%swap3A_252], %get3A_251 {strides = array<i32>} : memref<5120xi32, #tpu.memory_space<vmem>>, vector<16xi32>,
      %mul3A_254 = arith.constant 10000 : i32
      %mul3A_255 = vector.broadcast %mul3A_254 : i32 to vector<16xi32>
      %mul3A_256 = arith.muli %get3A_251, %mul3A_255 : vector<16xi32>
      %get3A_257 = arith.index_cast %add3A_249 : i32 to index
      %get3A_258 = tpu.vector_load %arg8[%get3A_257] {strides = array<i32>} : memref<5120xi32, #tpu.memory_space<vmem>>, vector<16xi32>,
      %add3A_259 = arith.addi %mul3A_256, %get3A_258 : vector<16xi32>
      %swap3A_260 = arith.index_cast %add3A_249 : i32 to index
      %swap3A_261 = tpu.vector_load %arg10[%swap3A_260] {strides = array<i32>} : memref<5120xi32, #tpu.memory_space<vmem>>, vector<16xi32>,
      tpu.vector_store %arg10[%swap3A_260], %add3A_259 {strides = array<i32>} : memref<5120xi32, #tpu.memory_space<vmem>>, vector<16xi32>,
    }
    %scan3A_6 = arith.constant 20 : i32
    "tpu.region"() ({
      %run_scoped3A = tpu.sem_alloc : memref<!tpu.dma_semaphore, #tpu.memory_space<semaphore_mem>>
      %dma_start3A = tpu.memref_slice %arg5[%mul3A_2] : memref<163840xi32, #tpu.memory_space<hbm>> -> memref<5120xi32, #tpu.memory_space<hbm>>
      %dma_start3A_7 = tpu.memref_slice %arg5[%mul3A_2] : memref<163840xi32, #tpu.memory_space<hbm>> -> memref<5120xi32, #tpu.memory_space<hbm>>
      tpu.enqueue_dma source(%arg9 : memref<5120xi32, #tpu.memory_space<vmem>>) target(%dma_start3A_7 : memref<5120xi32, #tpu.memory_space<hbm>>) target_semaphore(%run_scoped3A : memref<!tpu.dma_semaphore, #tpu.memory_space<semaphore_mem>>)
      %dma_wait3A = tpu.memref_slice %arg5[%mul3A_2] : memref<163840xi32, #tpu.memory_space<hbm>> -> memref<5120xi32, #tpu.memory_space<hbm>>
      %dma_wait3A_8 = tpu.memref_slice %arg5[%mul3A_2] : memref<163840xi32, #tpu.memory_space<hbm>> -> memref<5120xi32, #tpu.memory_space<hbm>>
      tpu.wait_dma2 semaphore(%run_scoped3A : memref<!tpu.dma_semaphore, #tpu.memory_space<semaphore_mem>>) src(%arg9 : memref<5120xi32, #tpu.memory_space<vmem>>) dst(%dma_wait3A_8 : memref<5120xi32, #tpu.memory_space<hbm>>)
      tpu.yield
    }) : () -> ()
    "tpu.region"() ({
      %run_scoped3A = tpu.sem_alloc : memref<!tpu.dma_semaphore, #tpu.memory_space<semaphore_mem>>
      %dma_start3A = tpu.memref_slice %arg6[%mul3A_2] : memref<163840xi32, #tpu.memory_space<hbm>> -> memref<5120xi32, #tpu.memory_space<hbm>>
      %dma_start3A_7 = tpu.memref_slice %arg6[%mul3A_2] : memref<163840xi32, #tpu.memory_space<hbm>> -> memref<5120xi32, #tpu.memory_space<hbm>>
      tpu.enqueue_dma source(%arg10 : memref<5120xi32, #tpu.memory_space<vmem>>) target(%dma_start3A_7 : memref<5120xi32, #tpu.memory_space<hbm>>) target_semaphore(%run_scoped3A : memref<!tpu.dma_semaphore, #tpu.memory_space<semaphore_mem>>)
      %dma_wait3A = tpu.memref_slice %arg6[%mul3A_2] : memref<163840xi32, #tpu.memory_space<hbm>> -> memref<5120xi32, #tpu.memory_space<hbm>>
      %dma_wait3A_8 = tpu.memref_slice %arg6[%mul3A_2] : memref<163840xi32, #tpu.memory_space<hbm>> -> memref<5120xi32, #tpu.memory_space<hbm>>
      tpu.wait_dma2 semaphore(%run_scoped3A : memref<!tpu.dma_semaphore, #tpu.memory_space<semaphore_mem>>) src(%arg10 : memref<5120xi32, #tpu.memory_space<vmem>>) dst(%dma_wait3A_8 : memref<5120xi32, #tpu.memory_space<hbm>>)
      tpu.yield
    }) : () -> ()
    return
  }
}

#map = affine_map<(d0, d1) -> (0, 0)>
#map1 = affine_map<(d0, d1) -> (0)>
#map2 = affine_map<(d0, d1) -> (0, 0, 0)>
module attributes {stable_mosaic.version = 14 : i64} {
  func.func @accum_kernel(%arg0: i32, %arg1: i32, %arg2: memref<163840x128xf32, #tpu.memory_space<hbm>>, %arg3: memref<163840x128xf32, #tpu.memory_space<hbm>>, %arg4: memref<163840xi32, #tpu.memory_space<hbm>>, %arg5: memref<163840xf32, #tpu.memory_space<hbm>>, %arg6: memref<2x10000x128xf32, #tpu.memory_space<hbm>>, %arg7: memref<10000xf32, #tpu.memory_space<hbm>>, %arg8: memref<32x128xf32, #tpu.memory_space<vmem>>, %arg9: memref<32x128xf32, #tpu.memory_space<vmem>>, %arg10: memref<32x128xf32, #tpu.memory_space<vmem>>, %arg11: memref<32x128xf32, #tpu.memory_space<vmem>>, %arg12: memref<32xf32, #tpu.memory_space<vmem>>, %arg13: memref<32xf32, #tpu.memory_space<vmem>>, %arg14: memref<32xf32, #tpu.memory_space<vmem>>, %arg15: memref<32xf32, #tpu.memory_space<vmem>>, %arg16: memref<32xi32, #tpu.memory_space<vmem>>, %arg17: memref<32xi32, #tpu.memory_space<vmem>>, %arg18: memref<32xi32, #tpu.memory_space<vmem>>, %arg19: memref<32xi32, #tpu.memory_space<vmem>>, %arg20: memref<32x128xf32, #tpu.memory_space<vmem>>, %arg21: memref<640xf32, #tpu.memory_space<vmem>>, %arg22: memref<!tpu.dma_semaphore, #tpu.memory_space<semaphore_mem>>, %arg23: memref<!tpu.dma_semaphore, #tpu.memory_space<semaphore_mem>>, %arg24: memref<!tpu.dma_semaphore, #tpu.memory_space<semaphore_mem>>, %arg25: memref<!tpu.dma_semaphore, #tpu.memory_space<semaphore_mem>>, %arg26: memref<!tpu.dma_semaphore, #tpu.memory_space<semaphore_mem>>, %arg27: memref<!tpu.dma_semaphore, #tpu.memory_space<semaphore_mem>>, %arg28: memref<!tpu.dma_semaphore, #tpu.memory_space<semaphore_mem>>, %arg29: memref<!tpu.dma_semaphore, #tpu.memory_space<semaphore_mem>>, %arg30: memref<10000x128xf32, #tpu.memory_space<vmem_shared>>, %arg31: memref<10000xf32, #tpu.memory_space<vmem_shared>>) attributes {dimension_semantics = [#tpu.dimension_semantics<core_parallel>, #tpu.dimension_semantics<subcore_parallel>], iteration_bounds = array<i64: 2, 16>, scalar_prefetch = 0 : i64, scratch_operands = 24 : i64, tpu.core_type = #tpu.core_type<sc_vector_subcore>, window_params = [{transform_indices = #map}, {transform_indices = #map}, {transform_indices = #map1}, {transform_indices = #map1}, {transform_indices = #map2}, {transform_indices = #map1}]} {
    %mul3A = arith.constant 10240 : i32
    %mul3A_0 = arith.muli %arg1, %mul3A : i32
    %eq3A = arith.constant 0 : i32
    %eq3A_1 = arith.cmpi eq, %arg1, %eq3A : i32
    %convert_element_type3A = arith.extui %eq3A_1 : i1 to i32
    %cond3A = arith.constant 0 : i32
    %cond3A_2 = arith.cmpi ne, %convert_element_type3A, %cond3A : i32
    scf.if %cond3A_2 {
      %scan3A_60 = arith.constant 0 : i32
      %scan3A_61 = arith.constant 32 : i32
      %scan3A_62 = arith.addi %scan3A_60, %scan3A_61 : i32
      %scan3A_63 = arith.constant 1 : i32
      scf.for %scan3A_80 = %scan3A_60 to %scan3A_62 step %scan3A_63  : i32 {
        %mul3A_81 = arith.constant 1 : i32
        %mul3A_82 = arith.muli %scan3A_80, %mul3A_81 : i32
        %add3A_83 = arith.constant 0 : i32
        %add3A_84 = arith.addi %add3A_83, %mul3A_82 : i32
        %broadcast_in_dim3A = arith.constant 0.000000e+00 : f32
        %broadcast_in_dim3A_85 = vector.broadcast %broadcast_in_dim3A : f32 to vector<16xf32>
        %swap3A = arith.index_cast %add3A_84 : i32 to index
        %swap3A_86 = arith.constant 0 : index
        %swap3A_87 = tpu.vector_load %arg20[%swap3A, %swap3A_86] {strides = array<i32>} : memref<32x128xf32, #tpu.memory_space<vmem>>, vector<16xf32>,
        tpu.vector_store %arg20[%swap3A, %swap3A_86], %broadcast_in_dim3A_85 {strides = array<i32>} : memref<32x128xf32, #tpu.memory_space<vmem>>, vector<16xf32>,
        %broadcast_in_dim3A_88 = arith.constant 0.000000e+00 : f32
        %broadcast_in_dim3A_89 = vector.broadcast %broadcast_in_dim3A_88 : f32 to vector<16xf32>
        %swap3A_90 = arith.index_cast %add3A_84 : i32 to index
        %swap3A_91 = arith.constant 16 : index
        %swap3A_92 = tpu.vector_load %arg20[%swap3A_90, %swap3A_91] {strides = array<i32>} : memref<32x128xf32, #tpu.memory_space<vmem>>, vector<16xf32>,
        tpu.vector_store %arg20[%swap3A_90, %swap3A_91], %broadcast_in_dim3A_89 {strides = array<i32>} : memref<32x128xf32, #tpu.memory_space<vmem>>, vector<16xf32>,
        %broadcast_in_dim3A_93 = arith.constant 0.000000e+00 : f32
        %broadcast_in_dim3A_94 = vector.broadcast %broadcast_in_dim3A_93 : f32 to vector<16xf32>
        %swap3A_95 = arith.index_cast %add3A_84 : i32 to index
        %swap3A_96 = arith.constant 32 : index
        %swap3A_97 = tpu.vector_load %arg20[%swap3A_95, %swap3A_96] {strides = array<i32>} : memref<32x128xf32, #tpu.memory_space<vmem>>, vector<16xf32>,
        tpu.vector_store %arg20[%swap3A_95, %swap3A_96], %broadcast_in_dim3A_94 {strides = array<i32>} : memref<32x128xf32, #tpu.memory_space<vmem>>, vector<16xf32>,
        %broadcast_in_dim3A_98 = arith.constant 0.000000e+00 : f32
        %broadcast_in_dim3A_99 = vector.broadcast %broadcast_in_dim3A_98 : f32 to vector<16xf32>
        %swap3A_100 = arith.index_cast %add3A_84 : i32 to index
        %swap3A_101 = arith.constant 48 : index
        %swap3A_102 = tpu.vector_load %arg20[%swap3A_100, %swap3A_101] {strides = array<i32>} : memref<32x128xf32, #tpu.memory_space<vmem>>, vector<16xf32>,
        tpu.vector_store %arg20[%swap3A_100, %swap3A_101], %broadcast_in_dim3A_99 {strides = array<i32>} : memref<32x128xf32, #tpu.memory_space<vmem>>, vector<16xf32>,
        %broadcast_in_dim3A_103 = arith.constant 0.000000e+00 : f32
        %broadcast_in_dim3A_104 = vector.broadcast %broadcast_in_dim3A_103 : f32 to vector<16xf32>
        %swap3A_105 = arith.index_cast %add3A_84 : i32 to index
        %swap3A_106 = arith.constant 64 : index
        %swap3A_107 = tpu.vector_load %arg20[%swap3A_105, %swap3A_106] {strides = array<i32>} : memref<32x128xf32, #tpu.memory_space<vmem>>, vector<16xf32>,
        tpu.vector_store %arg20[%swap3A_105, %swap3A_106], %broadcast_in_dim3A_104 {strides = array<i32>} : memref<32x128xf32, #tpu.memory_space<vmem>>, vector<16xf32>,
        %broadcast_in_dim3A_108 = arith.constant 0.000000e+00 : f32
        %broadcast_in_dim3A_109 = vector.broadcast %broadcast_in_dim3A_108 : f32 to vector<16xf32>
        %swap3A_110 = arith.index_cast %add3A_84 : i32 to index
        %swap3A_111 = arith.constant 80 : index
        %swap3A_112 = tpu.vector_load %arg20[%swap3A_110, %swap3A_111] {strides = array<i32>} : memref<32x128xf32, #tpu.memory_space<vmem>>, vector<16xf32>,
        tpu.vector_store %arg20[%swap3A_110, %swap3A_111], %broadcast_in_dim3A_109 {strides = array<i32>} : memref<32x128xf32, #tpu.memory_space<vmem>>, vector<16xf32>,
        %broadcast_in_dim3A_113 = arith.constant 0.000000e+00 : f32
        %broadcast_in_dim3A_114 = vector.broadcast %broadcast_in_dim3A_113 : f32 to vector<16xf32>
        %swap3A_115 = arith.index_cast %add3A_84 : i32 to index
        %swap3A_116 = arith.constant 96 : index
        %swap3A_117 = tpu.vector_load %arg20[%swap3A_115, %swap3A_116] {strides = array<i32>} : memref<32x128xf32, #tpu.memory_space<vmem>>, vector<16xf32>,
        tpu.vector_store %arg20[%swap3A_115, %swap3A_116], %broadcast_in_dim3A_114 {strides = array<i32>} : memref<32x128xf32, #tpu.memory_space<vmem>>, vector<16xf32>,
        %broadcast_in_dim3A_118 = arith.constant 0.000000e+00 : f32
        %broadcast_in_dim3A_119 = vector.broadcast %broadcast_in_dim3A_118 : f32 to vector<16xf32>
        %swap3A_120 = arith.index_cast %add3A_84 : i32 to index
        %swap3A_121 = arith.constant 112 : index
        %swap3A_122 = tpu.vector_load %arg20[%swap3A_120, %swap3A_121] {strides = array<i32>} : memref<32x128xf32, #tpu.memory_space<vmem>>, vector<16xf32>,
        tpu.vector_store %arg20[%swap3A_120, %swap3A_121], %broadcast_in_dim3A_119 {strides = array<i32>} : memref<32x128xf32, #tpu.memory_space<vmem>>, vector<16xf32>,
      }
      %scan3A_64 = arith.constant 32 : i32
      %scan3A_65 = arith.constant 0 : i32
      %scan3A_66 = arith.constant 40 : i32
      %scan3A_67 = arith.addi %scan3A_65, %scan3A_66 : i32
      %scan3A_68 = arith.constant 1 : i32
      scf.for %scan3A_80 = %scan3A_65 to %scan3A_67 step %scan3A_68  : i32 {
        %mul3A_81 = arith.constant 1 : i32
        %mul3A_82 = arith.muli %scan3A_80, %mul3A_81 : i32
        %add3A_83 = arith.constant 0 : i32
        %add3A_84 = arith.addi %add3A_83, %mul3A_82 : i32
        %broadcast_in_dim3A = arith.constant 0.000000e+00 : f32
        %broadcast_in_dim3A_85 = vector.broadcast %broadcast_in_dim3A : f32 to vector<16xf32>
        %mul3A_86 = arith.constant 16 : i32
        %mul3A_87 = arith.muli %add3A_84, %mul3A_86 : i32
        %swap3A = arith.index_cast %mul3A_87 : i32 to index
        %swap3A_88 = tpu.vector_load %arg21[%swap3A] {strides = array<i32>} : memref<640xf32, #tpu.memory_space<vmem>>, vector<16xf32>,
        tpu.vector_store %arg21[%swap3A], %broadcast_in_dim3A_85 {strides = array<i32>} : memref<640xf32, #tpu.memory_space<vmem>>, vector<16xf32>,
      }
      %scan3A_69 = arith.constant 40 : i32
      %scan3A_70 = arith.constant 0 : i32
      %scan3A_71 = arith.constant 312 : i32
      %scan3A_72 = arith.addi %scan3A_70, %scan3A_71 : i32
      %scan3A_73 = arith.constant 1 : i32
      scf.for %scan3A_80 = %scan3A_70 to %scan3A_72 step %scan3A_73  : i32 {
        %mul3A_81 = arith.constant 1 : i32
        %mul3A_82 = arith.muli %scan3A_80, %mul3A_81 : i32
        %add3A_83 = arith.constant 0 : i32
        %add3A_84 = arith.addi %add3A_83, %mul3A_82 : i32
        %mul3A_85 = arith.constant 32 : i32
        %mul3A_86 = arith.muli %add3A_84, %mul3A_85 : i32
        "tpu.region"() ({
          %run_scoped3A = tpu.sem_alloc : memref<!tpu.dma_semaphore, #tpu.memory_space<semaphore_mem>>
          %dma_start3A_87 = arith.constant 0 : i32
          %dma_start3A_88 = tpu.memref_slice %arg30[%mul3A_86, %dma_start3A_87] : memref<10000x128xf32, #tpu.memory_space<vmem_shared>> -> memref<32x128xf32, #tpu.memory_space<vmem_shared>>
          %dma_start3A_89 = arith.constant 0 : i32
          %dma_start3A_90 = tpu.memref_slice %arg30[%mul3A_86, %dma_start3A_89] : memref<10000x128xf32, #tpu.memory_space<vmem_shared>> -> memref<32x128xf32, #tpu.memory_space<vmem_shared>>
          tpu.enqueue_dma source(%arg20 : memref<32x128xf32, #tpu.memory_space<vmem>>) target(%dma_start3A_90 : memref<32x128xf32, #tpu.memory_space<vmem_shared>>) target_semaphore(%run_scoped3A : memref<!tpu.dma_semaphore, #tpu.memory_space<semaphore_mem>>)
          %dma_wait3A_91 = arith.constant 0 : i32
          %dma_wait3A_92 = tpu.memref_slice %arg30[%mul3A_86, %dma_wait3A_91] : memref<10000x128xf32, #tpu.memory_space<vmem_shared>> -> memref<32x128xf32, #tpu.memory_space<vmem_shared>>
          %dma_wait3A_93 = arith.constant 0 : i32
          %dma_wait3A_94 = tpu.memref_slice %arg30[%mul3A_86, %dma_wait3A_93] : memref<10000x128xf32, #tpu.memory_space<vmem_shared>> -> memref<32x128xf32, #tpu.memory_space<vmem_shared>>
          tpu.wait_dma2 semaphore(%run_scoped3A : memref<!tpu.dma_semaphore, #tpu.memory_space<semaphore_mem>>) src(%arg20 : memref<32x128xf32, #tpu.memory_space<vmem>>) dst(%dma_wait3A_94 : memref<32x128xf32, #tpu.memory_space<vmem_shared>>)
          tpu.yield
        }) : () -> ()
      }
      %scan3A_74 = arith.constant 312 : i32
      "tpu.region"() ({
        %run_scoped3A = tpu.sem_alloc : memref<!tpu.dma_semaphore, #tpu.memory_space<semaphore_mem>>
        %dma_start3A_80 = arith.constant 0 : i32
        %dma_start3A_81 = arith.constant 0 : i32
        %dma_start3A_82 = tpu.memref_slice %arg20[%dma_start3A_80, %dma_start3A_81] : memref<32x128xf32, #tpu.memory_space<vmem>> -> memref<16x128xf32, #tpu.memory_space<vmem>>
        %dma_start3A_83 = arith.constant 9984 : i32
        %dma_start3A_84 = arith.constant 0 : i32
        %dma_start3A_85 = tpu.memref_slice %arg30[%dma_start3A_83, %dma_start3A_84] : memref<10000x128xf32, #tpu.memory_space<vmem_shared>> -> memref<16x128xf32, #tpu.memory_space<vmem_shared>>
        %dma_start3A_86 = arith.constant 9984 : i32
        %dma_start3A_87 = arith.constant 0 : i32
        %dma_start3A_88 = tpu.memref_slice %arg30[%dma_start3A_86, %dma_start3A_87] : memref<10000x128xf32, #tpu.memory_space<vmem_shared>> -> memref<16x128xf32, #tpu.memory_space<vmem_shared>>
        %dma_start3A_89 = arith.constant 0 : i32
        %dma_start3A_90 = arith.constant 0 : i32
        %dma_start3A_91 = tpu.memref_slice %arg20[%dma_start3A_89, %dma_start3A_90] : memref<32x128xf32, #tpu.memory_space<vmem>> -> memref<16x128xf32, #tpu.memory_space<vmem>>
        tpu.enqueue_dma source(%dma_start3A_91 : memref<16x128xf32, #tpu.memory_space<vmem>>) target(%dma_start3A_88 : memref<16x128xf32, #tpu.memory_space<vmem_shared>>) target_semaphore(%run_scoped3A : memref<!tpu.dma_semaphore, #tpu.memory_space<semaphore_mem>>)
        %dma_wait3A_92 = arith.constant 0 : i32
        %dma_wait3A_93 = arith.constant 0 : i32
        %dma_wait3A_94 = tpu.memref_slice %arg20[%dma_wait3A_92, %dma_wait3A_93] : memref<32x128xf32, #tpu.memory_space<vmem>> -> memref<16x128xf32, #tpu.memory_space<vmem>>
        %dma_wait3A_95 = arith.constant 9984 : i32
        %dma_wait3A_96 = arith.constant 0 : i32
        %dma_wait3A_97 = tpu.memref_slice %arg30[%dma_wait3A_95, %dma_wait3A_96] : memref<10000x128xf32, #tpu.memory_space<vmem_shared>> -> memref<16x128xf32, #tpu.memory_space<vmem_shared>>
        %dma_wait3A_98 = arith.constant 9984 : i32
        %dma_wait3A_99 = arith.constant 0 : i32
        %dma_wait3A_100 = tpu.memref_slice %arg30[%dma_wait3A_98, %dma_wait3A_99] : memref<10000x128xf32, #tpu.memory_space<vmem_shared>> -> memref<16x128xf32, #tpu.memory_space<vmem_shared>>
        %dma_wait3A_101 = arith.constant 0 : i32
        %dma_wait3A_102 = arith.constant 0 : i32
        %dma_wait3A_103 = tpu.memref_slice %arg20[%dma_wait3A_101, %dma_wait3A_102] : memref<32x128xf32, #tpu.memory_space<vmem>> -> memref<16x128xf32, #tpu.memory_space<vmem>>
        tpu.wait_dma2 semaphore(%run_scoped3A : memref<!tpu.dma_semaphore, #tpu.memory_space<semaphore_mem>>) src(%dma_wait3A_103 : memref<16x128xf32, #tpu.memory_space<vmem>>) dst(%dma_wait3A_100 : memref<16x128xf32, #tpu.memory_space<vmem_shared>>)
        tpu.yield
      }) : () -> ()
      %scan3A_75 = arith.constant 0 : i32
      %scan3A_76 = arith.constant 15 : i32
      %scan3A_77 = arith.addi %scan3A_75, %scan3A_76 : i32
      %scan3A_78 = arith.constant 1 : i32
      scf.for %scan3A_80 = %scan3A_75 to %scan3A_77 step %scan3A_78  : i32 {
        %mul3A_81 = arith.constant 1 : i32
        %mul3A_82 = arith.muli %scan3A_80, %mul3A_81 : i32
        %add3A_83 = arith.constant 0 : i32
        %add3A_84 = arith.addi %add3A_83, %mul3A_82 : i32
        %mul3A_85 = arith.constant 640 : i32
        %mul3A_86 = arith.muli %add3A_84, %mul3A_85 : i32
        "tpu.region"() ({
          %run_scoped3A = tpu.sem_alloc : memref<!tpu.dma_semaphore, #tpu.memory_space<semaphore_mem>>
          %dma_start3A_87 = tpu.memref_slice %arg31[%mul3A_86] : memref<10000xf32, #tpu.memory_space<vmem_shared>> -> memref<640xf32, #tpu.memory_space<vmem_shared>>
          %dma_start3A_88 = tpu.memref_slice %arg31[%mul3A_86] : memref<10000xf32, #tpu.memory_space<vmem_shared>> -> memref<640xf32, #tpu.memory_space<vmem_shared>>
          tpu.enqueue_dma source(%arg21 : memref<640xf32, #tpu.memory_space<vmem>>) target(%dma_start3A_88 : memref<640xf32, #tpu.memory_space<vmem_shared>>) target_semaphore(%run_scoped3A : memref<!tpu.dma_semaphore, #tpu.memory_space<semaphore_mem>>)
          %dma_wait3A_89 = tpu.memref_slice %arg31[%mul3A_86] : memref<10000xf32, #tpu.memory_space<vmem_shared>> -> memref<640xf32, #tpu.memory_space<vmem_shared>>
          %dma_wait3A_90 = tpu.memref_slice %arg31[%mul3A_86] : memref<10000xf32, #tpu.memory_space<vmem_shared>> -> memref<640xf32, #tpu.memory_space<vmem_shared>>
          tpu.wait_dma2 semaphore(%run_scoped3A : memref<!tpu.dma_semaphore, #tpu.memory_space<semaphore_mem>>) src(%arg21 : memref<640xf32, #tpu.memory_space<vmem>>) dst(%dma_wait3A_90 : memref<640xf32, #tpu.memory_space<vmem_shared>>)
          tpu.yield
        }) : () -> ()
      }
      %scan3A_79 = arith.constant 15 : i32
      "tpu.region"() ({
        %run_scoped3A = tpu.sem_alloc : memref<!tpu.dma_semaphore, #tpu.memory_space<semaphore_mem>>
        %dma_start3A_80 = arith.constant 0 : i32
        %dma_start3A_81 = tpu.memref_slice %arg21[%dma_start3A_80] : memref<640xf32, #tpu.memory_space<vmem>> -> memref<400xf32, #tpu.memory_space<vmem>>
        %dma_start3A_82 = arith.constant 9600 : i32
        %dma_start3A_83 = tpu.memref_slice %arg31[%dma_start3A_82] : memref<10000xf32, #tpu.memory_space<vmem_shared>> -> memref<400xf32, #tpu.memory_space<vmem_shared>>
        %dma_start3A_84 = arith.constant 9600 : i32
        %dma_start3A_85 = tpu.memref_slice %arg31[%dma_start3A_84] : memref<10000xf32, #tpu.memory_space<vmem_shared>> -> memref<400xf32, #tpu.memory_space<vmem_shared>>
        %dma_start3A_86 = arith.constant 0 : i32
        %dma_start3A_87 = tpu.memref_slice %arg21[%dma_start3A_86] : memref<640xf32, #tpu.memory_space<vmem>> -> memref<400xf32, #tpu.memory_space<vmem>>
        tpu.enqueue_dma source(%dma_start3A_87 : memref<400xf32, #tpu.memory_space<vmem>>) target(%dma_start3A_85 : memref<400xf32, #tpu.memory_space<vmem_shared>>) target_semaphore(%run_scoped3A : memref<!tpu.dma_semaphore, #tpu.memory_space<semaphore_mem>>)
        %dma_wait3A_88 = arith.constant 0 : i32
        %dma_wait3A_89 = tpu.memref_slice %arg21[%dma_wait3A_88] : memref<640xf32, #tpu.memory_space<vmem>> -> memref<400xf32, #tpu.memory_space<vmem>>
        %dma_wait3A_90 = arith.constant 9600 : i32
        %dma_wait3A_91 = tpu.memref_slice %arg31[%dma_wait3A_90] : memref<10000xf32, #tpu.memory_space<vmem_shared>> -> memref<400xf32, #tpu.memory_space<vmem_shared>>
        %dma_wait3A_92 = arith.constant 9600 : i32
        %dma_wait3A_93 = tpu.memref_slice %arg31[%dma_wait3A_92] : memref<10000xf32, #tpu.memory_space<vmem_shared>> -> memref<400xf32, #tpu.memory_space<vmem_shared>>
        %dma_wait3A_94 = arith.constant 0 : i32
        %dma_wait3A_95 = tpu.memref_slice %arg21[%dma_wait3A_94] : memref<640xf32, #tpu.memory_space<vmem>> -> memref<400xf32, #tpu.memory_space<vmem>>
        tpu.wait_dma2 semaphore(%run_scoped3A : memref<!tpu.dma_semaphore, #tpu.memory_space<semaphore_mem>>) src(%dma_wait3A_95 : memref<400xf32, #tpu.memory_space<vmem>>) dst(%dma_wait3A_93 : memref<400xf32, #tpu.memory_space<vmem_shared>>)
        tpu.yield
      }) : () -> ()
    } else {
    }
    %barrier3A = arith.constant 0 : index
    tpu.barrier barrier_id(%barrier3A)
    %add3A = arith.constant 0 : i32
    %add3A_3 = arith.addi %mul3A_0, %add3A : i32
    %dma_start3A = tpu.memref_slice %arg4[%add3A_3] : memref<163840xi32, #tpu.memory_space<hbm>> -> memref<32xi32, #tpu.memory_space<hbm>>
    %dma_start3A_4 = tpu.memref_slice %arg4[%add3A_3] : memref<163840xi32, #tpu.memory_space<hbm>> -> memref<32xi32, #tpu.memory_space<hbm>>
    tpu.enqueue_dma source(%dma_start3A_4 : memref<32xi32, #tpu.memory_space<hbm>>) target(%arg16 : memref<32xi32, #tpu.memory_space<vmem>>) target_semaphore(%arg22 : memref<!tpu.dma_semaphore, #tpu.memory_space<semaphore_mem>>)
    %eq3A_5 = arith.constant 0 : i32
    %eq3A_6 = arith.cmpi eq, %arg0, %eq3A_5 : i32
    %convert_element_type3A_7 = arith.extui %eq3A_6 : i1 to i32
    %cond3A_8 = arith.constant 0 : i32
    %cond3A_9 = arith.cmpi ne, %convert_element_type3A_7, %cond3A_8 : i32
    scf.if %cond3A_9 {
      %dma_start3A_60 = arith.constant 0 : i32
      %dma_start3A_61 = tpu.memref_slice %arg2[%add3A_3, %dma_start3A_60] : memref<163840x128xf32, #tpu.memory_space<hbm>> -> memref<32x128xf32, #tpu.memory_space<hbm>>
      %dma_start3A_62 = arith.constant 0 : i32
      %dma_start3A_63 = tpu.memref_slice %arg2[%add3A_3, %dma_start3A_62] : memref<163840x128xf32, #tpu.memory_space<hbm>> -> memref<32x128xf32, #tpu.memory_space<hbm>>
      tpu.enqueue_dma source(%dma_start3A_63 : memref<32x128xf32, #tpu.memory_space<hbm>>) target(%arg8 : memref<32x128xf32, #tpu.memory_space<vmem>>) target_semaphore(%arg22 : memref<!tpu.dma_semaphore, #tpu.memory_space<semaphore_mem>>)
      %dma_start3A_64 = tpu.memref_slice %arg5[%add3A_3] : memref<163840xf32, #tpu.memory_space<hbm>> -> memref<32xf32, #tpu.memory_space<hbm>>
      %dma_start3A_65 = tpu.memref_slice %arg5[%add3A_3] : memref<163840xf32, #tpu.memory_space<hbm>> -> memref<32xf32, #tpu.memory_space<hbm>>
      tpu.enqueue_dma source(%dma_start3A_65 : memref<32xf32, #tpu.memory_space<hbm>>) target(%arg12 : memref<32xf32, #tpu.memory_space<vmem>>) target_semaphore(%arg22 : memref<!tpu.dma_semaphore, #tpu.memory_space<semaphore_mem>>)
    } else {
    }
    %eq3A_10 = arith.constant 1 : i32
    %eq3A_11 = arith.cmpi eq, %arg0, %eq3A_10 : i32
    %convert_element_type3A_12 = arith.extui %eq3A_11 : i1 to i32
    %cond3A_13 = arith.constant 0 : i32
    %cond3A_14 = arith.cmpi ne, %convert_element_type3A_12, %cond3A_13 : i32
    scf.if %cond3A_14 {
      %dma_start3A_60 = arith.constant 0 : i32
      %dma_start3A_61 = tpu.memref_slice %arg3[%add3A_3, %dma_start3A_60] : memref<163840x128xf32, #tpu.memory_space<hbm>> -> memref<32x128xf32, #tpu.memory_space<hbm>>
      %dma_start3A_62 = arith.constant 0 : i32
      %dma_start3A_63 = tpu.memref_slice %arg3[%add3A_3, %dma_start3A_62] : memref<163840x128xf32, #tpu.memory_space<hbm>> -> memref<32x128xf32, #tpu.memory_space<hbm>>
      tpu.enqueue_dma source(%dma_start3A_63 : memref<32x128xf32, #tpu.memory_space<hbm>>) target(%arg8 : memref<32x128xf32, #tpu.memory_space<vmem>>) target_semaphore(%arg22 : memref<!tpu.dma_semaphore, #tpu.memory_space<semaphore_mem>>)
    } else {
    }
    %add3A_15 = arith.constant 32 : i32
    %add3A_16 = arith.addi %mul3A_0, %add3A_15 : i32
    %dma_start3A_17 = tpu.memref_slice %arg4[%add3A_16] : memref<163840xi32, #tpu.memory_space<hbm>> -> memref<32xi32, #tpu.memory_space<hbm>>
    %dma_start3A_18 = tpu.memref_slice %arg4[%add3A_16] : memref<163840xi32, #tpu.memory_space<hbm>> -> memref<32xi32, #tpu.memory_space<hbm>>
    tpu.enqueue_dma source(%dma_start3A_18 : memref<32xi32, #tpu.memory_space<hbm>>) target(%arg17 : memref<32xi32, #tpu.memory_space<vmem>>) target_semaphore(%arg23 : memref<!tpu.dma_semaphore, #tpu.memory_space<semaphore_mem>>)
    %eq3A_19 = arith.constant 0 : i32
    %eq3A_20 = arith.cmpi eq, %arg0, %eq3A_19 : i32
    %convert_element_type3A_21 = arith.extui %eq3A_20 : i1 to i32
    %cond3A_22 = arith.constant 0 : i32
    %cond3A_23 = arith.cmpi ne, %convert_element_type3A_21, %cond3A_22 : i32
    scf.if %cond3A_23 {
      %dma_start3A_60 = arith.constant 0 : i32
      %dma_start3A_61 = tpu.memref_slice %arg2[%add3A_16, %dma_start3A_60] : memref<163840x128xf32, #tpu.memory_space<hbm>> -> memref<32x128xf32, #tpu.memory_space<hbm>>
      %dma_start3A_62 = arith.constant 0 : i32
      %dma_start3A_63 = tpu.memref_slice %arg2[%add3A_16, %dma_start3A_62] : memref<163840x128xf32, #tpu.memory_space<hbm>> -> memref<32x128xf32, #tpu.memory_space<hbm>>
      tpu.enqueue_dma source(%dma_start3A_63 : memref<32x128xf32, #tpu.memory_space<hbm>>) target(%arg9 : memref<32x128xf32, #tpu.memory_space<vmem>>) target_semaphore(%arg23 : memref<!tpu.dma_semaphore, #tpu.memory_space<semaphore_mem>>)
      %dma_start3A_64 = tpu.memref_slice %arg5[%add3A_16] : memref<163840xf32, #tpu.memory_space<hbm>> -> memref<32xf32, #tpu.memory_space<hbm>>
      %dma_start3A_65 = tpu.memref_slice %arg5[%add3A_16] : memref<163840xf32, #tpu.memory_space<hbm>> -> memref<32xf32, #tpu.memory_space<hbm>>
      tpu.enqueue_dma source(%dma_start3A_65 : memref<32xf32, #tpu.memory_space<hbm>>) target(%arg13 : memref<32xf32, #tpu.memory_space<vmem>>) target_semaphore(%arg23 : memref<!tpu.dma_semaphore, #tpu.memory_space<semaphore_mem>>)
    } else {
    }
    %eq3A_24 = arith.constant 1 : i32
    %eq3A_25 = arith.cmpi eq, %arg0, %eq3A_24 : i32
    %convert_element_type3A_26 = arith.extui %eq3A_25 : i1 to i32
    %cond3A_27 = arith.constant 0 : i32
    %cond3A_28 = arith.cmpi ne, %convert_element_type3A_26, %cond3A_27 : i32
    scf.if %cond3A_28 {
      %dma_start3A_60 = arith.constant 0 : i32
      %dma_start3A_61 = tpu.memref_slice %arg3[%add3A_16, %dma_start3A_60] : memref<163840x128xf32, #tpu.memory_space<hbm>> -> memref<32x128xf32, #tpu.memory_space<hbm>>
      %dma_start3A_62 = arith.constant 0 : i32
      %dma_start3A_63 = tpu.memref_slice %arg3[%add3A_16, %dma_start3A_62] : memref<163840x128xf32, #tpu.memory_space<hbm>> -> memref<32x128xf32, #tpu.memory_space<hbm>>
      tpu.enqueue_dma source(%dma_start3A_63 : memref<32x128xf32, #tpu.memory_space<hbm>>) target(%arg9 : memref<32x128xf32, #tpu.memory_space<vmem>>) target_semaphore(%arg23 : memref<!tpu.dma_semaphore, #tpu.memory_space<semaphore_mem>>)
    } else {
    }
    %scan3A = arith.constant 0 : i32
    %scan3A_29 = arith.constant 80 : i32
    %scan3A_30 = arith.addi %scan3A, %scan3A_29 : i32
    %scan3A_31 = arith.constant 1 : i32
    scf.for %scan3A_60 = %scan3A to %scan3A_30 step %scan3A_31  : i32 {
      %mul3A_61 = arith.constant 4 : i32
      %mul3A_62 = arith.muli %scan3A_60, %mul3A_61 : i32
      %add3A_63 = arith.constant 0 : i32
      %add3A_64 = arith.addi %add3A_63, %mul3A_62 : i32
      %add3A_65 = arith.constant 0 : i32
      %add3A_66 = arith.addi %add3A_64, %add3A_65 : i32
      %dma_wait3A_67 = arith.constant 0 : i32
      %dma_wait3A_68 = arith.constant 0 : i32
      %dma_wait3A_69 = tpu.memref_slice %arg2[%dma_wait3A_67, %dma_wait3A_68] : memref<163840x128xf32, #tpu.memory_space<hbm>> -> memref<32x128xf32, #tpu.memory_space<hbm>>
      %dma_wait3A_70 = arith.constant 0 : i32
      %dma_wait3A_71 = arith.constant 0 : i32
      %dma_wait3A_72 = tpu.memref_slice %arg2[%dma_wait3A_70, %dma_wait3A_71] : memref<163840x128xf32, #tpu.memory_space<hbm>> -> memref<32x128xf32, #tpu.memory_space<hbm>>
      tpu.wait_dma2 semaphore(%arg22 : memref<!tpu.dma_semaphore, #tpu.memory_space<semaphore_mem>>) src(%dma_wait3A_72 : memref<32x128xf32, #tpu.memory_space<hbm>>) dst(%arg8 : memref<32x128xf32, #tpu.memory_space<vmem>>)
      %dma_wait3A_73 = arith.constant 0 : i32
      %dma_wait3A_74 = tpu.memref_slice %arg4[%dma_wait3A_73] : memref<163840xi32, #tpu.memory_space<hbm>> -> memref<32xi32, #tpu.memory_space<hbm>>
      %dma_wait3A_75 = arith.constant 0 : i32
      %dma_wait3A_76 = tpu.memref_slice %arg4[%dma_wait3A_75] : memref<163840xi32, #tpu.memory_space<hbm>> -> memref<32xi32, #tpu.memory_space<hbm>>
      tpu.wait_dma2 semaphore(%arg22 : memref<!tpu.dma_semaphore, #tpu.memory_space<semaphore_mem>>) src(%dma_wait3A_76 : memref<32xi32, #tpu.memory_space<hbm>>) dst(%arg16 : memref<32xi32, #tpu.memory_space<vmem>>)
      %eq3A_77 = arith.constant 0 : i32
      %eq3A_78 = arith.cmpi eq, %arg0, %eq3A_77 : i32
      %convert_element_type3A_79 = arith.extui %eq3A_78 : i1 to i32
      %cond3A_80 = arith.constant 0 : i32
      %cond3A_81 = arith.cmpi ne, %convert_element_type3A_79, %cond3A_80 : i32
      scf.if %cond3A_81 {
        %dma_wait3A_244 = arith.constant 0 : i32
        %dma_wait3A_245 = tpu.memref_slice %arg5[%dma_wait3A_244] : memref<163840xf32, #tpu.memory_space<hbm>> -> memref<32xf32, #tpu.memory_space<hbm>>
        %dma_wait3A_246 = arith.constant 0 : i32
        %dma_wait3A_247 = tpu.memref_slice %arg5[%dma_wait3A_246] : memref<163840xf32, #tpu.memory_space<hbm>> -> memref<32xf32, #tpu.memory_space<hbm>>
        tpu.wait_dma2 semaphore(%arg22 : memref<!tpu.dma_semaphore, #tpu.memory_space<semaphore_mem>>) src(%dma_wait3A_247 : memref<32xf32, #tpu.memory_space<hbm>>) dst(%arg12 : memref<32xf32, #tpu.memory_space<vmem>>)
      } else {
      }
      %dma_start3A_82 = arith.constant 0 : i32
      %dma_start3A_83 = arith.constant 0 : i32
      %dma_start3A_84 = tpu.memref_slice %arg30[%dma_start3A_82, %dma_start3A_83] : memref<10000x128xf32, #tpu.memory_space<vmem_shared>> -> memref<10000x128xf32, #tpu.memory_space<vmem_shared>>
      tpu.enqueue_indirect_dma source(%arg8 : memref<32x128xf32, #tpu.memory_space<vmem>>) target(%dma_start3A_84 : memref<10000x128xf32, #tpu.memory_space<vmem_shared>>) offsets(%arg16 : memref<32xi32, #tpu.memory_space<vmem>>) semaphore(%arg26 : memref<!tpu.dma_semaphore, #tpu.memory_space<semaphore_mem>>) {add = true}
      %eq3A_85 = arith.constant 0 : i32
      %eq3A_86 = arith.cmpi eq, %arg0, %eq3A_85 : i32
      %convert_element_type3A_87 = arith.extui %eq3A_86 : i1 to i32
      %cond3A_88 = arith.constant 0 : i32
      %cond3A_89 = arith.cmpi ne, %convert_element_type3A_87, %cond3A_88 : i32
      scf.if %cond3A_89 {
        %dma_start3A_244 = arith.constant 0 : i32
        %dma_start3A_245 = tpu.memref_slice %arg31[%dma_start3A_244] : memref<10000xf32, #tpu.memory_space<vmem_shared>> -> memref<10000xf32, #tpu.memory_space<vmem_shared>>
        tpu.enqueue_indirect_dma source(%arg12 : memref<32xf32, #tpu.memory_space<vmem>>) target(%dma_start3A_245 : memref<10000xf32, #tpu.memory_space<vmem_shared>>) offsets(%arg16 : memref<32xi32, #tpu.memory_space<vmem>>) semaphore(%arg26 : memref<!tpu.dma_semaphore, #tpu.memory_space<semaphore_mem>>) {add = true}
      } else {
      }
      %ge3A = arith.constant 1 : i32
      %ge3A_90 = arith.cmpi sge, %add3A_66, %ge3A : i32
      %convert_element_type3A_91 = arith.extui %ge3A_90 : i1 to i32
      %cond3A_92 = arith.constant 0 : i32
      %cond3A_93 = arith.cmpi ne, %convert_element_type3A_91, %cond3A_92 : i32
      scf.if %cond3A_93 {
        %dma_wait3A_244 = arith.constant 0 : i32
        %dma_wait3A_245 = arith.constant 0 : i32
        %dma_wait3A_246 = tpu.memref_slice %arg2[%dma_wait3A_244, %dma_wait3A_245] : memref<163840x128xf32, #tpu.memory_space<hbm>> -> memref<32x128xf32, #tpu.memory_space<hbm>>
        %dma_wait3A_247 = arith.constant 0 : i32
        %dma_wait3A_248 = arith.constant 0 : i32
        %dma_wait3A_249 = tpu.memref_slice %arg2[%dma_wait3A_247, %dma_wait3A_248] : memref<163840x128xf32, #tpu.memory_space<hbm>> -> memref<32x128xf32, #tpu.memory_space<hbm>>
        tpu.wait_dma2 semaphore(%arg29 : memref<!tpu.dma_semaphore, #tpu.memory_space<semaphore_mem>>) src(%dma_wait3A_249 : memref<32x128xf32, #tpu.memory_space<hbm>>) dst(%arg11 : memref<32x128xf32, #tpu.memory_space<vmem>>)
        %eq3A_250 = arith.constant 0 : i32
        %eq3A_251 = arith.cmpi eq, %arg0, %eq3A_250 : i32
        %convert_element_type3A_252 = arith.extui %eq3A_251 : i1 to i32
        %cond3A_253 = arith.constant 0 : i32
        %cond3A_254 = arith.cmpi ne, %convert_element_type3A_252, %cond3A_253 : i32
        scf.if %cond3A_254 {
          %dma_wait3A_255 = arith.constant 0 : i32
          %dma_wait3A_256 = tpu.memref_slice %arg5[%dma_wait3A_255] : memref<163840xf32, #tpu.memory_space<hbm>> -> memref<32xf32, #tpu.memory_space<hbm>>
          %dma_wait3A_257 = arith.constant 0 : i32
          %dma_wait3A_258 = tpu.memref_slice %arg5[%dma_wait3A_257] : memref<163840xf32, #tpu.memory_space<hbm>> -> memref<32xf32, #tpu.memory_space<hbm>>
          tpu.wait_dma2 semaphore(%arg29 : memref<!tpu.dma_semaphore, #tpu.memory_space<semaphore_mem>>) src(%dma_wait3A_258 : memref<32xf32, #tpu.memory_space<hbm>>) dst(%arg15 : memref<32xf32, #tpu.memory_space<vmem>>)
        } else {
        }
      } else {
      }
      %eq3A_94 = arith.constant 0 : i32
      %eq3A_95 = arith.cmpi eq, %add3A_66, %eq3A_94 : i32
      %convert_element_type3A_96 = arith.extui %eq3A_95 : i1 to i32
      %cond3A_97 = arith.constant 0 : i32
      %cond3A_98 = arith.cmpi ne, %convert_element_type3A_96, %cond3A_97 : i32
      scf.if %cond3A_98 {
        %add3A_244 = arith.constant 64 : i32
        %add3A_245 = arith.addi %mul3A_0, %add3A_244 : i32
        %dma_start3A_246 = tpu.memref_slice %arg4[%add3A_245] : memref<163840xi32, #tpu.memory_space<hbm>> -> memref<32xi32, #tpu.memory_space<hbm>>
        %dma_start3A_247 = tpu.memref_slice %arg4[%add3A_245] : memref<163840xi32, #tpu.memory_space<hbm>> -> memref<32xi32, #tpu.memory_space<hbm>>
        tpu.enqueue_dma source(%dma_start3A_247 : memref<32xi32, #tpu.memory_space<hbm>>) target(%arg18 : memref<32xi32, #tpu.memory_space<vmem>>) target_semaphore(%arg24 : memref<!tpu.dma_semaphore, #tpu.memory_space<semaphore_mem>>)
        %eq3A_248 = arith.constant 0 : i32
        %eq3A_249 = arith.cmpi eq, %arg0, %eq3A_248 : i32
        %convert_element_type3A_250 = arith.extui %eq3A_249 : i1 to i32
        %cond3A_251 = arith.constant 0 : i32
        %cond3A_252 = arith.cmpi ne, %convert_element_type3A_250, %cond3A_251 : i32
        scf.if %cond3A_252 {
          %dma_start3A_272 = arith.constant 0 : i32
          %dma_start3A_273 = tpu.memref_slice %arg2[%add3A_245, %dma_start3A_272] : memref<163840x128xf32, #tpu.memory_space<hbm>> -> memref<32x128xf32, #tpu.memory_space<hbm>>
          %dma_start3A_274 = arith.constant 0 : i32
          %dma_start3A_275 = tpu.memref_slice %arg2[%add3A_245, %dma_start3A_274] : memref<163840x128xf32, #tpu.memory_space<hbm>> -> memref<32x128xf32, #tpu.memory_space<hbm>>
          tpu.enqueue_dma source(%dma_start3A_275 : memref<32x128xf32, #tpu.memory_space<hbm>>) target(%arg10 : memref<32x128xf32, #tpu.memory_space<vmem>>) target_semaphore(%arg24 : memref<!tpu.dma_semaphore, #tpu.memory_space<semaphore_mem>>)
          %dma_start3A_276 = tpu.memref_slice %arg5[%add3A_245] : memref<163840xf32, #tpu.memory_space<hbm>> -> memref<32xf32, #tpu.memory_space<hbm>>
          %dma_start3A_277 = tpu.memref_slice %arg5[%add3A_245] : memref<163840xf32, #tpu.memory_space<hbm>> -> memref<32xf32, #tpu.memory_space<hbm>>
          tpu.enqueue_dma source(%dma_start3A_277 : memref<32xf32, #tpu.memory_space<hbm>>) target(%arg14 : memref<32xf32, #tpu.memory_space<vmem>>) target_semaphore(%arg24 : memref<!tpu.dma_semaphore, #tpu.memory_space<semaphore_mem>>)
        } else {
        }
        %eq3A_253 = arith.constant 1 : i32
        %eq3A_254 = arith.cmpi eq, %arg0, %eq3A_253 : i32
        %convert_element_type3A_255 = arith.extui %eq3A_254 : i1 to i32
        %cond3A_256 = arith.constant 0 : i32
        %cond3A_257 = arith.cmpi ne, %convert_element_type3A_255, %cond3A_256 : i32
        scf.if %cond3A_257 {
          %dma_start3A_272 = arith.constant 0 : i32
          %dma_start3A_273 = tpu.memref_slice %arg3[%add3A_245, %dma_start3A_272] : memref<163840x128xf32, #tpu.memory_space<hbm>> -> memref<32x128xf32, #tpu.memory_space<hbm>>
          %dma_start3A_274 = arith.constant 0 : i32
          %dma_start3A_275 = tpu.memref_slice %arg3[%add3A_245, %dma_start3A_274] : memref<163840x128xf32, #tpu.memory_space<hbm>> -> memref<32x128xf32, #tpu.memory_space<hbm>>
          tpu.enqueue_dma source(%dma_start3A_275 : memref<32x128xf32, #tpu.memory_space<hbm>>) target(%arg10 : memref<32x128xf32, #tpu.memory_space<vmem>>) target_semaphore(%arg24 : memref<!tpu.dma_semaphore, #tpu.memory_space<semaphore_mem>>)
        } else {
        }
        %add3A_258 = arith.constant 96 : i32
        %add3A_259 = arith.addi %mul3A_0, %add3A_258 : i32
        %dma_start3A_260 = tpu.memref_slice %arg4[%add3A_259] : memref<163840xi32, #tpu.memory_space<hbm>> -> memref<32xi32, #tpu.memory_space<hbm>>
        %dma_start3A_261 = tpu.memref_slice %arg4[%add3A_259] : memref<163840xi32, #tpu.memory_space<hbm>> -> memref<32xi32, #tpu.memory_space<hbm>>
        tpu.enqueue_dma source(%dma_start3A_261 : memref<32xi32, #tpu.memory_space<hbm>>) target(%arg19 : memref<32xi32, #tpu.memory_space<vmem>>) target_semaphore(%arg25 : memref<!tpu.dma_semaphore, #tpu.memory_space<semaphore_mem>>)
        %eq3A_262 = arith.constant 0 : i32
        %eq3A_263 = arith.cmpi eq, %arg0, %eq3A_262 : i32
        %convert_element_type3A_264 = arith.extui %eq3A_263 : i1 to i32
        %cond3A_265 = arith.constant 0 : i32
        %cond3A_266 = arith.cmpi ne, %convert_element_type3A_264, %cond3A_265 : i32
        scf.if %cond3A_266 {
          %dma_start3A_272 = arith.constant 0 : i32
          %dma_start3A_273 = tpu.memref_slice %arg2[%add3A_259, %dma_start3A_272] : memref<163840x128xf32, #tpu.memory_space<hbm>> -> memref<32x128xf32, #tpu.memory_space<hbm>>
          %dma_start3A_274 = arith.constant 0 : i32
          %dma_start3A_275 = tpu.memref_slice %arg2[%add3A_259, %dma_start3A_274] : memref<163840x128xf32, #tpu.memory_space<hbm>> -> memref<32x128xf32, #tpu.memory_space<hbm>>
          tpu.enqueue_dma source(%dma_start3A_275 : memref<32x128xf32, #tpu.memory_space<hbm>>) target(%arg11 : memref<32x128xf32, #tpu.memory_space<vmem>>) target_semaphore(%arg25 : memref<!tpu.dma_semaphore, #tpu.memory_space<semaphore_mem>>)
          %dma_start3A_276 = tpu.memref_slice %arg5[%add3A_259] : memref<163840xf32, #tpu.memory_space<hbm>> -> memref<32xf32, #tpu.memory_space<hbm>>
          %dma_start3A_277 = tpu.memref_slice %arg5[%add3A_259] : memref<163840xf32, #tpu.memory_space<hbm>> -> memref<32xf32, #tpu.memory_space<hbm>>
          tpu.enqueue_dma source(%dma_start3A_277 : memref<32xf32, #tpu.memory_space<hbm>>) target(%arg15 : memref<32xf32, #tpu.memory_space<vmem>>) target_semaphore(%arg25 : memref<!tpu.dma_semaphore, #tpu.memory_space<semaphore_mem>>)
        } else {
        }
        %eq3A_267 = arith.constant 1 : i32
        %eq3A_268 = arith.cmpi eq, %arg0, %eq3A_267 : i32
        %convert_element_type3A_269 = arith.extui %eq3A_268 : i1 to i32
        %cond3A_270 = arith.constant 0 : i32
        %cond3A_271 = arith.cmpi ne, %convert_element_type3A_269, %cond3A_270 : i32
        scf.if %cond3A_271 {
          %dma_start3A_272 = arith.constant 0 : i32
          %dma_start3A_273 = tpu.memref_slice %arg3[%add3A_259, %dma_start3A_272] : memref<163840x128xf32, #tpu.memory_space<hbm>> -> memref<32x128xf32, #tpu.memory_space<hbm>>
          %dma_start3A_274 = arith.constant 0 : i32
          %dma_start3A_275 = tpu.memref_slice %arg3[%add3A_259, %dma_start3A_274] : memref<163840x128xf32, #tpu.memory_space<hbm>> -> memref<32x128xf32, #tpu.memory_space<hbm>>
          tpu.enqueue_dma source(%dma_start3A_275 : memref<32x128xf32, #tpu.memory_space<hbm>>) target(%arg11 : memref<32x128xf32, #tpu.memory_space<vmem>>) target_semaphore(%arg25 : memref<!tpu.dma_semaphore, #tpu.memory_space<semaphore_mem>>)
        } else {
        }
      } else {
      }
      %add3A_99 = arith.constant 3 : i32
      %add3A_100 = arith.addi %add3A_66, %add3A_99 : i32
      %lt3A_101 = arith.constant 320 : i32
      %lt3A_102 = arith.cmpi slt, %add3A_100, %lt3A_101 : i32
      %ge3A_103 = arith.constant 1 : i32
      %ge3A_104 = arith.cmpi sge, %add3A_66, %ge3A_103 : i32
      %and3A_105 = arith.andi %lt3A_102, %ge3A_104 : i1
      %convert_element_type3A_106 = arith.extui %and3A_105 : i1 to i32
      %cond3A_107 = arith.constant 0 : i32
      %cond3A_108 = arith.cmpi ne, %convert_element_type3A_106, %cond3A_107 : i32
      scf.if %cond3A_108 {
        %add3A_244 = arith.constant 3 : i32
        %add3A_245 = arith.addi %add3A_66, %add3A_244 : i32
        %mul3A_246 = arith.constant 32 : i32
        %mul3A_247 = arith.muli %add3A_245, %mul3A_246 : i32
        %add3A_248 = arith.addi %mul3A_0, %mul3A_247 : i32
        %dma_start3A_249 = tpu.memref_slice %arg4[%add3A_248] : memref<163840xi32, #tpu.memory_space<hbm>> -> memref<32xi32, #tpu.memory_space<hbm>>
        %dma_start3A_250 = tpu.memref_slice %arg4[%add3A_248] : memref<163840xi32, #tpu.memory_space<hbm>> -> memref<32xi32, #tpu.memory_space<hbm>>
        tpu.enqueue_dma source(%dma_start3A_250 : memref<32xi32, #tpu.memory_space<hbm>>) target(%arg19 : memref<32xi32, #tpu.memory_space<vmem>>) target_semaphore(%arg25 : memref<!tpu.dma_semaphore, #tpu.memory_space<semaphore_mem>>)
        %eq3A_251 = arith.constant 0 : i32
        %eq3A_252 = arith.cmpi eq, %arg0, %eq3A_251 : i32
        %convert_element_type3A_253 = arith.extui %eq3A_252 : i1 to i32
        %cond3A_254 = arith.constant 0 : i32
        %cond3A_255 = arith.cmpi ne, %convert_element_type3A_253, %cond3A_254 : i32
        scf.if %cond3A_255 {
          %dma_start3A_261 = arith.constant 0 : i32
          %dma_start3A_262 = tpu.memref_slice %arg2[%add3A_248, %dma_start3A_261] : memref<163840x128xf32, #tpu.memory_space<hbm>> -> memref<32x128xf32, #tpu.memory_space<hbm>>
          %dma_start3A_263 = arith.constant 0 : i32
          %dma_start3A_264 = tpu.memref_slice %arg2[%add3A_248, %dma_start3A_263] : memref<163840x128xf32, #tpu.memory_space<hbm>> -> memref<32x128xf32, #tpu.memory_space<hbm>>
          tpu.enqueue_dma source(%dma_start3A_264 : memref<32x128xf32, #tpu.memory_space<hbm>>) target(%arg11 : memref<32x128xf32, #tpu.memory_space<vmem>>) target_semaphore(%arg25 : memref<!tpu.dma_semaphore, #tpu.memory_space<semaphore_mem>>)
          %dma_start3A_265 = tpu.memref_slice %arg5[%add3A_248] : memref<163840xf32, #tpu.memory_space<hbm>> -> memref<32xf32, #tpu.memory_space<hbm>>
          %dma_start3A_266 = tpu.memref_slice %arg5[%add3A_248] : memref<163840xf32, #tpu.memory_space<hbm>> -> memref<32xf32, #tpu.memory_space<hbm>>
          tpu.enqueue_dma source(%dma_start3A_266 : memref<32xf32, #tpu.memory_space<hbm>>) target(%arg15 : memref<32xf32, #tpu.memory_space<vmem>>) target_semaphore(%arg25 : memref<!tpu.dma_semaphore, #tpu.memory_space<semaphore_mem>>)
        } else {
        }
        %eq3A_256 = arith.constant 1 : i32
        %eq3A_257 = arith.cmpi eq, %arg0, %eq3A_256 : i32
        %convert_element_type3A_258 = arith.extui %eq3A_257 : i1 to i32
        %cond3A_259 = arith.constant 0 : i32
        %cond3A_260 = arith.cmpi ne, %convert_element_type3A_258, %cond3A_259 : i32
        scf.if %cond3A_260 {
          %dma_start3A_261 = arith.constant 0 : i32
          %dma_start3A_262 = tpu.memref_slice %arg3[%add3A_248, %dma_start3A_261] : memref<163840x128xf32, #tpu.memory_space<hbm>> -> memref<32x128xf32, #tpu.memory_space<hbm>>
          %dma_start3A_263 = arith.constant 0 : i32
          %dma_start3A_264 = tpu.memref_slice %arg3[%add3A_248, %dma_start3A_263] : memref<163840x128xf32, #tpu.memory_space<hbm>> -> memref<32x128xf32, #tpu.memory_space<hbm>>
          tpu.enqueue_dma source(%dma_start3A_264 : memref<32x128xf32, #tpu.memory_space<hbm>>) target(%arg11 : memref<32x128xf32, #tpu.memory_space<vmem>>) target_semaphore(%arg25 : memref<!tpu.dma_semaphore, #tpu.memory_space<semaphore_mem>>)
        } else {
        }
      } else {
      }
      %add3A_109 = arith.constant 1 : i32
      %add3A_110 = arith.addi %add3A_64, %add3A_109 : i32
      %dma_wait3A_111 = arith.constant 0 : i32
      %dma_wait3A_112 = arith.constant 0 : i32
      %dma_wait3A_113 = tpu.memref_slice %arg2[%dma_wait3A_111, %dma_wait3A_112] : memref<163840x128xf32, #tpu.memory_space<hbm>> -> memref<32x128xf32, #tpu.memory_space<hbm>>
      %dma_wait3A_114 = arith.constant 0 : i32
      %dma_wait3A_115 = arith.constant 0 : i32
      %dma_wait3A_116 = tpu.memref_slice %arg2[%dma_wait3A_114, %dma_wait3A_115] : memref<163840x128xf32, #tpu.memory_space<hbm>> -> memref<32x128xf32, #tpu.memory_space<hbm>>
      tpu.wait_dma2 semaphore(%arg23 : memref<!tpu.dma_semaphore, #tpu.memory_space<semaphore_mem>>) src(%dma_wait3A_116 : memref<32x128xf32, #tpu.memory_space<hbm>>) dst(%arg9 : memref<32x128xf32, #tpu.memory_space<vmem>>)
      %dma_wait3A_117 = arith.constant 0 : i32
      %dma_wait3A_118 = tpu.memref_slice %arg4[%dma_wait3A_117] : memref<163840xi32, #tpu.memory_space<hbm>> -> memref<32xi32, #tpu.memory_space<hbm>>
      %dma_wait3A_119 = arith.constant 0 : i32
      %dma_wait3A_120 = tpu.memref_slice %arg4[%dma_wait3A_119] : memref<163840xi32, #tpu.memory_space<hbm>> -> memref<32xi32, #tpu.memory_space<hbm>>
      tpu.wait_dma2 semaphore(%arg23 : memref<!tpu.dma_semaphore, #tpu.memory_space<semaphore_mem>>) src(%dma_wait3A_120 : memref<32xi32, #tpu.memory_space<hbm>>) dst(%arg17 : memref<32xi32, #tpu.memory_space<vmem>>)
      %eq3A_121 = arith.constant 0 : i32
      %eq3A_122 = arith.cmpi eq, %arg0, %eq3A_121 : i32
      %convert_element_type3A_123 = arith.extui %eq3A_122 : i1 to i32
      %cond3A_124 = arith.constant 0 : i32
      %cond3A_125 = arith.cmpi ne, %convert_element_type3A_123, %cond3A_124 : i32
      scf.if %cond3A_125 {
        %dma_wait3A_244 = arith.constant 0 : i32
        %dma_wait3A_245 = tpu.memref_slice %arg5[%dma_wait3A_244] : memref<163840xf32, #tpu.memory_space<hbm>> -> memref<32xf32, #tpu.memory_space<hbm>>
        %dma_wait3A_246 = arith.constant 0 : i32
        %dma_wait3A_247 = tpu.memref_slice %arg5[%dma_wait3A_246] : memref<163840xf32, #tpu.memory_space<hbm>> -> memref<32xf32, #tpu.memory_space<hbm>>
        tpu.wait_dma2 semaphore(%arg23 : memref<!tpu.dma_semaphore, #tpu.memory_space<semaphore_mem>>) src(%dma_wait3A_247 : memref<32xf32, #tpu.memory_space<hbm>>) dst(%arg13 : memref<32xf32, #tpu.memory_space<vmem>>)
      } else {
      }
      %dma_start3A_126 = arith.constant 0 : i32
      %dma_start3A_127 = arith.constant 0 : i32
      %dma_start3A_128 = tpu.memref_slice %arg30[%dma_start3A_126, %dma_start3A_127] : memref<10000x128xf32, #tpu.memory_space<vmem_shared>> -> memref<10000x128xf32, #tpu.memory_space<vmem_shared>>
      tpu.enqueue_indirect_dma source(%arg9 : memref<32x128xf32, #tpu.memory_space<vmem>>) target(%dma_start3A_128 : memref<10000x128xf32, #tpu.memory_space<vmem_shared>>) offsets(%arg17 : memref<32xi32, #tpu.memory_space<vmem>>) semaphore(%arg27 : memref<!tpu.dma_semaphore, #tpu.memory_space<semaphore_mem>>) {add = true}
      %eq3A_129 = arith.constant 0 : i32
      %eq3A_130 = arith.cmpi eq, %arg0, %eq3A_129 : i32
      %convert_element_type3A_131 = arith.extui %eq3A_130 : i1 to i32
      %cond3A_132 = arith.constant 0 : i32
      %cond3A_133 = arith.cmpi ne, %convert_element_type3A_131, %cond3A_132 : i32
      scf.if %cond3A_133 {
        %dma_start3A_244 = arith.constant 0 : i32
        %dma_start3A_245 = tpu.memref_slice %arg31[%dma_start3A_244] : memref<10000xf32, #tpu.memory_space<vmem_shared>> -> memref<10000xf32, #tpu.memory_space<vmem_shared>>
        tpu.enqueue_indirect_dma source(%arg13 : memref<32xf32, #tpu.memory_space<vmem>>) target(%dma_start3A_245 : memref<10000xf32, #tpu.memory_space<vmem_shared>>) offsets(%arg17 : memref<32xi32, #tpu.memory_space<vmem>>) semaphore(%arg27 : memref<!tpu.dma_semaphore, #tpu.memory_space<semaphore_mem>>) {add = true}
      } else {
      }
      %ge3A_134 = arith.constant 1 : i32
      %ge3A_135 = arith.cmpi sge, %add3A_110, %ge3A_134 : i32
      %convert_element_type3A_136 = arith.extui %ge3A_135 : i1 to i32
      %cond3A_137 = arith.constant 0 : i32
      %cond3A_138 = arith.cmpi ne, %convert_element_type3A_136, %cond3A_137 : i32
      scf.if %cond3A_138 {
        %dma_wait3A_244 = arith.constant 0 : i32
        %dma_wait3A_245 = arith.constant 0 : i32
        %dma_wait3A_246 = tpu.memref_slice %arg2[%dma_wait3A_244, %dma_wait3A_245] : memref<163840x128xf32, #tpu.memory_space<hbm>> -> memref<32x128xf32, #tpu.memory_space<hbm>>
        %dma_wait3A_247 = arith.constant 0 : i32
        %dma_wait3A_248 = arith.constant 0 : i32
        %dma_wait3A_249 = tpu.memref_slice %arg2[%dma_wait3A_247, %dma_wait3A_248] : memref<163840x128xf32, #tpu.memory_space<hbm>> -> memref<32x128xf32, #tpu.memory_space<hbm>>
        tpu.wait_dma2 semaphore(%arg26 : memref<!tpu.dma_semaphore, #tpu.memory_space<semaphore_mem>>) src(%dma_wait3A_249 : memref<32x128xf32, #tpu.memory_space<hbm>>) dst(%arg8 : memref<32x128xf32, #tpu.memory_space<vmem>>)
        %eq3A_250 = arith.constant 0 : i32
        %eq3A_251 = arith.cmpi eq, %arg0, %eq3A_250 : i32
        %convert_element_type3A_252 = arith.extui %eq3A_251 : i1 to i32
        %cond3A_253 = arith.constant 0 : i32
        %cond3A_254 = arith.cmpi ne, %convert_element_type3A_252, %cond3A_253 : i32
        scf.if %cond3A_254 {
          %dma_wait3A_255 = arith.constant 0 : i32
          %dma_wait3A_256 = tpu.memref_slice %arg5[%dma_wait3A_255] : memref<163840xf32, #tpu.memory_space<hbm>> -> memref<32xf32, #tpu.memory_space<hbm>>
          %dma_wait3A_257 = arith.constant 0 : i32
          %dma_wait3A_258 = tpu.memref_slice %arg5[%dma_wait3A_257] : memref<163840xf32, #tpu.memory_space<hbm>> -> memref<32xf32, #tpu.memory_space<hbm>>
          tpu.wait_dma2 semaphore(%arg26 : memref<!tpu.dma_semaphore, #tpu.memory_space<semaphore_mem>>) src(%dma_wait3A_258 : memref<32xf32, #tpu.memory_space<hbm>>) dst(%arg12 : memref<32xf32, #tpu.memory_space<vmem>>)
        } else {
        }
      } else {
      }
      %eq3A_139 = arith.constant 0 : i32
      %eq3A_140 = arith.cmpi eq, %add3A_110, %eq3A_139 : i32
      %convert_element_type3A_141 = arith.extui %eq3A_140 : i1 to i32
      %cond3A_142 = arith.constant 0 : i32
      %cond3A_143 = arith.cmpi ne, %convert_element_type3A_141, %cond3A_142 : i32
      scf.if %cond3A_143 {
        %add3A_244 = arith.constant 64 : i32
        %add3A_245 = arith.addi %mul3A_0, %add3A_244 : i32
        %dma_start3A_246 = tpu.memref_slice %arg4[%add3A_245] : memref<163840xi32, #tpu.memory_space<hbm>> -> memref<32xi32, #tpu.memory_space<hbm>>
        %dma_start3A_247 = tpu.memref_slice %arg4[%add3A_245] : memref<163840xi32, #tpu.memory_space<hbm>> -> memref<32xi32, #tpu.memory_space<hbm>>
        tpu.enqueue_dma source(%dma_start3A_247 : memref<32xi32, #tpu.memory_space<hbm>>) target(%arg19 : memref<32xi32, #tpu.memory_space<vmem>>) target_semaphore(%arg25 : memref<!tpu.dma_semaphore, #tpu.memory_space<semaphore_mem>>)
        %eq3A_248 = arith.constant 0 : i32
        %eq3A_249 = arith.cmpi eq, %arg0, %eq3A_248 : i32
        %convert_element_type3A_250 = arith.extui %eq3A_249 : i1 to i32
        %cond3A_251 = arith.constant 0 : i32
        %cond3A_252 = arith.cmpi ne, %convert_element_type3A_250, %cond3A_251 : i32
        scf.if %cond3A_252 {
          %dma_start3A_272 = arith.constant 0 : i32
          %dma_start3A_273 = tpu.memref_slice %arg2[%add3A_245, %dma_start3A_272] : memref<163840x128xf32, #tpu.memory_space<hbm>> -> memref<32x128xf32, #tpu.memory_space<hbm>>
          %dma_start3A_274 = arith.constant 0 : i32
          %dma_start3A_275 = tpu.memref_slice %arg2[%add3A_245, %dma_start3A_274] : memref<163840x128xf32, #tpu.memory_space<hbm>> -> memref<32x128xf32, #tpu.memory_space<hbm>>
          tpu.enqueue_dma source(%dma_start3A_275 : memref<32x128xf32, #tpu.memory_space<hbm>>) target(%arg11 : memref<32x128xf32, #tpu.memory_space<vmem>>) target_semaphore(%arg25 : memref<!tpu.dma_semaphore, #tpu.memory_space<semaphore_mem>>)
          %dma_start3A_276 = tpu.memref_slice %arg5[%add3A_245] : memref<163840xf32, #tpu.memory_space<hbm>> -> memref<32xf32, #tpu.memory_space<hbm>>
          %dma_start3A_277 = tpu.memref_slice %arg5[%add3A_245] : memref<163840xf32, #tpu.memory_space<hbm>> -> memref<32xf32, #tpu.memory_space<hbm>>
          tpu.enqueue_dma source(%dma_start3A_277 : memref<32xf32, #tpu.memory_space<hbm>>) target(%arg15 : memref<32xf32, #tpu.memory_space<vmem>>) target_semaphore(%arg25 : memref<!tpu.dma_semaphore, #tpu.memory_space<semaphore_mem>>)
        } else {
        }
        %eq3A_253 = arith.constant 1 : i32
        %eq3A_254 = arith.cmpi eq, %arg0, %eq3A_253 : i32
        %convert_element_type3A_255 = arith.extui %eq3A_254 : i1 to i32
        %cond3A_256 = arith.constant 0 : i32
        %cond3A_257 = arith.cmpi ne, %convert_element_type3A_255, %cond3A_256 : i32
        scf.if %cond3A_257 {
          %dma_start3A_272 = arith.constant 0 : i32
          %dma_start3A_273 = tpu.memref_slice %arg3[%add3A_245, %dma_start3A_272] : memref<163840x128xf32, #tpu.memory_space<hbm>> -> memref<32x128xf32, #tpu.memory_space<hbm>>
          %dma_start3A_274 = arith.constant 0 : i32
          %dma_start3A_275 = tpu.memref_slice %arg3[%add3A_245, %dma_start3A_274] : memref<163840x128xf32, #tpu.memory_space<hbm>> -> memref<32x128xf32, #tpu.memory_space<hbm>>
          tpu.enqueue_dma source(%dma_start3A_275 : memref<32x128xf32, #tpu.memory_space<hbm>>) target(%arg11 : memref<32x128xf32, #tpu.memory_space<vmem>>) target_semaphore(%arg25 : memref<!tpu.dma_semaphore, #tpu.memory_space<semaphore_mem>>)
        } else {
        }
        %add3A_258 = arith.constant 96 : i32
        %add3A_259 = arith.addi %mul3A_0, %add3A_258 : i32
        %dma_start3A_260 = tpu.memref_slice %arg4[%add3A_259] : memref<163840xi32, #tpu.memory_space<hbm>> -> memref<32xi32, #tpu.memory_space<hbm>>
        %dma_start3A_261 = tpu.memref_slice %arg4[%add3A_259] : memref<163840xi32, #tpu.memory_space<hbm>> -> memref<32xi32, #tpu.memory_space<hbm>>
        tpu.enqueue_dma source(%dma_start3A_261 : memref<32xi32, #tpu.memory_space<hbm>>) target(%arg16 : memref<32xi32, #tpu.memory_space<vmem>>) target_semaphore(%arg22 : memref<!tpu.dma_semaphore, #tpu.memory_space<semaphore_mem>>)
        %eq3A_262 = arith.constant 0 : i32
        %eq3A_263 = arith.cmpi eq, %arg0, %eq3A_262 : i32
        %convert_element_type3A_264 = arith.extui %eq3A_263 : i1 to i32
        %cond3A_265 = arith.constant 0 : i32
        %cond3A_266 = arith.cmpi ne, %convert_element_type3A_264, %cond3A_265 : i32
        scf.if %cond3A_266 {
          %dma_start3A_272 = arith.constant 0 : i32
          %dma_start3A_273 = tpu.memref_slice %arg2[%add3A_259, %dma_start3A_272] : memref<163840x128xf32, #tpu.memory_space<hbm>> -> memref<32x128xf32, #tpu.memory_space<hbm>>
          %dma_start3A_274 = arith.constant 0 : i32
          %dma_start3A_275 = tpu.memref_slice %arg2[%add3A_259, %dma_start3A_274] : memref<163840x128xf32, #tpu.memory_space<hbm>> -> memref<32x128xf32, #tpu.memory_space<hbm>>
          tpu.enqueue_dma source(%dma_start3A_275 : memref<32x128xf32, #tpu.memory_space<hbm>>) target(%arg8 : memref<32x128xf32, #tpu.memory_space<vmem>>) target_semaphore(%arg22 : memref<!tpu.dma_semaphore, #tpu.memory_space<semaphore_mem>>)
          %dma_start3A_276 = tpu.memref_slice %arg5[%add3A_259] : memref<163840xf32, #tpu.memory_space<hbm>> -> memref<32xf32, #tpu.memory_space<hbm>>
          %dma_start3A_277 = tpu.memref_slice %arg5[%add3A_259] : memref<163840xf32, #tpu.memory_space<hbm>> -> memref<32xf32, #tpu.memory_space<hbm>>
          tpu.enqueue_dma source(%dma_start3A_277 : memref<32xf32, #tpu.memory_space<hbm>>) target(%arg12 : memref<32xf32, #tpu.memory_space<vmem>>) target_semaphore(%arg22 : memref<!tpu.dma_semaphore, #tpu.memory_space<semaphore_mem>>)
        } else {
        }
        %eq3A_267 = arith.constant 1 : i32
        %eq3A_268 = arith.cmpi eq, %arg0, %eq3A_267 : i32
        %convert_element_type3A_269 = arith.extui %eq3A_268 : i1 to i32
        %cond3A_270 = arith.constant 0 : i32
        %cond3A_271 = arith.cmpi ne, %convert_element_type3A_269, %cond3A_270 : i32
        scf.if %cond3A_271 {
          %dma_start3A_272 = arith.constant 0 : i32
          %dma_start3A_273 = tpu.memref_slice %arg3[%add3A_259, %dma_start3A_272] : memref<163840x128xf32, #tpu.memory_space<hbm>> -> memref<32x128xf32, #tpu.memory_space<hbm>>
          %dma_start3A_274 = arith.constant 0 : i32
          %dma_start3A_275 = tpu.memref_slice %arg3[%add3A_259, %dma_start3A_274] : memref<163840x128xf32, #tpu.memory_space<hbm>> -> memref<32x128xf32, #tpu.memory_space<hbm>>
          tpu.enqueue_dma source(%dma_start3A_275 : memref<32x128xf32, #tpu.memory_space<hbm>>) target(%arg8 : memref<32x128xf32, #tpu.memory_space<vmem>>) target_semaphore(%arg22 : memref<!tpu.dma_semaphore, #tpu.memory_space<semaphore_mem>>)
        } else {
        }
      } else {
      }
      %add3A_144 = arith.constant 3 : i32
      %add3A_145 = arith.addi %add3A_110, %add3A_144 : i32
      %lt3A_146 = arith.constant 320 : i32
      %lt3A_147 = arith.cmpi slt, %add3A_145, %lt3A_146 : i32
      %ge3A_148 = arith.constant 1 : i32
      %ge3A_149 = arith.cmpi sge, %add3A_110, %ge3A_148 : i32
      %and3A_150 = arith.andi %lt3A_147, %ge3A_149 : i1
      %convert_element_type3A_151 = arith.extui %and3A_150 : i1 to i32
      %cond3A_152 = arith.constant 0 : i32
      %cond3A_153 = arith.cmpi ne, %convert_element_type3A_151, %cond3A_152 : i32
      scf.if %cond3A_153 {
        %add3A_244 = arith.constant 3 : i32
        %add3A_245 = arith.addi %add3A_110, %add3A_244 : i32
        %mul3A_246 = arith.constant 32 : i32
        %mul3A_247 = arith.muli %add3A_245, %mul3A_246 : i32
        %add3A_248 = arith.addi %mul3A_0, %mul3A_247 : i32
        %dma_start3A_249 = tpu.memref_slice %arg4[%add3A_248] : memref<163840xi32, #tpu.memory_space<hbm>> -> memref<32xi32, #tpu.memory_space<hbm>>
        %dma_start3A_250 = tpu.memref_slice %arg4[%add3A_248] : memref<163840xi32, #tpu.memory_space<hbm>> -> memref<32xi32, #tpu.memory_space<hbm>>
        tpu.enqueue_dma source(%dma_start3A_250 : memref<32xi32, #tpu.memory_space<hbm>>) target(%arg16 : memref<32xi32, #tpu.memory_space<vmem>>) target_semaphore(%arg22 : memref<!tpu.dma_semaphore, #tpu.memory_space<semaphore_mem>>)
        %eq3A_251 = arith.constant 0 : i32
        %eq3A_252 = arith.cmpi eq, %arg0, %eq3A_251 : i32
        %convert_element_type3A_253 = arith.extui %eq3A_252 : i1 to i32
        %cond3A_254 = arith.constant 0 : i32
        %cond3A_255 = arith.cmpi ne, %convert_element_type3A_253, %cond3A_254 : i32
        scf.if %cond3A_255 {
          %dma_start3A_261 = arith.constant 0 : i32
          %dma_start3A_262 = tpu.memref_slice %arg2[%add3A_248, %dma_start3A_261] : memref<163840x128xf32, #tpu.memory_space<hbm>> -> memref<32x128xf32, #tpu.memory_space<hbm>>
          %dma_start3A_263 = arith.constant 0 : i32
          %dma_start3A_264 = tpu.memref_slice %arg2[%add3A_248, %dma_start3A_263] : memref<163840x128xf32, #tpu.memory_space<hbm>> -> memref<32x128xf32, #tpu.memory_space<hbm>>
          tpu.enqueue_dma source(%dma_start3A_264 : memref<32x128xf32, #tpu.memory_space<hbm>>) target(%arg8 : memref<32x128xf32, #tpu.memory_space<vmem>>) target_semaphore(%arg22 : memref<!tpu.dma_semaphore, #tpu.memory_space<semaphore_mem>>)
          %dma_start3A_265 = tpu.memref_slice %arg5[%add3A_248] : memref<163840xf32, #tpu.memory_space<hbm>> -> memref<32xf32, #tpu.memory_space<hbm>>
          %dma_start3A_266 = tpu.memref_slice %arg5[%add3A_248] : memref<163840xf32, #tpu.memory_space<hbm>> -> memref<32xf32, #tpu.memory_space<hbm>>
          tpu.enqueue_dma source(%dma_start3A_266 : memref<32xf32, #tpu.memory_space<hbm>>) target(%arg12 : memref<32xf32, #tpu.memory_space<vmem>>) target_semaphore(%arg22 : memref<!tpu.dma_semaphore, #tpu.memory_space<semaphore_mem>>)
        } else {
        }
        %eq3A_256 = arith.constant 1 : i32
        %eq3A_257 = arith.cmpi eq, %arg0, %eq3A_256 : i32
        %convert_element_type3A_258 = arith.extui %eq3A_257 : i1 to i32
        %cond3A_259 = arith.constant 0 : i32
        %cond3A_260 = arith.cmpi ne, %convert_element_type3A_258, %cond3A_259 : i32
        scf.if %cond3A_260 {
          %dma_start3A_261 = arith.constant 0 : i32
          %dma_start3A_262 = tpu.memref_slice %arg3[%add3A_248, %dma_start3A_261] : memref<163840x128xf32, #tpu.memory_space<hbm>> -> memref<32x128xf32, #tpu.memory_space<hbm>>
          %dma_start3A_263 = arith.constant 0 : i32
          %dma_start3A_264 = tpu.memref_slice %arg3[%add3A_248, %dma_start3A_263] : memref<163840x128xf32, #tpu.memory_space<hbm>> -> memref<32x128xf32, #tpu.memory_space<hbm>>
          tpu.enqueue_dma source(%dma_start3A_264 : memref<32x128xf32, #tpu.memory_space<hbm>>) target(%arg8 : memref<32x128xf32, #tpu.memory_space<vmem>>) target_semaphore(%arg22 : memref<!tpu.dma_semaphore, #tpu.memory_space<semaphore_mem>>)
        } else {
        }
      } else {
      }
      %add3A_154 = arith.constant 2 : i32
      %add3A_155 = arith.addi %add3A_64, %add3A_154 : i32
      %dma_wait3A_156 = arith.constant 0 : i32
      %dma_wait3A_157 = arith.constant 0 : i32
      %dma_wait3A_158 = tpu.memref_slice %arg2[%dma_wait3A_156, %dma_wait3A_157] : memref<163840x128xf32, #tpu.memory_space<hbm>> -> memref<32x128xf32, #tpu.memory_space<hbm>>
      %dma_wait3A_159 = arith.constant 0 : i32
      %dma_wait3A_160 = arith.constant 0 : i32
      %dma_wait3A_161 = tpu.memref_slice %arg2[%dma_wait3A_159, %dma_wait3A_160] : memref<163840x128xf32, #tpu.memory_space<hbm>> -> memref<32x128xf32, #tpu.memory_space<hbm>>
      tpu.wait_dma2 semaphore(%arg24 : memref<!tpu.dma_semaphore, #tpu.memory_space<semaphore_mem>>) src(%dma_wait3A_161 : memref<32x128xf32, #tpu.memory_space<hbm>>) dst(%arg10 : memref<32x128xf32, #tpu.memory_space<vmem>>)
      %dma_wait3A_162 = arith.constant 0 : i32
      %dma_wait3A_163 = tpu.memref_slice %arg4[%dma_wait3A_162] : memref<163840xi32, #tpu.memory_space<hbm>> -> memref<32xi32, #tpu.memory_space<hbm>>
      %dma_wait3A_164 = arith.constant 0 : i32
      %dma_wait3A_165 = tpu.memref_slice %arg4[%dma_wait3A_164] : memref<163840xi32, #tpu.memory_space<hbm>> -> memref<32xi32, #tpu.memory_space<hbm>>
      tpu.wait_dma2 semaphore(%arg24 : memref<!tpu.dma_semaphore, #tpu.memory_space<semaphore_mem>>) src(%dma_wait3A_165 : memref<32xi32, #tpu.memory_space<hbm>>) dst(%arg18 : memref<32xi32, #tpu.memory_space<vmem>>)
      %eq3A_166 = arith.constant 0 : i32
      %eq3A_167 = arith.cmpi eq, %arg0, %eq3A_166 : i32
      %convert_element_type3A_168 = arith.extui %eq3A_167 : i1 to i32
      %cond3A_169 = arith.constant 0 : i32
      %cond3A_170 = arith.cmpi ne, %convert_element_type3A_168, %cond3A_169 : i32
      scf.if %cond3A_170 {
        %dma_wait3A_244 = arith.constant 0 : i32
        %dma_wait3A_245 = tpu.memref_slice %arg5[%dma_wait3A_244] : memref<163840xf32, #tpu.memory_space<hbm>> -> memref<32xf32, #tpu.memory_space<hbm>>
        %dma_wait3A_246 = arith.constant 0 : i32
        %dma_wait3A_247 = tpu.memref_slice %arg5[%dma_wait3A_246] : memref<163840xf32, #tpu.memory_space<hbm>> -> memref<32xf32, #tpu.memory_space<hbm>>
        tpu.wait_dma2 semaphore(%arg24 : memref<!tpu.dma_semaphore, #tpu.memory_space<semaphore_mem>>) src(%dma_wait3A_247 : memref<32xf32, #tpu.memory_space<hbm>>) dst(%arg14 : memref<32xf32, #tpu.memory_space<vmem>>)
      } else {
      }
      %dma_start3A_171 = arith.constant 0 : i32
      %dma_start3A_172 = arith.constant 0 : i32
      %dma_start3A_173 = tpu.memref_slice %arg30[%dma_start3A_171, %dma_start3A_172] : memref<10000x128xf32, #tpu.memory_space<vmem_shared>> -> memref<10000x128xf32, #tpu.memory_space<vmem_shared>>
      tpu.enqueue_indirect_dma source(%arg10 : memref<32x128xf32, #tpu.memory_space<vmem>>) target(%dma_start3A_173 : memref<10000x128xf32, #tpu.memory_space<vmem_shared>>) offsets(%arg18 : memref<32xi32, #tpu.memory_space<vmem>>) semaphore(%arg28 : memref<!tpu.dma_semaphore, #tpu.memory_space<semaphore_mem>>) {add = true}
      %eq3A_174 = arith.constant 0 : i32
      %eq3A_175 = arith.cmpi eq, %arg0, %eq3A_174 : i32
      %convert_element_type3A_176 = arith.extui %eq3A_175 : i1 to i32
      %cond3A_177 = arith.constant 0 : i32
      %cond3A_178 = arith.cmpi ne, %convert_element_type3A_176, %cond3A_177 : i32
      scf.if %cond3A_178 {
        %dma_start3A_244 = arith.constant 0 : i32
        %dma_start3A_245 = tpu.memref_slice %arg31[%dma_start3A_244] : memref<10000xf32, #tpu.memory_space<vmem_shared>> -> memref<10000xf32, #tpu.memory_space<vmem_shared>>
        tpu.enqueue_indirect_dma source(%arg14 : memref<32xf32, #tpu.memory_space<vmem>>) target(%dma_start3A_245 : memref<10000xf32, #tpu.memory_space<vmem_shared>>) offsets(%arg18 : memref<32xi32, #tpu.memory_space<vmem>>) semaphore(%arg28 : memref<!tpu.dma_semaphore, #tpu.memory_space<semaphore_mem>>) {add = true}
      } else {
      }
      %ge3A_179 = arith.constant 1 : i32
      %ge3A_180 = arith.cmpi sge, %add3A_155, %ge3A_179 : i32
      %convert_element_type3A_181 = arith.extui %ge3A_180 : i1 to i32
      %cond3A_182 = arith.constant 0 : i32
      %cond3A_183 = arith.cmpi ne, %convert_element_type3A_181, %cond3A_182 : i32
      scf.if %cond3A_183 {
        %dma_wait3A_244 = arith.constant 0 : i32
        %dma_wait3A_245 = arith.constant 0 : i32
        %dma_wait3A_246 = tpu.memref_slice %arg2[%dma_wait3A_244, %dma_wait3A_245] : memref<163840x128xf32, #tpu.memory_space<hbm>> -> memref<32x128xf32, #tpu.memory_space<hbm>>
        %dma_wait3A_247 = arith.constant 0 : i32
        %dma_wait3A_248 = arith.constant 0 : i32
        %dma_wait3A_249 = tpu.memref_slice %arg2[%dma_wait3A_247, %dma_wait3A_248] : memref<163840x128xf32, #tpu.memory_space<hbm>> -> memref<32x128xf32, #tpu.memory_space<hbm>>
        tpu.wait_dma2 semaphore(%arg27 : memref<!tpu.dma_semaphore, #tpu.memory_space<semaphore_mem>>) src(%dma_wait3A_249 : memref<32x128xf32, #tpu.memory_space<hbm>>) dst(%arg9 : memref<32x128xf32, #tpu.memory_space<vmem>>)
        %eq3A_250 = arith.constant 0 : i32
        %eq3A_251 = arith.cmpi eq, %arg0, %eq3A_250 : i32
        %convert_element_type3A_252 = arith.extui %eq3A_251 : i1 to i32
        %cond3A_253 = arith.constant 0 : i32
        %cond3A_254 = arith.cmpi ne, %convert_element_type3A_252, %cond3A_253 : i32
        scf.if %cond3A_254 {
          %dma_wait3A_255 = arith.constant 0 : i32
          %dma_wait3A_256 = tpu.memref_slice %arg5[%dma_wait3A_255] : memref<163840xf32, #tpu.memory_space<hbm>> -> memref<32xf32, #tpu.memory_space<hbm>>
          %dma_wait3A_257 = arith.constant 0 : i32
          %dma_wait3A_258 = tpu.memref_slice %arg5[%dma_wait3A_257] : memref<163840xf32, #tpu.memory_space<hbm>> -> memref<32xf32, #tpu.memory_space<hbm>>
          tpu.wait_dma2 semaphore(%arg27 : memref<!tpu.dma_semaphore, #tpu.memory_space<semaphore_mem>>) src(%dma_wait3A_258 : memref<32xf32, #tpu.memory_space<hbm>>) dst(%arg13 : memref<32xf32, #tpu.memory_space<vmem>>)
        } else {
        }
      } else {
      }
      %eq3A_184 = arith.constant 0 : i32
      %eq3A_185 = arith.cmpi eq, %add3A_155, %eq3A_184 : i32
      %convert_element_type3A_186 = arith.extui %eq3A_185 : i1 to i32
      %cond3A_187 = arith.constant 0 : i32
      %cond3A_188 = arith.cmpi ne, %convert_element_type3A_186, %cond3A_187 : i32
      scf.if %cond3A_188 {
        %add3A_244 = arith.constant 64 : i32
        %add3A_245 = arith.addi %mul3A_0, %add3A_244 : i32
        %dma_start3A_246 = tpu.memref_slice %arg4[%add3A_245] : memref<163840xi32, #tpu.memory_space<hbm>> -> memref<32xi32, #tpu.memory_space<hbm>>
        %dma_start3A_247 = tpu.memref_slice %arg4[%add3A_245] : memref<163840xi32, #tpu.memory_space<hbm>> -> memref<32xi32, #tpu.memory_space<hbm>>
        tpu.enqueue_dma source(%dma_start3A_247 : memref<32xi32, #tpu.memory_space<hbm>>) target(%arg16 : memref<32xi32, #tpu.memory_space<vmem>>) target_semaphore(%arg22 : memref<!tpu.dma_semaphore, #tpu.memory_space<semaphore_mem>>)
        %eq3A_248 = arith.constant 0 : i32
        %eq3A_249 = arith.cmpi eq, %arg0, %eq3A_248 : i32
        %convert_element_type3A_250 = arith.extui %eq3A_249 : i1 to i32
        %cond3A_251 = arith.constant 0 : i32
        %cond3A_252 = arith.cmpi ne, %convert_element_type3A_250, %cond3A_251 : i32
        scf.if %cond3A_252 {
          %dma_start3A_272 = arith.constant 0 : i32
          %dma_start3A_273 = tpu.memref_slice %arg2[%add3A_245, %dma_start3A_272] : memref<163840x128xf32, #tpu.memory_space<hbm>> -> memref<32x128xf32, #tpu.memory_space<hbm>>
          %dma_start3A_274 = arith.constant 0 : i32
          %dma_start3A_275 = tpu.memref_slice %arg2[%add3A_245, %dma_start3A_274] : memref<163840x128xf32, #tpu.memory_space<hbm>> -> memref<32x128xf32, #tpu.memory_space<hbm>>
          tpu.enqueue_dma source(%dma_start3A_275 : memref<32x128xf32, #tpu.memory_space<hbm>>) target(%arg8 : memref<32x128xf32, #tpu.memory_space<vmem>>) target_semaphore(%arg22 : memref<!tpu.dma_semaphore, #tpu.memory_space<semaphore_mem>>)
          %dma_start3A_276 = tpu.memref_slice %arg5[%add3A_245] : memref<163840xf32, #tpu.memory_space<hbm>> -> memref<32xf32, #tpu.memory_space<hbm>>
          %dma_start3A_277 = tpu.memref_slice %arg5[%add3A_245] : memref<163840xf32, #tpu.memory_space<hbm>> -> memref<32xf32, #tpu.memory_space<hbm>>
          tpu.enqueue_dma source(%dma_start3A_277 : memref<32xf32, #tpu.memory_space<hbm>>) target(%arg12 : memref<32xf32, #tpu.memory_space<vmem>>) target_semaphore(%arg22 : memref<!tpu.dma_semaphore, #tpu.memory_space<semaphore_mem>>)
        } else {
        }
        %eq3A_253 = arith.constant 1 : i32
        %eq3A_254 = arith.cmpi eq, %arg0, %eq3A_253 : i32
        %convert_element_type3A_255 = arith.extui %eq3A_254 : i1 to i32
        %cond3A_256 = arith.constant 0 : i32
        %cond3A_257 = arith.cmpi ne, %convert_element_type3A_255, %cond3A_256 : i32
        scf.if %cond3A_257 {
          %dma_start3A_272 = arith.constant 0 : i32
          %dma_start3A_273 = tpu.memref_slice %arg3[%add3A_245, %dma_start3A_272] : memref<163840x128xf32, #tpu.memory_space<hbm>> -> memref<32x128xf32, #tpu.memory_space<hbm>>
          %dma_start3A_274 = arith.constant 0 : i32
          %dma_start3A_275 = tpu.memref_slice %arg3[%add3A_245, %dma_start3A_274] : memref<163840x128xf32, #tpu.memory_space<hbm>> -> memref<32x128xf32, #tpu.memory_space<hbm>>
          tpu.enqueue_dma source(%dma_start3A_275 : memref<32x128xf32, #tpu.memory_space<hbm>>) target(%arg8 : memref<32x128xf32, #tpu.memory_space<vmem>>) target_semaphore(%arg22 : memref<!tpu.dma_semaphore, #tpu.memory_space<semaphore_mem>>)
        } else {
        }
        %add3A_258 = arith.constant 96 : i32
        %add3A_259 = arith.addi %mul3A_0, %add3A_258 : i32
        %dma_start3A_260 = tpu.memref_slice %arg4[%add3A_259] : memref<163840xi32, #tpu.memory_space<hbm>> -> memref<32xi32, #tpu.memory_space<hbm>>
        %dma_start3A_261 = tpu.memref_slice %arg4[%add3A_259] : memref<163840xi32, #tpu.memory_space<hbm>> -> memref<32xi32, #tpu.memory_space<hbm>>
        tpu.enqueue_dma source(%dma_start3A_261 : memref<32xi32, #tpu.memory_space<hbm>>) target(%arg17 : memref<32xi32, #tpu.memory_space<vmem>>) target_semaphore(%arg23 : memref<!tpu.dma_semaphore, #tpu.memory_space<semaphore_mem>>)
        %eq3A_262 = arith.constant 0 : i32
        %eq3A_263 = arith.cmpi eq, %arg0, %eq3A_262 : i32
        %convert_element_type3A_264 = arith.extui %eq3A_263 : i1 to i32
        %cond3A_265 = arith.constant 0 : i32
        %cond3A_266 = arith.cmpi ne, %convert_element_type3A_264, %cond3A_265 : i32
        scf.if %cond3A_266 {
          %dma_start3A_272 = arith.constant 0 : i32
          %dma_start3A_273 = tpu.memref_slice %arg2[%add3A_259, %dma_start3A_272] : memref<163840x128xf32, #tpu.memory_space<hbm>> -> memref<32x128xf32, #tpu.memory_space<hbm>>
          %dma_start3A_274 = arith.constant 0 : i32
          %dma_start3A_275 = tpu.memref_slice %arg2[%add3A_259, %dma_start3A_274] : memref<163840x128xf32, #tpu.memory_space<hbm>> -> memref<32x128xf32, #tpu.memory_space<hbm>>
          tpu.enqueue_dma source(%dma_start3A_275 : memref<32x128xf32, #tpu.memory_space<hbm>>) target(%arg9 : memref<32x128xf32, #tpu.memory_space<vmem>>) target_semaphore(%arg23 : memref<!tpu.dma_semaphore, #tpu.memory_space<semaphore_mem>>)
          %dma_start3A_276 = tpu.memref_slice %arg5[%add3A_259] : memref<163840xf32, #tpu.memory_space<hbm>> -> memref<32xf32, #tpu.memory_space<hbm>>
          %dma_start3A_277 = tpu.memref_slice %arg5[%add3A_259] : memref<163840xf32, #tpu.memory_space<hbm>> -> memref<32xf32, #tpu.memory_space<hbm>>
          tpu.enqueue_dma source(%dma_start3A_277 : memref<32xf32, #tpu.memory_space<hbm>>) target(%arg13 : memref<32xf32, #tpu.memory_space<vmem>>) target_semaphore(%arg23 : memref<!tpu.dma_semaphore, #tpu.memory_space<semaphore_mem>>)
        } else {
        }
        %eq3A_267 = arith.constant 1 : i32
        %eq3A_268 = arith.cmpi eq, %arg0, %eq3A_267 : i32
        %convert_element_type3A_269 = arith.extui %eq3A_268 : i1 to i32
        %cond3A_270 = arith.constant 0 : i32
        %cond3A_271 = arith.cmpi ne, %convert_element_type3A_269, %cond3A_270 : i32
        scf.if %cond3A_271 {
          %dma_start3A_272 = arith.constant 0 : i32
          %dma_start3A_273 = tpu.memref_slice %arg3[%add3A_259, %dma_start3A_272] : memref<163840x128xf32, #tpu.memory_space<hbm>> -> memref<32x128xf32, #tpu.memory_space<hbm>>
          %dma_start3A_274 = arith.constant 0 : i32
          %dma_start3A_275 = tpu.memref_slice %arg3[%add3A_259, %dma_start3A_274] : memref<163840x128xf32, #tpu.memory_space<hbm>> -> memref<32x128xf32, #tpu.memory_space<hbm>>
          tpu.enqueue_dma source(%dma_start3A_275 : memref<32x128xf32, #tpu.memory_space<hbm>>) target(%arg9 : memref<32x128xf32, #tpu.memory_space<vmem>>) target_semaphore(%arg23 : memref<!tpu.dma_semaphore, #tpu.memory_space<semaphore_mem>>)
        } else {
        }
      } else {
      }
      %add3A_189 = arith.constant 3 : i32
      %add3A_190 = arith.addi %add3A_155, %add3A_189 : i32
      %lt3A_191 = arith.constant 320 : i32
      %lt3A_192 = arith.cmpi slt, %add3A_190, %lt3A_191 : i32
      %ge3A_193 = arith.constant 1 : i32
      %ge3A_194 = arith.cmpi sge, %add3A_155, %ge3A_193 : i32
      %and3A_195 = arith.andi %lt3A_192, %ge3A_194 : i1
      %convert_element_type3A_196 = arith.extui %and3A_195 : i1 to i32
      %cond3A_197 = arith.constant 0 : i32
      %cond3A_198 = arith.cmpi ne, %convert_element_type3A_196, %cond3A_197 : i32
      scf.if %cond3A_198 {
        %add3A_244 = arith.constant 3 : i32
        %add3A_245 = arith.addi %add3A_155, %add3A_244 : i32
        %mul3A_246 = arith.constant 32 : i32
        %mul3A_247 = arith.muli %add3A_245, %mul3A_246 : i32
        %add3A_248 = arith.addi %mul3A_0, %mul3A_247 : i32
        %dma_start3A_249 = tpu.memref_slice %arg4[%add3A_248] : memref<163840xi32, #tpu.memory_space<hbm>> -> memref<32xi32, #tpu.memory_space<hbm>>
        %dma_start3A_250 = tpu.memref_slice %arg4[%add3A_248] : memref<163840xi32, #tpu.memory_space<hbm>> -> memref<32xi32, #tpu.memory_space<hbm>>
        tpu.enqueue_dma source(%dma_start3A_250 : memref<32xi32, #tpu.memory_space<hbm>>) target(%arg17 : memref<32xi32, #tpu.memory_space<vmem>>) target_semaphore(%arg23 : memref<!tpu.dma_semaphore, #tpu.memory_space<semaphore_mem>>)
        %eq3A_251 = arith.constant 0 : i32
        %eq3A_252 = arith.cmpi eq, %arg0, %eq3A_251 : i32
        %convert_element_type3A_253 = arith.extui %eq3A_252 : i1 to i32
        %cond3A_254 = arith.constant 0 : i32
        %cond3A_255 = arith.cmpi ne, %convert_element_type3A_253, %cond3A_254 : i32
        scf.if %cond3A_255 {
          %dma_start3A_261 = arith.constant 0 : i32
          %dma_start3A_262 = tpu.memref_slice %arg2[%add3A_248, %dma_start3A_261] : memref<163840x128xf32, #tpu.memory_space<hbm>> -> memref<32x128xf32, #tpu.memory_space<hbm>>
          %dma_start3A_263 = arith.constant 0 : i32
          %dma_start3A_264 = tpu.memref_slice %arg2[%add3A_248, %dma_start3A_263] : memref<163840x128xf32, #tpu.memory_space<hbm>> -> memref<32x128xf32, #tpu.memory_space<hbm>>
          tpu.enqueue_dma source(%dma_start3A_264 : memref<32x128xf32, #tpu.memory_space<hbm>>) target(%arg9 : memref<32x128xf32, #tpu.memory_space<vmem>>) target_semaphore(%arg23 : memref<!tpu.dma_semaphore, #tpu.memory_space<semaphore_mem>>)
          %dma_start3A_265 = tpu.memref_slice %arg5[%add3A_248] : memref<163840xf32, #tpu.memory_space<hbm>> -> memref<32xf32, #tpu.memory_space<hbm>>
          %dma_start3A_266 = tpu.memref_slice %arg5[%add3A_248] : memref<163840xf32, #tpu.memory_space<hbm>> -> memref<32xf32, #tpu.memory_space<hbm>>
          tpu.enqueue_dma source(%dma_start3A_266 : memref<32xf32, #tpu.memory_space<hbm>>) target(%arg13 : memref<32xf32, #tpu.memory_space<vmem>>) target_semaphore(%arg23 : memref<!tpu.dma_semaphore, #tpu.memory_space<semaphore_mem>>)
        } else {
        }
        %eq3A_256 = arith.constant 1 : i32
        %eq3A_257 = arith.cmpi eq, %arg0, %eq3A_256 : i32
        %convert_element_type3A_258 = arith.extui %eq3A_257 : i1 to i32
        %cond3A_259 = arith.constant 0 : i32
        %cond3A_260 = arith.cmpi ne, %convert_element_type3A_258, %cond3A_259 : i32
        scf.if %cond3A_260 {
          %dma_start3A_261 = arith.constant 0 : i32
          %dma_start3A_262 = tpu.memref_slice %arg3[%add3A_248, %dma_start3A_261] : memref<163840x128xf32, #tpu.memory_space<hbm>> -> memref<32x128xf32, #tpu.memory_space<hbm>>
          %dma_start3A_263 = arith.constant 0 : i32
          %dma_start3A_264 = tpu.memref_slice %arg3[%add3A_248, %dma_start3A_263] : memref<163840x128xf32, #tpu.memory_space<hbm>> -> memref<32x128xf32, #tpu.memory_space<hbm>>
          tpu.enqueue_dma source(%dma_start3A_264 : memref<32x128xf32, #tpu.memory_space<hbm>>) target(%arg9 : memref<32x128xf32, #tpu.memory_space<vmem>>) target_semaphore(%arg23 : memref<!tpu.dma_semaphore, #tpu.memory_space<semaphore_mem>>)
        } else {
        }
      } else {
      }
      %add3A_199 = arith.constant 3 : i32
      %add3A_200 = arith.addi %add3A_64, %add3A_199 : i32
      %dma_wait3A_201 = arith.constant 0 : i32
      %dma_wait3A_202 = arith.constant 0 : i32
      %dma_wait3A_203 = tpu.memref_slice %arg2[%dma_wait3A_201, %dma_wait3A_202] : memref<163840x128xf32, #tpu.memory_space<hbm>> -> memref<32x128xf32, #tpu.memory_space<hbm>>
      %dma_wait3A_204 = arith.constant 0 : i32
      %dma_wait3A_205 = arith.constant 0 : i32
      %dma_wait3A_206 = tpu.memref_slice %arg2[%dma_wait3A_204, %dma_wait3A_205] : memref<163840x128xf32, #tpu.memory_space<hbm>> -> memref<32x128xf32, #tpu.memory_space<hbm>>
      tpu.wait_dma2 semaphore(%arg25 : memref<!tpu.dma_semaphore, #tpu.memory_space<semaphore_mem>>) src(%dma_wait3A_206 : memref<32x128xf32, #tpu.memory_space<hbm>>) dst(%arg11 : memref<32x128xf32, #tpu.memory_space<vmem>>)
      %dma_wait3A_207 = arith.constant 0 : i32
      %dma_wait3A_208 = tpu.memref_slice %arg4[%dma_wait3A_207] : memref<163840xi32, #tpu.memory_space<hbm>> -> memref<32xi32, #tpu.memory_space<hbm>>
      %dma_wait3A_209 = arith.constant 0 : i32
      %dma_wait3A_210 = tpu.memref_slice %arg4[%dma_wait3A_209] : memref<163840xi32, #tpu.memory_space<hbm>> -> memref<32xi32, #tpu.memory_space<hbm>>
      tpu.wait_dma2 semaphore(%arg25 : memref<!tpu.dma_semaphore, #tpu.memory_space<semaphore_mem>>) src(%dma_wait3A_210 : memref<32xi32, #tpu.memory_space<hbm>>) dst(%arg19 : memref<32xi32, #tpu.memory_space<vmem>>)
      %eq3A_211 = arith.constant 0 : i32
      %eq3A_212 = arith.cmpi eq, %arg0, %eq3A_211 : i32
      %convert_element_type3A_213 = arith.extui %eq3A_212 : i1 to i32
      %cond3A_214 = arith.constant 0 : i32
      %cond3A_215 = arith.cmpi ne, %convert_element_type3A_213, %cond3A_214 : i32
      scf.if %cond3A_215 {
        %dma_wait3A_244 = arith.constant 0 : i32
        %dma_wait3A_245 = tpu.memref_slice %arg5[%dma_wait3A_244] : memref<163840xf32, #tpu.memory_space<hbm>> -> memref<32xf32, #tpu.memory_space<hbm>>
        %dma_wait3A_246 = arith.constant 0 : i32
        %dma_wait3A_247 = tpu.memref_slice %arg5[%dma_wait3A_246] : memref<163840xf32, #tpu.memory_space<hbm>> -> memref<32xf32, #tpu.memory_space<hbm>>
        tpu.wait_dma2 semaphore(%arg25 : memref<!tpu.dma_semaphore, #tpu.memory_space<semaphore_mem>>) src(%dma_wait3A_247 : memref<32xf32, #tpu.memory_space<hbm>>) dst(%arg15 : memref<32xf32, #tpu.memory_space<vmem>>)
      } else {
      }
      %dma_start3A_216 = arith.constant 0 : i32
      %dma_start3A_217 = arith.constant 0 : i32
      %dma_start3A_218 = tpu.memref_slice %arg30[%dma_start3A_216, %dma_start3A_217] : memref<10000x128xf32, #tpu.memory_space<vmem_shared>> -> memref<10000x128xf32, #tpu.memory_space<vmem_shared>>
      tpu.enqueue_indirect_dma source(%arg11 : memref<32x128xf32, #tpu.memory_space<vmem>>) target(%dma_start3A_218 : memref<10000x128xf32, #tpu.memory_space<vmem_shared>>) offsets(%arg19 : memref<32xi32, #tpu.memory_space<vmem>>) semaphore(%arg29 : memref<!tpu.dma_semaphore, #tpu.memory_space<semaphore_mem>>) {add = true}
      %eq3A_219 = arith.constant 0 : i32
      %eq3A_220 = arith.cmpi eq, %arg0, %eq3A_219 : i32
      %convert_element_type3A_221 = arith.extui %eq3A_220 : i1 to i32
      %cond3A_222 = arith.constant 0 : i32
      %cond3A_223 = arith.cmpi ne, %convert_element_type3A_221, %cond3A_222 : i32
      scf.if %cond3A_223 {
        %dma_start3A_244 = arith.constant 0 : i32
        %dma_start3A_245 = tpu.memref_slice %arg31[%dma_start3A_244] : memref<10000xf32, #tpu.memory_space<vmem_shared>> -> memref<10000xf32, #tpu.memory_space<vmem_shared>>
        tpu.enqueue_indirect_dma source(%arg15 : memref<32xf32, #tpu.memory_space<vmem>>) target(%dma_start3A_245 : memref<10000xf32, #tpu.memory_space<vmem_shared>>) offsets(%arg19 : memref<32xi32, #tpu.memory_space<vmem>>) semaphore(%arg29 : memref<!tpu.dma_semaphore, #tpu.memory_space<semaphore_mem>>) {add = true}
      } else {
      }
      %ge3A_224 = arith.constant 1 : i32
      %ge3A_225 = arith.cmpi sge, %add3A_200, %ge3A_224 : i32
      %convert_element_type3A_226 = arith.extui %ge3A_225 : i1 to i32
      %cond3A_227 = arith.constant 0 : i32
      %cond3A_228 = arith.cmpi ne, %convert_element_type3A_226, %cond3A_227 : i32
      scf.if %cond3A_228 {
        %dma_wait3A_244 = arith.constant 0 : i32
        %dma_wait3A_245 = arith.constant 0 : i32
        %dma_wait3A_246 = tpu.memref_slice %arg2[%dma_wait3A_244, %dma_wait3A_245] : memref<163840x128xf32, #tpu.memory_space<hbm>> -> memref<32x128xf32, #tpu.memory_space<hbm>>
        %dma_wait3A_247 = arith.constant 0 : i32
        %dma_wait3A_248 = arith.constant 0 : i32
        %dma_wait3A_249 = tpu.memref_slice %arg2[%dma_wait3A_247, %dma_wait3A_248] : memref<163840x128xf32, #tpu.memory_space<hbm>> -> memref<32x128xf32, #tpu.memory_space<hbm>>
        tpu.wait_dma2 semaphore(%arg28 : memref<!tpu.dma_semaphore, #tpu.memory_space<semaphore_mem>>) src(%dma_wait3A_249 : memref<32x128xf32, #tpu.memory_space<hbm>>) dst(%arg10 : memref<32x128xf32, #tpu.memory_space<vmem>>)
        %eq3A_250 = arith.constant 0 : i32
        %eq3A_251 = arith.cmpi eq, %arg0, %eq3A_250 : i32
        %convert_element_type3A_252 = arith.extui %eq3A_251 : i1 to i32
        %cond3A_253 = arith.constant 0 : i32
        %cond3A_254 = arith.cmpi ne, %convert_element_type3A_252, %cond3A_253 : i32
        scf.if %cond3A_254 {
          %dma_wait3A_255 = arith.constant 0 : i32
          %dma_wait3A_256 = tpu.memref_slice %arg5[%dma_wait3A_255] : memref<163840xf32, #tpu.memory_space<hbm>> -> memref<32xf32, #tpu.memory_space<hbm>>
          %dma_wait3A_257 = arith.constant 0 : i32
          %dma_wait3A_258 = tpu.memref_slice %arg5[%dma_wait3A_257] : memref<163840xf32, #tpu.memory_space<hbm>> -> memref<32xf32, #tpu.memory_space<hbm>>
          tpu.wait_dma2 semaphore(%arg28 : memref<!tpu.dma_semaphore, #tpu.memory_space<semaphore_mem>>) src(%dma_wait3A_258 : memref<32xf32, #tpu.memory_space<hbm>>) dst(%arg14 : memref<32xf32, #tpu.memory_space<vmem>>)
        } else {
        }
      } else {
      }
      %eq3A_229 = arith.constant 0 : i32
      %eq3A_230 = arith.cmpi eq, %add3A_200, %eq3A_229 : i32
      %convert_element_type3A_231 = arith.extui %eq3A_230 : i1 to i32
      %cond3A_232 = arith.constant 0 : i32
      %cond3A_233 = arith.cmpi ne, %convert_element_type3A_231, %cond3A_232 : i32
      scf.if %cond3A_233 {
        %add3A_244 = arith.constant 64 : i32
        %add3A_245 = arith.addi %mul3A_0, %add3A_244 : i32
        %dma_start3A_246 = tpu.memref_slice %arg4[%add3A_245] : memref<163840xi32, #tpu.memory_space<hbm>> -> memref<32xi32, #tpu.memory_space<hbm>>
        %dma_start3A_247 = tpu.memref_slice %arg4[%add3A_245] : memref<163840xi32, #tpu.memory_space<hbm>> -> memref<32xi32, #tpu.memory_space<hbm>>
        tpu.enqueue_dma source(%dma_start3A_247 : memref<32xi32, #tpu.memory_space<hbm>>) target(%arg17 : memref<32xi32, #tpu.memory_space<vmem>>) target_semaphore(%arg23 : memref<!tpu.dma_semaphore, #tpu.memory_space<semaphore_mem>>)
        %eq3A_248 = arith.constant 0 : i32
        %eq3A_249 = arith.cmpi eq, %arg0, %eq3A_248 : i32
        %convert_element_type3A_250 = arith.extui %eq3A_249 : i1 to i32
        %cond3A_251 = arith.constant 0 : i32
        %cond3A_252 = arith.cmpi ne, %convert_element_type3A_250, %cond3A_251 : i32
        scf.if %cond3A_252 {
          %dma_start3A_272 = arith.constant 0 : i32
          %dma_start3A_273 = tpu.memref_slice %arg2[%add3A_245, %dma_start3A_272] : memref<163840x128xf32, #tpu.memory_space<hbm>> -> memref<32x128xf32, #tpu.memory_space<hbm>>
          %dma_start3A_274 = arith.constant 0 : i32
          %dma_start3A_275 = tpu.memref_slice %arg2[%add3A_245, %dma_start3A_274] : memref<163840x128xf32, #tpu.memory_space<hbm>> -> memref<32x128xf32, #tpu.memory_space<hbm>>
          tpu.enqueue_dma source(%dma_start3A_275 : memref<32x128xf32, #tpu.memory_space<hbm>>) target(%arg9 : memref<32x128xf32, #tpu.memory_space<vmem>>) target_semaphore(%arg23 : memref<!tpu.dma_semaphore, #tpu.memory_space<semaphore_mem>>)
          %dma_start3A_276 = tpu.memref_slice %arg5[%add3A_245] : memref<163840xf32, #tpu.memory_space<hbm>> -> memref<32xf32, #tpu.memory_space<hbm>>
          %dma_start3A_277 = tpu.memref_slice %arg5[%add3A_245] : memref<163840xf32, #tpu.memory_space<hbm>> -> memref<32xf32, #tpu.memory_space<hbm>>
          tpu.enqueue_dma source(%dma_start3A_277 : memref<32xf32, #tpu.memory_space<hbm>>) target(%arg13 : memref<32xf32, #tpu.memory_space<vmem>>) target_semaphore(%arg23 : memref<!tpu.dma_semaphore, #tpu.memory_space<semaphore_mem>>)
        } else {
        }
        %eq3A_253 = arith.constant 1 : i32
        %eq3A_254 = arith.cmpi eq, %arg0, %eq3A_253 : i32
        %convert_element_type3A_255 = arith.extui %eq3A_254 : i1 to i32
        %cond3A_256 = arith.constant 0 : i32
        %cond3A_257 = arith.cmpi ne, %convert_element_type3A_255, %cond3A_256 : i32
        scf.if %cond3A_257 {
          %dma_start3A_272 = arith.constant 0 : i32
          %dma_start3A_273 = tpu.memref_slice %arg3[%add3A_245, %dma_start3A_272] : memref<163840x128xf32, #tpu.memory_space<hbm>> -> memref<32x128xf32, #tpu.memory_space<hbm>>
          %dma_start3A_274 = arith.constant 0 : i32
          %dma_start3A_275 = tpu.memref_slice %arg3[%add3A_245, %dma_start3A_274] : memref<163840x128xf32, #tpu.memory_space<hbm>> -> memref<32x128xf32, #tpu.memory_space<hbm>>
          tpu.enqueue_dma source(%dma_start3A_275 : memref<32x128xf32, #tpu.memory_space<hbm>>) target(%arg9 : memref<32x128xf32, #tpu.memory_space<vmem>>) target_semaphore(%arg23 : memref<!tpu.dma_semaphore, #tpu.memory_space<semaphore_mem>>)
        } else {
        }
        %add3A_258 = arith.constant 96 : i32
        %add3A_259 = arith.addi %mul3A_0, %add3A_258 : i32
        %dma_start3A_260 = tpu.memref_slice %arg4[%add3A_259] : memref<163840xi32, #tpu.memory_space<hbm>> -> memref<32xi32, #tpu.memory_space<hbm>>
        %dma_start3A_261 = tpu.memref_slice %arg4[%add3A_259] : memref<163840xi32, #tpu.memory_space<hbm>> -> memref<32xi32, #tpu.memory_space<hbm>>
        tpu.enqueue_dma source(%dma_start3A_261 : memref<32xi32, #tpu.memory_space<hbm>>) target(%arg18 : memref<32xi32, #tpu.memory_space<vmem>>) target_semaphore(%arg24 : memref<!tpu.dma_semaphore, #tpu.memory_space<semaphore_mem>>)
        %eq3A_262 = arith.constant 0 : i32
        %eq3A_263 = arith.cmpi eq, %arg0, %eq3A_262 : i32
        %convert_element_type3A_264 = arith.extui %eq3A_263 : i1 to i32
        %cond3A_265 = arith.constant 0 : i32
        %cond3A_266 = arith.cmpi ne, %convert_element_type3A_264, %cond3A_265 : i32
        scf.if %cond3A_266 {
          %dma_start3A_272 = arith.constant 0 : i32
          %dma_start3A_273 = tpu.memref_slice %arg2[%add3A_259, %dma_start3A_272] : memref<163840x128xf32, #tpu.memory_space<hbm>> -> memref<32x128xf32, #tpu.memory_space<hbm>>
          %dma_start3A_274 = arith.constant 0 : i32
          %dma_start3A_275 = tpu.memref_slice %arg2[%add3A_259, %dma_start3A_274] : memref<163840x128xf32, #tpu.memory_space<hbm>> -> memref<32x128xf32, #tpu.memory_space<hbm>>
          tpu.enqueue_dma source(%dma_start3A_275 : memref<32x128xf32, #tpu.memory_space<hbm>>) target(%arg10 : memref<32x128xf32, #tpu.memory_space<vmem>>) target_semaphore(%arg24 : memref<!tpu.dma_semaphore, #tpu.memory_space<semaphore_mem>>)
          %dma_start3A_276 = tpu.memref_slice %arg5[%add3A_259] : memref<163840xf32, #tpu.memory_space<hbm>> -> memref<32xf32, #tpu.memory_space<hbm>>
          %dma_start3A_277 = tpu.memref_slice %arg5[%add3A_259] : memref<163840xf32, #tpu.memory_space<hbm>> -> memref<32xf32, #tpu.memory_space<hbm>>
          tpu.enqueue_dma source(%dma_start3A_277 : memref<32xf32, #tpu.memory_space<hbm>>) target(%arg14 : memref<32xf32, #tpu.memory_space<vmem>>) target_semaphore(%arg24 : memref<!tpu.dma_semaphore, #tpu.memory_space<semaphore_mem>>)
        } else {
        }
        %eq3A_267 = arith.constant 1 : i32
        %eq3A_268 = arith.cmpi eq, %arg0, %eq3A_267 : i32
        %convert_element_type3A_269 = arith.extui %eq3A_268 : i1 to i32
        %cond3A_270 = arith.constant 0 : i32
        %cond3A_271 = arith.cmpi ne, %convert_element_type3A_269, %cond3A_270 : i32
        scf.if %cond3A_271 {
          %dma_start3A_272 = arith.constant 0 : i32
          %dma_start3A_273 = tpu.memref_slice %arg3[%add3A_259, %dma_start3A_272] : memref<163840x128xf32, #tpu.memory_space<hbm>> -> memref<32x128xf32, #tpu.memory_space<hbm>>
          %dma_start3A_274 = arith.constant 0 : i32
          %dma_start3A_275 = tpu.memref_slice %arg3[%add3A_259, %dma_start3A_274] : memref<163840x128xf32, #tpu.memory_space<hbm>> -> memref<32x128xf32, #tpu.memory_space<hbm>>
          tpu.enqueue_dma source(%dma_start3A_275 : memref<32x128xf32, #tpu.memory_space<hbm>>) target(%arg10 : memref<32x128xf32, #tpu.memory_space<vmem>>) target_semaphore(%arg24 : memref<!tpu.dma_semaphore, #tpu.memory_space<semaphore_mem>>)
        } else {
        }
      } else {
      }
      %add3A_234 = arith.constant 3 : i32
      %add3A_235 = arith.addi %add3A_200, %add3A_234 : i32
      %lt3A_236 = arith.constant 320 : i32
      %lt3A_237 = arith.cmpi slt, %add3A_235, %lt3A_236 : i32
      %ge3A_238 = arith.constant 1 : i32
      %ge3A_239 = arith.cmpi sge, %add3A_200, %ge3A_238 : i32
      %and3A_240 = arith.andi %lt3A_237, %ge3A_239 : i1
      %convert_element_type3A_241 = arith.extui %and3A_240 : i1 to i32
      %cond3A_242 = arith.constant 0 : i32
      %cond3A_243 = arith.cmpi ne, %convert_element_type3A_241, %cond3A_242 : i32
      scf.if %cond3A_243 {
        %add3A_244 = arith.constant 3 : i32
        %add3A_245 = arith.addi %add3A_200, %add3A_244 : i32
        %mul3A_246 = arith.constant 32 : i32
        %mul3A_247 = arith.muli %add3A_245, %mul3A_246 : i32
        %add3A_248 = arith.addi %mul3A_0, %mul3A_247 : i32
        %dma_start3A_249 = tpu.memref_slice %arg4[%add3A_248] : memref<163840xi32, #tpu.memory_space<hbm>> -> memref<32xi32, #tpu.memory_space<hbm>>
        %dma_start3A_250 = tpu.memref_slice %arg4[%add3A_248] : memref<163840xi32, #tpu.memory_space<hbm>> -> memref<32xi32, #tpu.memory_space<hbm>>
        tpu.enqueue_dma source(%dma_start3A_250 : memref<32xi32, #tpu.memory_space<hbm>>) target(%arg18 : memref<32xi32, #tpu.memory_space<vmem>>) target_semaphore(%arg24 : memref<!tpu.dma_semaphore, #tpu.memory_space<semaphore_mem>>)
        %eq3A_251 = arith.constant 0 : i32
        %eq3A_252 = arith.cmpi eq, %arg0, %eq3A_251 : i32
        %convert_element_type3A_253 = arith.extui %eq3A_252 : i1 to i32
        %cond3A_254 = arith.constant 0 : i32
        %cond3A_255 = arith.cmpi ne, %convert_element_type3A_253, %cond3A_254 : i32
        scf.if %cond3A_255 {
          %dma_start3A_261 = arith.constant 0 : i32
          %dma_start3A_262 = tpu.memref_slice %arg2[%add3A_248, %dma_start3A_261] : memref<163840x128xf32, #tpu.memory_space<hbm>> -> memref<32x128xf32, #tpu.memory_space<hbm>>
          %dma_start3A_263 = arith.constant 0 : i32
          %dma_start3A_264 = tpu.memref_slice %arg2[%add3A_248, %dma_start3A_263] : memref<163840x128xf32, #tpu.memory_space<hbm>> -> memref<32x128xf32, #tpu.memory_space<hbm>>
          tpu.enqueue_dma source(%dma_start3A_264 : memref<32x128xf32, #tpu.memory_space<hbm>>) target(%arg10 : memref<32x128xf32, #tpu.memory_space<vmem>>) target_semaphore(%arg24 : memref<!tpu.dma_semaphore, #tpu.memory_space<semaphore_mem>>)
          %dma_start3A_265 = tpu.memref_slice %arg5[%add3A_248] : memref<163840xf32, #tpu.memory_space<hbm>> -> memref<32xf32, #tpu.memory_space<hbm>>
          %dma_start3A_266 = tpu.memref_slice %arg5[%add3A_248] : memref<163840xf32, #tpu.memory_space<hbm>> -> memref<32xf32, #tpu.memory_space<hbm>>
          tpu.enqueue_dma source(%dma_start3A_266 : memref<32xf32, #tpu.memory_space<hbm>>) target(%arg14 : memref<32xf32, #tpu.memory_space<vmem>>) target_semaphore(%arg24 : memref<!tpu.dma_semaphore, #tpu.memory_space<semaphore_mem>>)
        } else {
        }
        %eq3A_256 = arith.constant 1 : i32
        %eq3A_257 = arith.cmpi eq, %arg0, %eq3A_256 : i32
        %convert_element_type3A_258 = arith.extui %eq3A_257 : i1 to i32
        %cond3A_259 = arith.constant 0 : i32
        %cond3A_260 = arith.cmpi ne, %convert_element_type3A_258, %cond3A_259 : i32
        scf.if %cond3A_260 {
          %dma_start3A_261 = arith.constant 0 : i32
          %dma_start3A_262 = tpu.memref_slice %arg3[%add3A_248, %dma_start3A_261] : memref<163840x128xf32, #tpu.memory_space<hbm>> -> memref<32x128xf32, #tpu.memory_space<hbm>>
          %dma_start3A_263 = arith.constant 0 : i32
          %dma_start3A_264 = tpu.memref_slice %arg3[%add3A_248, %dma_start3A_263] : memref<163840x128xf32, #tpu.memory_space<hbm>> -> memref<32x128xf32, #tpu.memory_space<hbm>>
          tpu.enqueue_dma source(%dma_start3A_264 : memref<32x128xf32, #tpu.memory_space<hbm>>) target(%arg10 : memref<32x128xf32, #tpu.memory_space<vmem>>) target_semaphore(%arg24 : memref<!tpu.dma_semaphore, #tpu.memory_space<semaphore_mem>>)
        } else {
        }
      } else {
      }
    }
    %scan3A_32 = arith.constant 80 : i32
    %dma_wait3A = arith.constant 0 : i32
    %dma_wait3A_33 = arith.constant 0 : i32
    %dma_wait3A_34 = tpu.memref_slice %arg2[%dma_wait3A, %dma_wait3A_33] : memref<163840x128xf32, #tpu.memory_space<hbm>> -> memref<32x128xf32, #tpu.memory_space<hbm>>
    %dma_wait3A_35 = arith.constant 0 : i32
    %dma_wait3A_36 = arith.constant 0 : i32
    %dma_wait3A_37 = tpu.memref_slice %arg2[%dma_wait3A_35, %dma_wait3A_36] : memref<163840x128xf32, #tpu.memory_space<hbm>> -> memref<32x128xf32, #tpu.memory_space<hbm>>
    tpu.wait_dma2 semaphore(%arg29 : memref<!tpu.dma_semaphore, #tpu.memory_space<semaphore_mem>>) src(%dma_wait3A_37 : memref<32x128xf32, #tpu.memory_space<hbm>>) dst(%arg11 : memref<32x128xf32, #tpu.memory_space<vmem>>)
    %eq3A_38 = arith.constant 0 : i32
    %eq3A_39 = arith.cmpi eq, %arg0, %eq3A_38 : i32
    %convert_element_type3A_40 = arith.extui %eq3A_39 : i1 to i32
    %cond3A_41 = arith.constant 0 : i32
    %cond3A_42 = arith.cmpi ne, %convert_element_type3A_40, %cond3A_41 : i32
    scf.if %cond3A_42 {
      %dma_wait3A_60 = arith.constant 0 : i32
      %dma_wait3A_61 = tpu.memref_slice %arg5[%dma_wait3A_60] : memref<163840xf32, #tpu.memory_space<hbm>> -> memref<32xf32, #tpu.memory_space<hbm>>
      %dma_wait3A_62 = arith.constant 0 : i32
      %dma_wait3A_63 = tpu.memref_slice %arg5[%dma_wait3A_62] : memref<163840xf32, #tpu.memory_space<hbm>> -> memref<32xf32, #tpu.memory_space<hbm>>
      tpu.wait_dma2 semaphore(%arg29 : memref<!tpu.dma_semaphore, #tpu.memory_space<semaphore_mem>>) src(%dma_wait3A_63 : memref<32xf32, #tpu.memory_space<hbm>>) dst(%arg15 : memref<32xf32, #tpu.memory_space<vmem>>)
    } else {
    }
    %barrier3A_43 = arith.constant 0 : index
    tpu.barrier barrier_id(%barrier3A_43)
    %lt3A = arith.constant 15 : i32
    %lt3A_44 = arith.cmpi slt, %arg1, %lt3A : i32
    %convert_element_type3A_45 = arith.extui %lt3A_44 : i1 to i32
    %cond3A_46 = arith.constant 0 : i32
    %cond3A_47 = arith.cmpi ne, %convert_element_type3A_45, %cond3A_46 : i32
    scf.if %cond3A_47 {
      %mul3A_60 = arith.constant 640 : i32
      %mul3A_61 = arith.muli %arg1, %mul3A_60 : i32
      %mul3A_62 = arith.constant 640 : i32
      %mul3A_63 = arith.muli %arg1, %mul3A_62 : i32
      "tpu.region"() ({
        %run_scoped3A = tpu.sem_alloc : memref<!tpu.dma_semaphore, #tpu.memory_space<semaphore_mem>>
        %dma_start3A_64 = arith.constant 0 : i32
        %dma_start3A_65 = tpu.memref_slice %arg6[%arg0, %mul3A_63, %dma_start3A_64] : memref<2x10000x128xf32, #tpu.memory_space<hbm>> -> memref<1x640x128xf32, #tpu.memory_space<hbm>>
        %dma_start3A_66 = tpu.memref_squeeze %dma_start3A_65 : memref<1x640x128xf32, #tpu.memory_space<hbm>> -> memref<640x128xf32, #tpu.memory_space<hbm>>
        %dma_start3A_67 = arith.constant 0 : i32
        %dma_start3A_68 = tpu.memref_slice %arg30[%mul3A_61, %dma_start3A_67] : memref<10000x128xf32, #tpu.memory_space<vmem_shared>> -> memref<640x128xf32, #tpu.memory_space<vmem_shared>>
        tpu.enqueue_dma source(%dma_start3A_68 : memref<640x128xf32, #tpu.memory_space<vmem_shared>>) target(%dma_start3A_66 : memref<640x128xf32, #tpu.memory_space<hbm>>) target_semaphore(%run_scoped3A : memref<!tpu.dma_semaphore, #tpu.memory_space<semaphore_mem>>)
        %dma_wait3A_69 = arith.constant 0 : i32
        %dma_wait3A_70 = tpu.memref_slice %arg6[%arg0, %mul3A_63, %dma_wait3A_69] : memref<2x10000x128xf32, #tpu.memory_space<hbm>> -> memref<1x640x128xf32, #tpu.memory_space<hbm>>
        %dma_wait3A_71 = tpu.memref_squeeze %dma_wait3A_70 : memref<1x640x128xf32, #tpu.memory_space<hbm>> -> memref<640x128xf32, #tpu.memory_space<hbm>>
        %dma_wait3A_72 = arith.constant 0 : i32
        %dma_wait3A_73 = tpu.memref_slice %arg30[%mul3A_61, %dma_wait3A_72] : memref<10000x128xf32, #tpu.memory_space<vmem_shared>> -> memref<640x128xf32, #tpu.memory_space<vmem_shared>>
        tpu.wait_dma2 semaphore(%run_scoped3A : memref<!tpu.dma_semaphore, #tpu.memory_space<semaphore_mem>>) src(%dma_wait3A_73 : memref<640x128xf32, #tpu.memory_space<vmem_shared>>) dst(%dma_wait3A_71 : memref<640x128xf32, #tpu.memory_space<hbm>>)
        tpu.yield
      }) : () -> ()
    } else {
    }
    %eq3A_48 = arith.constant 15 : i32
    %eq3A_49 = arith.cmpi eq, %arg1, %eq3A_48 : i32
    %convert_element_type3A_50 = arith.extui %eq3A_49 : i1 to i32
    %cond3A_51 = arith.constant 0 : i32
    %cond3A_52 = arith.cmpi ne, %convert_element_type3A_50, %cond3A_51 : i32
    scf.if %cond3A_52 {
      "tpu.region"() ({
        %run_scoped3A = tpu.sem_alloc : memref<!tpu.dma_semaphore, #tpu.memory_space<semaphore_mem>>
        %dma_start3A_60 = arith.constant 9600 : i32
        %dma_start3A_61 = arith.constant 0 : i32
        %dma_start3A_62 = tpu.memref_slice %arg6[%arg0, %dma_start3A_60, %dma_start3A_61] : memref<2x10000x128xf32, #tpu.memory_space<hbm>> -> memref<1x400x128xf32, #tpu.memory_space<hbm>>
        %dma_start3A_63 = tpu.memref_squeeze %dma_start3A_62 : memref<1x400x128xf32, #tpu.memory_space<hbm>> -> memref<400x128xf32, #tpu.memory_space<hbm>>
        %dma_start3A_64 = arith.constant 9600 : i32
        %dma_start3A_65 = arith.constant 0 : i32
        %dma_start3A_66 = tpu.memref_slice %arg30[%dma_start3A_64, %dma_start3A_65] : memref<10000x128xf32, #tpu.memory_space<vmem_shared>> -> memref<400x128xf32, #tpu.memory_space<vmem_shared>>
        tpu.enqueue_dma source(%dma_start3A_66 : memref<400x128xf32, #tpu.memory_space<vmem_shared>>) target(%dma_start3A_63 : memref<400x128xf32, #tpu.memory_space<hbm>>) target_semaphore(%run_scoped3A : memref<!tpu.dma_semaphore, #tpu.memory_space<semaphore_mem>>)
        %dma_wait3A_67 = arith.constant 9600 : i32
        %dma_wait3A_68 = arith.constant 0 : i32
        %dma_wait3A_69 = tpu.memref_slice %arg6[%arg0, %dma_wait3A_67, %dma_wait3A_68] : memref<2x10000x128xf32, #tpu.memory_space<hbm>> -> memref<1x400x128xf32, #tpu.memory_space<hbm>>
        %dma_wait3A_70 = tpu.memref_squeeze %dma_wait3A_69 : memref<1x400x128xf32, #tpu.memory_space<hbm>> -> memref<400x128xf32, #tpu.memory_space<hbm>>
        %dma_wait3A_71 = arith.constant 9600 : i32
        %dma_wait3A_72 = arith.constant 0 : i32
        %dma_wait3A_73 = tpu.memref_slice %arg30[%dma_wait3A_71, %dma_wait3A_72] : memref<10000x128xf32, #tpu.memory_space<vmem_shared>> -> memref<400x128xf32, #tpu.memory_space<vmem_shared>>
        tpu.wait_dma2 semaphore(%run_scoped3A : memref<!tpu.dma_semaphore, #tpu.memory_space<semaphore_mem>>) src(%dma_wait3A_73 : memref<400x128xf32, #tpu.memory_space<vmem_shared>>) dst(%dma_wait3A_70 : memref<400x128xf32, #tpu.memory_space<hbm>>)
        tpu.yield
      }) : () -> ()
    } else {
    }
    %eq3A_53 = arith.constant 0 : i32
    %eq3A_54 = arith.cmpi eq, %arg1, %eq3A_53 : i32
    %eq3A_55 = arith.constant 0 : i32
    %eq3A_56 = arith.cmpi eq, %arg0, %eq3A_55 : i32
    %and3A = arith.andi %eq3A_54, %eq3A_56 : i1
    %convert_element_type3A_57 = arith.extui %and3A : i1 to i32
    %cond3A_58 = arith.constant 0 : i32
    %cond3A_59 = arith.cmpi ne, %convert_element_type3A_57, %cond3A_58 : i32
    scf.if %cond3A_59 {
      "tpu.region"() ({
        %run_scoped3A = tpu.sem_alloc : memref<!tpu.dma_semaphore, #tpu.memory_space<semaphore_mem>>
        tpu.enqueue_dma source(%arg31 : memref<10000xf32, #tpu.memory_space<vmem_shared>>) target(%arg7 : memref<10000xf32, #tpu.memory_space<hbm>>) target_semaphore(%run_scoped3A : memref<!tpu.dma_semaphore, #tpu.memory_space<semaphore_mem>>)
        tpu.wait_dma2 semaphore(%run_scoped3A : memref<!tpu.dma_semaphore, #tpu.memory_space<semaphore_mem>>) src(%arg31 : memref<10000xf32, #tpu.memory_space<vmem_shared>>) dst(%arg7 : memref<10000xf32, #tpu.memory_space<hbm>>)
        tpu.yield
      }) : () -> ()
    } else {
    }
    return
  }
}

#map = affine_map<(d0, d1) -> (0, 0)>
#map1 = affine_map<(d0, d1) -> (0)>
module attributes {stable_mosaic.version = 14 : i64} {
  func.func @gather_kernel(%arg0: i32, %arg1: i32, %arg2: memref<30000x256xf32, #tpu.memory_space<hbm>>, %arg3: memref<10000x256xf32, #tpu.memory_space<hbm>>, %arg4: memref<163840xi32, #tpu.memory_space<hbm>>, %arg5: memref<163840xi32, #tpu.memory_space<hbm>>, %arg6: memref<163840x256xf32, #tpu.memory_space<hbm>>, %arg7: memref<163840x256xf32, #tpu.memory_space<hbm>>, %arg8: memref<5120xi32, #tpu.memory_space<vmem>>, %arg9: memref<5120xi32, #tpu.memory_space<vmem>>, %arg10: memref<40x256xf32, #tpu.memory_space<vmem>>, %arg11: memref<40x256xf32, #tpu.memory_space<vmem>>, %arg12: memref<40x256xf32, #tpu.memory_space<vmem>>, %arg13: memref<40x256xf32, #tpu.memory_space<vmem>>, %arg14: memref<40x256xf32, #tpu.memory_space<vmem>>, %arg15: memref<40x256xf32, #tpu.memory_space<vmem>>, %arg16: memref<40x256xf32, #tpu.memory_space<vmem>>, %arg17: memref<40x256xf32, #tpu.memory_space<vmem>>, %arg18: memref<!tpu.dma_semaphore, #tpu.memory_space<semaphore_mem>>, %arg19: memref<!tpu.dma_semaphore, #tpu.memory_space<semaphore_mem>>, %arg20: memref<!tpu.dma_semaphore, #tpu.memory_space<semaphore_mem>>, %arg21: memref<!tpu.dma_semaphore, #tpu.memory_space<semaphore_mem>>, %arg22: memref<!tpu.dma_semaphore, #tpu.memory_space<semaphore_mem>>, %arg23: memref<!tpu.dma_semaphore, #tpu.memory_space<semaphore_mem>>, %arg24: memref<!tpu.dma_semaphore, #tpu.memory_space<semaphore_mem>>, %arg25: memref<!tpu.dma_semaphore, #tpu.memory_space<semaphore_mem>>) attributes {dimension_semantics = [#tpu.dimension_semantics<core_parallel>, #tpu.dimension_semantics<subcore_parallel>], iteration_bounds = array<i64: 2, 16>, scalar_prefetch = 0 : i64, scratch_operands = 18 : i64, tpu.core_type = #tpu.core_type<sc_vector_subcore>, window_params = [{transform_indices = #map}, {transform_indices = #map}, {transform_indices = #map1}, {transform_indices = #map1}, {transform_indices = #map}, {transform_indices = #map}]} {
    %mul3A = arith.constant 2 : i32
    %mul3A_0 = arith.muli %arg1, %mul3A : i32
    %add3A = arith.addi %mul3A_0, %arg0 : i32
    %mul3A_1 = arith.constant 5120 : i32
    %mul3A_2 = arith.muli %add3A, %mul3A_1 : i32
    "tpu.region"() ({
      %run_scoped3A = tpu.sem_alloc : memref<!tpu.dma_semaphore, #tpu.memory_space<semaphore_mem>>
      %dma_start3A_37 = tpu.memref_slice %arg4[%mul3A_2] : memref<163840xi32, #tpu.memory_space<hbm>> -> memref<5120xi32, #tpu.memory_space<hbm>>
      %dma_start3A_38 = tpu.memref_slice %arg4[%mul3A_2] : memref<163840xi32, #tpu.memory_space<hbm>> -> memref<5120xi32, #tpu.memory_space<hbm>>
      tpu.enqueue_dma source(%dma_start3A_38 : memref<5120xi32, #tpu.memory_space<hbm>>) target(%arg8 : memref<5120xi32, #tpu.memory_space<vmem>>) target_semaphore(%run_scoped3A : memref<!tpu.dma_semaphore, #tpu.memory_space<semaphore_mem>>)
      %dma_wait3A_39 = tpu.memref_slice %arg4[%mul3A_2] : memref<163840xi32, #tpu.memory_space<hbm>> -> memref<5120xi32, #tpu.memory_space<hbm>>
      %dma_wait3A_40 = tpu.memref_slice %arg4[%mul3A_2] : memref<163840xi32, #tpu.memory_space<hbm>> -> memref<5120xi32, #tpu.memory_space<hbm>>
      tpu.wait_dma2 semaphore(%run_scoped3A : memref<!tpu.dma_semaphore, #tpu.memory_space<semaphore_mem>>) src(%dma_wait3A_40 : memref<5120xi32, #tpu.memory_space<hbm>>) dst(%arg8 : memref<5120xi32, #tpu.memory_space<vmem>>)
      tpu.yield
    }) : () -> ()
    "tpu.region"() ({
      %run_scoped3A = tpu.sem_alloc : memref<!tpu.dma_semaphore, #tpu.memory_space<semaphore_mem>>
      %dma_start3A_37 = tpu.memref_slice %arg5[%mul3A_2] : memref<163840xi32, #tpu.memory_space<hbm>> -> memref<5120xi32, #tpu.memory_space<hbm>>
      %dma_start3A_38 = tpu.memref_slice %arg5[%mul3A_2] : memref<163840xi32, #tpu.memory_space<hbm>> -> memref<5120xi32, #tpu.memory_space<hbm>>
      tpu.enqueue_dma source(%dma_start3A_38 : memref<5120xi32, #tpu.memory_space<hbm>>) target(%arg9 : memref<5120xi32, #tpu.memory_space<vmem>>) target_semaphore(%run_scoped3A : memref<!tpu.dma_semaphore, #tpu.memory_space<semaphore_mem>>)
      %dma_wait3A_39 = tpu.memref_slice %arg5[%mul3A_2] : memref<163840xi32, #tpu.memory_space<hbm>> -> memref<5120xi32, #tpu.memory_space<hbm>>
      %dma_wait3A_40 = tpu.memref_slice %arg5[%mul3A_2] : memref<163840xi32, #tpu.memory_space<hbm>> -> memref<5120xi32, #tpu.memory_space<hbm>>
      tpu.wait_dma2 semaphore(%run_scoped3A : memref<!tpu.dma_semaphore, #tpu.memory_space<semaphore_mem>>) src(%dma_wait3A_40 : memref<5120xi32, #tpu.memory_space<hbm>>) dst(%arg9 : memref<5120xi32, #tpu.memory_space<vmem>>)
      tpu.yield
    }) : () -> ()
    %dma_start3A = arith.constant 0 : i32
    %dma_start3A_3 = tpu.memref_slice %arg8[%dma_start3A] : memref<5120xi32, #tpu.memory_space<vmem>> -> memref<40xi32, #tpu.memory_space<vmem>>
    %dma_start3A_4 = arith.constant 0 : i32
    %dma_start3A_5 = arith.constant 0 : i32
    %dma_start3A_6 = tpu.memref_slice %arg2[%dma_start3A_4, %dma_start3A_5] : memref<30000x256xf32, #tpu.memory_space<hbm>> -> memref<30000x256xf32, #tpu.memory_space<hbm>>
    tpu.enqueue_indirect_dma source(%dma_start3A_6 : memref<30000x256xf32, #tpu.memory_space<hbm>>) target(%arg10 : memref<40x256xf32, #tpu.memory_space<vmem>>) offsets(%dma_start3A_3 : memref<40xi32, #tpu.memory_space<vmem>>) semaphore(%arg18 : memref<!tpu.dma_semaphore, #tpu.memory_space<semaphore_mem>>)
    %dma_start3A_7 = arith.constant 0 : i32
    %dma_start3A_8 = tpu.memref_slice %arg9[%dma_start3A_7] : memref<5120xi32, #tpu.memory_space<vmem>> -> memref<40xi32, #tpu.memory_space<vmem>>
    %dma_start3A_9 = arith.constant 0 : i32
    %dma_start3A_10 = arith.constant 0 : i32
    %dma_start3A_11 = tpu.memref_slice %arg3[%dma_start3A_9, %dma_start3A_10] : memref<10000x256xf32, #tpu.memory_space<hbm>> -> memref<10000x256xf32, #tpu.memory_space<hbm>>
    tpu.enqueue_indirect_dma source(%dma_start3A_11 : memref<10000x256xf32, #tpu.memory_space<hbm>>) target(%arg14 : memref<40x256xf32, #tpu.memory_space<vmem>>) offsets(%dma_start3A_8 : memref<40xi32, #tpu.memory_space<vmem>>) semaphore(%arg18 : memref<!tpu.dma_semaphore, #tpu.memory_space<semaphore_mem>>)
    %dma_start3A_12 = arith.constant 40 : i32
    %dma_start3A_13 = tpu.memref_slice %arg8[%dma_start3A_12] : memref<5120xi32, #tpu.memory_space<vmem>> -> memref<40xi32, #tpu.memory_space<vmem>>
    %dma_start3A_14 = arith.constant 0 : i32
    %dma_start3A_15 = arith.constant 0 : i32
    %dma_start3A_16 = tpu.memref_slice %arg2[%dma_start3A_14, %dma_start3A_15] : memref<30000x256xf32, #tpu.memory_space<hbm>> -> memref<30000x256xf32, #tpu.memory_space<hbm>>
    tpu.enqueue_indirect_dma source(%dma_start3A_16 : memref<30000x256xf32, #tpu.memory_space<hbm>>) target(%arg11 : memref<40x256xf32, #tpu.memory_space<vmem>>) offsets(%dma_start3A_13 : memref<40xi32, #tpu.memory_space<vmem>>) semaphore(%arg19 : memref<!tpu.dma_semaphore, #tpu.memory_space<semaphore_mem>>)
    %dma_start3A_17 = arith.constant 40 : i32
    %dma_start3A_18 = tpu.memref_slice %arg9[%dma_start3A_17] : memref<5120xi32, #tpu.memory_space<vmem>> -> memref<40xi32, #tpu.memory_space<vmem>>
    %dma_start3A_19 = arith.constant 0 : i32
    %dma_start3A_20 = arith.constant 0 : i32
    %dma_start3A_21 = tpu.memref_slice %arg3[%dma_start3A_19, %dma_start3A_20] : memref<10000x256xf32, #tpu.memory_space<hbm>> -> memref<10000x256xf32, #tpu.memory_space<hbm>>
    tpu.enqueue_indirect_dma source(%dma_start3A_21 : memref<10000x256xf32, #tpu.memory_space<hbm>>) target(%arg15 : memref<40x256xf32, #tpu.memory_space<vmem>>) offsets(%dma_start3A_18 : memref<40xi32, #tpu.memory_space<vmem>>) semaphore(%arg19 : memref<!tpu.dma_semaphore, #tpu.memory_space<semaphore_mem>>)
    %scan3A = arith.constant 0 : i32
    %scan3A_22 = arith.constant 32 : i32
    %scan3A_23 = arith.addi %scan3A, %scan3A_22 : i32
    %scan3A_24 = arith.constant 1 : i32
    scf.for %scan3A_37 = %scan3A to %scan3A_23 step %scan3A_24  : i32 {
      %mul3A_38 = arith.constant 4 : i32
      %mul3A_39 = arith.muli %scan3A_37, %mul3A_38 : i32
      %add3A_40 = arith.constant 0 : i32
      %add3A_41 = arith.addi %add3A_40, %mul3A_39 : i32
      %add3A_42 = arith.constant 0 : i32
      %add3A_43 = arith.addi %add3A_41, %add3A_42 : i32
      %dma_wait3A_44 = arith.constant 0 : i32
      %dma_wait3A_45 = arith.constant 0 : i32
      %dma_wait3A_46 = tpu.memref_slice %arg6[%dma_wait3A_44, %dma_wait3A_45] : memref<163840x256xf32, #tpu.memory_space<hbm>> -> memref<40x256xf32, #tpu.memory_space<hbm>>
      %dma_wait3A_47 = arith.constant 0 : i32
      %dma_wait3A_48 = arith.constant 0 : i32
      %dma_wait3A_49 = tpu.memref_slice %arg6[%dma_wait3A_47, %dma_wait3A_48] : memref<163840x256xf32, #tpu.memory_space<hbm>> -> memref<40x256xf32, #tpu.memory_space<hbm>>
      tpu.wait_dma2 semaphore(%arg18 : memref<!tpu.dma_semaphore, #tpu.memory_space<semaphore_mem>>) src(%dma_wait3A_49 : memref<40x256xf32, #tpu.memory_space<hbm>>) dst(%arg10 : memref<40x256xf32, #tpu.memory_space<vmem>>)
      %dma_wait3A_50 = arith.constant 0 : i32
      %dma_wait3A_51 = arith.constant 0 : i32
      %dma_wait3A_52 = tpu.memref_slice %arg6[%dma_wait3A_50, %dma_wait3A_51] : memref<163840x256xf32, #tpu.memory_space<hbm>> -> memref<40x256xf32, #tpu.memory_space<hbm>>
      %dma_wait3A_53 = arith.constant 0 : i32
      %dma_wait3A_54 = arith.constant 0 : i32
      %dma_wait3A_55 = tpu.memref_slice %arg6[%dma_wait3A_53, %dma_wait3A_54] : memref<163840x256xf32, #tpu.memory_space<hbm>> -> memref<40x256xf32, #tpu.memory_space<hbm>>
      tpu.wait_dma2 semaphore(%arg18 : memref<!tpu.dma_semaphore, #tpu.memory_space<semaphore_mem>>) src(%dma_wait3A_55 : memref<40x256xf32, #tpu.memory_space<hbm>>) dst(%arg14 : memref<40x256xf32, #tpu.memory_space<vmem>>)
      %mul3A_56 = arith.constant 40 : i32
      %mul3A_57 = arith.muli %add3A_43, %mul3A_56 : i32
      %add3A_58 = arith.addi %mul3A_2, %mul3A_57 : i32
      %dma_start3A_59 = arith.constant 0 : i32
      %dma_start3A_60 = tpu.memref_slice %arg6[%add3A_58, %dma_start3A_59] : memref<163840x256xf32, #tpu.memory_space<hbm>> -> memref<40x256xf32, #tpu.memory_space<hbm>>
      %dma_start3A_61 = arith.constant 0 : i32
      %dma_start3A_62 = tpu.memref_slice %arg6[%add3A_58, %dma_start3A_61] : memref<163840x256xf32, #tpu.memory_space<hbm>> -> memref<40x256xf32, #tpu.memory_space<hbm>>
      tpu.enqueue_dma source(%arg10 : memref<40x256xf32, #tpu.memory_space<vmem>>) target(%dma_start3A_62 : memref<40x256xf32, #tpu.memory_space<hbm>>) target_semaphore(%arg22 : memref<!tpu.dma_semaphore, #tpu.memory_space<semaphore_mem>>)
      %dma_start3A_63 = arith.constant 0 : i32
      %dma_start3A_64 = tpu.memref_slice %arg7[%add3A_58, %dma_start3A_63] : memref<163840x256xf32, #tpu.memory_space<hbm>> -> memref<40x256xf32, #tpu.memory_space<hbm>>
      %dma_start3A_65 = arith.constant 0 : i32
      %dma_start3A_66 = tpu.memref_slice %arg7[%add3A_58, %dma_start3A_65] : memref<163840x256xf32, #tpu.memory_space<hbm>> -> memref<40x256xf32, #tpu.memory_space<hbm>>
      tpu.enqueue_dma source(%arg14 : memref<40x256xf32, #tpu.memory_space<vmem>>) target(%dma_start3A_66 : memref<40x256xf32, #tpu.memory_space<hbm>>) target_semaphore(%arg22 : memref<!tpu.dma_semaphore, #tpu.memory_space<semaphore_mem>>)
      %ge3A = arith.constant 1 : i32
      %ge3A_67 = arith.cmpi sge, %add3A_43, %ge3A : i32
      %convert_element_type3A = arith.extui %ge3A_67 : i1 to i32
      %cond3A = arith.constant 0 : i32
      %cond3A_68 = arith.cmpi ne, %convert_element_type3A, %cond3A : i32
      scf.if %cond3A_68 {
        %dma_wait3A_216 = arith.constant 0 : i32
        %dma_wait3A_217 = arith.constant 0 : i32
        %dma_wait3A_218 = tpu.memref_slice %arg6[%dma_wait3A_216, %dma_wait3A_217] : memref<163840x256xf32, #tpu.memory_space<hbm>> -> memref<40x256xf32, #tpu.memory_space<hbm>>
        %dma_wait3A_219 = arith.constant 0 : i32
        %dma_wait3A_220 = arith.constant 0 : i32
        %dma_wait3A_221 = tpu.memref_slice %arg6[%dma_wait3A_219, %dma_wait3A_220] : memref<163840x256xf32, #tpu.memory_space<hbm>> -> memref<40x256xf32, #tpu.memory_space<hbm>>
        tpu.wait_dma2 semaphore(%arg25 : memref<!tpu.dma_semaphore, #tpu.memory_space<semaphore_mem>>) src(%dma_wait3A_221 : memref<40x256xf32, #tpu.memory_space<hbm>>) dst(%arg13 : memref<40x256xf32, #tpu.memory_space<vmem>>)
        %dma_wait3A_222 = arith.constant 0 : i32
        %dma_wait3A_223 = arith.constant 0 : i32
        %dma_wait3A_224 = tpu.memref_slice %arg6[%dma_wait3A_222, %dma_wait3A_223] : memref<163840x256xf32, #tpu.memory_space<hbm>> -> memref<40x256xf32, #tpu.memory_space<hbm>>
        %dma_wait3A_225 = arith.constant 0 : i32
        %dma_wait3A_226 = arith.constant 0 : i32
        %dma_wait3A_227 = tpu.memref_slice %arg6[%dma_wait3A_225, %dma_wait3A_226] : memref<163840x256xf32, #tpu.memory_space<hbm>> -> memref<40x256xf32, #tpu.memory_space<hbm>>
        tpu.wait_dma2 semaphore(%arg25 : memref<!tpu.dma_semaphore, #tpu.memory_space<semaphore_mem>>) src(%dma_wait3A_227 : memref<40x256xf32, #tpu.memory_space<hbm>>) dst(%arg17 : memref<40x256xf32, #tpu.memory_space<vmem>>)
      } else {
      }
      %eq3A = arith.constant 0 : i32
      %eq3A_69 = arith.cmpi eq, %add3A_43, %eq3A : i32
      %convert_element_type3A_70 = arith.extui %eq3A_69 : i1 to i32
      %cond3A_71 = arith.constant 0 : i32
      %cond3A_72 = arith.cmpi ne, %convert_element_type3A_70, %cond3A_71 : i32
      scf.if %cond3A_72 {
        %dma_start3A_216 = arith.constant 80 : i32
        %dma_start3A_217 = tpu.memref_slice %arg8[%dma_start3A_216] : memref<5120xi32, #tpu.memory_space<vmem>> -> memref<40xi32, #tpu.memory_space<vmem>>
        %dma_start3A_218 = arith.constant 0 : i32
        %dma_start3A_219 = arith.constant 0 : i32
        %dma_start3A_220 = tpu.memref_slice %arg2[%dma_start3A_218, %dma_start3A_219] : memref<30000x256xf32, #tpu.memory_space<hbm>> -> memref<30000x256xf32, #tpu.memory_space<hbm>>
        tpu.enqueue_indirect_dma source(%dma_start3A_220 : memref<30000x256xf32, #tpu.memory_space<hbm>>) target(%arg12 : memref<40x256xf32, #tpu.memory_space<vmem>>) offsets(%dma_start3A_217 : memref<40xi32, #tpu.memory_space<vmem>>) semaphore(%arg20 : memref<!tpu.dma_semaphore, #tpu.memory_space<semaphore_mem>>)
        %dma_start3A_221 = arith.constant 80 : i32
        %dma_start3A_222 = tpu.memref_slice %arg9[%dma_start3A_221] : memref<5120xi32, #tpu.memory_space<vmem>> -> memref<40xi32, #tpu.memory_space<vmem>>
        %dma_start3A_223 = arith.constant 0 : i32
        %dma_start3A_224 = arith.constant 0 : i32
        %dma_start3A_225 = tpu.memref_slice %arg3[%dma_start3A_223, %dma_start3A_224] : memref<10000x256xf32, #tpu.memory_space<hbm>> -> memref<10000x256xf32, #tpu.memory_space<hbm>>
        tpu.enqueue_indirect_dma source(%dma_start3A_225 : memref<10000x256xf32, #tpu.memory_space<hbm>>) target(%arg16 : memref<40x256xf32, #tpu.memory_space<vmem>>) offsets(%dma_start3A_222 : memref<40xi32, #tpu.memory_space<vmem>>) semaphore(%arg20 : memref<!tpu.dma_semaphore, #tpu.memory_space<semaphore_mem>>)
        %dma_start3A_226 = arith.constant 120 : i32
        %dma_start3A_227 = tpu.memref_slice %arg8[%dma_start3A_226] : memref<5120xi32, #tpu.memory_space<vmem>> -> memref<40xi32, #tpu.memory_space<vmem>>
        %dma_start3A_228 = arith.constant 0 : i32
        %dma_start3A_229 = arith.constant 0 : i32
        %dma_start3A_230 = tpu.memref_slice %arg2[%dma_start3A_228, %dma_start3A_229] : memref<30000x256xf32, #tpu.memory_space<hbm>> -> memref<30000x256xf32, #tpu.memory_space<hbm>>
        tpu.enqueue_indirect_dma source(%dma_start3A_230 : memref<30000x256xf32, #tpu.memory_space<hbm>>) target(%arg13 : memref<40x256xf32, #tpu.memory_space<vmem>>) offsets(%dma_start3A_227 : memref<40xi32, #tpu.memory_space<vmem>>) semaphore(%arg21 : memref<!tpu.dma_semaphore, #tpu.memory_space<semaphore_mem>>)
        %dma_start3A_231 = arith.constant 120 : i32
        %dma_start3A_232 = tpu.memref_slice %arg9[%dma_start3A_231] : memref<5120xi32, #tpu.memory_space<vmem>> -> memref<40xi32, #tpu.memory_space<vmem>>
        %dma_start3A_233 = arith.constant 0 : i32
        %dma_start3A_234 = arith.constant 0 : i32
        %dma_start3A_235 = tpu.memref_slice %arg3[%dma_start3A_233, %dma_start3A_234] : memref<10000x256xf32, #tpu.memory_space<hbm>> -> memref<10000x256xf32, #tpu.memory_space<hbm>>
        tpu.enqueue_indirect_dma source(%dma_start3A_235 : memref<10000x256xf32, #tpu.memory_space<hbm>>) target(%arg17 : memref<40x256xf32, #tpu.memory_space<vmem>>) offsets(%dma_start3A_232 : memref<40xi32, #tpu.memory_space<vmem>>) semaphore(%arg21 : memref<!tpu.dma_semaphore, #tpu.memory_space<semaphore_mem>>)
      } else {
      }
      %add3A_73 = arith.constant 3 : i32
      %add3A_74 = arith.addi %add3A_43, %add3A_73 : i32
      %lt3A = arith.constant 128 : i32
      %lt3A_75 = arith.cmpi slt, %add3A_74, %lt3A : i32
      %ge3A_76 = arith.constant 1 : i32
      %ge3A_77 = arith.cmpi sge, %add3A_43, %ge3A_76 : i32
      %and3A = arith.andi %lt3A_75, %ge3A_77 : i1
      %convert_element_type3A_78 = arith.extui %and3A : i1 to i32
      %cond3A_79 = arith.constant 0 : i32
      %cond3A_80 = arith.cmpi ne, %convert_element_type3A_78, %cond3A_79 : i32
      scf.if %cond3A_80 {
        %add3A_216 = arith.constant 3 : i32
        %add3A_217 = arith.addi %add3A_43, %add3A_216 : i32
        %mul3A_218 = arith.constant 40 : i32
        %mul3A_219 = arith.muli %add3A_217, %mul3A_218 : i32
        %dma_start3A_220 = tpu.memref_slice %arg8[%mul3A_219] : memref<5120xi32, #tpu.memory_space<vmem>> -> memref<40xi32, #tpu.memory_space<vmem>>
        %dma_start3A_221 = arith.constant 0 : i32
        %dma_start3A_222 = arith.constant 0 : i32
        %dma_start3A_223 = tpu.memref_slice %arg2[%dma_start3A_221, %dma_start3A_222] : memref<30000x256xf32, #tpu.memory_space<hbm>> -> memref<30000x256xf32, #tpu.memory_space<hbm>>
        tpu.enqueue_indirect_dma source(%dma_start3A_223 : memref<30000x256xf32, #tpu.memory_space<hbm>>) target(%arg13 : memref<40x256xf32, #tpu.memory_space<vmem>>) offsets(%dma_start3A_220 : memref<40xi32, #tpu.memory_space<vmem>>) semaphore(%arg21 : memref<!tpu.dma_semaphore, #tpu.memory_space<semaphore_mem>>)
        %dma_start3A_224 = tpu.memref_slice %arg9[%mul3A_219] : memref<5120xi32, #tpu.memory_space<vmem>> -> memref<40xi32, #tpu.memory_space<vmem>>
        %dma_start3A_225 = arith.constant 0 : i32
        %dma_start3A_226 = arith.constant 0 : i32
        %dma_start3A_227 = tpu.memref_slice %arg3[%dma_start3A_225, %dma_start3A_226] : memref<10000x256xf32, #tpu.memory_space<hbm>> -> memref<10000x256xf32, #tpu.memory_space<hbm>>
        tpu.enqueue_indirect_dma source(%dma_start3A_227 : memref<10000x256xf32, #tpu.memory_space<hbm>>) target(%arg17 : memref<40x256xf32, #tpu.memory_space<vmem>>) offsets(%dma_start3A_224 : memref<40xi32, #tpu.memory_space<vmem>>) semaphore(%arg21 : memref<!tpu.dma_semaphore, #tpu.memory_space<semaphore_mem>>)
      } else {
      }
      %add3A_81 = arith.constant 1 : i32
      %add3A_82 = arith.addi %add3A_41, %add3A_81 : i32
      %dma_wait3A_83 = arith.constant 0 : i32
      %dma_wait3A_84 = arith.constant 0 : i32
      %dma_wait3A_85 = tpu.memref_slice %arg6[%dma_wait3A_83, %dma_wait3A_84] : memref<163840x256xf32, #tpu.memory_space<hbm>> -> memref<40x256xf32, #tpu.memory_space<hbm>>
      %dma_wait3A_86 = arith.constant 0 : i32
      %dma_wait3A_87 = arith.constant 0 : i32
      %dma_wait3A_88 = tpu.memref_slice %arg6[%dma_wait3A_86, %dma_wait3A_87] : memref<163840x256xf32, #tpu.memory_space<hbm>> -> memref<40x256xf32, #tpu.memory_space<hbm>>
      tpu.wait_dma2 semaphore(%arg19 : memref<!tpu.dma_semaphore, #tpu.memory_space<semaphore_mem>>) src(%dma_wait3A_88 : memref<40x256xf32, #tpu.memory_space<hbm>>) dst(%arg11 : memref<40x256xf32, #tpu.memory_space<vmem>>)
      %dma_wait3A_89 = arith.constant 0 : i32
      %dma_wait3A_90 = arith.constant 0 : i32
      %dma_wait3A_91 = tpu.memref_slice %arg6[%dma_wait3A_89, %dma_wait3A_90] : memref<163840x256xf32, #tpu.memory_space<hbm>> -> memref<40x256xf32, #tpu.memory_space<hbm>>
      %dma_wait3A_92 = arith.constant 0 : i32
      %dma_wait3A_93 = arith.constant 0 : i32
      %dma_wait3A_94 = tpu.memref_slice %arg6[%dma_wait3A_92, %dma_wait3A_93] : memref<163840x256xf32, #tpu.memory_space<hbm>> -> memref<40x256xf32, #tpu.memory_space<hbm>>
      tpu.wait_dma2 semaphore(%arg19 : memref<!tpu.dma_semaphore, #tpu.memory_space<semaphore_mem>>) src(%dma_wait3A_94 : memref<40x256xf32, #tpu.memory_space<hbm>>) dst(%arg15 : memref<40x256xf32, #tpu.memory_space<vmem>>)
      %mul3A_95 = arith.constant 40 : i32
      %mul3A_96 = arith.muli %add3A_82, %mul3A_95 : i32
      %add3A_97 = arith.addi %mul3A_2, %mul3A_96 : i32
      %dma_start3A_98 = arith.constant 0 : i32
      %dma_start3A_99 = tpu.memref_slice %arg6[%add3A_97, %dma_start3A_98] : memref<163840x256xf32, #tpu.memory_space<hbm>> -> memref<40x256xf32, #tpu.memory_space<hbm>>
      %dma_start3A_100 = arith.constant 0 : i32
      %dma_start3A_101 = tpu.memref_slice %arg6[%add3A_97, %dma_start3A_100] : memref<163840x256xf32, #tpu.memory_space<hbm>> -> memref<40x256xf32, #tpu.memory_space<hbm>>
      tpu.enqueue_dma source(%arg11 : memref<40x256xf32, #tpu.memory_space<vmem>>) target(%dma_start3A_101 : memref<40x256xf32, #tpu.memory_space<hbm>>) target_semaphore(%arg23 : memref<!tpu.dma_semaphore, #tpu.memory_space<semaphore_mem>>)
      %dma_start3A_102 = arith.constant 0 : i32
      %dma_start3A_103 = tpu.memref_slice %arg7[%add3A_97, %dma_start3A_102] : memref<163840x256xf32, #tpu.memory_space<hbm>> -> memref<40x256xf32, #tpu.memory_space<hbm>>
      %dma_start3A_104 = arith.constant 0 : i32
      %dma_start3A_105 = tpu.memref_slice %arg7[%add3A_97, %dma_start3A_104] : memref<163840x256xf32, #tpu.memory_space<hbm>> -> memref<40x256xf32, #tpu.memory_space<hbm>>
      tpu.enqueue_dma source(%arg15 : memref<40x256xf32, #tpu.memory_space<vmem>>) target(%dma_start3A_105 : memref<40x256xf32, #tpu.memory_space<hbm>>) target_semaphore(%arg23 : memref<!tpu.dma_semaphore, #tpu.memory_space<semaphore_mem>>)
      %ge3A_106 = arith.constant 1 : i32
      %ge3A_107 = arith.cmpi sge, %add3A_82, %ge3A_106 : i32
      %convert_element_type3A_108 = arith.extui %ge3A_107 : i1 to i32
      %cond3A_109 = arith.constant 0 : i32
      %cond3A_110 = arith.cmpi ne, %convert_element_type3A_108, %cond3A_109 : i32
      scf.if %cond3A_110 {
        %dma_wait3A_216 = arith.constant 0 : i32
        %dma_wait3A_217 = arith.constant 0 : i32
        %dma_wait3A_218 = tpu.memref_slice %arg6[%dma_wait3A_216, %dma_wait3A_217] : memref<163840x256xf32, #tpu.memory_space<hbm>> -> memref<40x256xf32, #tpu.memory_space<hbm>>
        %dma_wait3A_219 = arith.constant 0 : i32
        %dma_wait3A_220 = arith.constant 0 : i32
        %dma_wait3A_221 = tpu.memref_slice %arg6[%dma_wait3A_219, %dma_wait3A_220] : memref<163840x256xf32, #tpu.memory_space<hbm>> -> memref<40x256xf32, #tpu.memory_space<hbm>>
        tpu.wait_dma2 semaphore(%arg22 : memref<!tpu.dma_semaphore, #tpu.memory_space<semaphore_mem>>) src(%dma_wait3A_221 : memref<40x256xf32, #tpu.memory_space<hbm>>) dst(%arg10 : memref<40x256xf32, #tpu.memory_space<vmem>>)
        %dma_wait3A_222 = arith.constant 0 : i32
        %dma_wait3A_223 = arith.constant 0 : i32
        %dma_wait3A_224 = tpu.memref_slice %arg6[%dma_wait3A_222, %dma_wait3A_223] : memref<163840x256xf32, #tpu.memory_space<hbm>> -> memref<40x256xf32, #tpu.memory_space<hbm>>
        %dma_wait3A_225 = arith.constant 0 : i32
        %dma_wait3A_226 = arith.constant 0 : i32
        %dma_wait3A_227 = tpu.memref_slice %arg6[%dma_wait3A_225, %dma_wait3A_226] : memref<163840x256xf32, #tpu.memory_space<hbm>> -> memref<40x256xf32, #tpu.memory_space<hbm>>
        tpu.wait_dma2 semaphore(%arg22 : memref<!tpu.dma_semaphore, #tpu.memory_space<semaphore_mem>>) src(%dma_wait3A_227 : memref<40x256xf32, #tpu.memory_space<hbm>>) dst(%arg14 : memref<40x256xf32, #tpu.memory_space<vmem>>)
      } else {
      }
      %eq3A_111 = arith.constant 0 : i32
      %eq3A_112 = arith.cmpi eq, %add3A_82, %eq3A_111 : i32
      %convert_element_type3A_113 = arith.extui %eq3A_112 : i1 to i32
      %cond3A_114 = arith.constant 0 : i32
      %cond3A_115 = arith.cmpi ne, %convert_element_type3A_113, %cond3A_114 : i32
      scf.if %cond3A_115 {
        %dma_start3A_216 = arith.constant 80 : i32
        %dma_start3A_217 = tpu.memref_slice %arg8[%dma_start3A_216] : memref<5120xi32, #tpu.memory_space<vmem>> -> memref<40xi32, #tpu.memory_space<vmem>>
        %dma_start3A_218 = arith.constant 0 : i32
        %dma_start3A_219 = arith.constant 0 : i32
        %dma_start3A_220 = tpu.memref_slice %arg2[%dma_start3A_218, %dma_start3A_219] : memref<30000x256xf32, #tpu.memory_space<hbm>> -> memref<30000x256xf32, #tpu.memory_space<hbm>>
        tpu.enqueue_indirect_dma source(%dma_start3A_220 : memref<30000x256xf32, #tpu.memory_space<hbm>>) target(%arg13 : memref<40x256xf32, #tpu.memory_space<vmem>>) offsets(%dma_start3A_217 : memref<40xi32, #tpu.memory_space<vmem>>) semaphore(%arg21 : memref<!tpu.dma_semaphore, #tpu.memory_space<semaphore_mem>>)
        %dma_start3A_221 = arith.constant 80 : i32
        %dma_start3A_222 = tpu.memref_slice %arg9[%dma_start3A_221] : memref<5120xi32, #tpu.memory_space<vmem>> -> memref<40xi32, #tpu.memory_space<vmem>>
        %dma_start3A_223 = arith.constant 0 : i32
        %dma_start3A_224 = arith.constant 0 : i32
        %dma_start3A_225 = tpu.memref_slice %arg3[%dma_start3A_223, %dma_start3A_224] : memref<10000x256xf32, #tpu.memory_space<hbm>> -> memref<10000x256xf32, #tpu.memory_space<hbm>>
        tpu.enqueue_indirect_dma source(%dma_start3A_225 : memref<10000x256xf32, #tpu.memory_space<hbm>>) target(%arg17 : memref<40x256xf32, #tpu.memory_space<vmem>>) offsets(%dma_start3A_222 : memref<40xi32, #tpu.memory_space<vmem>>) semaphore(%arg21 : memref<!tpu.dma_semaphore, #tpu.memory_space<semaphore_mem>>)
        %dma_start3A_226 = arith.constant 120 : i32
        %dma_start3A_227 = tpu.memref_slice %arg8[%dma_start3A_226] : memref<5120xi32, #tpu.memory_space<vmem>> -> memref<40xi32, #tpu.memory_space<vmem>>
        %dma_start3A_228 = arith.constant 0 : i32
        %dma_start3A_229 = arith.constant 0 : i32
        %dma_start3A_230 = tpu.memref_slice %arg2[%dma_start3A_228, %dma_start3A_229] : memref<30000x256xf32, #tpu.memory_space<hbm>> -> memref<30000x256xf32, #tpu.memory_space<hbm>>
        tpu.enqueue_indirect_dma source(%dma_start3A_230 : memref<30000x256xf32, #tpu.memory_space<hbm>>) target(%arg10 : memref<40x256xf32, #tpu.memory_space<vmem>>) offsets(%dma_start3A_227 : memref<40xi32, #tpu.memory_space<vmem>>) semaphore(%arg18 : memref<!tpu.dma_semaphore, #tpu.memory_space<semaphore_mem>>)
        %dma_start3A_231 = arith.constant 120 : i32
        %dma_start3A_232 = tpu.memref_slice %arg9[%dma_start3A_231] : memref<5120xi32, #tpu.memory_space<vmem>> -> memref<40xi32, #tpu.memory_space<vmem>>
        %dma_start3A_233 = arith.constant 0 : i32
        %dma_start3A_234 = arith.constant 0 : i32
        %dma_start3A_235 = tpu.memref_slice %arg3[%dma_start3A_233, %dma_start3A_234] : memref<10000x256xf32, #tpu.memory_space<hbm>> -> memref<10000x256xf32, #tpu.memory_space<hbm>>
        tpu.enqueue_indirect_dma source(%dma_start3A_235 : memref<10000x256xf32, #tpu.memory_space<hbm>>) target(%arg14 : memref<40x256xf32, #tpu.memory_space<vmem>>) offsets(%dma_start3A_232 : memref<40xi32, #tpu.memory_space<vmem>>) semaphore(%arg18 : memref<!tpu.dma_semaphore, #tpu.memory_space<semaphore_mem>>)
      } else {
      }
      %add3A_116 = arith.constant 3 : i32
      %add3A_117 = arith.addi %add3A_82, %add3A_116 : i32
      %lt3A_118 = arith.constant 128 : i32
      %lt3A_119 = arith.cmpi slt, %add3A_117, %lt3A_118 : i32
      %ge3A_120 = arith.constant 1 : i32
      %ge3A_121 = arith.cmpi sge, %add3A_82, %ge3A_120 : i32
      %and3A_122 = arith.andi %lt3A_119, %ge3A_121 : i1
      %convert_element_type3A_123 = arith.extui %and3A_122 : i1 to i32
      %cond3A_124 = arith.constant 0 : i32
      %cond3A_125 = arith.cmpi ne, %convert_element_type3A_123, %cond3A_124 : i32
      scf.if %cond3A_125 {
        %add3A_216 = arith.constant 3 : i32
        %add3A_217 = arith.addi %add3A_82, %add3A_216 : i32
        %mul3A_218 = arith.constant 40 : i32
        %mul3A_219 = arith.muli %add3A_217, %mul3A_218 : i32
        %dma_start3A_220 = tpu.memref_slice %arg8[%mul3A_219] : memref<5120xi32, #tpu.memory_space<vmem>> -> memref<40xi32, #tpu.memory_space<vmem>>
        %dma_start3A_221 = arith.constant 0 : i32
        %dma_start3A_222 = arith.constant 0 : i32
        %dma_start3A_223 = tpu.memref_slice %arg2[%dma_start3A_221, %dma_start3A_222] : memref<30000x256xf32, #tpu.memory_space<hbm>> -> memref<30000x256xf32, #tpu.memory_space<hbm>>
        tpu.enqueue_indirect_dma source(%dma_start3A_223 : memref<30000x256xf32, #tpu.memory_space<hbm>>) target(%arg10 : memref<40x256xf32, #tpu.memory_space<vmem>>) offsets(%dma_start3A_220 : memref<40xi32, #tpu.memory_space<vmem>>) semaphore(%arg18 : memref<!tpu.dma_semaphore, #tpu.memory_space<semaphore_mem>>)
        %dma_start3A_224 = tpu.memref_slice %arg9[%mul3A_219] : memref<5120xi32, #tpu.memory_space<vmem>> -> memref<40xi32, #tpu.memory_space<vmem>>
        %dma_start3A_225 = arith.constant 0 : i32
        %dma_start3A_226 = arith.constant 0 : i32
        %dma_start3A_227 = tpu.memref_slice %arg3[%dma_start3A_225, %dma_start3A_226] : memref<10000x256xf32, #tpu.memory_space<hbm>> -> memref<10000x256xf32, #tpu.memory_space<hbm>>
        tpu.enqueue_indirect_dma source(%dma_start3A_227 : memref<10000x256xf32, #tpu.memory_space<hbm>>) target(%arg14 : memref<40x256xf32, #tpu.memory_space<vmem>>) offsets(%dma_start3A_224 : memref<40xi32, #tpu.memory_space<vmem>>) semaphore(%arg18 : memref<!tpu.dma_semaphore, #tpu.memory_space<semaphore_mem>>)
      } else {
      }
      %add3A_126 = arith.constant 2 : i32
      %add3A_127 = arith.addi %add3A_41, %add3A_126 : i32
      %dma_wait3A_128 = arith.constant 0 : i32
      %dma_wait3A_129 = arith.constant 0 : i32
      %dma_wait3A_130 = tpu.memref_slice %arg6[%dma_wait3A_128, %dma_wait3A_129] : memref<163840x256xf32, #tpu.memory_space<hbm>> -> memref<40x256xf32, #tpu.memory_space<hbm>>
      %dma_wait3A_131 = arith.constant 0 : i32
      %dma_wait3A_132 = arith.constant 0 : i32
      %dma_wait3A_133 = tpu.memref_slice %arg6[%dma_wait3A_131, %dma_wait3A_132] : memref<163840x256xf32, #tpu.memory_space<hbm>> -> memref<40x256xf32, #tpu.memory_space<hbm>>
      tpu.wait_dma2 semaphore(%arg20 : memref<!tpu.dma_semaphore, #tpu.memory_space<semaphore_mem>>) src(%dma_wait3A_133 : memref<40x256xf32, #tpu.memory_space<hbm>>) dst(%arg12 : memref<40x256xf32, #tpu.memory_space<vmem>>)
      %dma_wait3A_134 = arith.constant 0 : i32
      %dma_wait3A_135 = arith.constant 0 : i32
      %dma_wait3A_136 = tpu.memref_slice %arg6[%dma_wait3A_134, %dma_wait3A_135] : memref<163840x256xf32, #tpu.memory_space<hbm>> -> memref<40x256xf32, #tpu.memory_space<hbm>>
      %dma_wait3A_137 = arith.constant 0 : i32
      %dma_wait3A_138 = arith.constant 0 : i32
      %dma_wait3A_139 = tpu.memref_slice %arg6[%dma_wait3A_137, %dma_wait3A_138] : memref<163840x256xf32, #tpu.memory_space<hbm>> -> memref<40x256xf32, #tpu.memory_space<hbm>>
      tpu.wait_dma2 semaphore(%arg20 : memref<!tpu.dma_semaphore, #tpu.memory_space<semaphore_mem>>) src(%dma_wait3A_139 : memref<40x256xf32, #tpu.memory_space<hbm>>) dst(%arg16 : memref<40x256xf32, #tpu.memory_space<vmem>>)
      %mul3A_140 = arith.constant 40 : i32
      %mul3A_141 = arith.muli %add3A_127, %mul3A_140 : i32
      %add3A_142 = arith.addi %mul3A_2, %mul3A_141 : i32
      %dma_start3A_143 = arith.constant 0 : i32
      %dma_start3A_144 = tpu.memref_slice %arg6[%add3A_142, %dma_start3A_143] : memref<163840x256xf32, #tpu.memory_space<hbm>> -> memref<40x256xf32, #tpu.memory_space<hbm>>
      %dma_start3A_145 = arith.constant 0 : i32
      %dma_start3A_146 = tpu.memref_slice %arg6[%add3A_142, %dma_start3A_145] : memref<163840x256xf32, #tpu.memory_space<hbm>> -> memref<40x256xf32, #tpu.memory_space<hbm>>
      tpu.enqueue_dma source(%arg12 : memref<40x256xf32, #tpu.memory_space<vmem>>) target(%dma_start3A_146 : memref<40x256xf32, #tpu.memory_space<hbm>>) target_semaphore(%arg24 : memref<!tpu.dma_semaphore, #tpu.memory_space<semaphore_mem>>)
      %dma_start3A_147 = arith.constant 0 : i32
      %dma_start3A_148 = tpu.memref_slice %arg7[%add3A_142, %dma_start3A_147] : memref<163840x256xf32, #tpu.memory_space<hbm>> -> memref<40x256xf32, #tpu.memory_space<hbm>>
      %dma_start3A_149 = arith.constant 0 : i32
      %dma_start3A_150 = tpu.memref_slice %arg7[%add3A_142, %dma_start3A_149] : memref<163840x256xf32, #tpu.memory_space<hbm>> -> memref<40x256xf32, #tpu.memory_space<hbm>>
      tpu.enqueue_dma source(%arg16 : memref<40x256xf32, #tpu.memory_space<vmem>>) target(%dma_start3A_150 : memref<40x256xf32, #tpu.memory_space<hbm>>) target_semaphore(%arg24 : memref<!tpu.dma_semaphore, #tpu.memory_space<semaphore_mem>>)
      %ge3A_151 = arith.constant 1 : i32
      %ge3A_152 = arith.cmpi sge, %add3A_127, %ge3A_151 : i32
      %convert_element_type3A_153 = arith.extui %ge3A_152 : i1 to i32
      %cond3A_154 = arith.constant 0 : i32
      %cond3A_155 = arith.cmpi ne, %convert_element_type3A_153, %cond3A_154 : i32
      scf.if %cond3A_155 {
        %dma_wait3A_216 = arith.constant 0 : i32
        %dma_wait3A_217 = arith.constant 0 : i32
        %dma_wait3A_218 = tpu.memref_slice %arg6[%dma_wait3A_216, %dma_wait3A_217] : memref<163840x256xf32, #tpu.memory_space<hbm>> -> memref<40x256xf32, #tpu.memory_space<hbm>>
        %dma_wait3A_219 = arith.constant 0 : i32
        %dma_wait3A_220 = arith.constant 0 : i32
        %dma_wait3A_221 = tpu.memref_slice %arg6[%dma_wait3A_219, %dma_wait3A_220] : memref<163840x256xf32, #tpu.memory_space<hbm>> -> memref<40x256xf32, #tpu.memory_space<hbm>>
        tpu.wait_dma2 semaphore(%arg23 : memref<!tpu.dma_semaphore, #tpu.memory_space<semaphore_mem>>) src(%dma_wait3A_221 : memref<40x256xf32, #tpu.memory_space<hbm>>) dst(%arg11 : memref<40x256xf32, #tpu.memory_space<vmem>>)
        %dma_wait3A_222 = arith.constant 0 : i32
        %dma_wait3A_223 = arith.constant 0 : i32
        %dma_wait3A_224 = tpu.memref_slice %arg6[%dma_wait3A_222, %dma_wait3A_223] : memref<163840x256xf32, #tpu.memory_space<hbm>> -> memref<40x256xf32, #tpu.memory_space<hbm>>
        %dma_wait3A_225 = arith.constant 0 : i32
        %dma_wait3A_226 = arith.constant 0 : i32
        %dma_wait3A_227 = tpu.memref_slice %arg6[%dma_wait3A_225, %dma_wait3A_226] : memref<163840x256xf32, #tpu.memory_space<hbm>> -> memref<40x256xf32, #tpu.memory_space<hbm>>
        tpu.wait_dma2 semaphore(%arg23 : memref<!tpu.dma_semaphore, #tpu.memory_space<semaphore_mem>>) src(%dma_wait3A_227 : memref<40x256xf32, #tpu.memory_space<hbm>>) dst(%arg15 : memref<40x256xf32, #tpu.memory_space<vmem>>)
      } else {
      }
      %eq3A_156 = arith.constant 0 : i32
      %eq3A_157 = arith.cmpi eq, %add3A_127, %eq3A_156 : i32
      %convert_element_type3A_158 = arith.extui %eq3A_157 : i1 to i32
      %cond3A_159 = arith.constant 0 : i32
      %cond3A_160 = arith.cmpi ne, %convert_element_type3A_158, %cond3A_159 : i32
      scf.if %cond3A_160 {
        %dma_start3A_216 = arith.constant 80 : i32
        %dma_start3A_217 = tpu.memref_slice %arg8[%dma_start3A_216] : memref<5120xi32, #tpu.memory_space<vmem>> -> memref<40xi32, #tpu.memory_space<vmem>>
        %dma_start3A_218 = arith.constant 0 : i32
        %dma_start3A_219 = arith.constant 0 : i32
        %dma_start3A_220 = tpu.memref_slice %arg2[%dma_start3A_218, %dma_start3A_219] : memref<30000x256xf32, #tpu.memory_space<hbm>> -> memref<30000x256xf32, #tpu.memory_space<hbm>>
        tpu.enqueue_indirect_dma source(%dma_start3A_220 : memref<30000x256xf32, #tpu.memory_space<hbm>>) target(%arg10 : memref<40x256xf32, #tpu.memory_space<vmem>>) offsets(%dma_start3A_217 : memref<40xi32, #tpu.memory_space<vmem>>) semaphore(%arg18 : memref<!tpu.dma_semaphore, #tpu.memory_space<semaphore_mem>>)
        %dma_start3A_221 = arith.constant 80 : i32
        %dma_start3A_222 = tpu.memref_slice %arg9[%dma_start3A_221] : memref<5120xi32, #tpu.memory_space<vmem>> -> memref<40xi32, #tpu.memory_space<vmem>>
        %dma_start3A_223 = arith.constant 0 : i32
        %dma_start3A_224 = arith.constant 0 : i32
        %dma_start3A_225 = tpu.memref_slice %arg3[%dma_start3A_223, %dma_start3A_224] : memref<10000x256xf32, #tpu.memory_space<hbm>> -> memref<10000x256xf32, #tpu.memory_space<hbm>>
        tpu.enqueue_indirect_dma source(%dma_start3A_225 : memref<10000x256xf32, #tpu.memory_space<hbm>>) target(%arg14 : memref<40x256xf32, #tpu.memory_space<vmem>>) offsets(%dma_start3A_222 : memref<40xi32, #tpu.memory_space<vmem>>) semaphore(%arg18 : memref<!tpu.dma_semaphore, #tpu.memory_space<semaphore_mem>>)
        %dma_start3A_226 = arith.constant 120 : i32
        %dma_start3A_227 = tpu.memref_slice %arg8[%dma_start3A_226] : memref<5120xi32, #tpu.memory_space<vmem>> -> memref<40xi32, #tpu.memory_space<vmem>>
        %dma_start3A_228 = arith.constant 0 : i32
        %dma_start3A_229 = arith.constant 0 : i32
        %dma_start3A_230 = tpu.memref_slice %arg2[%dma_start3A_228, %dma_start3A_229] : memref<30000x256xf32, #tpu.memory_space<hbm>> -> memref<30000x256xf32, #tpu.memory_space<hbm>>
        tpu.enqueue_indirect_dma source(%dma_start3A_230 : memref<30000x256xf32, #tpu.memory_space<hbm>>) target(%arg11 : memref<40x256xf32, #tpu.memory_space<vmem>>) offsets(%dma_start3A_227 : memref<40xi32, #tpu.memory_space<vmem>>) semaphore(%arg19 : memref<!tpu.dma_semaphore, #tpu.memory_space<semaphore_mem>>)
        %dma_start3A_231 = arith.constant 120 : i32
        %dma_start3A_232 = tpu.memref_slice %arg9[%dma_start3A_231] : memref<5120xi32, #tpu.memory_space<vmem>> -> memref<40xi32, #tpu.memory_space<vmem>>
        %dma_start3A_233 = arith.constant 0 : i32
        %dma_start3A_234 = arith.constant 0 : i32
        %dma_start3A_235 = tpu.memref_slice %arg3[%dma_start3A_233, %dma_start3A_234] : memref<10000x256xf32, #tpu.memory_space<hbm>> -> memref<10000x256xf32, #tpu.memory_space<hbm>>
        tpu.enqueue_indirect_dma source(%dma_start3A_235 : memref<10000x256xf32, #tpu.memory_space<hbm>>) target(%arg15 : memref<40x256xf32, #tpu.memory_space<vmem>>) offsets(%dma_start3A_232 : memref<40xi32, #tpu.memory_space<vmem>>) semaphore(%arg19 : memref<!tpu.dma_semaphore, #tpu.memory_space<semaphore_mem>>)
      } else {
      }
      %add3A_161 = arith.constant 3 : i32
      %add3A_162 = arith.addi %add3A_127, %add3A_161 : i32
      %lt3A_163 = arith.constant 128 : i32
      %lt3A_164 = arith.cmpi slt, %add3A_162, %lt3A_163 : i32
      %ge3A_165 = arith.constant 1 : i32
      %ge3A_166 = arith.cmpi sge, %add3A_127, %ge3A_165 : i32
      %and3A_167 = arith.andi %lt3A_164, %ge3A_166 : i1
      %convert_element_type3A_168 = arith.extui %and3A_167 : i1 to i32
      %cond3A_169 = arith.constant 0 : i32
      %cond3A_170 = arith.cmpi ne, %convert_element_type3A_168, %cond3A_169 : i32
      scf.if %cond3A_170 {
        %add3A_216 = arith.constant 3 : i32
        %add3A_217 = arith.addi %add3A_127, %add3A_216 : i32
        %mul3A_218 = arith.constant 40 : i32
        %mul3A_219 = arith.muli %add3A_217, %mul3A_218 : i32
        %dma_start3A_220 = tpu.memref_slice %arg8[%mul3A_219] : memref<5120xi32, #tpu.memory_space<vmem>> -> memref<40xi32, #tpu.memory_space<vmem>>
        %dma_start3A_221 = arith.constant 0 : i32
        %dma_start3A_222 = arith.constant 0 : i32
        %dma_start3A_223 = tpu.memref_slice %arg2[%dma_start3A_221, %dma_start3A_222] : memref<30000x256xf32, #tpu.memory_space<hbm>> -> memref<30000x256xf32, #tpu.memory_space<hbm>>
        tpu.enqueue_indirect_dma source(%dma_start3A_223 : memref<30000x256xf32, #tpu.memory_space<hbm>>) target(%arg11 : memref<40x256xf32, #tpu.memory_space<vmem>>) offsets(%dma_start3A_220 : memref<40xi32, #tpu.memory_space<vmem>>) semaphore(%arg19 : memref<!tpu.dma_semaphore, #tpu.memory_space<semaphore_mem>>)
        %dma_start3A_224 = tpu.memref_slice %arg9[%mul3A_219] : memref<5120xi32, #tpu.memory_space<vmem>> -> memref<40xi32, #tpu.memory_space<vmem>>
        %dma_start3A_225 = arith.constant 0 : i32
        %dma_start3A_226 = arith.constant 0 : i32
        %dma_start3A_227 = tpu.memref_slice %arg3[%dma_start3A_225, %dma_start3A_226] : memref<10000x256xf32, #tpu.memory_space<hbm>> -> memref<10000x256xf32, #tpu.memory_space<hbm>>
        tpu.enqueue_indirect_dma source(%dma_start3A_227 : memref<10000x256xf32, #tpu.memory_space<hbm>>) target(%arg15 : memref<40x256xf32, #tpu.memory_space<vmem>>) offsets(%dma_start3A_224 : memref<40xi32, #tpu.memory_space<vmem>>) semaphore(%arg19 : memref<!tpu.dma_semaphore, #tpu.memory_space<semaphore_mem>>)
      } else {
      }
      %add3A_171 = arith.constant 3 : i32
      %add3A_172 = arith.addi %add3A_41, %add3A_171 : i32
      %dma_wait3A_173 = arith.constant 0 : i32
      %dma_wait3A_174 = arith.constant 0 : i32
      %dma_wait3A_175 = tpu.memref_slice %arg6[%dma_wait3A_173, %dma_wait3A_174] : memref<163840x256xf32, #tpu.memory_space<hbm>> -> memref<40x256xf32, #tpu.memory_space<hbm>>
      %dma_wait3A_176 = arith.constant 0 : i32
      %dma_wait3A_177 = arith.constant 0 : i32
      %dma_wait3A_178 = tpu.memref_slice %arg6[%dma_wait3A_176, %dma_wait3A_177] : memref<163840x256xf32, #tpu.memory_space<hbm>> -> memref<40x256xf32, #tpu.memory_space<hbm>>
      tpu.wait_dma2 semaphore(%arg21 : memref<!tpu.dma_semaphore, #tpu.memory_space<semaphore_mem>>) src(%dma_wait3A_178 : memref<40x256xf32, #tpu.memory_space<hbm>>) dst(%arg13 : memref<40x256xf32, #tpu.memory_space<vmem>>)
      %dma_wait3A_179 = arith.constant 0 : i32
      %dma_wait3A_180 = arith.constant 0 : i32
      %dma_wait3A_181 = tpu.memref_slice %arg6[%dma_wait3A_179, %dma_wait3A_180] : memref<163840x256xf32, #tpu.memory_space<hbm>> -> memref<40x256xf32, #tpu.memory_space<hbm>>
      %dma_wait3A_182 = arith.constant 0 : i32
      %dma_wait3A_183 = arith.constant 0 : i32
      %dma_wait3A_184 = tpu.memref_slice %arg6[%dma_wait3A_182, %dma_wait3A_183] : memref<163840x256xf32, #tpu.memory_space<hbm>> -> memref<40x256xf32, #tpu.memory_space<hbm>>
      tpu.wait_dma2 semaphore(%arg21 : memref<!tpu.dma_semaphore, #tpu.memory_space<semaphore_mem>>) src(%dma_wait3A_184 : memref<40x256xf32, #tpu.memory_space<hbm>>) dst(%arg17 : memref<40x256xf32, #tpu.memory_space<vmem>>)
      %mul3A_185 = arith.constant 40 : i32
      %mul3A_186 = arith.muli %add3A_172, %mul3A_185 : i32
      %add3A_187 = arith.addi %mul3A_2, %mul3A_186 : i32
      %dma_start3A_188 = arith.constant 0 : i32
      %dma_start3A_189 = tpu.memref_slice %arg6[%add3A_187, %dma_start3A_188] : memref<163840x256xf32, #tpu.memory_space<hbm>> -> memref<40x256xf32, #tpu.memory_space<hbm>>
      %dma_start3A_190 = arith.constant 0 : i32
      %dma_start3A_191 = tpu.memref_slice %arg6[%add3A_187, %dma_start3A_190] : memref<163840x256xf32, #tpu.memory_space<hbm>> -> memref<40x256xf32, #tpu.memory_space<hbm>>
      tpu.enqueue_dma source(%arg13 : memref<40x256xf32, #tpu.memory_space<vmem>>) target(%dma_start3A_191 : memref<40x256xf32, #tpu.memory_space<hbm>>) target_semaphore(%arg25 : memref<!tpu.dma_semaphore, #tpu.memory_space<semaphore_mem>>)
      %dma_start3A_192 = arith.constant 0 : i32
      %dma_start3A_193 = tpu.memref_slice %arg7[%add3A_187, %dma_start3A_192] : memref<163840x256xf32, #tpu.memory_space<hbm>> -> memref<40x256xf32, #tpu.memory_space<hbm>>
      %dma_start3A_194 = arith.constant 0 : i32
      %dma_start3A_195 = tpu.memref_slice %arg7[%add3A_187, %dma_start3A_194] : memref<163840x256xf32, #tpu.memory_space<hbm>> -> memref<40x256xf32, #tpu.memory_space<hbm>>
      tpu.enqueue_dma source(%arg17 : memref<40x256xf32, #tpu.memory_space<vmem>>) target(%dma_start3A_195 : memref<40x256xf32, #tpu.memory_space<hbm>>) target_semaphore(%arg25 : memref<!tpu.dma_semaphore, #tpu.memory_space<semaphore_mem>>)
      %ge3A_196 = arith.constant 1 : i32
      %ge3A_197 = arith.cmpi sge, %add3A_172, %ge3A_196 : i32
      %convert_element_type3A_198 = arith.extui %ge3A_197 : i1 to i32
      %cond3A_199 = arith.constant 0 : i32
      %cond3A_200 = arith.cmpi ne, %convert_element_type3A_198, %cond3A_199 : i32
      scf.if %cond3A_200 {
        %dma_wait3A_216 = arith.constant 0 : i32
        %dma_wait3A_217 = arith.constant 0 : i32
        %dma_wait3A_218 = tpu.memref_slice %arg6[%dma_wait3A_216, %dma_wait3A_217] : memref<163840x256xf32, #tpu.memory_space<hbm>> -> memref<40x256xf32, #tpu.memory_space<hbm>>
        %dma_wait3A_219 = arith.constant 0 : i32
        %dma_wait3A_220 = arith.constant 0 : i32
        %dma_wait3A_221 = tpu.memref_slice %arg6[%dma_wait3A_219, %dma_wait3A_220] : memref<163840x256xf32, #tpu.memory_space<hbm>> -> memref<40x256xf32, #tpu.memory_space<hbm>>
        tpu.wait_dma2 semaphore(%arg24 : memref<!tpu.dma_semaphore, #tpu.memory_space<semaphore_mem>>) src(%dma_wait3A_221 : memref<40x256xf32, #tpu.memory_space<hbm>>) dst(%arg12 : memref<40x256xf32, #tpu.memory_space<vmem>>)
        %dma_wait3A_222 = arith.constant 0 : i32
        %dma_wait3A_223 = arith.constant 0 : i32
        %dma_wait3A_224 = tpu.memref_slice %arg6[%dma_wait3A_222, %dma_wait3A_223] : memref<163840x256xf32, #tpu.memory_space<hbm>> -> memref<40x256xf32, #tpu.memory_space<hbm>>
        %dma_wait3A_225 = arith.constant 0 : i32
        %dma_wait3A_226 = arith.constant 0 : i32
        %dma_wait3A_227 = tpu.memref_slice %arg6[%dma_wait3A_225, %dma_wait3A_226] : memref<163840x256xf32, #tpu.memory_space<hbm>> -> memref<40x256xf32, #tpu.memory_space<hbm>>
        tpu.wait_dma2 semaphore(%arg24 : memref<!tpu.dma_semaphore, #tpu.memory_space<semaphore_mem>>) src(%dma_wait3A_227 : memref<40x256xf32, #tpu.memory_space<hbm>>) dst(%arg16 : memref<40x256xf32, #tpu.memory_space<vmem>>)
      } else {
      }
      %eq3A_201 = arith.constant 0 : i32
      %eq3A_202 = arith.cmpi eq, %add3A_172, %eq3A_201 : i32
      %convert_element_type3A_203 = arith.extui %eq3A_202 : i1 to i32
      %cond3A_204 = arith.constant 0 : i32
      %cond3A_205 = arith.cmpi ne, %convert_element_type3A_203, %cond3A_204 : i32
      scf.if %cond3A_205 {
        %dma_start3A_216 = arith.constant 80 : i32
        %dma_start3A_217 = tpu.memref_slice %arg8[%dma_start3A_216] : memref<5120xi32, #tpu.memory_space<vmem>> -> memref<40xi32, #tpu.memory_space<vmem>>
        %dma_start3A_218 = arith.constant 0 : i32
        %dma_start3A_219 = arith.constant 0 : i32
        %dma_start3A_220 = tpu.memref_slice %arg2[%dma_start3A_218, %dma_start3A_219] : memref<30000x256xf32, #tpu.memory_space<hbm>> -> memref<30000x256xf32, #tpu.memory_space<hbm>>
        tpu.enqueue_indirect_dma source(%dma_start3A_220 : memref<30000x256xf32, #tpu.memory_space<hbm>>) target(%arg11 : memref<40x256xf32, #tpu.memory_space<vmem>>) offsets(%dma_start3A_217 : memref<40xi32, #tpu.memory_space<vmem>>) semaphore(%arg19 : memref<!tpu.dma_semaphore, #tpu.memory_space<semaphore_mem>>)
        %dma_start3A_221 = arith.constant 80 : i32
        %dma_start3A_222 = tpu.memref_slice %arg9[%dma_start3A_221] : memref<5120xi32, #tpu.memory_space<vmem>> -> memref<40xi32, #tpu.memory_space<vmem>>
        %dma_start3A_223 = arith.constant 0 : i32
        %dma_start3A_224 = arith.constant 0 : i32
        %dma_start3A_225 = tpu.memref_slice %arg3[%dma_start3A_223, %dma_start3A_224] : memref<10000x256xf32, #tpu.memory_space<hbm>> -> memref<10000x256xf32, #tpu.memory_space<hbm>>
        tpu.enqueue_indirect_dma source(%dma_start3A_225 : memref<10000x256xf32, #tpu.memory_space<hbm>>) target(%arg15 : memref<40x256xf32, #tpu.memory_space<vmem>>) offsets(%dma_start3A_222 : memref<40xi32, #tpu.memory_space<vmem>>) semaphore(%arg19 : memref<!tpu.dma_semaphore, #tpu.memory_space<semaphore_mem>>)
        %dma_start3A_226 = arith.constant 120 : i32
        %dma_start3A_227 = tpu.memref_slice %arg8[%dma_start3A_226] : memref<5120xi32, #tpu.memory_space<vmem>> -> memref<40xi32, #tpu.memory_space<vmem>>
        %dma_start3A_228 = arith.constant 0 : i32
        %dma_start3A_229 = arith.constant 0 : i32
        %dma_start3A_230 = tpu.memref_slice %arg2[%dma_start3A_228, %dma_start3A_229] : memref<30000x256xf32, #tpu.memory_space<hbm>> -> memref<30000x256xf32, #tpu.memory_space<hbm>>
        tpu.enqueue_indirect_dma source(%dma_start3A_230 : memref<30000x256xf32, #tpu.memory_space<hbm>>) target(%arg12 : memref<40x256xf32, #tpu.memory_space<vmem>>) offsets(%dma_start3A_227 : memref<40xi32, #tpu.memory_space<vmem>>) semaphore(%arg20 : memref<!tpu.dma_semaphore, #tpu.memory_space<semaphore_mem>>)
        %dma_start3A_231 = arith.constant 120 : i32
        %dma_start3A_232 = tpu.memref_slice %arg9[%dma_start3A_231] : memref<5120xi32, #tpu.memory_space<vmem>> -> memref<40xi32, #tpu.memory_space<vmem>>
        %dma_start3A_233 = arith.constant 0 : i32
        %dma_start3A_234 = arith.constant 0 : i32
        %dma_start3A_235 = tpu.memref_slice %arg3[%dma_start3A_233, %dma_start3A_234] : memref<10000x256xf32, #tpu.memory_space<hbm>> -> memref<10000x256xf32, #tpu.memory_space<hbm>>
        tpu.enqueue_indirect_dma source(%dma_start3A_235 : memref<10000x256xf32, #tpu.memory_space<hbm>>) target(%arg16 : memref<40x256xf32, #tpu.memory_space<vmem>>) offsets(%dma_start3A_232 : memref<40xi32, #tpu.memory_space<vmem>>) semaphore(%arg20 : memref<!tpu.dma_semaphore, #tpu.memory_space<semaphore_mem>>)
      } else {
      }
      %add3A_206 = arith.constant 3 : i32
      %add3A_207 = arith.addi %add3A_172, %add3A_206 : i32
      %lt3A_208 = arith.constant 128 : i32
      %lt3A_209 = arith.cmpi slt, %add3A_207, %lt3A_208 : i32
      %ge3A_210 = arith.constant 1 : i32
      %ge3A_211 = arith.cmpi sge, %add3A_172, %ge3A_210 : i32
      %and3A_212 = arith.andi %lt3A_209, %ge3A_211 : i1
      %convert_element_type3A_213 = arith.extui %and3A_212 : i1 to i32
      %cond3A_214 = arith.constant 0 : i32
      %cond3A_215 = arith.cmpi ne, %convert_element_type3A_213, %cond3A_214 : i32
      scf.if %cond3A_215 {
        %add3A_216 = arith.constant 3 : i32
        %add3A_217 = arith.addi %add3A_172, %add3A_216 : i32
        %mul3A_218 = arith.constant 40 : i32
        %mul3A_219 = arith.muli %add3A_217, %mul3A_218 : i32
        %dma_start3A_220 = tpu.memref_slice %arg8[%mul3A_219] : memref<5120xi32, #tpu.memory_space<vmem>> -> memref<40xi32, #tpu.memory_space<vmem>>
        %dma_start3A_221 = arith.constant 0 : i32
        %dma_start3A_222 = arith.constant 0 : i32
        %dma_start3A_223 = tpu.memref_slice %arg2[%dma_start3A_221, %dma_start3A_222] : memref<30000x256xf32, #tpu.memory_space<hbm>> -> memref<30000x256xf32, #tpu.memory_space<hbm>>
        tpu.enqueue_indirect_dma source(%dma_start3A_223 : memref<30000x256xf32, #tpu.memory_space<hbm>>) target(%arg12 : memref<40x256xf32, #tpu.memory_space<vmem>>) offsets(%dma_start3A_220 : memref<40xi32, #tpu.memory_space<vmem>>) semaphore(%arg20 : memref<!tpu.dma_semaphore, #tpu.memory_space<semaphore_mem>>)
        %dma_start3A_224 = tpu.memref_slice %arg9[%mul3A_219] : memref<5120xi32, #tpu.memory_space<vmem>> -> memref<40xi32, #tpu.memory_space<vmem>>
        %dma_start3A_225 = arith.constant 0 : i32
        %dma_start3A_226 = arith.constant 0 : i32
        %dma_start3A_227 = tpu.memref_slice %arg3[%dma_start3A_225, %dma_start3A_226] : memref<10000x256xf32, #tpu.memory_space<hbm>> -> memref<10000x256xf32, #tpu.memory_space<hbm>>
        tpu.enqueue_indirect_dma source(%dma_start3A_227 : memref<10000x256xf32, #tpu.memory_space<hbm>>) target(%arg16 : memref<40x256xf32, #tpu.memory_space<vmem>>) offsets(%dma_start3A_224 : memref<40xi32, #tpu.memory_space<vmem>>) semaphore(%arg20 : memref<!tpu.dma_semaphore, #tpu.memory_space<semaphore_mem>>)
      } else {
      }
    }
    %scan3A_25 = arith.constant 32 : i32
    %dma_wait3A = arith.constant 0 : i32
    %dma_wait3A_26 = arith.constant 0 : i32
    %dma_wait3A_27 = tpu.memref_slice %arg6[%dma_wait3A, %dma_wait3A_26] : memref<163840x256xf32, #tpu.memory_space<hbm>> -> memref<40x256xf32, #tpu.memory_space<hbm>>
    %dma_wait3A_28 = arith.constant 0 : i32
    %dma_wait3A_29 = arith.constant 0 : i32
    %dma_wait3A_30 = tpu.memref_slice %arg6[%dma_wait3A_28, %dma_wait3A_29] : memref<163840x256xf32, #tpu.memory_space<hbm>> -> memref<40x256xf32, #tpu.memory_space<hbm>>
    tpu.wait_dma2 semaphore(%arg25 : memref<!tpu.dma_semaphore, #tpu.memory_space<semaphore_mem>>) src(%dma_wait3A_30 : memref<40x256xf32, #tpu.memory_space<hbm>>) dst(%arg13 : memref<40x256xf32, #tpu.memory_space<vmem>>)
    %dma_wait3A_31 = arith.constant 0 : i32
    %dma_wait3A_32 = arith.constant 0 : i32
    %dma_wait3A_33 = tpu.memref_slice %arg6[%dma_wait3A_31, %dma_wait3A_32] : memref<163840x256xf32, #tpu.memory_space<hbm>> -> memref<40x256xf32, #tpu.memory_space<hbm>>
    %dma_wait3A_34 = arith.constant 0 : i32
    %dma_wait3A_35 = arith.constant 0 : i32
    %dma_wait3A_36 = tpu.memref_slice %arg6[%dma_wait3A_34, %dma_wait3A_35] : memref<163840x256xf32, #tpu.memory_space<hbm>> -> memref<40x256xf32, #tpu.memory_space<hbm>>
    tpu.wait_dma2 semaphore(%arg25 : memref<!tpu.dma_semaphore, #tpu.memory_space<semaphore_mem>>) src(%dma_wait3A_36 : memref<40x256xf32, #tpu.memory_space<hbm>>) dst(%arg17 : memref<40x256xf32, #tpu.memory_space<vmem>>)
    return
  }
}

module attributes {stable_mosaic.version = 14 : i64} {
  func.func @_bnodes_body(%arg0: i32, %arg1: memref<1000x256xf32, #tpu.memory_space<vmem>>, %arg2: memref<1000x1xi32, #tpu.memory_space<vmem>>, %arg3: memref<3x256x256xf32, #tpu.memory_space<vmem>>, %arg4: memref<3x256xf32, #tpu.memory_space<vmem>>, %arg5: memref<3x256x256xf32, #tpu.memory_space<vmem>>, %arg6: memref<3x256xf32, #tpu.memory_space<vmem>>, %arg7: memref<3x256x256xf32, #tpu.memory_space<vmem>>, %arg8: memref<3x256xf32, #tpu.memory_space<vmem>>, %arg9: memref<3x1000x256xf32, #tpu.memory_space<vmem>>, %arg10: memref<1000x256xf32, #tpu.memory_space<vmem>>, %arg11: memref<1000x256xf32, #tpu.memory_space<vmem>>) attributes {dimension_semantics = [#tpu.dimension_semantics<arbitrary>], iteration_bounds = array<i64: 10>, scalar_prefetch = 0 : i64, scratch_operands = 0 : i64, tpu.core_type = #tpu.core_type<tc>, window_params = [{transform_indices = @transform_0, window_bounds = array<i64: 1000, 256>}, {transform_indices = @transform_1, window_bounds = array<i64: 1000, 1>}, {pipeline_mode = #tpu.pipeline_mode<synchronous>, transform_indices = @transform_2, window_bounds = array<i64: 3, 256, 256>}, {pipeline_mode = #tpu.pipeline_mode<synchronous>, transform_indices = @transform_3, window_bounds = array<i64: 3, 256>}, {pipeline_mode = #tpu.pipeline_mode<synchronous>, transform_indices = @transform_4, window_bounds = array<i64: 3, 256, 256>}, {pipeline_mode = #tpu.pipeline_mode<synchronous>, transform_indices = @transform_5, window_bounds = array<i64: 3, 256>}, {pipeline_mode = #tpu.pipeline_mode<synchronous>, transform_indices = @transform_6, window_bounds = array<i64: 3, 256, 256>}, {pipeline_mode = #tpu.pipeline_mode<synchronous>, transform_indices = @transform_7, window_bounds = array<i64: 3, 256>}, {transform_indices = @transform_8, window_bounds = array<i64: 3, 1000, 256>}, {transform_indices = @transform_9, window_bounds = array<i64: 1000, 256>}, {transform_indices = @transform_10, window_bounds = array<i64: 1000, 256>}]} {
    %get3A = arith.constant 0 : index
    %get3A_0 = arith.constant 0 : index
    %get3A_1 = vector.load %arg1[%get3A, %get3A_0] : memref<1000x256xf32, #tpu.memory_space<vmem>>, vector<1000x256xf32>
    %get3A_2 = arith.constant 0 : index
    %get3A_3 = arith.constant 0 : index
    %get3A_4 = vector.load %arg2[%get3A_2, %get3A_3] : memref<1000x1xi32, #tpu.memory_space<vmem>>, vector<1000x1xi32>
    %get3A_5 = arith.constant 0 : index
    %get3A_6 = arith.constant 0 : index
    %get3A_7 = arith.constant 0 : index
    %get3A_8 = vector.load %arg3[%get3A_5, %get3A_6, %get3A_7] : memref<3x256x256xf32, #tpu.memory_space<vmem>>, vector<1x256x256xf32>
    %get3A_9 = vector.shape_cast %get3A_8 : vector<1x256x256xf32> to vector<256x256xf32>
    %dot_general3A = arith.constant dense<0.000000e+00> : vector<1000x256xf32>
    %dot_general3A_10 = tpu.matmul %get3A_1, %get3A_9, %dot_general3A {dimension_numbers = #tpu.dot_dimension_numbers<[1], [0], [0], [1], [0, 0, 1, 1], [], []>, transpose_lhs_hint = false} : vector<1000x256xf32>, vector<256x256xf32>, vector<1000x256xf32> -> vector<1000x256xf32>
    %get3A_11 = arith.constant 0 : index
    %get3A_12 = arith.constant 0 : index
    %get3A_13 = vector.load %arg4[%get3A_11, %get3A_12] : memref<3x256xf32, #tpu.memory_space<vmem>>, vector<1x256xf32>
    %get3A_14 = vector.shape_cast %get3A_13 : vector<1x256xf32> to vector<256xf32>
    %broadcast_in_dim3A = vector.shape_cast %get3A_14 : vector<256xf32> to vector<1x256xf32>
    %add3A = vector.broadcast %broadcast_in_dim3A : vector<1x256xf32> to vector<1000x256xf32>
    %add3A_15 = arith.addf %dot_general3A_10, %add3A : vector<1000x256xf32>
    %swap3A = arith.constant 0 : index
    %swap3A_16 = arith.constant 0 : index
    %swap3A_17 = arith.constant 0 : index
    %swap3A_18 = vector.load %arg9[%swap3A, %swap3A_16, %swap3A_17] : memref<3x1000x256xf32, #tpu.memory_space<vmem>>, vector<1x1000x256xf32>
    %swap3A_19 = vector.shape_cast %swap3A_18 : vector<1x1000x256xf32> to vector<1000x256xf32>
    %swap3A_20 = vector.shape_cast %add3A_15 : vector<1000x256xf32> to vector<1x1000x256xf32>
    tpu.vector_store %arg9[%swap3A, %swap3A_16, %swap3A_17], %swap3A_20 {strides = array<i32>} : memref<3x1000x256xf32, #tpu.memory_space<vmem>>, vector<1x1000x256xf32>,
    %get3A_21 = arith.constant 0 : index
    %get3A_22 = arith.constant 0 : index
    %get3A_23 = arith.constant 0 : index
    %get3A_24 = vector.load %arg5[%get3A_21, %get3A_22, %get3A_23] : memref<3x256x256xf32, #tpu.memory_space<vmem>>, vector<1x256x256xf32>
    %get3A_25 = vector.shape_cast %get3A_24 : vector<1x256x256xf32> to vector<256x256xf32>
    %dot_general3A_26 = arith.constant dense<0.000000e+00> : vector<1000x256xf32>
    %dot_general3A_27 = tpu.matmul %get3A_1, %get3A_25, %dot_general3A_26 {dimension_numbers = #tpu.dot_dimension_numbers<[1], [0], [0], [1], [0, 0, 1, 1], [], []>, transpose_lhs_hint = false} : vector<1000x256xf32>, vector<256x256xf32>, vector<1000x256xf32> -> vector<1000x256xf32>
    %get3A_28 = arith.constant 0 : index
    %get3A_29 = arith.constant 0 : index
    %get3A_30 = vector.load %arg6[%get3A_28, %get3A_29] : memref<3x256xf32, #tpu.memory_space<vmem>>, vector<1x256xf32>
    %get3A_31 = vector.shape_cast %get3A_30 : vector<1x256xf32> to vector<256xf32>
    %broadcast_in_dim3A_32 = vector.shape_cast %get3A_31 : vector<256xf32> to vector<1x256xf32>
    %add3A_33 = vector.broadcast %broadcast_in_dim3A_32 : vector<1x256xf32> to vector<1000x256xf32>
    %add3A_34 = arith.addf %dot_general3A_27, %add3A_33 : vector<1000x256xf32>
    %get3A_35 = arith.constant 0 : index
    %get3A_36 = arith.constant 0 : index
    %get3A_37 = arith.constant 0 : index
    %get3A_38 = vector.load %arg7[%get3A_35, %get3A_36, %get3A_37] : memref<3x256x256xf32, #tpu.memory_space<vmem>>, vector<1x256x256xf32>
    %get3A_39 = vector.shape_cast %get3A_38 : vector<1x256x256xf32> to vector<256x256xf32>
    %dot_general3A_40 = arith.constant dense<0.000000e+00> : vector<1000x256xf32>
    %dot_general3A_41 = tpu.matmul %get3A_1, %get3A_39, %dot_general3A_40 {dimension_numbers = #tpu.dot_dimension_numbers<[1], [0], [0], [1], [0, 0, 1, 1], [], []>, transpose_lhs_hint = false} : vector<1000x256xf32>, vector<256x256xf32>, vector<1000x256xf32> -> vector<1000x256xf32>
    %get3A_42 = arith.constant 0 : index
    %get3A_43 = arith.constant 0 : index
    %get3A_44 = vector.load %arg8[%get3A_42, %get3A_43] : memref<3x256xf32, #tpu.memory_space<vmem>>, vector<1x256xf32>
    %get3A_45 = vector.shape_cast %get3A_44 : vector<1x256xf32> to vector<256xf32>
    %broadcast_in_dim3A_46 = vector.shape_cast %get3A_45 : vector<256xf32> to vector<1x256xf32>
    %add3A_47 = vector.broadcast %broadcast_in_dim3A_46 : vector<1x256xf32> to vector<1000x256xf32>
    %add3A_48 = arith.addf %dot_general3A_41, %add3A_47 : vector<1000x256xf32>
    %get3A_49 = arith.constant 1 : index
    %get3A_50 = arith.constant 0 : index
    %get3A_51 = arith.constant 0 : index
    %get3A_52 = vector.load %arg3[%get3A_49, %get3A_50, %get3A_51] : memref<3x256x256xf32, #tpu.memory_space<vmem>>, vector<1x256x256xf32>
    %get3A_53 = vector.shape_cast %get3A_52 : vector<1x256x256xf32> to vector<256x256xf32>
    %dot_general3A_54 = arith.constant dense<0.000000e+00> : vector<1000x256xf32>
    %dot_general3A_55 = tpu.matmul %get3A_1, %get3A_53, %dot_general3A_54 {dimension_numbers = #tpu.dot_dimension_numbers<[1], [0], [0], [1], [0, 0, 1, 1], [], []>, transpose_lhs_hint = false} : vector<1000x256xf32>, vector<256x256xf32>, vector<1000x256xf32> -> vector<1000x256xf32>
    %get3A_56 = arith.constant 1 : index
    %get3A_57 = arith.constant 0 : index
    %get3A_58 = vector.load %arg4[%get3A_56, %get3A_57] : memref<3x256xf32, #tpu.memory_space<vmem>>, vector<1x256xf32>
    %get3A_59 = vector.shape_cast %get3A_58 : vector<1x256xf32> to vector<256xf32>
    %broadcast_in_dim3A_60 = vector.shape_cast %get3A_59 : vector<256xf32> to vector<1x256xf32>
    %add3A_61 = vector.broadcast %broadcast_in_dim3A_60 : vector<1x256xf32> to vector<1000x256xf32>
    %add3A_62 = arith.addf %dot_general3A_55, %add3A_61 : vector<1000x256xf32>
    %swap3A_63 = arith.constant 1 : index
    %swap3A_64 = arith.constant 0 : index
    %swap3A_65 = arith.constant 0 : index
    %swap3A_66 = vector.load %arg9[%swap3A_63, %swap3A_64, %swap3A_65] : memref<3x1000x256xf32, #tpu.memory_space<vmem>>, vector<1x1000x256xf32>
    %swap3A_67 = vector.shape_cast %swap3A_66 : vector<1x1000x256xf32> to vector<1000x256xf32>
    %swap3A_68 = vector.shape_cast %add3A_62 : vector<1000x256xf32> to vector<1x1000x256xf32>
    tpu.vector_store %arg9[%swap3A_63, %swap3A_64, %swap3A_65], %swap3A_68 {strides = array<i32>} : memref<3x1000x256xf32, #tpu.memory_space<vmem>>, vector<1x1000x256xf32>,
    %get3A_69 = arith.constant 1 : index
    %get3A_70 = arith.constant 0 : index
    %get3A_71 = arith.constant 0 : index
    %get3A_72 = vector.load %arg5[%get3A_69, %get3A_70, %get3A_71] : memref<3x256x256xf32, #tpu.memory_space<vmem>>, vector<1x256x256xf32>
    %get3A_73 = vector.shape_cast %get3A_72 : vector<1x256x256xf32> to vector<256x256xf32>
    %dot_general3A_74 = arith.constant dense<0.000000e+00> : vector<1000x256xf32>
    %dot_general3A_75 = tpu.matmul %get3A_1, %get3A_73, %dot_general3A_74 {dimension_numbers = #tpu.dot_dimension_numbers<[1], [0], [0], [1], [0, 0, 1, 1], [], []>, transpose_lhs_hint = false} : vector<1000x256xf32>, vector<256x256xf32>, vector<1000x256xf32> -> vector<1000x256xf32>
    %get3A_76 = arith.constant 1 : index
    %get3A_77 = arith.constant 0 : index
    %get3A_78 = vector.load %arg6[%get3A_76, %get3A_77] : memref<3x256xf32, #tpu.memory_space<vmem>>, vector<1x256xf32>
    %get3A_79 = vector.shape_cast %get3A_78 : vector<1x256xf32> to vector<256xf32>
    %broadcast_in_dim3A_80 = vector.shape_cast %get3A_79 : vector<256xf32> to vector<1x256xf32>
    %add3A_81 = vector.broadcast %broadcast_in_dim3A_80 : vector<1x256xf32> to vector<1000x256xf32>
    %add3A_82 = arith.addf %dot_general3A_75, %add3A_81 : vector<1000x256xf32>
    %get3A_83 = arith.constant 1 : index
    %get3A_84 = arith.constant 0 : index
    %get3A_85 = arith.constant 0 : index
    %get3A_86 = vector.load %arg7[%get3A_83, %get3A_84, %get3A_85] : memref<3x256x256xf32, #tpu.memory_space<vmem>>, vector<1x256x256xf32>
    %get3A_87 = vector.shape_cast %get3A_86 : vector<1x256x256xf32> to vector<256x256xf32>
    %dot_general3A_88 = arith.constant dense<0.000000e+00> : vector<1000x256xf32>
    %dot_general3A_89 = tpu.matmul %get3A_1, %get3A_87, %dot_general3A_88 {dimension_numbers = #tpu.dot_dimension_numbers<[1], [0], [0], [1], [0, 0, 1, 1], [], []>, transpose_lhs_hint = false} : vector<1000x256xf32>, vector<256x256xf32>, vector<1000x256xf32> -> vector<1000x256xf32>
    %get3A_90 = arith.constant 1 : index
    %get3A_91 = arith.constant 0 : index
    %get3A_92 = vector.load %arg8[%get3A_90, %get3A_91] : memref<3x256xf32, #tpu.memory_space<vmem>>, vector<1x256xf32>
    %get3A_93 = vector.shape_cast %get3A_92 : vector<1x256xf32> to vector<256xf32>
    %broadcast_in_dim3A_94 = vector.shape_cast %get3A_93 : vector<256xf32> to vector<1x256xf32>
    %add3A_95 = vector.broadcast %broadcast_in_dim3A_94 : vector<1x256xf32> to vector<1000x256xf32>
    %add3A_96 = arith.addf %dot_general3A_89, %add3A_95 : vector<1000x256xf32>
    %get3A_97 = arith.constant 2 : index
    %get3A_98 = arith.constant 0 : index
    %get3A_99 = arith.constant 0 : index
    %get3A_100 = vector.load %arg3[%get3A_97, %get3A_98, %get3A_99] : memref<3x256x256xf32, #tpu.memory_space<vmem>>, vector<1x256x256xf32>
    %get3A_101 = vector.shape_cast %get3A_100 : vector<1x256x256xf32> to vector<256x256xf32>
    %dot_general3A_102 = arith.constant dense<0.000000e+00> : vector<1000x256xf32>
    %dot_general3A_103 = tpu.matmul %get3A_1, %get3A_101, %dot_general3A_102 {dimension_numbers = #tpu.dot_dimension_numbers<[1], [0], [0], [1], [0, 0, 1, 1], [], []>, transpose_lhs_hint = false} : vector<1000x256xf32>, vector<256x256xf32>, vector<1000x256xf32> -> vector<1000x256xf32>
    %get3A_104 = arith.constant 2 : index
    %get3A_105 = arith.constant 0 : index
    %get3A_106 = vector.load %arg4[%get3A_104, %get3A_105] : memref<3x256xf32, #tpu.memory_space<vmem>>, vector<1x256xf32>
    %get3A_107 = vector.shape_cast %get3A_106 : vector<1x256xf32> to vector<256xf32>
    %broadcast_in_dim3A_108 = vector.shape_cast %get3A_107 : vector<256xf32> to vector<1x256xf32>
    %add3A_109 = vector.broadcast %broadcast_in_dim3A_108 : vector<1x256xf32> to vector<1000x256xf32>
    %add3A_110 = arith.addf %dot_general3A_103, %add3A_109 : vector<1000x256xf32>
    %swap3A_111 = arith.constant 2 : index
    %swap3A_112 = arith.constant 0 : index
    %swap3A_113 = arith.constant 0 : index
    %swap3A_114 = vector.load %arg9[%swap3A_111, %swap3A_112, %swap3A_113] : memref<3x1000x256xf32, #tpu.memory_space<vmem>>, vector<1x1000x256xf32>
    %swap3A_115 = vector.shape_cast %swap3A_114 : vector<1x1000x256xf32> to vector<1000x256xf32>
    %swap3A_116 = vector.shape_cast %add3A_110 : vector<1000x256xf32> to vector<1x1000x256xf32>
    tpu.vector_store %arg9[%swap3A_111, %swap3A_112, %swap3A_113], %swap3A_116 {strides = array<i32>} : memref<3x1000x256xf32, #tpu.memory_space<vmem>>, vector<1x1000x256xf32>,
    %get3A_117 = arith.constant 2 : index
    %get3A_118 = arith.constant 0 : index
    %get3A_119 = arith.constant 0 : index
    %get3A_120 = vector.load %arg5[%get3A_117, %get3A_118, %get3A_119] : memref<3x256x256xf32, #tpu.memory_space<vmem>>, vector<1x256x256xf32>
    %get3A_121 = vector.shape_cast %get3A_120 : vector<1x256x256xf32> to vector<256x256xf32>
    %dot_general3A_122 = arith.constant dense<0.000000e+00> : vector<1000x256xf32>
    %dot_general3A_123 = tpu.matmul %get3A_1, %get3A_121, %dot_general3A_122 {dimension_numbers = #tpu.dot_dimension_numbers<[1], [0], [0], [1], [0, 0, 1, 1], [], []>, transpose_lhs_hint = false} : vector<1000x256xf32>, vector<256x256xf32>, vector<1000x256xf32> -> vector<1000x256xf32>
    %get3A_124 = arith.constant 2 : index
    %get3A_125 = arith.constant 0 : index
    %get3A_126 = vector.load %arg6[%get3A_124, %get3A_125] : memref<3x256xf32, #tpu.memory_space<vmem>>, vector<1x256xf32>
    %get3A_127 = vector.shape_cast %get3A_126 : vector<1x256xf32> to vector<256xf32>
    %broadcast_in_dim3A_128 = vector.shape_cast %get3A_127 : vector<256xf32> to vector<1x256xf32>
    %add3A_129 = vector.broadcast %broadcast_in_dim3A_128 : vector<1x256xf32> to vector<1000x256xf32>
    %add3A_130 = arith.addf %dot_general3A_123, %add3A_129 : vector<1000x256xf32>
    %get3A_131 = arith.constant 2 : index
    %get3A_132 = arith.constant 0 : index
    %get3A_133 = arith.constant 0 : index
    %get3A_134 = vector.load %arg7[%get3A_131, %get3A_132, %get3A_133] : memref<3x256x256xf32, #tpu.memory_space<vmem>>, vector<1x256x256xf32>
    %get3A_135 = vector.shape_cast %get3A_134 : vector<1x256x256xf32> to vector<256x256xf32>
    %dot_general3A_136 = arith.constant dense<0.000000e+00> : vector<1000x256xf32>
    %dot_general3A_137 = tpu.matmul %get3A_1, %get3A_135, %dot_general3A_136 {dimension_numbers = #tpu.dot_dimension_numbers<[1], [0], [0], [1], [0, 0, 1, 1], [], []>, transpose_lhs_hint = false} : vector<1000x256xf32>, vector<256x256xf32>, vector<1000x256xf32> -> vector<1000x256xf32>
    %get3A_138 = arith.constant 2 : index
    %get3A_139 = arith.constant 0 : index
    %get3A_140 = vector.load %arg8[%get3A_138, %get3A_139] : memref<3x256xf32, #tpu.memory_space<vmem>>, vector<1x256xf32>
    %get3A_141 = vector.shape_cast %get3A_140 : vector<1x256xf32> to vector<256xf32>
    %broadcast_in_dim3A_142 = vector.shape_cast %get3A_141 : vector<256xf32> to vector<1x256xf32>
    %add3A_143 = vector.broadcast %broadcast_in_dim3A_142 : vector<1x256xf32> to vector<1000x256xf32>
    %add3A_144 = arith.addf %dot_general3A_137, %add3A_143 : vector<1000x256xf32>
    %eq3A = arith.constant 0 : i32
    %eq3A_145 = vector.broadcast %eq3A : i32 to vector<1000x1xi32>
    %eq3A_146 = arith.cmpi eq, %get3A_4, %eq3A_145 : vector<1000x1xi32>
    %eq3A_147 = arith.constant 1 : i32
    %eq3A_148 = vector.broadcast %eq3A_147 : i32 to vector<1000x1xi32>
    %eq3A_149 = arith.cmpi eq, %get3A_4, %eq3A_148 : vector<1000x1xi32>
    %broadcast_in_dim3A_150 = vector.shape_cast %eq3A_149 : vector<1000x1xi1> to vector<1000x1xi1>
    %broadcast_in_dim3A_151 = vector.broadcast %broadcast_in_dim3A_150 : vector<1000x1xi1> to vector<1000x256xi1>
    %select_n3A = arith.select %broadcast_in_dim3A_151, %add3A_82, %add3A_130 : vector<1000x256xi1>, vector<1000x256xf32>
    %broadcast_in_dim3A_152 = vector.shape_cast %eq3A_146 : vector<1000x1xi1> to vector<1000x1xi1>
    %broadcast_in_dim3A_153 = vector.broadcast %broadcast_in_dim3A_152 : vector<1000x1xi1> to vector<1000x256xi1>
    %select_n3A_154 = arith.select %broadcast_in_dim3A_153, %add3A_34, %select_n3A : vector<1000x256xi1>, vector<1000x256xf32>
    %swap3A_155 = arith.constant 0 : index
    %swap3A_156 = arith.constant 0 : index
    %swap3A_157 = vector.load %arg10[%swap3A_155, %swap3A_156] : memref<1000x256xf32, #tpu.memory_space<vmem>>, vector<1000x256xf32>
    tpu.vector_store %arg10[%swap3A_155, %swap3A_156], %select_n3A_154 {strides = array<i32>} : memref<1000x256xf32, #tpu.memory_space<vmem>>, vector<1000x256xf32>,
    %eq3A_158 = arith.constant 0 : i32
    %eq3A_159 = vector.broadcast %eq3A_158 : i32 to vector<1000x1xi32>
    %eq3A_160 = arith.cmpi eq, %get3A_4, %eq3A_159 : vector<1000x1xi32>
    %eq3A_161 = arith.constant 1 : i32
    %eq3A_162 = vector.broadcast %eq3A_161 : i32 to vector<1000x1xi32>
    %eq3A_163 = arith.cmpi eq, %get3A_4, %eq3A_162 : vector<1000x1xi32>
    %broadcast_in_dim3A_164 = vector.shape_cast %eq3A_163 : vector<1000x1xi1> to vector<1000x1xi1>
    %broadcast_in_dim3A_165 = vector.broadcast %broadcast_in_dim3A_164 : vector<1000x1xi1> to vector<1000x256xi1>
    %select_n3A_166 = arith.select %broadcast_in_dim3A_165, %add3A_96, %add3A_144 : vector<1000x256xi1>, vector<1000x256xf32>
    %broadcast_in_dim3A_167 = vector.shape_cast %eq3A_160 : vector<1000x1xi1> to vector<1000x1xi1>
    %broadcast_in_dim3A_168 = vector.broadcast %broadcast_in_dim3A_167 : vector<1000x1xi1> to vector<1000x256xi1>
    %select_n3A_169 = arith.select %broadcast_in_dim3A_168, %add3A_48, %select_n3A_166 : vector<1000x256xi1>, vector<1000x256xf32>
    %swap3A_170 = arith.constant 0 : index
    %swap3A_171 = arith.constant 0 : index
    %swap3A_172 = vector.load %arg11[%swap3A_170, %swap3A_171] : memref<1000x256xf32, #tpu.memory_space<vmem>>, vector<1000x256xf32>
    tpu.vector_store %arg11[%swap3A_170, %swap3A_171], %select_n3A_169 {strides = array<i32>} : memref<1000x256xf32, #tpu.memory_space<vmem>>, vector<1000x256xf32>,
    return
  }
  func.func @transform_0(%arg0: i32) -> (i32, i32) {
    %c0_i32 = arith.constant 0 : i32
    %c0_i32_0 = arith.constant 0 : i32
    return %arg0, %c0_i32 : i32, i32
  }
  func.func @transform_1(%arg0: i32) -> (i32, i32) {
    %c0_i32 = arith.constant 0 : i32
    %c0_i32_0 = arith.constant 0 : i32
    return %arg0, %c0_i32 : i32, i32
  }
  func.func @transform_2(%arg0: i32) -> (i32, i32, i32) {
    %c0_i32 = arith.constant 0 : i32
    %c0_i32_0 = arith.constant 0 : i32
    %c0_i32_1 = arith.constant 0 : i32
    %c0_i32_2 = arith.constant 0 : i32
    return %c0_i32, %c0_i32_0, %c0_i32_1 : i32, i32, i32
  }
  func.func @transform_3(%arg0: i32) -> (i32, i32) {
    %c0_i32 = arith.constant 0 : i32
    %c0_i32_0 = arith.constant 0 : i32
    %c0_i32_1 = arith.constant 0 : i32
    return %c0_i32, %c0_i32_0 : i32, i32
  }
  func.func @transform_4(%arg0: i32) -> (i32, i32, i32) {
    %c0_i32 = arith.constant 0 : i32
    %c0_i32_0 = arith.constant 0 : i32
    %c0_i32_1 = arith.constant 0 : i32
    %c0_i32_2 = arith.constant 0 : i32
    return %c0_i32, %c0_i32_0, %c0_i32_1 : i32, i32, i32
  }
  func.func @transform_5(%arg0: i32) -> (i32, i32) {
    %c0_i32 = arith.constant 0 : i32
    %c0_i32_0 = arith.constant 0 : i32
    %c0_i32_1 = arith.constant 0 : i32
    return %c0_i32, %c0_i32_0 : i32, i32
  }
  func.func @transform_6(%arg0: i32) -> (i32, i32, i32) {
    %c0_i32 = arith.constant 0 : i32
    %c0_i32_0 = arith.constant 0 : i32
    %c0_i32_1 = arith.constant 0 : i32
    %c0_i32_2 = arith.constant 0 : i32
    return %c0_i32, %c0_i32_0, %c0_i32_1 : i32, i32, i32
  }
  func.func @transform_7(%arg0: i32) -> (i32, i32) {
    %c0_i32 = arith.constant 0 : i32
    %c0_i32_0 = arith.constant 0 : i32
    %c0_i32_1 = arith.constant 0 : i32
    return %c0_i32, %c0_i32_0 : i32, i32
  }
  func.func @transform_8(%arg0: i32) -> (i32, i32, i32) {
    %c0_i32 = arith.constant 0 : i32
    %c0_i32_0 = arith.constant 0 : i32
    %c0_i32_1 = arith.constant 0 : i32
    return %c0_i32, %arg0, %c0_i32_0 : i32, i32, i32
  }
  func.func @transform_9(%arg0: i32) -> (i32, i32) {
    %c0_i32 = arith.constant 0 : i32
    %c0_i32_0 = arith.constant 0 : i32
    return %arg0, %c0_i32 : i32, i32
  }
  func.func @transform_10(%arg0: i32) -> (i32, i32) {
    %c0_i32 = arith.constant 0 : i32
    %c0_i32_0 = arith.constant 0 : i32
    return %arg0, %c0_i32 : i32, i32
  }
}

module attributes {stable_mosaic.version = 14 : i64} {
  func.func @c2_body(%arg0: i32, %arg1: memref<2048x256xf32, #tpu.memory_space<vmem>>, %arg2: memref<2048x256xf32, #tpu.memory_space<vmem>>, %arg3: memref<2048x16xf32, #tpu.memory_space<vmem>>, %arg4: memref<2048x1xi32, #tpu.memory_space<vmem>>, %arg5: memref<3x256xf32, #tpu.memory_space<vmem>>, %arg6: memref<3x16x256xf32, #tpu.memory_space<vmem>>, %arg7: memref<2048x128xf32, #tpu.memory_space<vmem>>, %arg8: memref<2048x128xf32, #tpu.memory_space<vmem>>, %arg9: memref<2048x1xf32, #tpu.memory_space<vmem>>) attributes {dimension_semantics = [#tpu.dimension_semantics<arbitrary>], iteration_bounds = array<i64: 80>, scalar_prefetch = 0 : i64, scratch_operands = 0 : i64, tpu.core_type = #tpu.core_type<tc>, window_params = [{transform_indices = @transform_0, window_bounds = array<i64: 2048, 256>}, {transform_indices = @transform_1, window_bounds = array<i64: 2048, 256>}, {transform_indices = @transform_2, window_bounds = array<i64: 2048, 16>}, {transform_indices = @transform_3, window_bounds = array<i64: 2048, 1>}, {pipeline_mode = #tpu.pipeline_mode<synchronous>, transform_indices = @transform_4, window_bounds = array<i64: 3, 256>}, {pipeline_mode = #tpu.pipeline_mode<synchronous>, transform_indices = @transform_5, window_bounds = array<i64: 3, 16, 256>}, {transform_indices = @transform_6, window_bounds = array<i64: 2048, 128>}, {transform_indices = @transform_7, window_bounds = array<i64: 2048, 128>}, {transform_indices = @transform_8, window_bounds = array<i64: 2048, 1>}]} {
    %get3A = arith.constant 0 : index
    %get3A_0 = arith.constant 0 : index
    %get3A_1 = vector.load %arg4[%get3A, %get3A_0] : memref<2048x1xi32, #tpu.memory_space<vmem>>, vector<2048x1xi32>
    %eq3A = arith.constant 0 : i32
    %eq3A_2 = vector.broadcast %eq3A : i32 to vector<2048x1xi32>
    %eq3A_3 = arith.cmpi eq, %get3A_1, %eq3A_2 : vector<2048x1xi32>
    %get3A_4 = arith.constant 0 : index
    %get3A_5 = arith.constant 0 : index
    %get3A_6 = vector.load %arg5[%get3A_4, %get3A_5] : memref<3x256xf32, #tpu.memory_space<vmem>>, vector<1x256xf32>
    %get3A_7 = vector.shape_cast %get3A_6 : vector<1x256xf32> to vector<256xf32>
    %broadcast_in_dim3A = vector.shape_cast %get3A_7 : vector<256xf32> to vector<1x256xf32>
    %eq3A_8 = arith.constant 1 : i32
    %eq3A_9 = vector.broadcast %eq3A_8 : i32 to vector<2048x1xi32>
    %eq3A_10 = arith.cmpi eq, %get3A_1, %eq3A_9 : vector<2048x1xi32>
    %get3A_11 = arith.constant 1 : index
    %get3A_12 = arith.constant 0 : index
    %get3A_13 = vector.load %arg5[%get3A_11, %get3A_12] : memref<3x256xf32, #tpu.memory_space<vmem>>, vector<1x256xf32>
    %get3A_14 = vector.shape_cast %get3A_13 : vector<1x256xf32> to vector<256xf32>
    %broadcast_in_dim3A_15 = vector.shape_cast %get3A_14 : vector<256xf32> to vector<1x256xf32>
    %get3A_16 = arith.constant 2 : index
    %get3A_17 = arith.constant 0 : index
    %get3A_18 = vector.load %arg5[%get3A_16, %get3A_17] : memref<3x256xf32, #tpu.memory_space<vmem>>, vector<1x256xf32>
    %get3A_19 = vector.shape_cast %get3A_18 : vector<1x256xf32> to vector<256xf32>
    %broadcast_in_dim3A_20 = vector.shape_cast %get3A_19 : vector<256xf32> to vector<1x256xf32>
    %broadcast_in_dim3A_21 = vector.shape_cast %eq3A_10 : vector<2048x1xi1> to vector<2048x1xi1>
    %broadcast_in_dim3A_22 = vector.broadcast %broadcast_in_dim3A_21 : vector<2048x1xi1> to vector<2048x256xi1>
    %broadcast_in_dim3A_23 = vector.shape_cast %broadcast_in_dim3A_15 : vector<1x256xf32> to vector<1x256xf32>
    %broadcast_in_dim3A_24 = vector.broadcast %broadcast_in_dim3A_23 : vector<1x256xf32> to vector<2048x256xf32>
    %broadcast_in_dim3A_25 = vector.shape_cast %broadcast_in_dim3A_20 : vector<1x256xf32> to vector<1x256xf32>
    %broadcast_in_dim3A_26 = vector.broadcast %broadcast_in_dim3A_25 : vector<1x256xf32> to vector<2048x256xf32>
    %select_n3A = arith.select %broadcast_in_dim3A_22, %broadcast_in_dim3A_24, %broadcast_in_dim3A_26 : vector<2048x256xi1>, vector<2048x256xf32>
    %broadcast_in_dim3A_27 = vector.shape_cast %eq3A_3 : vector<2048x1xi1> to vector<2048x1xi1>
    %broadcast_in_dim3A_28 = vector.broadcast %broadcast_in_dim3A_27 : vector<2048x1xi1> to vector<2048x256xi1>
    %broadcast_in_dim3A_29 = vector.shape_cast %broadcast_in_dim3A : vector<1x256xf32> to vector<1x256xf32>
    %broadcast_in_dim3A_30 = vector.broadcast %broadcast_in_dim3A_29 : vector<1x256xf32> to vector<2048x256xf32>
    %select_n3A_31 = arith.select %broadcast_in_dim3A_28, %broadcast_in_dim3A_30, %select_n3A : vector<2048x256xi1>, vector<2048x256xf32>
    %get3A_32 = arith.constant 0 : index
    %get3A_33 = arith.constant 0 : index
    %get3A_34 = vector.load %arg3[%get3A_32, %get3A_33] : memref<2048x16xf32, #tpu.memory_space<vmem>>, vector<2048x16xf32>
    %get3A_35 = arith.constant 0 : index
    %get3A_36 = arith.constant 0 : index
    %get3A_37 = arith.constant 0 : index
    %get3A_38 = vector.load %arg6[%get3A_35, %get3A_36, %get3A_37] : memref<3x16x256xf32, #tpu.memory_space<vmem>>, vector<1x16x256xf32>
    %get3A_39 = vector.shape_cast %get3A_38 : vector<1x16x256xf32> to vector<16x256xf32>
    %dot_general3A = arith.constant dense<0.000000e+00> : vector<2048x256xf32>
    %dot_general3A_40 = tpu.matmul %get3A_34, %get3A_39, %dot_general3A {dimension_numbers = #tpu.dot_dimension_numbers<[1], [0], [0], [1], [0, 0, 1, 1], [], []>, transpose_lhs_hint = false} : vector<2048x16xf32>, vector<16x256xf32>, vector<2048x256xf32> -> vector<2048x256xf32>
    %get3A_41 = arith.constant 1 : index
    %get3A_42 = arith.constant 0 : index
    %get3A_43 = arith.constant 0 : index
    %get3A_44 = vector.load %arg6[%get3A_41, %get3A_42, %get3A_43] : memref<3x16x256xf32, #tpu.memory_space<vmem>>, vector<1x16x256xf32>
    %get3A_45 = vector.shape_cast %get3A_44 : vector<1x16x256xf32> to vector<16x256xf32>
    %dot_general3A_46 = arith.constant dense<0.000000e+00> : vector<2048x256xf32>
    %dot_general3A_47 = tpu.matmul %get3A_34, %get3A_45, %dot_general3A_46 {dimension_numbers = #tpu.dot_dimension_numbers<[1], [0], [0], [1], [0, 0, 1, 1], [], []>, transpose_lhs_hint = false} : vector<2048x16xf32>, vector<16x256xf32>, vector<2048x256xf32> -> vector<2048x256xf32>
    %get3A_48 = arith.constant 2 : index
    %get3A_49 = arith.constant 0 : index
    %get3A_50 = arith.constant 0 : index
    %get3A_51 = vector.load %arg6[%get3A_48, %get3A_49, %get3A_50] : memref<3x16x256xf32, #tpu.memory_space<vmem>>, vector<1x16x256xf32>
    %get3A_52 = vector.shape_cast %get3A_51 : vector<1x16x256xf32> to vector<16x256xf32>
    %dot_general3A_53 = arith.constant dense<0.000000e+00> : vector<2048x256xf32>
    %dot_general3A_54 = tpu.matmul %get3A_34, %get3A_52, %dot_general3A_53 {dimension_numbers = #tpu.dot_dimension_numbers<[1], [0], [0], [1], [0, 0, 1, 1], [], []>, transpose_lhs_hint = false} : vector<2048x16xf32>, vector<16x256xf32>, vector<2048x256xf32> -> vector<2048x256xf32>
    %eq3A_55 = arith.constant 0 : i32
    %eq3A_56 = vector.broadcast %eq3A_55 : i32 to vector<2048x1xi32>
    %eq3A_57 = arith.cmpi eq, %get3A_1, %eq3A_56 : vector<2048x1xi32>
    %eq3A_58 = arith.constant 1 : i32
    %eq3A_59 = vector.broadcast %eq3A_58 : i32 to vector<2048x1xi32>
    %eq3A_60 = arith.cmpi eq, %get3A_1, %eq3A_59 : vector<2048x1xi32>
    %broadcast_in_dim3A_61 = vector.shape_cast %eq3A_60 : vector<2048x1xi1> to vector<2048x1xi1>
    %broadcast_in_dim3A_62 = vector.broadcast %broadcast_in_dim3A_61 : vector<2048x1xi1> to vector<2048x256xi1>
    %select_n3A_63 = arith.select %broadcast_in_dim3A_62, %dot_general3A_47, %dot_general3A_54 : vector<2048x256xi1>, vector<2048x256xf32>
    %broadcast_in_dim3A_64 = vector.shape_cast %eq3A_57 : vector<2048x1xi1> to vector<2048x1xi1>
    %broadcast_in_dim3A_65 = vector.broadcast %broadcast_in_dim3A_64 : vector<2048x1xi1> to vector<2048x256xi1>
    %select_n3A_66 = arith.select %broadcast_in_dim3A_65, %dot_general3A_40, %select_n3A_63 : vector<2048x256xi1>, vector<2048x256xf32>
    %get3A_67 = arith.constant 0 : index
    %get3A_68 = arith.constant 0 : index
    %get3A_69 = vector.load %arg1[%get3A_67, %get3A_68] : memref<2048x256xf32, #tpu.memory_space<vmem>>, vector<2048x256xf32>
    %get3A_70 = arith.constant 0 : index
    %get3A_71 = arith.constant 0 : index
    %get3A_72 = vector.load %arg2[%get3A_70, %get3A_71] : memref<2048x256xf32, #tpu.memory_space<vmem>>, vector<2048x256xf32>
    %add3A = arith.addf %get3A_69, %get3A_72 : vector<2048x256xf32>
    %add3A_73 = arith.addf %add3A, %select_n3A_66 : vector<2048x256xf32>
    %mul3A = arith.constant 2.000000e-01 : f32
    %mul3A_74 = vector.broadcast %mul3A : f32 to vector<2048x256xf32>
    %mul3A_75 = arith.mulf %add3A_73, %mul3A_74 : vector<2048x256xf32>
    %max3A = arith.maximumf %add3A_73, %mul3A_75 : vector<2048x256xf32>
    %mul3A_76 = arith.mulf %max3A, %select_n3A_31 : vector<2048x256xf32>
    %reduce_sum3A = arith.constant dense<0.000000e+00> : vector<2048xf32>
    %reduce_sum3A_77 = vector.multi_reduction <add>, %mul3A_76, %reduce_sum3A [1] : vector<2048x256xf32> to vector<2048xf32>
    %broadcast_in_dim3A_78 = vector.shape_cast %reduce_sum3A_77 : vector<2048xf32> to vector<2048x1xf32>
    %mul3A_79 = arith.constant 2048 : i32
    %mul3A_80 = arith.muli %arg0, %mul3A_79 : i32
    %iota3A = tpu.iota {dimensions = array<i32: 0>} : vector<2048x1xi32>
    %add3A_81 = vector.broadcast %mul3A_80 : i32 to vector<2048x1xi32>
    %add3A_82 = arith.addi %add3A_81, %iota3A : vector<2048x1xi32>
    %lt3A = arith.constant 160000 : i32
    %lt3A_83 = vector.broadcast %lt3A : i32 to vector<2048x1xi32>
    %lt3A_84 = arith.cmpi slt, %add3A_82, %lt3A_83 : vector<2048x1xi32>
    %exp3A = math.exp %broadcast_in_dim3A_78 : vector<2048x1xf32>
    %jit3A = arith.constant 0.000000e+00 : f32
    %broadcast_in_dim3A_85 = vector.broadcast %jit3A : f32 to vector<2048x1xf32>
    %select_n3A_86 = arith.select %lt3A_84, %exp3A, %broadcast_in_dim3A_85 : vector<2048x1xi1>, vector<2048x1xf32>
    %swap3A = arith.constant 0 : index
    %swap3A_87 = arith.constant 0 : index
    %swap3A_88 = vector.load %arg9[%swap3A, %swap3A_87] : memref<2048x1xf32, #tpu.memory_space<vmem>>, vector<2048x1xf32>
    tpu.vector_store %arg9[%swap3A, %swap3A_87], %select_n3A_86 {strides = array<i32>} : memref<2048x1xf32, #tpu.memory_space<vmem>>, vector<2048x1xf32>,
    %slice3A = vector.extract_strided_slice %get3A_69 {offsets = [0, 0], sizes = [2048, 128], strides = [1, 1]} : vector<2048x256xf32> to vector<2048x128xf32>
    %mul3A_89 = vector.broadcast %select_n3A_86 : vector<2048x1xf32> to vector<2048x128xf32>
    %mul3A_90 = arith.mulf %slice3A, %mul3A_89 : vector<2048x128xf32>
    %swap3A_91 = arith.constant 0 : index
    %swap3A_92 = arith.constant 0 : index
    %swap3A_93 = vector.load %arg7[%swap3A_91, %swap3A_92] : memref<2048x128xf32, #tpu.memory_space<vmem>>, vector<2048x128xf32>
    tpu.vector_store %arg7[%swap3A_91, %swap3A_92], %mul3A_90 {strides = array<i32>} : memref<2048x128xf32, #tpu.memory_space<vmem>>, vector<2048x128xf32>,
    %slice3A_94 = vector.extract_strided_slice %get3A_69 {offsets = [0, 128], sizes = [2048, 128], strides = [1, 1]} : vector<2048x256xf32> to vector<2048x128xf32>
    %mul3A_95 = vector.broadcast %select_n3A_86 : vector<2048x1xf32> to vector<2048x128xf32>
    %mul3A_96 = arith.mulf %slice3A_94, %mul3A_95 : vector<2048x128xf32>
    %swap3A_97 = arith.constant 0 : index
    %swap3A_98 = arith.constant 0 : index
    %swap3A_99 = vector.load %arg8[%swap3A_97, %swap3A_98] : memref<2048x128xf32, #tpu.memory_space<vmem>>, vector<2048x128xf32>
    tpu.vector_store %arg8[%swap3A_97, %swap3A_98], %mul3A_96 {strides = array<i32>} : memref<2048x128xf32, #tpu.memory_space<vmem>>, vector<2048x128xf32>,
    return
  }
  func.func @transform_0(%arg0: i32) -> (i32, i32) {
    %c0_i32 = arith.constant 0 : i32
    %c0_i32_0 = arith.constant 0 : i32
    return %arg0, %c0_i32 : i32, i32
  }
  func.func @transform_1(%arg0: i32) -> (i32, i32) {
    %c0_i32 = arith.constant 0 : i32
    %c0_i32_0 = arith.constant 0 : i32
    return %arg0, %c0_i32 : i32, i32
  }
  func.func @transform_2(%arg0: i32) -> (i32, i32) {
    %c0_i32 = arith.constant 0 : i32
    %c0_i32_0 = arith.constant 0 : i32
    return %arg0, %c0_i32 : i32, i32
  }
  func.func @transform_3(%arg0: i32) -> (i32, i32) {
    %c0_i32 = arith.constant 0 : i32
    %c0_i32_0 = arith.constant 0 : i32
    return %arg0, %c0_i32 : i32, i32
  }
  func.func @transform_4(%arg0: i32) -> (i32, i32) {
    %c0_i32 = arith.constant 0 : i32
    %c0_i32_0 = arith.constant 0 : i32
    %c0_i32_1 = arith.constant 0 : i32
    return %c0_i32, %c0_i32_0 : i32, i32
  }
  func.func @transform_5(%arg0: i32) -> (i32, i32, i32) {
    %c0_i32 = arith.constant 0 : i32
    %c0_i32_0 = arith.constant 0 : i32
    %c0_i32_1 = arith.constant 0 : i32
    %c0_i32_2 = arith.constant 0 : i32
    return %c0_i32, %c0_i32_0, %c0_i32_1 : i32, i32, i32
  }
  func.func @transform_6(%arg0: i32) -> (i32, i32) {
    %c0_i32 = arith.constant 0 : i32
    %c0_i32_0 = arith.constant 0 : i32
    return %arg0, %c0_i32 : i32, i32
  }
  func.func @transform_7(%arg0: i32) -> (i32, i32) {
    %c0_i32 = arith.constant 0 : i32
    %c0_i32_0 = arith.constant 0 : i32
    return %arg0, %c0_i32 : i32, i32
  }
  func.func @transform_8(%arg0: i32) -> (i32, i32) {
    %c0_i32 = arith.constant 0 : i32
    %c0_i32_0 = arith.constant 0 : i32
    return %arg0, %c0_i32 : i32, i32
  }
}

module attributes {stable_mosaic.version = 14 : i64} {
  func.func @_final_body(%arg0: i32, %arg1: memref<2x1000x128xf32, #tpu.memory_space<vmem>>, %arg2: memref<1000x1xf32, #tpu.memory_space<vmem>>, %arg3: memref<1000x256xf32, #tpu.memory_space<vmem>>, %arg4: memref<1000x256xf32, #tpu.memory_space<vmem>>) attributes {dimension_semantics = [#tpu.dimension_semantics<arbitrary>], iteration_bounds = array<i64: 10>, scalar_prefetch = 0 : i64, scratch_operands = 0 : i64, tpu.core_type = #tpu.core_type<tc>, window_params = [{transform_indices = @transform_0, window_bounds = array<i64: 2, 1000, 128>}, {transform_indices = @transform_1, window_bounds = array<i64: 1000, 1>}, {transform_indices = @transform_2, window_bounds = array<i64: 1000, 256>}, {transform_indices = @transform_3, window_bounds = array<i64: 1000, 256>}]} {
    %get3A = arith.constant 0 : index
    %get3A_0 = arith.constant 0 : index
    %get3A_1 = vector.load %arg2[%get3A, %get3A_0] : memref<1000x1xf32, #tpu.memory_space<vmem>>, vector<1000x1xf32>
    %add3A = arith.constant 1.000000e-16 : f32
    %add3A_2 = vector.broadcast %add3A : f32 to vector<1000x1xf32>
    %add3A_3 = arith.addf %get3A_1, %add3A_2 : vector<1000x1xf32>
    %get3A_4 = arith.constant 0 : index
    %get3A_5 = arith.constant 0 : index
    %get3A_6 = arith.constant 0 : index
    %get3A_7 = vector.load %arg1[%get3A_4, %get3A_5, %get3A_6] : memref<2x1000x128xf32, #tpu.memory_space<vmem>>, vector<1x1000x128xf32>
    %get3A_8 = vector.shape_cast %get3A_7 : vector<1x1000x128xf32> to vector<1000x128xf32>
    %div3A = vector.broadcast %add3A_3 : vector<1000x1xf32> to vector<1000x128xf32>
    %div3A_9 = arith.divf %get3A_8, %div3A : vector<1000x128xf32>
    %get3A_10 = arith.constant 0 : index
    %get3A_11 = arith.constant 0 : index
    %get3A_12 = vector.load %arg3[%get3A_10, %get3A_11] : memref<1000x256xf32, #tpu.memory_space<vmem>>, vector<1000x128xf32>
    %add3A_13 = arith.addf %div3A_9, %get3A_12 : vector<1000x128xf32>
    %max3A = arith.constant 0.000000e+00 : f32
    %max3A_14 = vector.broadcast %max3A : f32 to vector<1000x128xf32>
    %max3A_15 = arith.maximumf %add3A_13, %max3A_14 : vector<1000x128xf32>
    %swap3A = arith.constant 0 : index
    %swap3A_16 = arith.constant 0 : index
    %swap3A_17 = vector.load %arg4[%swap3A, %swap3A_16] : memref<1000x256xf32, #tpu.memory_space<vmem>>, vector<1000x128xf32>
    tpu.vector_store %arg4[%swap3A, %swap3A_16], %max3A_15 {strides = array<i32>} : memref<1000x256xf32, #tpu.memory_space<vmem>>, vector<1000x128xf32>,
    %get3A_18 = arith.constant 1 : index
    %get3A_19 = arith.constant 0 : index
    %get3A_20 = arith.constant 0 : index
    %get3A_21 = vector.load %arg1[%get3A_18, %get3A_19, %get3A_20] : memref<2x1000x128xf32, #tpu.memory_space<vmem>>, vector<1x1000x128xf32>
    %get3A_22 = vector.shape_cast %get3A_21 : vector<1x1000x128xf32> to vector<1000x128xf32>
    %div3A_23 = vector.broadcast %add3A_3 : vector<1000x1xf32> to vector<1000x128xf32>
    %div3A_24 = arith.divf %get3A_22, %div3A_23 : vector<1000x128xf32>
    %get3A_25 = arith.constant 0 : index
    %get3A_26 = arith.constant 128 : index
    %get3A_27 = vector.load %arg3[%get3A_25, %get3A_26] : memref<1000x256xf32, #tpu.memory_space<vmem>>, vector<1000x128xf32>
    %add3A_28 = arith.addf %div3A_24, %get3A_27 : vector<1000x128xf32>
    %max3A_29 = arith.constant 0.000000e+00 : f32
    %max3A_30 = vector.broadcast %max3A_29 : f32 to vector<1000x128xf32>
    %max3A_31 = arith.maximumf %add3A_28, %max3A_30 : vector<1000x128xf32>
    %swap3A_32 = arith.constant 0 : index
    %swap3A_33 = arith.constant 128 : index
    %swap3A_34 = vector.load %arg4[%swap3A_32, %swap3A_33] : memref<1000x256xf32, #tpu.memory_space<vmem>>, vector<1000x128xf32>
    tpu.vector_store %arg4[%swap3A_32, %swap3A_33], %max3A_31 {strides = array<i32>} : memref<1000x256xf32, #tpu.memory_space<vmem>>, vector<1000x128xf32>,
    return
  }
  func.func @transform_0(%arg0: i32) -> (i32, i32, i32) {
    %c0_i32 = arith.constant 0 : i32
    %c0_i32_0 = arith.constant 0 : i32
    %c0_i32_1 = arith.constant 0 : i32
    return %c0_i32, %arg0, %c0_i32_0 : i32, i32, i32
  }
  func.func @transform_1(%arg0: i32) -> (i32, i32) {
    %c0_i32 = arith.constant 0 : i32
    %c0_i32_0 = arith.constant 0 : i32
    return %arg0, %c0_i32 : i32, i32
  }
  func.func @transform_2(%arg0: i32) -> (i32, i32) {
    %c0_i32 = arith.constant 0 : i32
    %c0_i32_0 = arith.constant 0 : i32
    return %arg0, %c0_i32 : i32, i32
  }
  func.func @transform_3(%arg0: i32) -> (i32, i32) {
    %c0_i32 = arith.constant 0 : i32
    %c0_i32_0 = arith.constant 0 : i32
    return %arg0, %c0_i32 : i32, i32
  }
}

</mosaic_0001>

<sc_bundles>
// kernel: kernel.11.cloned.1.call-start
scs
__scs_entry_jumppad:
0x0: {  	(pc) =	sbr.rel $0x88, $3  }
0x1: {  	(tag) =	ssettag $0x0;
	lr =	simm.s32 $0x1  }
0x2: {  	[smem:$0x3F85] =	sst lr;
	_ =	strace $0xD0000000  }
0x3: {  	_ = 	snop  }
0x4: {  	_ = 	snop  }
0x5: {  	_ = 	snop  }
0x6: {  	_ = 	snop  }
0x7: {  	_ = 	snop  }
__scs_overlays_trampoline_lowered:
0x8: {  	[smem:$0x3F94] =	sst s0  }
0x9: {  	[smem:$0x3F95] =	sst s1  }
0xa: {  	[smem:$0x3F96] =	sst s2  }
0xb: {  	[smem:$0x3F97] =	sst s3  }
0xc: {  	[smem:$0x3F98] =	sst s4  }
0xd: {  	[smem:$0x3F99] =	sst s5  }
0xe: {  	[smem:$0x3F9A] =	sst s6  }
0xf: {  	[smem:$0x3F9B] =	sst s7  }
0x10: {  	[smem:$0x3F9C] =	sst s8  }
0x11: {  	[smem:$0x3F9D] =	sst s9;
	s0 =	simm.s32 @!p0 $0x0  }
0x12: {  	s1 =	sld [smem:$0x3F83];
	s0 =	simm.s32 @p0 $0x1  }
0x13: {  	[smem:$0x3F9E] =	sst s0;
	s0 =	simm.s32 @!p1 $0x0  }
0x14: {  	s2 =	sld [smem:$0x3F82];
	s0 =	simm.s32 @p1 $0x1  }
0x15: {  	[smem:$0x3F9F] =	sst s0;
	s0 =	simm.s32 @!p2 $0x0  }
0x16: {  	s3 =	sld [smem:$0x3FDB];
	s0 =	simm.s32 @p2 $0x1  }
0x17: {  	s4 =	simm.s32 $0x1BF5;
	[smem:$0x3FA1] =	sst s0  }
0x18: {  	s0 =	sld [smem:$0x3F84];
	_ =	swait.ge [sflag:s4], $0x0  }
0x19: {  	s7 =	sld [smem:$0x3F85]  }
0x1a: {  	s8 =	sadd.s32 $0xFFFFE003, lr  }
0x1b: {  	s9 =	sadd.s32 $0xFFFFFEF7, lr;
	s5 =	simm.s32 $0xFFFFFFFF;
	p2 =	slt.u32 s8, $0xFFFFF086  }
0x1c: {  	p1 =	slt.u32 s9, $0xF7A;
	s5 =	simm.s32 @!p2 $0x0  }
0x1d: {  	s5 =	simm.s32 @p1 $0x1;
	p0 =	seq.s32 s7, s2  }
0x1e: {  	s7 =	smul.u32 @!p0 $0xF7A, s2;
	p2 =	seq.s32 @!p0 s5, $0x0  }
0x1f: {  	s9 =	smul.u32 $0xF7A, s1;
	s8 =	simm.s32 @!p0 $0x1BF5;
	p2 =	por !p2, p0  }
0x20: {  	[sflag:s8] =	ssyncset.s32 @!p0 $0xFFFFF086;
	s6 =	sadd.s32 @!p0 s3, s7;
	s7 =	simm.s32 @!p0 $0x108  }
0x21: {  	s3 =	sadd.s32 s3, s9;
	s6 =	sadd.s32 @!p0 $0x88, s6;
	s7 =	simm.s32 @p2 $0x1082  }
0x22: {  	[simem:s7], [sflag:s8] =	dma.local @!p0 [hbm:s6], $0xF7A  }
0x23: {  	s9 =	sor.u32 $0xD0000000, s2;
	s6 =	simm.s32 $0x108;
	_ =	swait.ge @!p0 [sflag:s8], $0x0  }
0x24: {  	s3 =	sadd.s32 $0x88, s3;
	s6 =	simm.s32 @!p1 $0x1082;
	[sflag:s4] =	ssyncset.s32 $0xFFFFF086  }
0x25: {  	[simem:s6], [sflag:s4] =	dma.local [hbm:s3], $0xF7A  }
0x26: {  	[smem:$0x3F85] =	sst s1;
	(tag) =	ssettag s2;
	_ =	strace s9  }
0x27: {  	s1 =	sld [smem:$0x3F95]  }
0x28: {  	s2 =	sld [smem:$0x3F96]  }
0x29: {  	s4 =	sld [smem:$0x3F98]  }
0x2a: {  	p0 =	seq.s32 s5, $0x0;
	s5 =	sld [smem:$0x3F99]  }
0x2b: {  	s6 =	sld [smem:$0x3F9A]  }
0x2c: {  	s7 =	sld [smem:$0x3F9B]  }
0x2d: {  	s3 =	simm.s32 $0x108;
	s8 =	sld [smem:$0x3F9C]  }
0x2e: {  	s3 =	simm.s32 @!p0 $0x1082;
	s9 =	sld [smem:$0x3F9D]  }
0x2f: {  	lr =	sadd.s32 s0, s3;
	s0 =	sld [smem:$0x3F94]  }
0x30: {  	s3 =	sld [smem:$0x3F97]  }
0x31: {  	[smem:$0x3FA0] =	sst s10  }
0x32: {  	s10 =	sld [smem:$0x3F9E];
	_ =	sdelay $0x3  }
0x33: {  	p0 =	seq.s32 s10, $0x1;
	s10 =	sld [smem:$0x3FA0];
	_ =	sdelay $0x3  }
0x34: {  	[smem:$0x3FA0] =	sst s10  }
0x35: {  	s10 =	sld [smem:$0x3F9F];
	_ =	sdelay $0x3  }
0x36: {  	p1 =	seq.s32 s10, $0x1;
	s10 =	sld [smem:$0x3FA0];
	_ =	sdelay $0x3  }
0x37: {  	[smem:$0x3FA0] =	sst s10  }
0x38: {  	s10 =	sld [smem:$0x3FA1]  }
0x39: {  	_ = 	snop;
	(pc) =	sbr.ind lr, $3  }
0x3a: {  	_ = 	snop  }
0x3b: {  	_ = 	snop  }
0x3c: {  	p2 =	seq.s32 s10, $0x1;
	s10 =	sld [smem:$0x3FA0]  }
0x3d: {  	_ =	shalt  }
0x3e: {  	_ =	shalt  }
0x3f: {  	_ =	shalt  }
0x40: {  	_ =	shalt  }
0x41: {  	_ =	shalt  }
0x42: {  	_ =	shalt  }
0x43: {  	_ =	shalt  }
0x44: {  	_ =	shalt  }
0x45: {  	_ =	shalt  }
0x46: {  	_ =	shalt  }
0x47: {  	_ =	shalt  }
0x48: {  	_ =	shalt  }
0x49: {  	_ =	shalt  }
0x4a: {  	_ =	shalt  }
0x4b: {  	_ =	shalt  }
0x4c: {  	_ =	shalt  }
0x4d: {  	_ =	shalt  }
0x4e: {  	_ =	shalt  }
0x4f: {  	_ =	shalt  }
0x50: {  	_ =	shalt  }
0x51: {  	_ =	shalt  }
0x52: {  	_ =	shalt  }
0x53: {  	_ =	shalt  }
0x54: {  	_ =	shalt  }
0x55: {  	_ =	shalt  }
0x56: {  	_ =	shalt  }
0x57: {  	_ =	shalt  }
0x58: {  	_ =	shalt  }
0x59: {  	_ =	shalt  }
0x5a: {  	_ =	shalt  }
0x5b: {  	_ =	shalt  }
0x5c: {  	_ =	shalt  }
0x5d: {  	_ =	shalt  }
0x5e: {  	_ =	shalt  }
0x5f: {  	_ =	shalt  }
0x60: {  	_ =	shalt  }
0x61: {  	_ =	shalt  }
0x62: {  	_ =	shalt  }
0x63: {  	_ =	shalt  }
0x64: {  	_ =	shalt  }
0x65: {  	_ =	shalt  }
0x66: {  	_ =	shalt  }
0x67: {  	_ =	shalt  }
0x68: {  	_ =	shalt  }
0x69: {  	_ =	shalt  }
0x6a: {  	_ =	shalt  }
0x6b: {  	_ =	shalt  }
0x6c: {  	_ =	shalt  }
0x6d: {  	_ =	shalt  }
0x6e: {  	_ =	shalt  }
0x6f: {  	_ =	shalt  }
0x70: {  	_ =	shalt  }
0x71: {  	_ =	shalt  }
0x72: {  	_ =	shalt  }
0x73: {  	_ =	shalt  }
0x74: {  	_ =	shalt  }
0x75: {  	_ =	shalt  }
0x76: {  	_ =	shalt  }
0x77: {  	_ =	shalt  }
0x78: {  	_ =	shalt  }
0x79: {  	_ =	shalt  }
0x7a: {  	_ =	shalt  }
0x7b: {  	_ =	shalt  }
0x7c: {  	_ =	shalt  }
0x7d: {  	_ =	shalt  }
0x7e: {  	_ =	shalt  }
0x7f: {  	_ =	shalt  }
0x80: {  	_ =	shalt  }
0x81: {  	_ =	shalt  }
0x82: {  	_ =	shalt  }
0x83: {  	_ =	shalt  }
0x84: {  	_ =	shalt  }
0x85: {  	_ =	shalt  }
0x86: {  	_ =	shalt  }
0x87: {  	_ =	shalt  }
.Lfunc_end0:
.L_simem_size_0:
called_computation.1_lowered:
.L_overlay_start_0:
0x88: {  	s2 =	sld [smem:$0x3FD9]  }
0x89: {  	s3 =	sld [smem:$0x3FFE];
	_ =	sdelay $0x1  }
0x8a: {  	s1 =	srdreg.scid  }
0x8b: {  	s0 =	sand.u32 $0x1, s1  }
0x8c: {  	s17 =	sshll.u32 s0, $0xA;
	s2 =	sadd.s32 s3, s2  }
0x8d: {  	s2 =	sadd.s32 s2, s17  }
0x8e: {  	[smem:$0x3FAC] =	sst s2  }
0x8f: {  	_ = 	snop  }
0x90: {  	s2 =	sld [smem:$0x3FD0];
	(tm) =	ssettm $0x1  }
0x91: {  	s18 =	sld [smem:$0x3FFB];
	_ =	sdelay $0x3  }
0x92: {  	_ =	strace s18  }
0x93: {  	s3 =	sld [smem:$0x3FFC];
	_ =	sdelay $0x3  }
0x94: {  	_ =	strace s3  }
0x95: {  	s3 =	sld [smem:$0x3FFD];
	_ =	sdelay $0x3  }
0x96: {  	_ =	strace s3  }
0x97: {  	_ =	strace $0x8FFFFFFF  }
0x98: {  	s19 =	sld [smem:$0x3FDB];
	_ =	sdelay $0x1  }
0x99: {  	s4 =	simm.s32 $_scs_section_size  }
0x9a: {  	s5 =	simm.s32 $_size__tile_overlayer_lowered;
	s6 =	simm.s32 $_tile_overlayer_lowered  }
0x9b: {  	s22 =	simm.s32 $0x1BFF;
	s21 =	sshll.u32 s6, $0x1;
	s3 =	sadd.s32 s4, s19  }
0x9c: {  	s7 =	simm.s32 $0x0;
	s20 =	sshll.u32 s5, $0x1;
	s5 =	sadd.s32 s21, s3  }
0x9d: {  	[timem:s7], [sflag:s22] =	dma.local [hbm:s5], s20  }
0x9e: {  	_ =	swait.ge [sflag:s22], s20  }
0x9f: {  	s4 =	ssub.s32 $0x0, s20;
	[sflag:s22] =	ssyncset.done $0x0  }
0xa0: {  	[sflag:s22] =	ssyncadd.s32 s4;
	_ =	sdelay $0x1  }
0xa1: {  	s23 =	simm.s32 $0x1B8B  }
0xa2: {  	_ =	swait.ge [sflag:s23], $0x1  }
0xa3: {  	[sflag:s23] =	ssyncset.done $0x0  }
0xa4: {  	s25 =	simm.s32 $0x1B8E;
	s24 =	sld [smem:$0x3FFE];
	[sflag:s23] =	ssyncadd.s32 $0xFFFFFFFF  }
0xa5: {  	s26 =	simm.s32 $execute0_lowered;
	[smem:$0x3FD2] =	sst s25  }
0xa6: {  	s5 =	sshll.u32 s26, $0x1;
	_ =	strace $0x80000049;
	[dreg:$0x1] =	wrdreg $0xFFFFFFFF  }
0xa7: {  	s28 =	simm.s32 $_size_execute0_lowered;
	s3 =	sadd.s32 s3, s5;
	[dreg:$0x0] =	wrdreg $0x0  }
0xa8: {  	s5 =	sshll.u32 s28, $0x1;
	[dreg:$0x2] =	wrdreg s3  }
0xa9: {  	[dreg:$0x3] =	wrdreg s5  }
0xaa: {  	[dreg:$0x4] =	wrdreg $0xC0  }
0xab: {  	_ =	task [dreg:s7], $0x5FFFF  }
0xac: {  	[dreg:$0x1] =	wrdreg $0xFFFFFFFF  }
0xad: {  	[dreg:$0x0] =	wrdreg $0x60  }
0xae: {  	[dreg:$0x2] =	wrdreg s24  }
0xaf: {  	[dreg:$0x3] =	wrdreg s2  }
0xb0: {  	[dreg:$0x4] =	wrdreg $0x9  }
0xb1: {  	_ =	task.clear_ibuf [dreg:s7], $0x5FFFF;
	_ =	strace $0x90000049  }
0xb2: {  	s29 =	simm.s32 $0x9;
	_ =	strace $0x8000004B  }
0xb3: {  	_ =	swait.ge [sflag:s29], $0x1  }
0xb4: {  	[sflag:s29] =	ssyncadd.s32 $0xFFFFFFFF  }
0xb5: {  	_ =	strace $0x9000004B  }
0xb6: {  	_ =	sfence  }
0xb7: {  	s30 =	sld [smem:$0x0];
	_ =	sdelay $0x2  }
0xb8: {  	s31 =	sshll.u32 s1, $0xD;
	s1 =	sshrl.u32 s1, $0x2  }
0xb9: {  	s3 =	sand.u32 $0x4000, s31;
	s1 =	sadd.s32 s1, s30  }
0xba: {  	s0 =	sor.u32 s3, s0;
	s1 =	sshll.u32 s1, $0x11  }
0xbb: {  	s0 =	sor.u32 s1, s0  }
0xbc: {  	s0 =	sadd.s32 $0x8F2B, s0  }
0xbd: {  	[sflag:s0] =	ssyncadd.remote.s32 $0x1  }
0xbe: {  	_ =	sfence.sel $0xFFFF  }
0xbf: {  	[dreg:$0x0] =	wrdreg $0xFFFFFFFF;
	(pc) =	sbr.abs _section_cstart, $3  }
0xc0: {  	[dreg:$0x1] =	wrdreg $0xFFFFFFFF  }
0xc1: {  	_ =	task.clear_ibuf [dreg:s7], $0x2FFFF;
	_ =	strace $0x9FFFFFFF  }
0xc2: {  	(tm) =	ssettm $0x7FFFFFFF  }
0xc3: {  	_ =	shalt  }
tec
execute0_lowered:
.L_overlay_start_1:
0x0: {  	(tag) =	ssettag $0x1  }
0x1: {  	s0 =	srdreg.scid  }
0x2: {  	s10 =	stileid.u32;
	s1 =	rddreg [dreg:$0x0]  }
0x3: {  	s2 =	rddreg [dreg:$0x1];
	s20 =	simm.s32 $0xC800;
	s31 =	simm.s32 $0xF000  }
0x4: {  	s19 =	simm.s32 $0x11800;
	s30 =	simm.s32 $0x2;
	s14 =	simm.s32 $0x3  }
0x5: {  	s28 =	simm.s32 $0x4;
	s29 =	simm.s32 $0x7;
	s13 =	simm.s32 $0x8  }
0x6: {  	s16 =	simm.s32 $0x0;
	s0 =	sand.u32 $0x1, s0;
	s3 =	sshll.u32 s10, $0x1  }
0x7: {  	s5 =	sadd.s32 $0x19600, s1;
	s10 =	smul.u32 $0x50000, s10;
	s4 =	sor.u32 s0, s3  }
0x8: {  	s3 =	simm.s32 $0x0;
	s9 =	ssub.s32 $0x2, s0;
	s0 =	smul.u32 $0x28000, s0  }
0x9: {  	s7 =	sadd.s32 $0x651E00, s1;
	s4 =	smul.u32 $0x1400, s4;
	[smem:$0x7FF] =	sst s3  }
0xa: {  	s23 =	sshrl.u32 s9, $0x1;
	s25 =	sadd.s32 s10, s7;
	_ =	strace $0x8000004A  }
0xb: {  	s11 =	sadd.s32 s0, s25;
	s25 =	simm.s32 $0x5000;
	s6 =	sshrl.u32 s4, $0x3  }
0xc: {  	s8 =	sadd.s32 s6, s1;
	s6 =	sadd.s32 $0x151E00, s1;
	s1 =	ssub.s32 s9, s23  }
.Ltmp0:
0xd: {  	s9 =	simm.s32 $0x1;
	s24 =	sadd.s32 $0x14600, s8;
	(pc) =	sbr.rel .LBB2_1-.Ltmp0, $4  }
0xe: {  	s8 =	sadd.s32 $0xA600, s8;
	s26 =	sadd.s32 s10, s6;
	[dreg:$0x3] =	wrdreg s24  }
0xf: {  	v2 =	vlaneseq.u32;
	s1 =	smax.u32 s1, $0x1;
	s10 =	simm.s32 $0x7800;
	[dreg:$0x4] =	wrdreg s8  }
0x10: {  	vm0 =	vmmov $0xffff;
	v1 =	vshrl.u32 v2, $0x3;
	[dreg:$0x5] =	wrdreg s1;
	s12 =	sadd.s32 s0, s26;
	s26 =	simm.s32 $0xA000  }
0x11: {  	v0 =	vand.u32 $0x7, v2;
	v2 =	vor.u32 $0x8, v2;
	v1 =	vmul.u32 $0x8, v1;
	s0 =	simm.s32 $0x14000;
	s1 =	simm.s32 $0x5;
	s8 =	simm.s32 $0x6  }
.LBB2_11:
0x12: {  	_ =	swait.ge [sflag:s13], $0x2800  }
0x13: {  	[sflag:s13] =	ssyncset.done $0x0  }
0x14: {  	[sflag:s13] =	ssyncadd.s32 $0xFFFFD800  }
0x15: {  	_ =	swait.ge [sflag:s13], $0x2800  }
0x16: {  	s16 =	rddreg [dreg:$0x6]  }
0x17: {  	s15 =	rddreg [dreg:$0x5];
	s16 =	sadd.s32 $0x1, s16  }
0x18: {  	p0 =	sne.s32 s16, s15  }
.Ltmp1:
0x19: {  	_ = 	snop;
	(pc) =	sbr.rel @!p0 .LBB2_12-.Ltmp1, $3  }
0x1a: {  	_ =	sdelay $0x1  }
0x1b: {  	[sflag:s13] =	ssyncset.done $0x0  }
0x1c: {  	[sflag:s13] =	ssyncadd.s32 $0xFFFFD800  }
.LBB2_1:
0x1d: {  	[dreg:$0x6] =	wrdreg s16  }
0x1e: {  	s15 =	rddreg [dreg:$0x3];
	s18 =	simm.s32 $0x9  }
0x1f: {  	[tilespmem:s3], [sflag:$0x9] =	stream.linear.gather [hbm4b:s15+s3], $0x1400, $0x38;
	[tilespmem:$0x16800] =	vst v63  }
0x20: {  	_ =	swait.ge [sflag:s18], $0x1400  }
0x21: {  	[sflag:s18] =	ssyncset.done $0x0  }
0x22: {  	s17 =	simm.s32 $0x1400;
	s21 =	rddreg [dreg:$0x4];
	[sflag:s18] =	ssyncadd.s32 $0xFFFFEC00  }
0x23: {  	[tilespmem:s17], [sflag:$0x9] =	stream.linear.gather [hbm4b:s21+s3], $0x1400, $0x38;
	[tilespmem:$0x16800] =	vst v63  }
0x24: {  	_ =	swait.ge [sflag:s18], $0x1400  }
0x25: {  	[sflag:s18] =	ssyncset.done $0x0  }
0x26: {  	[sflag:s18] =	ssyncadd.s32 $0xFFFFEC00  }
0x27: {  	v3 =	vld [tilespmem:$0x0];
	_ =	sdelay $0x4  }
0x28: {  	v4 =	vshll.u32 v3, $0x1  }
0x29: {  	v3 =	vand.u32 $0x7, v3;
	v4 =	vand.u32 $0xFFFFFFF0, v4  }
0x2a: {  	v3 =	vor.u32 v3, v4  }
0x2b: {  	v4 =	vperm.xlane v3, v0;
	_ =	sdelay $0x1  }
0x2c: {  	v3 =	vperm.xlane v3, v2;
	v4 =	vadd.s32 v1, v4;
	_ =	sdelay $0x1  }
0x2d: {  	v3 =	vadd.s32 v1, v3;
	_ =	sdelay $0x1  }
0x2e: {  	s22 =	simm.s32 $0x2800  }
0x2f: {  	[tilespmem:s22], [sflag:$0x1] =	stream.indirect_vreg.gather [hbm4b:s5+s3], $0x80, v4, vm0, $0xb8;
	[tilespmem:$0x16800] =	vst v63  }
0x30: {  	s23 =	simm.s32 $0x3000  }
0x31: {  	[tilespmem:s23], [sflag:$0x1] =	stream.indirect_vreg.gather [hbm4b:s5+s3], $0x80, v3, vm0, $0xb8;
	[tilespmem:$0x16800] =	vst v63  }
0x32: {  	v3 =	vld [tilespmem:$0x10];
	_ =	sdelay $0x4  }
0x33: {  	v53 =	vshll.u32 v3, $0x1  }
0x34: {  	v3 =	vand.u32 $0x7, v3;
	v4 =	vand.u32 $0xFFFFFFF0, v53  }
0x35: {  	v3 =	vor.u32 v3, v4  }
0x36: {  	v4 =	vperm.xlane v3, v0;
	_ =	sdelay $0x1  }
0x37: {  	v3 =	vperm.xlane v3, v2;
	v4 =	vadd.s32 v1, v4;
	_ =	sdelay $0x1  }
0x38: {  	v3 =	vadd.s32 v1, v3;
	_ =	sdelay $0x1  }
0x39: {  	s24 =	simm.s32 $0x3800  }
0x3a: {  	[tilespmem:s24], [sflag:$0x1] =	stream.indirect_vreg.gather [hbm4b:s5+s3], $0x80, v4, vm0, $0xb8;
	[tilespmem:$0x16800] =	vst v63  }
0x3b: {  	s16 =	simm.s32 $0x4000  }
0x3c: {  	[tilespmem:s16], [sflag:$0x1] =	stream.indirect_vreg.gather [hbm4b:s5+s3], $0x80, v3, vm0, $0xb8;
	[tilespmem:$0x16800] =	vst v63  }
0x3d: {  	v3 =	vld.msk [tilespmem:$0x20], $0xff;
	_ =	sdelay $0x4  }
0x3e: {  	v54 =	vshll.u32 v3, $0x1  }
0x3f: {  	v3 =	vand.u32 $0x7, v3;
	v4 =	vand.u32 $0xFFFFFFF0, v54  }
0x40: {  	v3 =	vor.u32 v3, v4  }
0x41: {  	v3 =	vperm.xlane v3, v0;
	_ =	sdelay $0x1  }
0x42: {  	v3 =	vadd.s32 v1, v3;
	_ =	sdelay $0x3  }
0x43: {  	s17 =	simm.s32 $0x4800  }
0x44: {  	[tilespmem:s17], [sflag:$0x1] =	stream.indirect_vreg.gather [hbm4b:s5+s3], $0x80, v3, vm0, $0xb8;
	[tilespmem:$0x16800] =	vst v63  }
0x45: {  	v3 =	vld [tilespmem:$0x1400];
	_ =	sdelay $0x4  }
0x46: {  	v55 =	vshll.u32 v3, $0x1  }
0x47: {  	v3 =	vand.u32 $0x7, v3;
	v4 =	vand.u32 $0xFFFFFFF0, v55  }
0x48: {  	v3 =	vor.u32 v3, v4  }
0x49: {  	v4 =	vperm.xlane v3, v0;
	_ =	sdelay $0x1  }
0x4a: {  	v3 =	vperm.xlane v3, v2;
	v4 =	vadd.s32 v1, v4;
	_ =	sdelay $0x1  }
0x4b: {  	v3 =	vadd.s32 v1, v3;
	_ =	sdelay $0x2  }
0x4c: {  	[tilespmem:s20], [sflag:$0x1] =	stream.indirect_vreg.gather [hbm4b:s2+s3], $0x80, v4, vm0, $0xb8;
	[tilespmem:$0x16800] =	vst v63  }
0x4d: {  	s18 =	simm.s32 $0xD000  }
0x4e: {  	[tilespmem:s18], [sflag:$0x1] =	stream.indirect_vreg.gather [hbm4b:s2+s3], $0x80, v3, vm0, $0xb8;
	[tilespmem:$0x16800] =	vst v63  }
0x4f: {  	v3 =	vld [tilespmem:$0x1410];
	_ =	sdelay $0x4  }
0x50: {  	v56 =	vshll.u32 v3, $0x1  }
0x51: {  	v3 =	vand.u32 $0x7, v3;
	v4 =	vand.u32 $0xFFFFFFF0, v56  }
0x52: {  	v3 =	vor.u32 v3, v4  }
0x53: {  	v4 =	vperm.xlane v3, v0;
	_ =	sdelay $0x1  }
0x54: {  	v3 =	vperm.xlane v3, v2;
	v4 =	vadd.s32 v1, v4;
	_ =	sdelay $0x1  }
0x55: {  	v3 =	vadd.s32 v1, v3;
	_ =	sdelay $0x1  }
0x56: {  	s21 =	simm.s32 $0xD800  }
0x57: {  	[tilespmem:s21], [sflag:$0x1] =	stream.indirect_vreg.gather [hbm4b:s2+s3], $0x80, v4, vm0, $0xb8;
	[tilespmem:$0x16800] =	vst v63  }
0x58: {  	s22 =	simm.s32 $0xE000  }
0x59: {  	[tilespmem:s22], [sflag:$0x1] =	stream.indirect_vreg.gather [hbm4b:s2+s3], $0x80, v3, vm0, $0xb8;
	[tilespmem:$0x16800] =	vst v63  }
0x5a: {  	v3 =	vld.msk [tilespmem:$0x1420], $0xff;
	_ =	sdelay $0x4  }
0x5b: {  	v57 =	vshll.u32 v3, $0x1  }
0x5c: {  	v3 =	vand.u32 $0x7, v3;
	v4 =	vand.u32 $0xFFFFFFF0, v57  }
0x5d: {  	v3 =	vor.u32 v3, v4  }
0x5e: {  	v3 =	vperm.xlane v3, v0;
	_ =	sdelay $0x1  }
0x5f: {  	v3 =	vadd.s32 v1, v3;
	_ =	sdelay $0x3  }
0x60: {  	s23 =	simm.s32 $0xE800  }
0x61: {  	[tilespmem:s23], [sflag:$0x1] =	stream.indirect_vreg.gather [hbm4b:s2+s3], $0x80, v3, vm0, $0xb8;
	[tilespmem:$0x16800] =	vst v63  }
0x62: {  	v3 =	vld [tilespmem:$0x28];
	_ =	sdelay $0x4  }
0x63: {  	v58 =	vshll.u32 v3, $0x1  }
0x64: {  	v3 =	vand.u32 $0x7, v3;
	v4 =	vand.u32 $0xFFFFFFF0, v58  }
0x65: {  	v3 =	vor.u32 v3, v4  }
0x66: {  	v4 =	vperm.xlane v3, v0;
	_ =	sdelay $0x1  }
0x67: {  	v3 =	vperm.xlane v3, v2;
	v4 =	vadd.s32 v1, v4;
	_ =	sdelay $0x1  }
0x68: {  	v3 =	vadd.s32 v1, v3;
	_ =	sdelay $0x2  }
0x69: {  	[tilespmem:s25], [sflag:$0x2] =	stream.indirect_vreg.gather [hbm4b:s5+s3], $0x80, v4, vm0, $0xb8;
	[tilespmem:$0x16800] =	vst v63  }
0x6a: {  	s24 =	simm.s32 $0x5800  }
0x6b: {  	[tilespmem:s24], [sflag:$0x2] =	stream.indirect_vreg.gather [hbm4b:s5+s3], $0x80, v3, vm0, $0xb8;
	[tilespmem:$0x16800] =	vst v63  }
0x6c: {  	v3 =	vld [tilespmem:$0x38];
	_ =	sdelay $0x4  }
0x6d: {  	v59 =	vshll.u32 v3, $0x1  }
0x6e: {  	v3 =	vand.u32 $0x7, v3;
	v4 =	vand.u32 $0xFFFFFFF0, v59  }
0x6f: {  	v3 =	vor.u32 v3, v4  }
0x70: {  	v4 =	vperm.xlane v3, v0;
	_ =	sdelay $0x1  }
0x71: {  	v3 =	vperm.xlane v3, v2;
	v4 =	vadd.s32 v1, v4;
	_ =	sdelay $0x1  }
0x72: {  	v3 =	vadd.s32 v1, v3;
	_ =	sdelay $0x1  }
0x73: {  	s16 =	simm.s32 $0x6000  }
0x74: {  	[tilespmem:s16], [sflag:$0x2] =	stream.indirect_vreg.gather [hbm4b:s5+s3], $0x80, v4, vm0, $0xb8;
	[tilespmem:$0x16800] =	vst v63  }
0x75: {  	s17 =	simm.s32 $0x6800  }
0x76: {  	[tilespmem:s17], [sflag:$0x2] =	stream.indirect_vreg.gather [hbm4b:s5+s3], $0x80, v3, vm0, $0xb8;
	[tilespmem:$0x16800] =	vst v63  }
0x77: {  	v3 =	vld.msk [tilespmem:$0x48], $0xff;
	_ =	sdelay $0x4  }
0x78: {  	v60 =	vshll.u32 v3, $0x1  }
0x79: {  	v3 =	vand.u32 $0x7, v3;
	v4 =	vand.u32 $0xFFFFFFF0, v60  }
0x7a: {  	v3 =	vor.u32 v3, v4  }
0x7b: {  	v3 =	vperm.xlane v3, v0;
	_ =	sdelay $0x1  }
0x7c: {  	v3 =	vadd.s32 v1, v3;
	_ =	sdelay $0x3  }
0x7d: {  	s18 =	simm.s32 $0x7000  }
0x7e: {  	[tilespmem:s18], [sflag:$0x2] =	stream.indirect_vreg.gather [hbm4b:s5+s3], $0x80, v3, vm0, $0xb8;
	[tilespmem:$0x16800] =	vst v63  }
0x7f: {  	v3 =	vld [tilespmem:$0x1428];
	_ =	sdelay $0x4  }
0x80: {  	v61 =	vshll.u32 v3, $0x1  }
0x81: {  	v3 =	vand.u32 $0x7, v3;
	v4 =	vand.u32 $0xFFFFFFF0, v61  }
0x82: {  	v3 =	vor.u32 v3, v4  }
0x83: {  	v4 =	vperm.xlane v3, v0;
	_ =	sdelay $0x1  }
0x84: {  	v3 =	vperm.xlane v3, v2;
	v4 =	vadd.s32 v1, v4;
	_ =	sdelay $0x1  }
0x85: {  	v3 =	vadd.s32 v1, v3;
	_ =	sdelay $0x2  }
0x86: {  	[tilespmem:s31], [sflag:$0x2] =	stream.indirect_vreg.gather [hbm4b:s2+s3], $0x80, v4, vm0, $0xb8;
	[tilespmem:$0x16800] =	vst v63  }
0x87: {  	s21 =	simm.s32 $0xF800  }
0x88: {  	[tilespmem:s21], [sflag:$0x2] =	stream.indirect_vreg.gather [hbm4b:s2+s3], $0x80, v3, vm0, $0xb8;
	[tilespmem:$0x16800] =	vst v63  }
0x89: {  	v3 =	vld [tilespmem:$0x1438];
	_ =	sdelay $0x4  }
0x8a: {  	v62 =	vshll.u32 v3, $0x1  }
0x8b: {  	v3 =	vand.u32 $0x7, v3;
	v4 =	vand.u32 $0xFFFFFFF0, v62  }
0x8c: {  	v3 =	vor.u32 v3, v4  }
0x8d: {  	v4 =	vperm.xlane v3, v0;
	_ =	sdelay $0x1  }
0x8e: {  	v3 =	vperm.xlane v3, v2;
	v4 =	vadd.s32 v1, v4;
	_ =	sdelay $0x1  }
0x8f: {  	v3 =	vadd.s32 v1, v3;
	_ =	sdelay $0x1  }
0x90: {  	s22 =	simm.s32 $0x10000  }
0x91: {  	[tilespmem:s22], [sflag:$0x2] =	stream.indirect_vreg.gather [hbm4b:s2+s3], $0x80, v4, vm0, $0xb8;
	[tilespmem:$0x16800] =	vst v63  }
0x92: {  	s23 =	simm.s32 $0x10800  }
0x93: {  	[tilespmem:s23], [sflag:$0x2] =	stream.indirect_vreg.gather [hbm4b:s2+s3], $0x80, v3, vm0, $0xb8;
	[tilespmem:$0x16800] =	vst v63  }
0x94: {  	v3 =	vld.msk [tilespmem:$0x1448], $0xff;
	_ =	sdelay $0x4  }
0x95: {  	v63 =	vshll.u32 v3, $0x1  }
0x96: {  	v3 =	vand.u32 $0x7, v3;
	v4 =	vand.u32 $0xFFFFFFF0, v63  }
0x97: {  	v3 =	vor.u32 v3, v4  }
0x98: {  	v3 =	vperm.xlane v3, v0;
	_ =	sdelay $0x1  }
0x99: {  	v3 =	vadd.s32 v1, v3;
	_ =	sdelay $0x3  }
0x9a: {  	s24 =	simm.s32 $0x11000;
	s16 =	simm.s32 $0x1488  }
0x9b: {  	[tilespmem:s24], [sflag:$0x2] =	stream.indirect_vreg.gather [hbm4b:s2+s3], $0x80, v3, vm0, $0xb8;
	[tilespmem:$0x16800] =	vst v63  }
0x9c: {  	s18 =	simm.s32 $0x88;
	s21 =	simm.s32 $0x0;
	s24 =	simm.s32 $0x78  }
.LBB2_2:
0x9d: {  	_ =	swait.ge [sflag:s9], $0x2800  }
0x9e: {  	[sflag:s9] =	ssyncset.done $0x0  }
0x9f: {  	[sflag:s9] =	ssyncadd.s32 $0xFFFFD800  }
0xa0: {  	p0 =	sne.s32 s21, $0x0;
	_ =	swait.ge [sflag:s9], $0x2800  }
.Ltmp2:
0xa1: {  	[sflag:s9] =	ssyncset.done $0x0;
	(pc) =	sbr.rel @!p0 .LBB2_3-.Ltmp2, $4  }
0xa2: {  	s22 =	sadd.s32 s21, s12;
	s15 =	simm.s32 $0x2800;
	[sflag:s9] =	ssyncadd.s32 $0xFFFFD800  }
0xa3: {  	[hbm4b:s22+s3] =	stream.linear.scatter [tilespmem:s15], [sflag:$0x5], $0x2800, $0x38;
	[tilespmem:$0x16800] =	vst v63  }
0xa4: {  	s23 =	sadd.s32 s21, s11  }
0xa5: {  	[hbm4b:s23+s3] =	stream.linear.scatter [tilespmem:s20], [sflag:$0x5], $0x2800, $0x38;
	[tilespmem:$0x16800] =	vst v63  }
0xa6: {  	_ =	swait.ge [sflag:s13], $0x2800  }
0xa7: {  	[sflag:s13] =	ssyncset.done $0x0  }
0xa8: {  	[sflag:s13] =	ssyncadd.s32 $0xFFFFD800  }
0xa9: {  	_ =	swait.ge [sflag:s13], $0x2800  }
0xaa: {  	[sflag:s13] =	ssyncset.done $0x0  }
0xab: {  	[sflag:s13] =	ssyncadd.s32 $0xFFFFD800  }
0xac: {  	v3 =	vld [tilespmem:s18+$0xFFFFFFF0];
	_ =	sdelay $0x4  }
0xad: {  	v4 =	vshll.u32 v3, $0x1  }
0xae: {  	v3 =	vand.u32 $0x7, v3;
	v4 =	vand.u32 $0xFFFFFFF0, v4  }
0xaf: {  	v3 =	vor.u32 v3, v4  }
0xb0: {  	v4 =	vperm.xlane v3, v0;
	_ =	sdelay $0x1  }
0xb1: {  	v3 =	vperm.xlane v3, v2;
	v4 =	vadd.s32 v1, v4;
	_ =	sdelay $0x1  }
0xb2: {  	v3 =	vadd.s32 v1, v3;
	_ =	sdelay $0x2  }
0xb3: {  	[tilespmem:s26], [sflag:$0x4] =	stream.indirect_vreg.gather [hbm4b:s5+s3], $0x80, v4, vm0, $0xb8;
	[tilespmem:$0x16800] =	vst v63  }
0xb4: {  	s15 =	simm.s32 $0xA800  }
0xb5: {  	[tilespmem:s15], [sflag:$0x4] =	stream.indirect_vreg.gather [hbm4b:s5+s3], $0x80, v3, vm0, $0xb8;
	[tilespmem:$0x16800] =	vst v63  }
0xb6: {  	v3 =	vld [tilespmem:s18+$0x0];
	_ =	sdelay $0x4  }
0xb7: {  	v60 =	vshll.u32 v3, $0x1  }
0xb8: {  	v3 =	vand.u32 $0x7, v3;
	v4 =	vand.u32 $0xFFFFFFF0, v60  }
0xb9: {  	v3 =	vor.u32 v3, v4  }
0xba: {  	v4 =	vperm.xlane v3, v0;
	_ =	sdelay $0x1  }
0xbb: {  	v3 =	vperm.xlane v3, v2;
	v4 =	vadd.s32 v1, v4;
	_ =	sdelay $0x1  }
0xbc: {  	v3 =	vadd.s32 v1, v3;
	_ =	sdelay $0x1  }
0xbd: {  	s17 =	simm.s32 $0xB000  }
0xbe: {  	[tilespmem:s17], [sflag:$0x4] =	stream.indirect_vreg.gather [hbm4b:s5+s3], $0x80, v4, vm0, $0xb8;
	[tilespmem:$0x16800] =	vst v63  }
0xbf: {  	s17 =	simm.s32 $0xB800  }
0xc0: {  	[tilespmem:s17], [sflag:$0x4] =	stream.indirect_vreg.gather [hbm4b:s5+s3], $0x80, v3, vm0, $0xb8;
	[tilespmem:$0x16800] =	vst v63  }
0xc1: {  	v3 =	vld.msk [tilespmem:s18+$0x10], $0xff;
	_ =	sdelay $0x4  }
0xc2: {  	v61 =	vshll.u32 v3, $0x1  }
0xc3: {  	v3 =	vand.u32 $0x7, v3;
	v4 =	vand.u32 $0xFFFFFFF0, v61  }
0xc4: {  	v3 =	vor.u32 v3, v4  }
0xc5: {  	v3 =	vperm.xlane v3, v0;
	_ =	sdelay $0x1  }
0xc6: {  	v3 =	vadd.s32 v1, v3;
	_ =	sdelay $0x3  }
0xc7: {  	s17 =	simm.s32 $0xC000  }
0xc8: {  	[tilespmem:s17], [sflag:$0x4] =	stream.indirect_vreg.gather [hbm4b:s5+s3], $0x80, v3, vm0, $0xb8;
	[tilespmem:$0x16800] =	vst v63  }
0xc9: {  	v3 =	vld [tilespmem:s16+$0xFFFFFFF0];
	_ =	sdelay $0x4  }
0xca: {  	v62 =	vshll.u32 v3, $0x1  }
0xcb: {  	v3 =	vand.u32 $0x7, v3;
	v4 =	vand.u32 $0xFFFFFFF0, v62  }
0xcc: {  	v3 =	vor.u32 v3, v4  }
0xcd: {  	v4 =	vperm.xlane v3, v0;
	_ =	sdelay $0x1  }
0xce: {  	v3 =	vperm.xlane v3, v2;
	v4 =	vadd.s32 v1, v4;
	_ =	sdelay $0x1  }
0xcf: {  	v3 =	vadd.s32 v1, v3;
	_ =	sdelay $0x2  }
0xd0: {  	[tilespmem:s0], [sflag:$0x4] =	stream.indirect_vreg.gather [hbm4b:s2+s3], $0x80, v4, vm0, $0xb8;
	[tilespmem:$0x16800] =	vst v63  }
0xd1: {  	s17 =	simm.s32 $0x14800  }
0xd2: {  	[tilespmem:s17], [sflag:$0x4] =	stream.indirect_vreg.gather [hbm4b:s2+s3], $0x80, v3, vm0, $0xb8;
	[tilespmem:$0x16800] =	vst v63  }
0xd3: {  	v3 =	vld [tilespmem:s16+$0x0];
	_ =	sdelay $0x4  }
0xd4: {  	v63 =	vshll.u32 v3, $0x1  }
0xd5: {  	v3 =	vand.u32 $0x7, v3;
	v4 =	vand.u32 $0xFFFFFFF0, v63  }
0xd6: {  	v3 =	vor.u32 v3, v4  }
0xd7: {  	v4 =	vperm.xlane v3, v0;
	_ =	sdelay $0x1  }
0xd8: {  	v3 =	vperm.xlane v3, v2;
	v4 =	vadd.s32 v1, v4;
	_ =	sdelay $0x1  }
0xd9: {  	v3 =	vadd.s32 v1, v3;
	_ =	sdelay $0x1  }
.Ltmp3:
0xda: {  	s17 =	simm.s32 $0x15000;
	(pc) =	sbr.rel .LBB2_5-.Ltmp3, $4  }
0xdb: {  	[tilespmem:s17], [sflag:$0x4] =	stream.indirect_vreg.gather [hbm4b:s2+s3], $0x80, v4, vm0, $0xb8;
	[tilespmem:$0x16800] =	vst v63  }
0xdc: {  	s17 =	simm.s32 $0x15800  }
0xdd: {  	[tilespmem:s17], [sflag:$0x4] =	stream.indirect_vreg.gather [hbm4b:s2+s3], $0x80, v3, vm0, $0xb8;
	[tilespmem:$0x16800] =	vst v63  }
0xde: {  	s15 =	sadd.s32 $0x10, s16;
	s17 =	smov.u32 s24  }
.LBB2_3:
0xdf: {  	v3 =	vld [tilespmem:$0x50];
	_ =	sdelay $0x4  }
0xe0: {  	v4 =	vshll.u32 v3, $0x1  }
0xe1: {  	v3 =	vand.u32 $0x7, v3;
	v4 =	vand.u32 $0xFFFFFFF0, v4  }
0xe2: {  	v3 =	vor.u32 v3, v4  }
0xe3: {  	v4 =	vperm.xlane v3, v0;
	_ =	sdelay $0x1  }
0xe4: {  	v3 =	vperm.xlane v3, v2;
	v4 =	vadd.s32 v1, v4;
	_ =	sdelay $0x1  }
0xe5: {  	v3 =	vadd.s32 v1, v3;
	_ =	sdelay $0x2  }
0xe6: {  	[tilespmem:s10], [sflag:$0x3] =	stream.indirect_vreg.gather [hbm4b:s5+s3], $0x80, v4, vm0, $0xb8;
	[tilespmem:$0x16800] =	vst v63  }
0xe7: {  	s15 =	simm.s32 $0x8000  }
0xe8: {  	[tilespmem:s15], [sflag:$0x3] =	stream.indirect_vreg.gather [hbm4b:s5+s3], $0x80, v3, vm0, $0xb8;
	[tilespmem:$0x16800] =	vst v63  }
0xe9: {  	v3 =	vld [tilespmem:$0x60];
	_ =	sdelay $0x4  }
0xea: {  	v54 =	vshll.u32 v3, $0x1  }
0xeb: {  	v3 =	vand.u32 $0x7, v3;
	v4 =	vand.u32 $0xFFFFFFF0, v54  }
0xec: {  	v3 =	vor.u32 v3, v4  }
0xed: {  	v4 =	vperm.xlane v3, v0;
	_ =	sdelay $0x1  }
0xee: {  	v3 =	vperm.xlane v3, v2;
	v4 =	vadd.s32 v1, v4;
	_ =	sdelay $0x1  }
0xef: {  	v3 =	vadd.s32 v1, v3;
	_ =	sdelay $0x1  }
0xf0: {  	s17 =	simm.s32 $0x8800  }
0xf1: {  	[tilespmem:s17], [sflag:$0x3] =	stream.indirect_vreg.gather [hbm4b:s5+s3], $0x80, v4, vm0, $0xb8;
	[tilespmem:$0x16800] =	vst v63  }
0xf2: {  	s17 =	simm.s32 $0x9000  }
0xf3: {  	[tilespmem:s17], [sflag:$0x3] =	stream.indirect_vreg.gather [hbm4b:s5+s3], $0x80, v3, vm0, $0xb8;
	[tilespmem:$0x16800] =	vst v63  }
0xf4: {  	v3 =	vld.msk [tilespmem:$0x70], $0xff;
	_ =	sdelay $0x4  }
0xf5: {  	v55 =	vshll.u32 v3, $0x1  }
0xf6: {  	v3 =	vand.u32 $0x7, v3;
	v4 =	vand.u32 $0xFFFFFFF0, v55  }
0xf7: {  	v3 =	vor.u32 v3, v4  }
0xf8: {  	v3 =	vperm.xlane v3, v0;
	_ =	sdelay $0x1  }
0xf9: {  	v3 =	vadd.s32 v1, v3;
	_ =	sdelay $0x3  }
0xfa: {  	s17 =	simm.s32 $0x9800  }
0xfb: {  	[tilespmem:s17], [sflag:$0x3] =	stream.indirect_vreg.gather [hbm4b:s5+s3], $0x80, v3, vm0, $0xb8;
	[tilespmem:$0x16800] =	vst v63  }
0xfc: {  	v3 =	vld [tilespmem:$0x1450];
	_ =	sdelay $0x4  }
0xfd: {  	v56 =	vshll.u32 v3, $0x1  }
0xfe: {  	v3 =	vand.u32 $0x7, v3;
	v4 =	vand.u32 $0xFFFFFFF0, v56  }
0xff: {  	v3 =	vor.u32 v3, v4  }
0x100: {  	v4 =	vperm.xlane v3, v0;
	_ =	sdelay $0x1  }
0x101: {  	v3 =	vperm.xlane v3, v2;
	v4 =	vadd.s32 v1, v4;
	_ =	sdelay $0x1  }
0x102: {  	v3 =	vadd.s32 v1, v3;
	_ =	sdelay $0x2  }
0x103: {  	[tilespmem:s19], [sflag:$0x3] =	stream.indirect_vreg.gather [hbm4b:s2+s3], $0x80, v4, vm0, $0xb8;
	[tilespmem:$0x16800] =	vst v63  }
0x104: {  	s17 =	simm.s32 $0x12000  }
0x105: {  	[tilespmem:s17], [sflag:$0x3] =	stream.indirect_vreg.gather [hbm4b:s2+s3], $0x80, v3, vm0, $0xb8;
	[tilespmem:$0x16800] =	vst v63  }
0x106: {  	v3 =	vld [tilespmem:$0x1460];
	_ =	sdelay $0x4  }
0x107: {  	v57 =	vshll.u32 v3, $0x1  }
0x108: {  	v3 =	vand.u32 $0x7, v3;
	v4 =	vand.u32 $0xFFFFFFF0, v57  }
0x109: {  	v3 =	vor.u32 v3, v4  }
0x10a: {  	v4 =	vperm.xlane v3, v0;
	_ =	sdelay $0x1  }
0x10b: {  	v3 =	vperm.xlane v3, v2;
	v4 =	vadd.s32 v1, v4;
	_ =	sdelay $0x1  }
0x10c: {  	v3 =	vadd.s32 v1, v3;
	_ =	sdelay $0x1  }
0x10d: {  	s17 =	simm.s32 $0x12800  }
0x10e: {  	[tilespmem:s17], [sflag:$0x3] =	stream.indirect_vreg.gather [hbm4b:s2+s3], $0x80, v4, vm0, $0xb8;
	[tilespmem:$0x16800] =	vst v63  }
0x10f: {  	s17 =	simm.s32 $0x13000  }
0x110: {  	[tilespmem:s17], [sflag:$0x3] =	stream.indirect_vreg.gather [hbm4b:s2+s3], $0x80, v3, vm0, $0xb8;
	[tilespmem:$0x16800] =	vst v63  }
0x111: {  	v3 =	vld.msk [tilespmem:$0x1470], $0xff;
	_ =	sdelay $0x4  }
0x112: {  	v58 =	vshll.u32 v3, $0x1  }
0x113: {  	v3 =	vand.u32 $0x7, v3;
	v4 =	vand.u32 $0xFFFFFFF0, v58  }
0x114: {  	v3 =	vor.u32 v3, v4  }
0x115: {  	v3 =	vperm.xlane v3, v0;
	_ =	sdelay $0x1  }
0x116: {  	v3 =	vadd.s32 v1, v3;
	_ =	sdelay $0x3  }
0x117: {  	s17 =	simm.s32 $0x13800  }
0x118: {  	[tilespmem:s17], [sflag:$0x3] =	stream.indirect_vreg.gather [hbm4b:s2+s3], $0x80, v3, vm0, $0xb8;
	[tilespmem:$0x16800] =	vst v63  }
0x119: {  	v3 =	vld [tilespmem:$0x78];
	_ =	sdelay $0x4  }
0x11a: {  	v59 =	vshll.u32 v3, $0x1  }
0x11b: {  	v3 =	vand.u32 $0x7, v3;
	v4 =	vand.u32 $0xFFFFFFF0, v59  }
0x11c: {  	v3 =	vor.u32 v3, v4  }
0x11d: {  	v4 =	vperm.xlane v3, v0;
	_ =	sdelay $0x1  }
0x11e: {  	v3 =	vperm.xlane v3, v2;
	v4 =	vadd.s32 v1, v4;
	_ =	sdelay $0x1  }
0x11f: {  	v3 =	vadd.s32 v1, v3;
	_ =	sdelay $0x2  }
0x120: {  	[tilespmem:s26], [sflag:$0x4] =	stream.indirect_vreg.gather [hbm4b:s5+s3], $0x80, v4, vm0, $0xb8;
	[tilespmem:$0x16800] =	vst v63  }
0x121: {  	s17 =	simm.s32 $0xA800  }
0x122: {  	[tilespmem:s17], [sflag:$0x4] =	stream.indirect_vreg.gather [hbm4b:s5+s3], $0x80, v3, vm0, $0xb8;
	[tilespmem:$0x16800] =	vst v63  }
0x123: {  	v3 =	vld [tilespmem:$0x88];
	_ =	sdelay $0x4  }
0x124: {  	v60 =	vshll.u32 v3, $0x1  }
0x125: {  	v3 =	vand.u32 $0x7, v3;
	v4 =	vand.u32 $0xFFFFFFF0, v60  }
0x126: {  	v3 =	vor.u32 v3, v4  }
0x127: {  	v4 =	vperm.xlane v3, v0;
	_ =	sdelay $0x1  }
0x128: {  	v3 =	vperm.xlane v3, v2;
	v4 =	vadd.s32 v1, v4;
	_ =	sdelay $0x1  }
0x129: {  	v3 =	vadd.s32 v1, v3;
	_ =	sdelay $0x1  }
0x12a: {  	s17 =	simm.s32 $0xB000  }
0x12b: {  	[tilespmem:s17], [sflag:$0x4] =	stream.indirect_vreg.gather [hbm4b:s5+s3], $0x80, v4, vm0, $0xb8;
	[tilespmem:$0x16800] =	vst v63  }
0x12c: {  	s17 =	simm.s32 $0xB800  }
0x12d: {  	[tilespmem:s17], [sflag:$0x4] =	stream.indirect_vreg.gather [hbm4b:s5+s3], $0x80, v3, vm0, $0xb8;
	[tilespmem:$0x16800] =	vst v63  }
0x12e: {  	v3 =	vld.msk [tilespmem:$0x98], $0xff;
	_ =	sdelay $0x4  }
0x12f: {  	v61 =	vshll.u32 v3, $0x1  }
0x130: {  	v3 =	vand.u32 $0x7, v3;
	v4 =	vand.u32 $0xFFFFFFF0, v61  }
0x131: {  	v3 =	vor.u32 v3, v4  }
0x132: {  	v3 =	vperm.xlane v3, v0;
	_ =	sdelay $0x1  }
0x133: {  	v3 =	vadd.s32 v1, v3;
	_ =	sdelay $0x3  }
0x134: {  	s17 =	simm.s32 $0xC000  }
0x135: {  	[tilespmem:s17], [sflag:$0x4] =	stream.indirect_vreg.gather [hbm4b:s5+s3], $0x80, v3, vm0, $0xb8;
	[tilespmem:$0x16800] =	vst v63  }
0x136: {  	v3 =	vld [tilespmem:$0x1478];
	_ =	sdelay $0x4  }
0x137: {  	v62 =	vshll.u32 v3, $0x1  }
0x138: {  	v3 =	vand.u32 $0x7, v3;
	v4 =	vand.u32 $0xFFFFFFF0, v62  }
0x139: {  	v3 =	vor.u32 v3, v4  }
0x13a: {  	v4 =	vperm.xlane v3, v0;
	_ =	sdelay $0x1  }
0x13b: {  	v3 =	vperm.xlane v3, v2;
	v4 =	vadd.s32 v1, v4;
	_ =	sdelay $0x1  }
0x13c: {  	v3 =	vadd.s32 v1, v3;
	_ =	sdelay $0x2  }
0x13d: {  	[tilespmem:s0], [sflag:$0x4] =	stream.indirect_vreg.gather [hbm4b:s2+s3], $0x80, v4, vm0, $0xb8;
	[tilespmem:$0x16800] =	vst v63  }
0x13e: {  	s17 =	simm.s32 $0x14800  }
0x13f: {  	[tilespmem:s17], [sflag:$0x4] =	stream.indirect_vreg.gather [hbm4b:s2+s3], $0x80, v3, vm0, $0xb8;
	[tilespmem:$0x16800] =	vst v63  }
0x140: {  	v3 =	vld [tilespmem:$0x1488];
	_ =	sdelay $0x4  }
0x141: {  	v63 =	vshll.u32 v3, $0x1  }
0x142: {  	v3 =	vand.u32 $0x7, v3;
	v4 =	vand.u32 $0xFFFFFFF0, v63  }
0x143: {  	v3 =	vor.u32 v3, v4  }
0x144: {  	v4 =	vperm.xlane v3, v0;
	_ =	sdelay $0x1  }
0x145: {  	v3 =	vperm.xlane v3, v2;
	v4 =	vadd.s32 v1, v4;
	_ =	sdelay $0x1  }
0x146: {  	v3 =	vadd.s32 v1, v3;
	_ =	sdelay $0x1  }
0x147: {  	s17 =	simm.s32 $0x15000  }
0x148: {  	[tilespmem:s17], [sflag:$0x4] =	stream.indirect_vreg.gather [hbm4b:s2+s3], $0x80, v4, vm0, $0xb8;
	[tilespmem:$0x16800] =	vst v63  }
0x149: {  	s17 =	simm.s32 $0x15800  }
0x14a: {  	[tilespmem:s17], [sflag:$0x4] =	stream.indirect_vreg.gather [hbm4b:s2+s3], $0x80, v3, vm0, $0xb8;
	[tilespmem:$0x16800] =	vst v63  }
0x14b: {  	s15 =	simm.s32 $0x1498;
	s17 =	simm.s32 $0x78  }
.LBB2_5:
0x14c: {  	v3 =	vld.msk [tilespmem:s15+$0x0], $0xff;
	_ =	sdelay $0x4  }
0x14d: {  	v4 =	vshll.u32 v3, $0x1  }
0x14e: {  	v3 =	vand.u32 $0x7, v3;
	v4 =	vand.u32 $0xFFFFFFF0, v4  }
0x14f: {  	v3 =	vor.u32 v3, v4  }
0x150: {  	v3 =	vperm.xlane v3, v0;
	_ =	sdelay $0x1  }
0x151: {  	v3 =	vadd.s32 v1, v3;
	_ =	sdelay $0x3  }
0x152: {  	s15 =	simm.s32 $0x16000  }
0x153: {  	[tilespmem:s15], [sflag:$0x4] =	stream.indirect_vreg.gather [hbm4b:s2+s3], $0x80, v3, vm0, $0xb8;
	[tilespmem:$0x16800] =	vst v63  }
0x154: {  	_ =	swait.ge [sflag:s30], $0x2800  }
0x155: {  	[sflag:s30] =	ssyncset.done $0x0  }
0x156: {  	[sflag:s30] =	ssyncadd.s32 $0xFFFFD800  }
0x157: {  	_ =	swait.ge [sflag:s30], $0x2800  }
0x158: {  	[sflag:s30] =	ssyncset.done $0x0  }
0x159: {  	s15 =	sadd.s32 $0x500, s22;
	[sflag:s30] =	ssyncadd.s32 $0xFFFFD800  }
0x15a: {  	[hbm4b:s15+s3] =	stream.linear.scatter [tilespmem:s25], [sflag:$0x6], $0x2800, $0x38;
	[tilespmem:$0x16800] =	vst v63  }
0x15b: {  	s15 =	sadd.s32 $0x500, s23  }
0x15c: {  	[hbm4b:s15+s3] =	stream.linear.scatter [tilespmem:s31], [sflag:$0x6], $0x2800, $0x38;
	[tilespmem:$0x16800] =	vst v63  }
0x15d: {  	p0 =	seq.s32 s21, $0x26C00;
	_ =	swait.ge [sflag:s1], $0x2800  }
.Ltmp4:
0x15e: {  	[sflag:s1] =	ssyncset.done $0x0;
	(pc) =	sbr.rel @p0 .LBB2_7-.Ltmp4, $4  }
0x15f: {  	[sflag:s1] =	ssyncadd.s32 $0xFFFFD800  }
0x160: {  	_ =	swait.ge [sflag:s1], $0x2800  }
0x161: {  	[sflag:s1] =	ssyncset.done $0x0  }
0x162: {  	[sflag:s1] =	ssyncadd.s32 $0xFFFFD800  }
0x163: {  	v3 =	vld [tilespmem:s18+$0x18];
	_ =	sdelay $0x4  }
0x164: {  	v4 =	vshll.u32 v3, $0x1  }
0x165: {  	v3 =	vand.u32 $0x7, v3;
	v4 =	vand.u32 $0xFFFFFFF0, v4  }
0x166: {  	v3 =	vor.u32 v3, v4  }
0x167: {  	v4 =	vperm.xlane v3, v0;
	_ =	sdelay $0x1  }
0x168: {  	v3 =	vperm.xlane v3, v2;
	v4 =	vadd.s32 v1, v4;
	_ =	sdelay $0x1  }
0x169: {  	v3 =	vadd.s32 v1, v3;
	_ =	sdelay $0x1  }
0x16a: {  	s15 =	simm.s32 $0x2800  }
0x16b: {  	[tilespmem:s15], [sflag:$0x1] =	stream.indirect_vreg.gather [hbm4b:s5+s3], $0x80, v4, vm0, $0xb8;
	[tilespmem:$0x16800] =	vst v63  }
0x16c: {  	s15 =	simm.s32 $0x3000  }
0x16d: {  	[tilespmem:s15], [sflag:$0x1] =	stream.indirect_vreg.gather [hbm4b:s5+s3], $0x80, v3, vm0, $0xb8;
	[tilespmem:$0x16800] =	vst v63  }
0x16e: {  	v3 =	vld [tilespmem:s18+$0x28];
	_ =	sdelay $0x4  }
0x16f: {  	v59 =	vshll.u32 v3, $0x1  }
0x170: {  	v3 =	vand.u32 $0x7, v3;
	v4 =	vand.u32 $0xFFFFFFF0, v59  }
0x171: {  	v3 =	vor.u32 v3, v4  }
0x172: {  	v4 =	vperm.xlane v3, v0;
	_ =	sdelay $0x1  }
0x173: {  	v3 =	vperm.xlane v3, v2;
	v4 =	vadd.s32 v1, v4;
	_ =	sdelay $0x1  }
0x174: {  	v3 =	vadd.s32 v1, v3;
	_ =	sdelay $0x1  }
0x175: {  	s15 =	simm.s32 $0x3800  }
0x176: {  	[tilespmem:s15], [sflag:$0x1] =	stream.indirect_vreg.gather [hbm4b:s5+s3], $0x80, v4, vm0, $0xb8;
	[tilespmem:$0x16800] =	vst v63  }
0x177: {  	s15 =	simm.s32 $0x4000  }
0x178: {  	[tilespmem:s15], [sflag:$0x1] =	stream.indirect_vreg.gather [hbm4b:s5+s3], $0x80, v3, vm0, $0xb8;
	[tilespmem:$0x16800] =	vst v63  }
0x179: {  	v3 =	vld.msk [tilespmem:s18+$0x38], $0xff;
	_ =	sdelay $0x4  }
0x17a: {  	v60 =	vshll.u32 v3, $0x1  }
0x17b: {  	v3 =	vand.u32 $0x7, v3;
	v4 =	vand.u32 $0xFFFFFFF0, v60  }
0x17c: {  	v3 =	vor.u32 v3, v4  }
0x17d: {  	v3 =	vperm.xlane v3, v0;
	_ =	sdelay $0x1  }
0x17e: {  	v3 =	vadd.s32 v1, v3;
	_ =	sdelay $0x3  }
0x17f: {  	s15 =	simm.s32 $0x4800  }
0x180: {  	[tilespmem:s15], [sflag:$0x1] =	stream.indirect_vreg.gather [hbm4b:s5+s3], $0x80, v3, vm0, $0xb8;
	[tilespmem:$0x16800] =	vst v63  }
0x181: {  	v3 =	vld [tilespmem:s16+$0x18];
	_ =	sdelay $0x4  }
0x182: {  	v61 =	vshll.u32 v3, $0x1  }
0x183: {  	v3 =	vand.u32 $0x7, v3;
	v4 =	vand.u32 $0xFFFFFFF0, v61  }
0x184: {  	v3 =	vor.u32 v3, v4  }
0x185: {  	v4 =	vperm.xlane v3, v0;
	_ =	sdelay $0x1  }
0x186: {  	v3 =	vperm.xlane v3, v2;
	v4 =	vadd.s32 v1, v4;
	_ =	sdelay $0x1  }
0x187: {  	v3 =	vadd.s32 v1, v3;
	_ =	sdelay $0x2  }
0x188: {  	[tilespmem:s20], [sflag:$0x1] =	stream.indirect_vreg.gather [hbm4b:s2+s3], $0x80, v4, vm0, $0xb8;
	[tilespmem:$0x16800] =	vst v63  }
0x189: {  	s15 =	simm.s32 $0xD000  }
0x18a: {  	[tilespmem:s15], [sflag:$0x1] =	stream.indirect_vreg.gather [hbm4b:s2+s3], $0x80, v3, vm0, $0xb8;
	[tilespmem:$0x16800] =	vst v63  }
0x18b: {  	v3 =	vld [tilespmem:s16+$0x28];
	_ =	sdelay $0x4  }
0x18c: {  	v62 =	vshll.u32 v3, $0x1  }
0x18d: {  	v3 =	vand.u32 $0x7, v3;
	v4 =	vand.u32 $0xFFFFFFF0, v62  }
0x18e: {  	v3 =	vor.u32 v3, v4  }
0x18f: {  	v4 =	vperm.xlane v3, v0;
	_ =	sdelay $0x1  }
0x190: {  	v3 =	vperm.xlane v3, v2;
	v4 =	vadd.s32 v1, v4;
	_ =	sdelay $0x1  }
0x191: {  	v3 =	vadd.s32 v1, v3;
	_ =	sdelay $0x1  }
0x192: {  	s15 =	simm.s32 $0xD800  }
0x193: {  	[tilespmem:s15], [sflag:$0x1] =	stream.indirect_vreg.gather [hbm4b:s2+s3], $0x80, v4, vm0, $0xb8;
	[tilespmem:$0x16800] =	vst v63  }
0x194: {  	s15 =	simm.s32 $0xE000  }
0x195: {  	[tilespmem:s15], [sflag:$0x1] =	stream.indirect_vreg.gather [hbm4b:s2+s3], $0x80, v3, vm0, $0xb8;
	[tilespmem:$0x16800] =	vst v63  }
0x196: {  	v3 =	vld.msk [tilespmem:s16+$0x38], $0xff;
	_ =	sdelay $0x4  }
0x197: {  	v63 =	vshll.u32 v3, $0x1  }
0x198: {  	v3 =	vand.u32 $0x7, v3;
	v4 =	vand.u32 $0xFFFFFFF0, v63  }
0x199: {  	v3 =	vor.u32 v3, v4  }
0x19a: {  	v3 =	vperm.xlane v3, v0;
	_ =	sdelay $0x1  }
0x19b: {  	v3 =	vadd.s32 v1, v3;
	_ =	sdelay $0x3  }
0x19c: {  	s15 =	simm.s32 $0xE800  }
0x19d: {  	[tilespmem:s15], [sflag:$0x1] =	stream.indirect_vreg.gather [hbm4b:s2+s3], $0x80, v3, vm0, $0xb8;
	[tilespmem:$0x16800] =	vst v63  }
.LBB2_7:
0x19e: {  	_ =	swait.ge [sflag:s14], $0x2800  }
0x19f: {  	[sflag:s14] =	ssyncset.done $0x0  }
0x1a0: {  	[sflag:s14] =	ssyncadd.s32 $0xFFFFD800  }
0x1a1: {  	_ =	swait.ge [sflag:s14], $0x2800  }
0x1a2: {  	[sflag:s14] =	ssyncset.done $0x0  }
0x1a3: {  	s15 =	sadd.s32 $0xA00, s22;
	[sflag:s14] =	ssyncadd.s32 $0xFFFFD800  }
0x1a4: {  	[hbm4b:s15+s3] =	stream.linear.scatter [tilespmem:s10], [sflag:$0x7], $0x2800, $0x38;
	[tilespmem:$0x16800] =	vst v63  }
0x1a5: {  	s23 =	sadd.s32 $0xA00, s23  }
0x1a6: {  	[hbm4b:s23+s3] =	stream.linear.scatter [tilespmem:s19], [sflag:$0x7], $0x2800, $0x38;
	[tilespmem:$0x16800] =	vst v63  }
0x1a7: {  	_ =	swait.ge [sflag:s8], $0x2800  }
.Ltmp5:
0x1a8: {  	[sflag:s8] =	ssyncset.done $0x0;
	(pc) =	sbr.rel @p0 .LBB2_9-.Ltmp5, $4  }
0x1a9: {  	[sflag:s8] =	ssyncadd.s32 $0xFFFFD800  }
0x1aa: {  	_ =	swait.ge [sflag:s8], $0x2800  }
0x1ab: {  	[sflag:s8] =	ssyncset.done $0x0  }
0x1ac: {  	[sflag:s8] =	ssyncadd.s32 $0xFFFFD800  }
0x1ad: {  	v3 =	vld [tilespmem:s18+$0x40];
	_ =	sdelay $0x4  }
0x1ae: {  	v4 =	vshll.u32 v3, $0x1  }
0x1af: {  	v3 =	vand.u32 $0x7, v3;
	v4 =	vand.u32 $0xFFFFFFF0, v4  }
0x1b0: {  	v3 =	vor.u32 v3, v4  }
0x1b1: {  	v4 =	vperm.xlane v3, v0;
	_ =	sdelay $0x1  }
0x1b2: {  	v3 =	vperm.xlane v3, v2;
	v4 =	vadd.s32 v1, v4;
	_ =	sdelay $0x1  }
0x1b3: {  	v3 =	vadd.s32 v1, v3;
	_ =	sdelay $0x2  }
0x1b4: {  	[tilespmem:s25], [sflag:$0x2] =	stream.indirect_vreg.gather [hbm4b:s5+s3], $0x80, v4, vm0, $0xb8;
	[tilespmem:$0x16800] =	vst v63  }
0x1b5: {  	s15 =	simm.s32 $0x5800  }
0x1b6: {  	[tilespmem:s15], [sflag:$0x2] =	stream.indirect_vreg.gather [hbm4b:s5+s3], $0x80, v3, vm0, $0xb8;
	[tilespmem:$0x16800] =	vst v63  }
0x1b7: {  	v3 =	vld [tilespmem:s18+$0x50];
	_ =	sdelay $0x4  }
0x1b8: {  	v59 =	vshll.u32 v3, $0x1  }
0x1b9: {  	v3 =	vand.u32 $0x7, v3;
	v4 =	vand.u32 $0xFFFFFFF0, v59  }
0x1ba: {  	v3 =	vor.u32 v3, v4  }
0x1bb: {  	v4 =	vperm.xlane v3, v0;
	_ =	sdelay $0x1  }
0x1bc: {  	v3 =	vperm.xlane v3, v2;
	v4 =	vadd.s32 v1, v4;
	_ =	sdelay $0x1  }
0x1bd: {  	v3 =	vadd.s32 v1, v3;
	_ =	sdelay $0x1  }
0x1be: {  	s23 =	simm.s32 $0x6000  }
0x1bf: {  	[tilespmem:s23], [sflag:$0x2] =	stream.indirect_vreg.gather [hbm4b:s5+s3], $0x80, v4, vm0, $0xb8;
	[tilespmem:$0x16800] =	vst v63  }
0x1c0: {  	s22 =	simm.s32 $0x6800  }
0x1c1: {  	[tilespmem:s22], [sflag:$0x2] =	stream.indirect_vreg.gather [hbm4b:s5+s3], $0x80, v3, vm0, $0xb8;
	[tilespmem:$0x16800] =	vst v63  }
0x1c2: {  	v3 =	vld.msk [tilespmem:s18+$0x60], $0xff;
	_ =	sdelay $0x4  }
0x1c3: {  	v60 =	vshll.u32 v3, $0x1  }
0x1c4: {  	v3 =	vand.u32 $0x7, v3;
	v4 =	vand.u32 $0xFFFFFFF0, v60  }
0x1c5: {  	v3 =	vor.u32 v3, v4  }
0x1c6: {  	v3 =	vperm.xlane v3, v0;
	_ =	sdelay $0x1  }
0x1c7: {  	v3 =	vadd.s32 v1, v3;
	_ =	sdelay $0x3  }
0x1c8: {  	s23 =	simm.s32 $0x7000  }
0x1c9: {  	[tilespmem:s23], [sflag:$0x2] =	stream.indirect_vreg.gather [hbm4b:s5+s3], $0x80, v3, vm0, $0xb8;
	[tilespmem:$0x16800] =	vst v63  }
0x1ca: {  	v3 =	vld [tilespmem:s16+$0x40];
	_ =	sdelay $0x4  }
0x1cb: {  	v61 =	vshll.u32 v3, $0x1  }
0x1cc: {  	v3 =	vand.u32 $0x7, v3;
	v4 =	vand.u32 $0xFFFFFFF0, v61  }
0x1cd: {  	v3 =	vor.u32 v3, v4  }
0x1ce: {  	v4 =	vperm.xlane v3, v0;
	_ =	sdelay $0x1  }
0x1cf: {  	v3 =	vperm.xlane v3, v2;
	v4 =	vadd.s32 v1, v4;
	_ =	sdelay $0x1  }
0x1d0: {  	v3 =	vadd.s32 v1, v3;
	_ =	sdelay $0x2  }
0x1d1: {  	[tilespmem:s31], [sflag:$0x2] =	stream.indirect_vreg.gather [hbm4b:s2+s3], $0x80, v4, vm0, $0xb8;
	[tilespmem:$0x16800] =	vst v63  }
0x1d2: {  	s22 =	simm.s32 $0xF800  }
0x1d3: {  	[tilespmem:s22], [sflag:$0x2] =	stream.indirect_vreg.gather [hbm4b:s2+s3], $0x80, v3, vm0, $0xb8;
	[tilespmem:$0x16800] =	vst v63  }
0x1d4: {  	v3 =	vld [tilespmem:s16+$0x50];
	_ =	sdelay $0x4  }
0x1d5: {  	v62 =	vshll.u32 v3, $0x1  }
0x1d6: {  	v3 =	vand.u32 $0x7, v3;
	v4 =	vand.u32 $0xFFFFFFF0, v62  }
0x1d7: {  	v3 =	vor.u32 v3, v4  }
0x1d8: {  	v4 =	vperm.xlane v3, v0;
	_ =	sdelay $0x1  }
0x1d9: {  	v3 =	vperm.xlane v3, v2;
	v4 =	vadd.s32 v1, v4;
	_ =	sdelay $0x1  }
0x1da: {  	v3 =	vadd.s32 v1, v3;
	_ =	sdelay $0x1  }
0x1db: {  	s23 =	simm.s32 $0x10000  }
0x1dc: {  	[tilespmem:s23], [sflag:$0x2] =	stream.indirect_vreg.gather [hbm4b:s2+s3], $0x80, v4, vm0, $0xb8;
	[tilespmem:$0x16800] =	vst v63  }
0x1dd: {  	s22 =	simm.s32 $0x10800  }
0x1de: {  	[tilespmem:s22], [sflag:$0x2] =	stream.indirect_vreg.gather [hbm4b:s2+s3], $0x80, v3, vm0, $0xb8;
	[tilespmem:$0x16800] =	vst v63  }
0x1df: {  	v3 =	vld.msk [tilespmem:s16+$0x60], $0xff;
	_ =	sdelay $0x4  }
0x1e0: {  	v63 =	vshll.u32 v3, $0x1  }
0x1e1: {  	v3 =	vand.u32 $0x7, v3;
	v4 =	vand.u32 $0xFFFFFFF0, v63  }
0x1e2: {  	v3 =	vor.u32 v3, v4  }
0x1e3: {  	v3 =	vperm.xlane v3, v0;
	_ =	sdelay $0x1  }
0x1e4: {  	v3 =	vadd.s32 v1, v3;
	_ =	sdelay $0x3  }
0x1e5: {  	s23 =	simm.s32 $0x11000  }
0x1e6: {  	[tilespmem:s23], [sflag:$0x2] =	stream.indirect_vreg.gather [hbm4b:s2+s3], $0x80, v3, vm0, $0xb8;
	[tilespmem:$0x16800] =	vst v63  }
.LBB2_9:
0x1e7: {  	_ =	swait.ge [sflag:s28], $0x2800  }
0x1e8: {  	[sflag:s28] =	ssyncset.done $0x0  }
0x1e9: {  	[sflag:s28] =	ssyncadd.s32 $0xFFFFD800  }
0x1ea: {  	s15 =	sadd.s32 s4, s17;
	_ =	swait.ge [sflag:s28], $0x2800  }
0x1eb: {  	s15 =	sshll.u32 s15, $0x5;
	[sflag:s28] =	ssyncset.done $0x0  }
0x1ec: {  	s23 =	sadd.s32 s6, s15;
	[sflag:s28] =	ssyncadd.s32 $0xFFFFD800  }
0x1ed: {  	[hbm4b:s23+s3] =	stream.linear.scatter [tilespmem:s26], [sflag:$0x8], $0x2800, $0x38;
	[tilespmem:$0x16800] =	vst v63  }
0x1ee: {  	s15 =	sadd.s32 s7, s15  }
0x1ef: {  	[hbm4b:s15+s3] =	stream.linear.scatter [tilespmem:s0], [sflag:$0x8], $0x2800, $0x38;
	[tilespmem:$0x16800] =	vst v63  }
0x1f0: {  	_ =	swait.ge [sflag:s29], $0x2800  }
.Ltmp6:
0x1f1: {  	[sflag:s29] =	ssyncset.done $0x0;
	(pc) =	sbr.rel @p0 .LBB2_11-.Ltmp6, $4  }
0x1f2: {  	[sflag:s29] =	ssyncadd.s32 $0xFFFFD800  }
0x1f3: {  	_ =	swait.ge [sflag:s29], $0x2800  }
0x1f4: {  	[sflag:s29] =	ssyncset.done $0x0  }
0x1f5: {  	[sflag:s29] =	ssyncadd.s32 $0xFFFFD800  }
0x1f6: {  	v3 =	vld [tilespmem:s18+$0x68];
	_ =	sdelay $0x4  }
0x1f7: {  	v4 =	vshll.u32 v3, $0x1  }
0x1f8: {  	v3 =	vand.u32 $0x7, v3;
	v4 =	vand.u32 $0xFFFFFFF0, v4  }
0x1f9: {  	v3 =	vor.u32 v3, v4  }
0x1fa: {  	v4 =	vperm.xlane v3, v0;
	_ =	sdelay $0x1  }
0x1fb: {  	v3 =	vperm.xlane v3, v2;
	v4 =	vadd.s32 v1, v4;
	_ =	sdelay $0x1  }
0x1fc: {  	v3 =	vadd.s32 v1, v3;
	_ =	sdelay $0x2  }
0x1fd: {  	[tilespmem:s10], [sflag:$0x3] =	stream.indirect_vreg.gather [hbm4b:s5+s3], $0x80, v4, vm0, $0xb8;
	[tilespmem:$0x16800] =	vst v63  }
0x1fe: {  	s15 =	simm.s32 $0x8000  }
0x1ff: {  	[tilespmem:s15], [sflag:$0x3] =	stream.indirect_vreg.gather [hbm4b:s5+s3], $0x80, v3, vm0, $0xb8;
	[tilespmem:$0x16800] =	vst v63  }
0x200: {  	v3 =	vld [tilespmem:s18+$0x78];
	_ =	sdelay $0x4  }
0x201: {  	v59 =	vshll.u32 v3, $0x1  }
0x202: {  	v3 =	vand.u32 $0x7, v3;
	v4 =	vand.u32 $0xFFFFFFF0, v59  }
0x203: {  	v3 =	vor.u32 v3, v4  }
0x204: {  	v4 =	vperm.xlane v3, v0;
	_ =	sdelay $0x1  }
0x205: {  	v3 =	vperm.xlane v3, v2;
	v4 =	vadd.s32 v1, v4;
	_ =	sdelay $0x1  }
0x206: {  	v3 =	vadd.s32 v1, v3;
	_ =	sdelay $0x1  }
0x207: {  	s23 =	simm.s32 $0x8800  }
0x208: {  	[tilespmem:s23], [sflag:$0x3] =	stream.indirect_vreg.gather [hbm4b:s5+s3], $0x80, v4, vm0, $0xb8;
	[tilespmem:$0x16800] =	vst v63  }
0x209: {  	s17 =	simm.s32 $0x9000  }
0x20a: {  	[tilespmem:s17], [sflag:$0x3] =	stream.indirect_vreg.gather [hbm4b:s5+s3], $0x80, v3, vm0, $0xb8;
	[tilespmem:$0x16800] =	vst v63  }
0x20b: {  	v3 =	vld.msk [tilespmem:s18+$0x88], $0xff;
	_ =	sdelay $0x4  }
0x20c: {  	v60 =	vshll.u32 v3, $0x1  }
0x20d: {  	v3 =	vand.u32 $0x7, v3;
	v4 =	vand.u32 $0xFFFFFFF0, v60  }
0x20e: {  	v3 =	vor.u32 v3, v4  }
0x20f: {  	v3 =	vperm.xlane v3, v0;
	_ =	sdelay $0x1  }
0x210: {  	v3 =	vadd.s32 v1, v3;
	_ =	sdelay $0x3  }
0x211: {  	s22 =	simm.s32 $0x9800  }
0x212: {  	[tilespmem:s22], [sflag:$0x3] =	stream.indirect_vreg.gather [hbm4b:s5+s3], $0x80, v3, vm0, $0xb8;
	[tilespmem:$0x16800] =	vst v63  }
0x213: {  	v3 =	vld [tilespmem:s16+$0x68];
	_ =	sdelay $0x4  }
0x214: {  	v61 =	vshll.u32 v3, $0x1  }
0x215: {  	v3 =	vand.u32 $0x7, v3;
	v4 =	vand.u32 $0xFFFFFFF0, v61  }
0x216: {  	v3 =	vor.u32 v3, v4  }
0x217: {  	v4 =	vperm.xlane v3, v0;
	_ =	sdelay $0x1  }
0x218: {  	v3 =	vperm.xlane v3, v2;
	v4 =	vadd.s32 v1, v4;
	_ =	sdelay $0x1  }
0x219: {  	v3 =	vadd.s32 v1, v3;
	_ =	sdelay $0x2  }
0x21a: {  	[tilespmem:s19], [sflag:$0x3] =	stream.indirect_vreg.gather [hbm4b:s2+s3], $0x80, v4, vm0, $0xb8;
	[tilespmem:$0x16800] =	vst v63  }
0x21b: {  	s23 =	simm.s32 $0x12000  }
0x21c: {  	[tilespmem:s23], [sflag:$0x3] =	stream.indirect_vreg.gather [hbm4b:s2+s3], $0x80, v3, vm0, $0xb8;
	[tilespmem:$0x16800] =	vst v63  }
0x21d: {  	v3 =	vld [tilespmem:s16+$0x78];
	_ =	sdelay $0x4  }
0x21e: {  	v62 =	vshll.u32 v3, $0x1  }
0x21f: {  	v3 =	vand.u32 $0x7, v3;
	v4 =	vand.u32 $0xFFFFFFF0, v62  }
0x220: {  	v3 =	vor.u32 v3, v4  }
0x221: {  	v4 =	vperm.xlane v3, v0;
	_ =	sdelay $0x1  }
0x222: {  	v3 =	vperm.xlane v3, v2;
	v4 =	vadd.s32 v1, v4;
	_ =	sdelay $0x1  }
0x223: {  	v3 =	vadd.s32 v1, v3;
	_ =	sdelay $0x1  }
0x224: {  	s17 =	simm.s32 $0x12800  }
0x225: {  	[tilespmem:s17], [sflag:$0x3] =	stream.indirect_vreg.gather [hbm4b:s2+s3], $0x80, v4, vm0, $0xb8;
	[tilespmem:$0x16800] =	vst v63  }
0x226: {  	s22 =	simm.s32 $0x13000  }
0x227: {  	[tilespmem:s22], [sflag:$0x3] =	stream.indirect_vreg.gather [hbm4b:s2+s3], $0x80, v3, vm0, $0xb8;
	[tilespmem:$0x16800] =	vst v63  }
0x228: {  	v3 =	vld.msk [tilespmem:s16+$0x88], $0xff;
	_ =	sdelay $0x4  }
0x229: {  	v63 =	vshll.u32 v3, $0x1  }
0x22a: {  	v3 =	vand.u32 $0x7, v3;
	v4 =	vand.u32 $0xFFFFFFF0, v63  }
0x22b: {  	v3 =	vor.u32 v3, v4  }
0x22c: {  	v3 =	vperm.xlane v3, v0;
	_ =	sdelay $0x1  }
0x22d: {  	v3 =	vadd.s32 v1, v3  }
.Ltmp7:
0x22e: {  	_ = 	snop;
	(pc) =	sbr.rel .LBB2_2-.Ltmp7, $4  }
0x22f: {  	_ = 	snop  }
0x230: {  	s21 =	sadd.s32 $0x1400, s21;
	s24 =	sadd.s32 $0xA0, s24  }
0x231: {  	s18 =	sadd.s32 $0xA0, s18;
	s23 =	simm.s32 $0x13800;
	s16 =	sadd.s32 $0xA0, s16  }
0x232: {  	[tilespmem:s23], [sflag:$0x3] =	stream.indirect_vreg.gather [hbm4b:s2+s3], $0x80, v3, vm0, $0xb8;
	[tilespmem:$0x16800] =	vst v63  }
.LBB2_12:
0x233: {  	_ =	sfence.sel $0x180000  }
0x234: {  	[bflag:$0x0] =	sbarrier.arrive $0xFFFF  }
0x235: {  	_ =	strace $0x9000004A  }
0x236: {  	s0 =	stileid.u32;
	[bflag:$0x2] =	sbarrier.arrive $0xFFFF  }
0x237: {  	p0 =	sne.s32 s0, $0x0;
	s0 =	rddreg [dreg:$0x2]  }
0x238: {  	s0 =	sadd.s32 @!p0 $0x100000, s0  }
0x239: {  	[sflag:s0] =	ssyncadd.tile.s32 @!p0 $0x1;
	_ =	shalt  }
.Lfunc_end2:
_tile_overlayer_lowered:
.L_overlay_start_2:
0x23a: {  	(tag) =	ssettag $0x2  }
0x23b: {  	s0 =	rddreg [dreg:$0x0];
	s2 =	stileid.u32  }
0x23c: {  	s1 =	rddreg [dreg:$0x1];
	p0 =	sne.s32 s2, $0x0  }
0x23d: {  	s3 =	rddreg [dreg:$0x2];
	[bflag:$0x3] =	sbarrier.arrive $0xFFFF;
	s2 =	simm.s32 @!p0 $0x1C09  }
0x23e: {  	[timem:s3], [sflag:s2] =	dma.local @!p0 [hbm:s0], s1  }
0x23f: {  	s0 =	simm.s32 @!p0 $0x9  }
0x240: {  	_ =	swait.ge @!p0 [sflag:s0], s1  }
0x241: {  	s1 =	ssub.s32 @!p0 $0x0, s1;
	[sflag:s0] =	ssyncset.done @!p0 $0x0  }
0x242: {  	[sflag:s0] =	ssyncadd.s32 @!p0 s1  }
0x243: {  	[bflag:$0x3] =	sbarrier.arrive $0xFFFF  }
0x244: {  	_ =	shalt  }

// kernel: kernel.14.cloned.1.call-start
scs
__scs_entry_jumppad:
0x0: {  	(pc) =	sbr.rel $0x88, $3  }
0x1: {  	(tag) =	ssettag $0x0;
	lr =	simm.s32 $0x1  }
0x2: {  	[smem:$0x3F85] =	sst lr;
	_ =	strace $0xD0000000  }
0x3: {  	_ = 	snop  }
0x4: {  	_ = 	snop  }
0x5: {  	_ = 	snop  }
0x6: {  	_ = 	snop  }
0x7: {  	_ = 	snop  }
__scs_overlays_trampoline_lowered:
0x8: {  	[smem:$0x3F94] =	sst s0  }
0x9: {  	[smem:$0x3F95] =	sst s1  }
0xa: {  	[smem:$0x3F96] =	sst s2  }
0xb: {  	[smem:$0x3F97] =	sst s3  }
0xc: {  	[smem:$0x3F98] =	sst s4  }
0xd: {  	[smem:$0x3F99] =	sst s5  }
0xe: {  	[smem:$0x3F9A] =	sst s6  }
0xf: {  	[smem:$0x3F9B] =	sst s7  }
0x10: {  	[smem:$0x3F9C] =	sst s8  }
0x11: {  	[smem:$0x3F9D] =	sst s9;
	s0 =	simm.s32 @!p0 $0x0  }
0x12: {  	s1 =	sld [smem:$0x3F83];
	s0 =	simm.s32 @p0 $0x1  }
0x13: {  	[smem:$0x3F9E] =	sst s0;
	s0 =	simm.s32 @!p1 $0x0  }
0x14: {  	s2 =	sld [smem:$0x3F82];
	s0 =	simm.s32 @p1 $0x1  }
0x15: {  	[smem:$0x3F9F] =	sst s0;
	s0 =	simm.s32 @!p2 $0x0  }
0x16: {  	s3 =	sld [smem:$0x3FDB];
	s0 =	simm.s32 @p2 $0x1  }
0x17: {  	s4 =	simm.s32 $0x1BF5;
	[smem:$0x3FA1] =	sst s0  }
0x18: {  	s0 =	sld [smem:$0x3F84];
	_ =	swait.ge [sflag:s4], $0x0  }
0x19: {  	s7 =	sld [smem:$0x3F85]  }
0x1a: {  	s8 =	sadd.s32 $0xFFFFE003, lr  }
0x1b: {  	s9 =	sadd.s32 $0xFFFFFEF7, lr;
	s5 =	simm.s32 $0xFFFFFFFF;
	p2 =	slt.u32 s8, $0xFFFFF086  }
0x1c: {  	p1 =	slt.u32 s9, $0xF7A;
	s5 =	simm.s32 @!p2 $0x0  }
0x1d: {  	s5 =	simm.s32 @p1 $0x1;
	p0 =	seq.s32 s7, s2  }
0x1e: {  	s7 =	smul.u32 @!p0 $0xF7A, s2;
	p2 =	seq.s32 @!p0 s5, $0x0  }
0x1f: {  	s9 =	smul.u32 $0xF7A, s1;
	s8 =	simm.s32 @!p0 $0x1BF5;
	p2 =	por !p2, p0  }
0x20: {  	[sflag:s8] =	ssyncset.s32 @!p0 $0xFFFFF086;
	s6 =	sadd.s32 @!p0 s3, s7;
	s7 =	simm.s32 @!p0 $0x108  }
0x21: {  	s3 =	sadd.s32 s3, s9;
	s6 =	sadd.s32 @!p0 $0x88, s6;
	s7 =	simm.s32 @p2 $0x1082  }
0x22: {  	[simem:s7], [sflag:s8] =	dma.local @!p0 [hbm:s6], $0xF7A  }
0x23: {  	s9 =	sor.u32 $0xD0000000, s2;
	s6 =	simm.s32 $0x108;
	_ =	swait.ge @!p0 [sflag:s8], $0x0  }
0x24: {  	s3 =	sadd.s32 $0x88, s3;
	s6 =	simm.s32 @!p1 $0x1082;
	[sflag:s4] =	ssyncset.s32 $0xFFFFF086  }
0x25: {  	[simem:s6], [sflag:s4] =	dma.local [hbm:s3], $0xF7A  }
0x26: {  	[smem:$0x3F85] =	sst s1;
	(tag) =	ssettag s2;
	_ =	strace s9  }
0x27: {  	s1 =	sld [smem:$0x3F95]  }
0x28: {  	s2 =	sld [smem:$0x3F96]  }
0x29: {  	s4 =	sld [smem:$0x3F98]  }
0x2a: {  	p0 =	seq.s32 s5, $0x0;
	s5 =	sld [smem:$0x3F99]  }
0x2b: {  	s6 =	sld [smem:$0x3F9A]  }
0x2c: {  	s7 =	sld [smem:$0x3F9B]  }
0x2d: {  	s3 =	simm.s32 $0x108;
	s8 =	sld [smem:$0x3F9C]  }
0x2e: {  	s3 =	simm.s32 @!p0 $0x1082;
	s9 =	sld [smem:$0x3F9D]  }
0x2f: {  	lr =	sadd.s32 s0, s3;
	s0 =	sld [smem:$0x3F94]  }
0x30: {  	s3 =	sld [smem:$0x3F97]  }
0x31: {  	[smem:$0x3FA0] =	sst s10  }
0x32: {  	s10 =	sld [smem:$0x3F9E];
	_ =	sdelay $0x3  }
0x33: {  	p0 =	seq.s32 s10, $0x1;
	s10 =	sld [smem:$0x3FA0];
	_ =	sdelay $0x3  }
0x34: {  	[smem:$0x3FA0] =	sst s10  }
0x35: {  	s10 =	sld [smem:$0x3F9F];
	_ =	sdelay $0x3  }
0x36: {  	p1 =	seq.s32 s10, $0x1;
	s10 =	sld [smem:$0x3FA0];
	_ =	sdelay $0x3  }
0x37: {  	[smem:$0x3FA0] =	sst s10  }
0x38: {  	s10 =	sld [smem:$0x3FA1]  }
0x39: {  	_ = 	snop;
	(pc) =	sbr.ind lr, $3  }
0x3a: {  	_ = 	snop  }
0x3b: {  	_ = 	snop  }
0x3c: {  	p2 =	seq.s32 s10, $0x1;
	s10 =	sld [smem:$0x3FA0]  }
0x3d: {  	_ =	shalt  }
0x3e: {  	_ =	shalt  }
0x3f: {  	_ =	shalt  }
0x40: {  	_ =	shalt  }
0x41: {  	_ =	shalt  }
0x42: {  	_ =	shalt  }
0x43: {  	_ =	shalt  }
0x44: {  	_ =	shalt  }
0x45: {  	_ =	shalt  }
0x46: {  	_ =	shalt  }
0x47: {  	_ =	shalt  }
0x48: {  	_ =	shalt  }
0x49: {  	_ =	shalt  }
0x4a: {  	_ =	shalt  }
0x4b: {  	_ =	shalt  }
0x4c: {  	_ =	shalt  }
0x4d: {  	_ =	shalt  }
0x4e: {  	_ =	shalt  }
0x4f: {  	_ =	shalt  }
0x50: {  	_ =	shalt  }
0x51: {  	_ =	shalt  }
0x52: {  	_ =	shalt  }
0x53: {  	_ =	shalt  }
0x54: {  	_ =	shalt  }
0x55: {  	_ =	shalt  }
0x56: {  	_ =	shalt  }
0x57: {  	_ =	shalt  }
0x58: {  	_ =	shalt  }
0x59: {  	_ =	shalt  }
0x5a: {  	_ =	shalt  }
0x5b: {  	_ =	shalt  }
0x5c: {  	_ =	shalt  }
0x5d: {  	_ =	shalt  }
0x5e: {  	_ =	shalt  }
0x5f: {  	_ =	shalt  }
0x60: {  	_ =	shalt  }
0x61: {  	_ =	shalt  }
0x62: {  	_ =	shalt  }
0x63: {  	_ =	shalt  }
0x64: {  	_ =	shalt  }
0x65: {  	_ =	shalt  }
0x66: {  	_ =	shalt  }
0x67: {  	_ =	shalt  }
0x68: {  	_ =	shalt  }
0x69: {  	_ =	shalt  }
0x6a: {  	_ =	shalt  }
0x6b: {  	_ =	shalt  }
0x6c: {  	_ =	shalt  }
0x6d: {  	_ =	shalt  }
0x6e: {  	_ =	shalt  }
0x6f: {  	_ =	shalt  }
0x70: {  	_ =	shalt  }
0x71: {  	_ =	shalt  }
0x72: {  	_ =	shalt  }
0x73: {  	_ =	shalt  }
0x74: {  	_ =	shalt  }
0x75: {  	_ =	shalt  }
0x76: {  	_ =	shalt  }
0x77: {  	_ =	shalt  }
0x78: {  	_ =	shalt  }
0x79: {  	_ =	shalt  }
0x7a: {  	_ =	shalt  }
0x7b: {  	_ =	shalt  }
0x7c: {  	_ =	shalt  }
0x7d: {  	_ =	shalt  }
0x7e: {  	_ =	shalt  }
0x7f: {  	_ =	shalt  }
0x80: {  	_ =	shalt  }
0x81: {  	_ =	shalt  }
0x82: {  	_ =	shalt  }
0x83: {  	_ =	shalt  }
0x84: {  	_ =	shalt  }
0x85: {  	_ =	shalt  }
0x86: {  	_ =	shalt  }
0x87: {  	_ =	shalt  }
.Lfunc_end0:
.L_simem_size_0:
called_computation.2_lowered:
.L_overlay_start_0:
0x88: {  	s2 =	sld [smem:$0x3FD9]  }
0x89: {  	s3 =	sld [smem:$0x3FFE];
	_ =	sdelay $0x1  }
0x8a: {  	s1 =	srdreg.scid  }
0x8b: {  	s0 =	sand.u32 $0x1, s1  }
0x8c: {  	s17 =	sshll.u32 s0, $0xA;
	s2 =	sadd.s32 s3, s2  }
0x8d: {  	s2 =	sadd.s32 s2, s17  }
0x8e: {  	[smem:$0x3FAC] =	sst s2  }
0x8f: {  	_ = 	snop  }
0x90: {  	s2 =	sld [smem:$0x3FD0];
	(tm) =	ssettm $0x1  }
0x91: {  	s18 =	sld [smem:$0x3FFB];
	_ =	sdelay $0x3  }
0x92: {  	_ =	strace s18  }
0x93: {  	s3 =	sld [smem:$0x3FFC];
	_ =	sdelay $0x3  }
0x94: {  	_ =	strace s3  }
0x95: {  	s3 =	sld [smem:$0x3FFD];
	_ =	sdelay $0x3  }
0x96: {  	_ =	strace s3  }
0x97: {  	_ =	strace $0x8FFFFFFF  }
0x98: {  	s19 =	sld [smem:$0x3FDB];
	_ =	sdelay $0x1  }
0x99: {  	s4 =	simm.s32 $_scs_section_size  }
0x9a: {  	s5 =	simm.s32 $_size__tile_overlayer_lowered;
	s6 =	simm.s32 $_tile_overlayer_lowered  }
0x9b: {  	s22 =	simm.s32 $0x1BFF;
	s21 =	sshll.u32 s6, $0x1;
	s3 =	sadd.s32 s4, s19  }
0x9c: {  	s7 =	simm.s32 $0x0;
	s20 =	sshll.u32 s5, $0x1;
	s5 =	sadd.s32 s21, s3  }
0x9d: {  	[timem:s7], [sflag:s22] =	dma.local [hbm:s5], s20  }
0x9e: {  	_ =	swait.ge [sflag:s22], s20  }
0x9f: {  	s4 =	ssub.s32 $0x0, s20;
	[sflag:s22] =	ssyncset.done $0x0  }
0xa0: {  	[sflag:s22] =	ssyncadd.s32 s4;
	_ =	sdelay $0x1  }
0xa1: {  	s23 =	simm.s32 $0x1B8B  }
0xa2: {  	_ =	swait.ge [sflag:s23], $0x1  }
0xa3: {  	[sflag:s23] =	ssyncset.done $0x0  }
0xa4: {  	s25 =	simm.s32 $0x1B8E;
	s24 =	sld [smem:$0x3FFE];
	[sflag:s23] =	ssyncadd.s32 $0xFFFFFFFF  }
0xa5: {  	s26 =	simm.s32 $execute0_lowered;
	[smem:$0x3FD2] =	sst s25  }
0xa6: {  	s5 =	sshll.u32 s26, $0x1;
	_ =	strace $0x8000004C;
	[dreg:$0x1] =	wrdreg $0xFFFFFFFF  }
0xa7: {  	s28 =	simm.s32 $_size_execute0_lowered;
	s3 =	sadd.s32 s3, s5;
	[dreg:$0x0] =	wrdreg $0x0  }
0xa8: {  	s5 =	sshll.u32 s28, $0x1;
	[dreg:$0x2] =	wrdreg s3  }
0xa9: {  	[dreg:$0x3] =	wrdreg s5  }
0xaa: {  	[dreg:$0x4] =	wrdreg $0xC0  }
0xab: {  	_ =	task [dreg:s7], $0x5FFFF  }
0xac: {  	[dreg:$0x1] =	wrdreg $0xFFFFFFFF  }
0xad: {  	[dreg:$0x0] =	wrdreg $0x60  }
0xae: {  	[dreg:$0x2] =	wrdreg s24  }
0xaf: {  	[dreg:$0x3] =	wrdreg s2  }
0xb0: {  	[dreg:$0x4] =	wrdreg $0x56800  }
0xb1: {  	[dreg:$0x5] =	wrdreg $0x18F000  }
0xb2: {  	[dreg:$0x6] =	wrdreg $0x9  }
0xb3: {  	_ =	task.clear_ibuf [dreg:s7], $0x7FFFF;
	_ =	strace $0x9000004C  }
0xb4: {  	s29 =	simm.s32 $0x9;
	_ =	strace $0x8000004E  }
0xb5: {  	_ =	swait.ge [sflag:s29], $0x1  }
0xb6: {  	[sflag:s29] =	ssyncadd.s32 $0xFFFFFFFF  }
0xb7: {  	_ =	strace $0x9000004E  }
0xb8: {  	_ =	sfence  }
0xb9: {  	s30 =	sld [smem:$0x0];
	_ =	sdelay $0x2  }
0xba: {  	s31 =	sshll.u32 s1, $0xD;
	s1 =	sshrl.u32 s1, $0x2  }
0xbb: {  	s3 =	sand.u32 $0x4000, s31;
	s1 =	sadd.s32 s1, s30  }
0xbc: {  	s0 =	sor.u32 s3, s0;
	s1 =	sshll.u32 s1, $0x11  }
0xbd: {  	s0 =	sor.u32 s1, s0  }
0xbe: {  	s0 =	sadd.s32 $0x8F2B, s0  }
0xbf: {  	[sflag:s0] =	ssyncadd.remote.s32 $0x1  }
0xc0: {  	_ =	sfence.sel $0xFFFF  }
0xc1: {  	[dreg:$0x0] =	wrdreg $0xFFFFFFFF;
	(pc) =	sbr.abs _section_cstart, $3  }
0xc2: {  	[dreg:$0x1] =	wrdreg $0xFFFFFFFF  }
0xc3: {  	_ =	task.clear_ibuf [dreg:s7], $0x2FFFF;
	_ =	strace $0x9FFFFFFF  }
0xc4: {  	(tm) =	ssettm $0x7FFFFFFF  }
0xc5: {  	_ =	shalt  }
tec
execute0_lowered:
.L_overlay_start_1:
0x0: {  	(tag) =	ssettag $0x1  }
0x1: {  	s0 =	rddreg [dreg:$0x0]  }
0x2: {  	s4 =	rddreg [dreg:$0x1]  }
0x3: {  	s1 =	rddreg [dreg:$0x2]  }
0x4: {  	s2 =	rddreg [dreg:$0x3];
	s3 =	simm.s32 $0x0  }
0x5: {  	s5 =	srdreg.scid;
	[smem:$0x7FF] =	sst s3  }
0x6: {  	s15 =	stileid.u32;
	s8 =	sadd.s32 $0x1542E00, s0;
	s14 =	sadd.s32 $0x17C2E00, s0  }
0x7: {  	s7 =	sadd.s32 $0xA600, s0;
	s16 =	sand.u32 $0x1, s5;
	s5 =	smul.u32 $0x2800, s15  }
0x8: {  	s9 =	sadd.s32 $0x5600, s0;
	s0 =	sadd.s32 $0xF600, s0;
	s13 =	smul.u32 $0x14000, s15  }
0x9: {  	p1 =	sne.s32 s15, $0x0;
	_ =	strace $0x8000004D;
	[dreg:$0x8] =	wrdreg s0  }
0xa: {  	s31 =	smul.u32 $0x28000, s15;
	s24 =	ssub.s32 $0x2, s16;
	[dreg:$0x7] =	wrdreg s16  }
0xb: {  	s30 =	smul.u32 $0x138800, s16;
	s20 =	sor.u32 s16, s15;
	[dreg:$0x6] =	wrdreg s14  }
0xc: {  	p2 =	sne.s32 s16, $0x0;
	p4 =	seq.s32 s16, $0x0;
	[dreg:$0x5] =	wrdreg s8  }
0xd: {  	s16 =	sadd.s32 $0x500, s2;
	s6 =	sshrl.u32 s24, $0x1;
	s10 =	sshrl.u32 s5, $0x3  }
0xe: {  	p0 =	sne.s32 s20, $0x0;
	[smem:$0x7F1] =	sst s16;
	s20 =	sadd.s32 $0xF00, s2  }
0xf: {  	s11 =	sor.u32 $0x20, s5;
	s25 =	sadd.s32 s7, s10;
	[smem:$0x7F5] =	sst s20  }
0x10: {  	s26 =	sshrl.u32 s11, $0x3;
	s10 =	sadd.s32 s9, s10;
	[dreg:$0x9] =	wrdreg s25  }
0x11: {  	s19 =	sadd.s32 s13, s30;
	s13 =	sadd.s32 s14, s31;
	[dreg:$0xa] =	wrdreg s10  }
0x12: {  	s11 =	sshll.u32 s11, $0x4;
	s29 =	sadd.s32 s7, s26;
	[dreg:$0x1f] =	wrdreg s13  }
0x13: {  	s22 =	sor.u32 $0x60, s5;
	s17 =	sadd.s32 s14, s11;
	[dreg:$0xb] =	wrdreg s29  }
0x14: {  	s0 =	ssub.s32 s24, s6;
	s11 =	sadd.s32 s8, s11;
	[dreg:$0xc] =	wrdreg s17  }
0x15: {  	s24 =	sshll.u32 s22, $0x4;
	s6 =	sadd.s32 s9, s26;
	[dreg:$0xd] =	wrdreg s11  }
0x16: {  	p3 =	seq.s32 s15, $0xF;
	s26 =	sadd.s32 s14, s24;
	[dreg:$0xe] =	wrdreg s6  }
0x17: {  	s12 =	sor.u32 $0x40, s5;
	s0 =	smax.u32 s0, $0x1;
	[dreg:$0x14] =	wrdreg s26  }
0x18: {  	s25 =	smul.u32 $0x50000, s15;
	s15 =	sadd.s32 $0x280, s2;
	[dreg:$0x19] =	wrdreg s0  }
0x19: {  	s6 =	sshrl.u32 s19, $0x3;
	[smem:$0x7F0] =	sst s15;
	s19 =	sadd.s32 $0xC80, s2  }
0x1a: {  	s17 =	sshrl.u32 s12, $0x3;
	s26 =	sadd.s32 $0x1E00, s2;
	[smem:$0x7F4] =	sst s19  }
0x1b: {  	s18 =	sadd.s32 s7, s17;
	[smem:$0x7FB] =	sst s26  }
0x1c: {  	s12 =	sshll.u32 s12, $0x4;
	s6 =	sadd.s32 s4, s6;
	[dreg:$0xf] =	wrdreg s18  }
0x1d: {  	s21 =	sadd.s32 s14, s12;
	[dreg:$0x10] =	wrdreg s6  }
0x1e: {  	s10 =	sshrl.u32 s30, $0x3;
	s23 =	sadd.s32 s8, s12;
	[dreg:$0x11] =	wrdreg s21  }
0x1f: {  	s0 =	simm.s32 @!p1 $0x0;
	s11 =	sadd.s32 s9, s17;
	[dreg:$0x12] =	wrdreg s23  }
0x20: {  	s4 =	sadd.s32 s4, s10;
	s10 =	sadd.s32 s8, s24;
	[dreg:$0x13] =	wrdreg s11  }
0x21: {  	s0 =	simm.s32 @p1 $0x1;
	[dreg:$0x15] =	wrdreg s10  }
0x22: {  	s12 =	sadd.s32 $0x2580, s2;
	[smem:$0x7EE] =	sst s0  }
0x23: {  	s14 =	sadd.s32 s8, s31;
	[dreg:$0x1e] =	wrdreg s12  }
0x24: {  	s17 =	sadd.s32 $0x780, s2;
	[smem:$0x7EF] =	sst s14  }
0x25: {  	s24 =	sadd.s32 $0x1900, s2;
	[smem:$0x7F2] =	sst s17  }
0x26: {  	s29 =	sshrl.u32 s25, $0x2;
	s25 =	sadd.s32 $0x1B80, s2;
	[smem:$0x7F9] =	sst s24  }
0x27: {  	s4 =	sadd.s32 $0x25800, s4;
	[smem:$0x7FA] =	sst s25  }
0x28: {  	s28 =	simm.s32 $0x3;
	s10 =	sor.u32 $0xC0, s5;
	[dreg:$0x18] =	wrdreg s4  }
0x29: {  	s13 =	simm.s32 $0x9;
	s11 =	sadd.s32 $0x138000, s1;
	[dreg:$0x1a] =	wrdreg s10  }
0x2a: {  	s15 =	simm.s32 $0x1;
	s18 =	sadd.s32 $0xA00, s2;
	[dreg:$0x1d] =	wrdreg s11  }
0x2b: {  	s26 =	simm.s32 $0x2;
	s21 =	sadd.s32 $0x1180, s2;
	[smem:$0x7F3] =	sst s18  }
0x2c: {  	s6 =	sshrl.u32 s22, $0x3;
	s22 =	sadd.s32 $0x1400, s2;
	[smem:$0x7F6] =	sst s21  }
0x2d: {  	s0 =	sadd.s32 $0x12C000, s1;
	s23 =	sadd.s32 $0x1680, s2;
	[smem:$0x7F7] =	sst s22  }
0x2e: {  	s12 =	simm.s32 $0x4400;
	s30 =	sadd.s32 s7, s6;
	[smem:$0x7F8] =	sst s23  }
0x2f: {  	s5 =	simm.s32 $0x0;
	s6 =	sadd.s32 s9, s6;
	[dreg:$0x16] =	wrdreg s30  }
.Ltmp0:
0x30: {  	s0 =	sshrl.u32 @p3 s0, $0x3;
	[dreg:$0x17] =	wrdreg s6;
	(pc) =	sbr.rel .LBB2_1-.Ltmp0, $4  }
0x31: {  	s6 =	sadd.s32 s29, s1;
	[dreg:$0x1b] =	wrdreg s0;
	s29 =	sadd.s32 $0x2080, s2  }
0x32: {  	s18 =	simm.s32 $0x4380;
	s30 =	sadd.s32 $0x2300, s2;
	[smem:$0x7FC] =	sst s29  }
0x33: {  	s11 =	simm.s32 $0x20;
	s0 =	sshrl.u32 @!p3 s6, $0x3;
	[smem:$0x7FD] =	sst s30  }
0x34: {  	v0 =	vimm.f32 $0.0e+00;
	s10 =	simm.s32 $0x7;
	s6 =	simm.s32 $0x4;
	[dreg:$0x1c] =	wrdreg s0  }
.LBB2_15:
0x35: {  	s0 =	simm.s32 $0x8  }
0x36: {  	_ =	swait.ge [sflag:s0], $0x1000  }
0x37: {  	[sflag:s0] =	ssyncset.done $0x0  }
0x38: {  	[sflag:s0] =	ssyncadd.s32 $0xFFFFF000  }
0x39: {  	_ =	swait.ge [sflag:s0], $0x20  }
0x3a: {  	[sflag:s0] =	ssyncset.done $0x0  }
0x3b: {  	s14 =	sld [smem:$0x7ED];
	[sflag:s0] =	ssyncadd.s32 $0xFFFFFFE0  }
.LBB2_16:
0x3c: {  	[bflag:$0x0] =	sbarrier.arrive $0xFFFF  }
0x3d: {  	s4 =	rddreg [dreg:$0x18]  }
0x3e: {  	s0 =	simm.s32 @p3 $0x1FC9;
	s5 =	rddreg [dreg:$0x1b]  }
0x3f: {  	[hbm:s4], [sflag:s0] =	dma.local @p3 [spmem:s5], $0x1900  }
0x40: {  	s0 =	simm.s32 @p3 $0x9  }
0x41: {  	s5 =	stileid.u32;
	_ =	swait.ge @p3 [sflag:s0], $0x1900  }
0x42: {  	s4 =	sshll.u32 @!p3 s5, $0x6;
	[sflag:s0] =	ssyncset.done @p3 $0x0;
	s8 =	rddreg [dreg:$0x1c]  }
0x43: {  	[sflag:s0] =	ssyncadd.s32 @p3 $0xFFFFE700;
	s0 =	sor.u32 @!p3 $0x1C09, s4;
	s4 =	rddreg [dreg:$0x10]  }
0x44: {  	[hbm:s4], [sflag:s0] =	dma.local @!p3 [spmem:s8], $0x2800  }
0x45: {  	s0 =	simm.s32 @!p3 $0x9  }
0x46: {  	_ =	swait.ge @!p3 [sflag:s0], $0x2800  }
0x47: {  	s4 =	sshll.u32 @!p0 s5, $0x6;
	[sflag:s0] =	ssyncset.done @!p3 $0x0;
	s5 =	rddreg [dreg:$0x8]  }
0x48: {  	[sflag:s0] =	ssyncadd.s32 @!p3 $0xFFFFD800;
	s0 =	sor.u32 @!p0 $0x1C09, s4;
	s4 =	sshrl.u32 @!p0 s2, $0x3  }
0x49: {  	[hbm:s5], [sflag:s0] =	dma.local @!p0 [spmem:s4], $0x4F0  }
0x4a: {  	s0 =	simm.s32 @!p0 $0x9  }
0x4b: {  	_ =	swait.ge @!p0 [sflag:s0], $0x4F0  }
0x4c: {  	s5 =	sadd.s32 $0x1, s14;
	s30 =	rddreg [dreg:$0x19]  }
0x4d: {  	p1 =	sne.s32 s5, s30  }
.Ltmp1:
0x4e: {  	_ = 	snop;
	(pc) =	sbr.rel @!p1 .LBB2_17-.Ltmp1, $3  }
0x4f: {  	_ =	sdelay $0x1  }
0x50: {  	[sflag:s0] =	ssyncset.done @!p0 $0x0  }
0x51: {  	[sflag:s0] =	ssyncadd.s32 @!p0 $0xFFFFFB10  }
.LBB2_1:
0x52: {  	s0 =	sld [smem:$0x7EE];
	_ =	sdelay $0x2  }
0x53: {  	p1 =	seq.s32 s0, $0x1  }
.Ltmp2:
0x54: {  	_ = 	snop;
	(pc) =	sbr.rel @p1 .LBB2_7-.Ltmp2, $1  }
0x55: {  	_ =	sdelay $0x3  }
0x56: {  	s0 =	sshra.s32 s3, $0x2;
	s4 =	sadd.s32 $0x200, s3  }
.LBB2_3:
0x57: {  	p1 =	sne.s32 s4, $0x3E00;
	[tilespmem:s0+$0x4470] =	vst v0  }
0x58: {  	[tilespmem:s0+$0x4400] =	vst v0  }
0x59: {  	[tilespmem:s0+$0x4410] =	vst v0  }
.Ltmp3:
0x5a: {  	[tilespmem:s0+$0x4420] =	vst v0;
	(pc) =	sbr.rel @p1 .LBB2_3-.Ltmp3, $4  }
0x5b: {  	[tilespmem:s0+$0x4430] =	vst v0  }
0x5c: {  	[tilespmem:s0+$0x4440] =	vst v0  }
0x5d: {  	[tilespmem:s0+$0x4450] =	vst v0  }
0x5e: {  	[tilespmem:s0+$0x4460] =	vst v0;
	s0 =	sshra.s32 s4, $0x2;
	s4 =	sadd.s32 $0x200, s4  }
0x5f: {  	[tilespmem:s0+$0x4470] =	vst v0  }
0x60: {  	[tilespmem:s0+$0x4400] =	vst v0  }
0x61: {  	[tilespmem:s0+$0x4410] =	vst v0  }
0x62: {  	[tilespmem:s0+$0x4420] =	vst v0  }
0x63: {  	[tilespmem:s0+$0x4430] =	vst v0  }
0x64: {  	[tilespmem:s0+$0x4440] =	vst v0  }
0x65: {  	[tilespmem:s0+$0x4450] =	vst v0  }
0x66: {  	[tilespmem:s0+$0x4460] =	vst v0  }
0x67: {  	[tilespmem:$0x5400] =	vst v0  }
0x68: {  	[tilespmem:$0x5410] =	vst v0  }
0x69: {  	[tilespmem:$0x5420] =	vst v0  }
0x6a: {  	[tilespmem:$0x5430] =	vst v0  }
0x6b: {  	[tilespmem:$0x5440] =	vst v0  }
0x6c: {  	[tilespmem:$0x5450] =	vst v0  }
0x6d: {  	[tilespmem:$0x5460] =	vst v0  }
0x6e: {  	[tilespmem:$0x5470] =	vst v0  }
0x6f: {  	[tilespmem:$0x5480] =	vst v0  }
0x70: {  	[tilespmem:$0x5490] =	vst v0  }
0x71: {  	[tilespmem:$0x54A0] =	vst v0  }
0x72: {  	[tilespmem:$0x54B0] =	vst v0  }
0x73: {  	[tilespmem:$0x54C0] =	vst v0  }
0x74: {  	[tilespmem:$0x54D0] =	vst v0  }
0x75: {  	[tilespmem:$0x54E0] =	vst v0  }
0x76: {  	[tilespmem:$0x54F0] =	vst v0  }
0x77: {  	[tilespmem:$0x5500] =	vst v0  }
0x78: {  	[tilespmem:$0x5510] =	vst v0  }
0x79: {  	[tilespmem:$0x5520] =	vst v0  }
0x7a: {  	[tilespmem:$0x5530] =	vst v0  }
0x7b: {  	[tilespmem:$0x5540] =	vst v0  }
0x7c: {  	[tilespmem:$0x5550] =	vst v0  }
0x7d: {  	[tilespmem:$0x5560] =	vst v0  }
0x7e: {  	[tilespmem:$0x5570] =	vst v0  }
0x7f: {  	[tilespmem:$0x5580] =	vst v0  }
0x80: {  	[tilespmem:$0x5590] =	vst v0  }
0x81: {  	[tilespmem:$0x55A0] =	vst v0  }
0x82: {  	[tilespmem:$0x55B0] =	vst v0  }
0x83: {  	[tilespmem:$0x55C0] =	vst v0  }
0x84: {  	[tilespmem:$0x55D0] =	vst v0  }
0x85: {  	[tilespmem:$0x55E0] =	vst v0  }
0x86: {  	[tilespmem:$0x55F0] =	vst v0  }
0x87: {  	[tilespmem:$0x5600] =	vst v0  }
0x88: {  	[tilespmem:$0x5610] =	vst v0  }
0x89: {  	[tilespmem:$0x5620] =	vst v0  }
0x8a: {  	[tilespmem:$0x5630] =	vst v0  }
0x8b: {  	[tilespmem:$0x5640] =	vst v0  }
0x8c: {  	[tilespmem:$0x5650] =	vst v0  }
0x8d: {  	[tilespmem:$0x5660] =	vst v0  }
0x8e: {  	s30 =	sadd.s32 $0x0, s1;
	[tilespmem:$0x5670] =	vst v0  }
0x8f: {  	[spmem:s30] =	stream.linear.scatter [tilespmem:s12], [sflag:$0x9], $0x1000, $0x38;
	[tilespmem:$0x19178] =	vst v63  }
0x90: {  	s0 =	simm.s32 $0x4000;
	_ =	swait.ge [sflag:s13], $0x1000  }
.LBB2_5:
0x91: {  	s4 =	sshra.s32 s0, $0x2;
	[sflag:s13] =	ssyncset.done $0x0;
	p1 =	sne.s32 s0, $0x4DC000  }
.Ltmp4:
0x92: {  	s4 =	sadd.s32 s4, s1;
	[sflag:s13] =	ssyncadd.s32 $0xFFFFF000;
	(pc) =	sbr.rel @p1 .LBB2_5-.Ltmp4, $3  }
0x93: {  	[spmem:s4] =	stream.linear.scatter [tilespmem:s12], [sflag:$0x9], $0x1000, $0x38;
	[tilespmem:$0x19178] =	vst v63  }
0x94: {  	s0 =	sadd.s32 $0x4000, s0;
	_ =	sdelay $0x1  }
0x95: {  	_ =	swait.ge [sflag:s13], $0x1000  }
0x96: {  	[sflag:s13] =	ssyncset.done $0x0  }
0x97: {  	s0 =	rddreg [dreg:$0x1d];
	[sflag:s13] =	ssyncadd.s32 $0xFFFFF000  }
0x98: {  	[spmem:s0] =	stream.linear.scatter [tilespmem:s12], [sflag:$0x9], $0x800, $0x38;
	[tilespmem:$0x19178] =	vst v63  }
0x99: {  	_ =	swait.ge [sflag:s13], $0x800  }
0x9a: {  	[sflag:s13] =	ssyncset.done $0x0  }
0x9b: {  	s4 =	simm.s32 $0x5400;
	[sflag:s13] =	ssyncadd.s32 $0xFFFFF800  }
0x9c: {  	[spmem:s2] =	stream.linear.scatter [tilespmem:s4], [sflag:$0x9], $0x280, $0x38;
	[tilespmem:$0x19178] =	vst v63  }
0x9d: {  	_ =	swait.ge [sflag:s13], $0x280  }
0x9e: {  	s29 =	sld [smem:$0x7F0]  }
0x9f: {  	[sflag:s13] =	ssyncset.done $0x0  }
0xa0: {  	[sflag:s13] =	ssyncadd.s32 $0xFFFFFD80  }
0xa1: {  	[spmem:s29] =	stream.linear.scatter [tilespmem:s4], [sflag:$0x9], $0x280, $0x38;
	[tilespmem:$0x19178] =	vst v63  }
0xa2: {  	_ =	swait.ge [sflag:s13], $0x280  }
0xa3: {  	s30 =	sld [smem:$0x7F1]  }
0xa4: {  	[sflag:s13] =	ssyncset.done $0x0  }
0xa5: {  	[sflag:s13] =	ssyncadd.s32 $0xFFFFFD80  }
0xa6: {  	[spmem:s30] =	stream.linear.scatter [tilespmem:s4], [sflag:$0x9], $0x280, $0x38;
	[tilespmem:$0x19178] =	vst v63  }
0xa7: {  	_ =	swait.ge [sflag:s13], $0x280  }
0xa8: {  	s8 =	sld [smem:$0x7F2]  }
0xa9: {  	[sflag:s13] =	ssyncset.done $0x0  }
0xaa: {  	[sflag:s13] =	ssyncadd.s32 $0xFFFFFD80  }
0xab: {  	[spmem:s8] =	stream.linear.scatter [tilespmem:s4], [sflag:$0x9], $0x280, $0x38;
	[tilespmem:$0x19178] =	vst v63  }
0xac: {  	_ =	swait.ge [sflag:s13], $0x280  }
0xad: {  	s14 =	sld [smem:$0x7F3]  }
0xae: {  	[sflag:s13] =	ssyncset.done $0x0  }
0xaf: {  	[sflag:s13] =	ssyncadd.s32 $0xFFFFFD80  }
0xb0: {  	[spmem:s14] =	stream.linear.scatter [tilespmem:s4], [sflag:$0x9], $0x280, $0x38;
	[tilespmem:$0x19178] =	vst v63  }
0xb1: {  	_ =	swait.ge [sflag:s13], $0x280  }
0xb2: {  	s16 =	sld [smem:$0x7F4]  }
0xb3: {  	[sflag:s13] =	ssyncset.done $0x0  }
0xb4: {  	[sflag:s13] =	ssyncadd.s32 $0xFFFFFD80  }
0xb5: {  	[spmem:s16] =	stream.linear.scatter [tilespmem:s4], [sflag:$0x9], $0x280, $0x38;
	[tilespmem:$0x19178] =	vst v63  }
0xb6: {  	_ =	swait.ge [sflag:s13], $0x280  }
0xb7: {  	s17 =	sld [smem:$0x7F5]  }
0xb8: {  	[sflag:s13] =	ssyncset.done $0x0  }
0xb9: {  	[sflag:s13] =	ssyncadd.s32 $0xFFFFFD80  }
0xba: {  	[spmem:s17] =	stream.linear.scatter [tilespmem:s4], [sflag:$0x9], $0x280, $0x38;
	[tilespmem:$0x19178] =	vst v63  }
0xbb: {  	_ =	swait.ge [sflag:s13], $0x280  }
0xbc: {  	s19 =	sld [smem:$0x7F6]  }
0xbd: {  	[sflag:s13] =	ssyncset.done $0x0  }
0xbe: {  	[sflag:s13] =	ssyncadd.s32 $0xFFFFFD80  }
0xbf: {  	[spmem:s19] =	stream.linear.scatter [tilespmem:s4], [sflag:$0x9], $0x280, $0x38;
	[tilespmem:$0x19178] =	vst v63  }
0xc0: {  	_ =	swait.ge [sflag:s13], $0x280  }
0xc1: {  	s20 =	sld [smem:$0x7F7]  }
0xc2: {  	[sflag:s13] =	ssyncset.done $0x0  }
0xc3: {  	[sflag:s13] =	ssyncadd.s32 $0xFFFFFD80  }
0xc4: {  	[spmem:s20] =	stream.linear.scatter [tilespmem:s4], [sflag:$0x9], $0x280, $0x38;
	[tilespmem:$0x19178] =	vst v63  }
0xc5: {  	_ =	swait.ge [sflag:s13], $0x280  }
0xc6: {  	s21 =	sld [smem:$0x7F8]  }
0xc7: {  	[sflag:s13] =	ssyncset.done $0x0  }
0xc8: {  	[sflag:s13] =	ssyncadd.s32 $0xFFFFFD80  }
0xc9: {  	[spmem:s21] =	stream.linear.scatter [tilespmem:s4], [sflag:$0x9], $0x280, $0x38;
	[tilespmem:$0x19178] =	vst v63  }
0xca: {  	_ =	swait.ge [sflag:s13], $0x280  }
0xcb: {  	s22 =	sld [smem:$0x7F9]  }
0xcc: {  	[sflag:s13] =	ssyncset.done $0x0  }
0xcd: {  	[sflag:s13] =	ssyncadd.s32 $0xFFFFFD80  }
0xce: {  	[spmem:s22] =	stream.linear.scatter [tilespmem:s4], [sflag:$0x9], $0x280, $0x38;
	[tilespmem:$0x19178] =	vst v63  }
0xcf: {  	_ =	swait.ge [sflag:s13], $0x280  }
0xd0: {  	s23 =	sld [smem:$0x7FA]  }
0xd1: {  	[sflag:s13] =	ssyncset.done $0x0  }
0xd2: {  	[sflag:s13] =	ssyncadd.s32 $0xFFFFFD80  }
0xd3: {  	[spmem:s23] =	stream.linear.scatter [tilespmem:s4], [sflag:$0x9], $0x280, $0x38;
	[tilespmem:$0x19178] =	vst v63  }
0xd4: {  	_ =	swait.ge [sflag:s13], $0x280  }
0xd5: {  	s24 =	sld [smem:$0x7FB]  }
0xd6: {  	[sflag:s13] =	ssyncset.done $0x0  }
0xd7: {  	[sflag:s13] =	ssyncadd.s32 $0xFFFFFD80  }
0xd8: {  	[spmem:s24] =	stream.linear.scatter [tilespmem:s4], [sflag:$0x9], $0x280, $0x38;
	[tilespmem:$0x19178] =	vst v63  }
0xd9: {  	_ =	swait.ge [sflag:s13], $0x280  }
0xda: {  	s25 =	sld [smem:$0x7FC]  }
0xdb: {  	[sflag:s13] =	ssyncset.done $0x0  }
0xdc: {  	[sflag:s13] =	ssyncadd.s32 $0xFFFFFD80  }
0xdd: {  	[spmem:s25] =	stream.linear.scatter [tilespmem:s4], [sflag:$0x9], $0x280, $0x38;
	[tilespmem:$0x19178] =	vst v63  }
0xde: {  	_ =	swait.ge [sflag:s13], $0x280  }
0xdf: {  	s29 =	sld [smem:$0x7FD]  }
0xe0: {  	[sflag:s13] =	ssyncset.done $0x0  }
0xe1: {  	[sflag:s13] =	ssyncadd.s32 $0xFFFFFD80  }
0xe2: {  	[spmem:s29] =	stream.linear.scatter [tilespmem:s4], [sflag:$0x9], $0x280, $0x38;
	[tilespmem:$0x19178] =	vst v63  }
0xe3: {  	_ =	swait.ge [sflag:s13], $0x280  }
0xe4: {  	[sflag:s13] =	ssyncset.done $0x0  }
0xe5: {  	s30 =	rddreg [dreg:$0x1e];
	[sflag:s13] =	ssyncadd.s32 $0xFFFFFD80  }
0xe6: {  	[spmem:s30] =	stream.linear.scatter [tilespmem:s4], [sflag:$0x9], $0x190, $0x38;
	[tilespmem:$0x19178] =	vst v63  }
0xe7: {  	_ =	swait.ge [sflag:s13], $0x190  }
0xe8: {  	[sflag:s13] =	ssyncset.done $0x0  }
0xe9: {  	[sflag:s13] =	ssyncadd.s32 $0xFFFFFE70  }
.LBB2_7:
0xea: {  	[smem:$0x7ED] =	sst s5  }
0xeb: {  	[bflag:$0x0] =	sbarrier.arrive $0xFFFF  }
0xec: {  	s4 =	simm.s32 $0x4200;
	s0 =	rddreg [dreg:$0x9]  }
0xed: {  	[tilespmem:s4], [sflag:$0x1] =	stream.linear.gather [hbm4b:s0+s3], $0x20, $0x38;
	[tilespmem:$0x19178] =	vst v63  }
0xee: {  	s5 =	simm.s32 @p2 $0x0;
	s0 =	rddreg [dreg:$0x1f]  }
0xef: {  	[tilespmem:s5], [sflag:$0x1] =	stream.linear.gather @p2 [hbm4b:s0+s5], $0x1000, $0x38;
	[tilespmem:$0x19178] =	vst v63  }
0xf0: {  	s0 =	sld [smem:$0x7EF]  }
0xf1: {  	s29 =	rddreg [dreg:$0xb]  }
0xf2: {  	s14 =	simm.s32 @!p2 $0x0;
	s17 =	rddreg [dreg:$0x1a]  }
0xf3: {  	[tilespmem:s14], [sflag:$0x1] =	stream.linear.gather @!p2 [hbm4b:s0+s14], $0x1000, $0x38;
	[tilespmem:$0x19178] =	vst v63  }
0xf4: {  	s4 =	simm.s32 @!p2 $0x4000;
	s0 =	rddreg [dreg:$0xa]  }
0xf5: {  	[tilespmem:s4], [sflag:$0x1] =	stream.linear.gather @!p2 [hbm4b:s0+s14], $0x20, $0x38;
	[tilespmem:$0x19178] =	vst v63  }
0xf6: {  	s30 =	simm.s32 $0x4280;
	s19 =	rddreg [dreg:$0x5]  }
0xf7: {  	[tilespmem:s30], [sflag:$0x2] =	stream.linear.gather [hbm4b:s29+s3], $0x20, $0x38;
	[tilespmem:$0x19178] =	vst v63  }
0xf8: {  	s0 =	simm.s32 @p2 $0x1000;
	s4 =	rddreg [dreg:$0xc]  }
0xf9: {  	[tilespmem:s0], [sflag:$0x2] =	stream.linear.gather @p2 [hbm4b:s4+s5], $0x1000, $0x38;
	[tilespmem:$0x19178] =	vst v63  }
.Ltmp5:
0xfa: {  	s0 =	simm.s32 @!p2 $0x1000;
	s4 =	rddreg [dreg:$0xd];
	(pc) =	sbr.rel .LBB2_8-.Ltmp5, $4  }
0xfb: {  	[tilespmem:s0], [sflag:$0x2] =	stream.linear.gather @!p2 [hbm4b:s4+s14], $0x1000, $0x38;
	[tilespmem:$0x19178] =	vst v63  }
0xfc: {  	s0 =	simm.s32 @!p2 $0x4080;
	s4 =	rddreg [dreg:$0xe]  }
0xfd: {  	[tilespmem:s0], [sflag:$0x2] =	stream.linear.gather @!p2 [hbm4b:s4+s14], $0x20, $0x38;
	[tilespmem:$0x19178] =	vst v63  }
0xfe: {  	s20 =	rddreg [dreg:$0x6];
	s0 =	simm.s32 $0x0  }
.LBB2_11:
0xff: {  	_ =	swait.ge [sflag:s6], $0x20  }
0x100: {  	[sflag:s6] =	ssyncset.done $0x0  }
0x101: {  	s4 =	simm.s32 $0x20;
	s5 =	simm.s32 $0x3000;
	[sflag:s6] =	ssyncadd.s32 $0xFFFFFFE0  }
0x102: {  	[spmem:s1] =	stream.indirect.scatter.add.f32 [tilespmem:s5], [sflag:$0x8], $0x80, s18, s4, $0xb8;
	[tilespmem:$0x19178] =	vst v63  }
0x103: {  	s30 =	simm.s32 $0x4180  }
0x104: {  	[spmem:s2] =	stream.indirect.scatter.add.f32 [tilespmem:s30], [sflag:$0x8], $0x1, s18, s4, $0xb8;
	[tilespmem:$0x19178] =	vst v63  }
0x105: {  	_ =	swait.ge [sflag:s10], $0x1000  }
.Ltmp6:
0x106: {  	[sflag:s10] =	ssyncset.done $0x0;
	(pc) =	sbr.rel @p5 .LBB2_15-.Ltmp6, $4  }
0x107: {  	[sflag:s10] =	ssyncadd.s32 $0xFFFFF000  }
0x108: {  	_ =	swait.ge [sflag:s10], $0x20  }
0x109: {  	[sflag:s10] =	ssyncset.done $0x0  }
0x10a: {  	s11 =	simm.s32 $0x20;
	[sflag:s10] =	ssyncadd.s32 $0xFFFFFFE0  }
.LBB2_12:
0x10b: {  	s4 =	sshrl.u32 s17, $0x3;
	s8 =	simm.s32 $0x4300;
	s16 =	simm.s32 @p2 $0x2000  }
0x10c: {  	s20 =	sadd.s32 $0x800, s20;
	s19 =	sadd.s32 $0x800, s19;
	s5 =	sadd.s32 s7, s4  }
0x10d: {  	[tilespmem:s8], [sflag:$0x3] =	stream.linear.gather [hbm4b:s5+s3], $0x20, $0x38;
	[tilespmem:$0x19178] =	vst v63  }
0x10e: {  	s17 =	sadd.s32 $0x80, s17;
	s5 =	sadd.s32 @p2 $0xC00, s22;
	s8 =	simm.s32 @p2 $0x0  }
0x10f: {  	[tilespmem:s16], [sflag:$0x3] =	stream.linear.gather @p2 [hbm4b:s5+s8], $0x1000, $0x38;
	[tilespmem:$0x19178] =	vst v63  }
0x110: {  	s5 =	sadd.s32 @!p2 $0xC00, s21;
	s8 =	simm.s32 @!p2 $0x0;
	s16 =	simm.s32 @!p2 $0x2000  }
0x111: {  	[tilespmem:s16], [sflag:$0x3] =	stream.linear.gather @!p2 [hbm4b:s5+s8], $0x1000, $0x38;
	[tilespmem:$0x19178] =	vst v63  }
0x112: {  	s0 =	sadd.s32 $0xFFFFFFFF, s0;
	s4 =	sadd.s32 @!p2 s9, s4;
	s5 =	simm.s32 @!p2 $0x4100  }
0x113: {  	[tilespmem:s5], [sflag:$0x3] =	stream.linear.gather @!p2 [hbm4b:s4+s8], $0x20, $0x38;
	[tilespmem:$0x19178] =	vst v63  }
.LBB2_8:
0x114: {  	_ =	swait.ge [sflag:s15], $0x1000  }
0x115: {  	[sflag:s15] =	ssyncset.done $0x0  }
0x116: {  	[sflag:s15] =	ssyncadd.s32 $0xFFFFF000  }
0x117: {  	_ =	swait.ge [sflag:s15], $0x20  }
0x118: {  	s21 =	simm.s32 @p2 $0x20;
	[sflag:s15] =	ssyncset.done $0x0  }
0x119: {  	s22 =	simm.s32 @p2 $0x4200;
	s4 =	simm.s32 @p2 $0x0;
	[sflag:s15] =	ssyncadd.s32 $0xFFFFFFE0  }
0x11a: {  	[spmem:s1] =	stream.indirect.scatter.add.f32 @p2 [tilespmem:s4], [sflag:$0x5], $0x80, s22, s21, $0xb8;
	[tilespmem:$0x19178] =	vst v63  }
0x11b: {  	s21 =	simm.s32 @!p2 $0x1  }
0x11c: {  	_ =	swait.ge @!p2 [sflag:s21], $0x20  }
0x11d: {  	p1 =	seq.s32 s0, $0x0;
	s22 =	simm.s32 @!p2 $0x4200;
	[sflag:s21] =	ssyncset.done @!p2 $0x0  }
.Ltmp7:
0x11e: {  	[sflag:s21] =	ssyncadd.s32 @!p2 $0xFFFFFFE0;
	s21 =	simm.s32 @!p2 $0x20;
	(pc) =	sbr.rel @p1 .LBB2_18-.Ltmp7, $4  }
0x11f: {  	[spmem:s1] =	stream.indirect.scatter.add.f32 @!p2 [tilespmem:s14], [sflag:$0x5], $0x80, s22, s21, $0xb8;
	[tilespmem:$0x19178] =	vst v63  }
0x120: {  	s4 =	simm.s32 @!p2 $0x4000  }
0x121: {  	[spmem:s2] =	stream.indirect.scatter.add.f32 @!p2 [tilespmem:s4], [sflag:$0x5], $0x1, s22, s21, $0xb8;
	[tilespmem:$0x19178] =	vst v63  }
0x122: {  	s22 =	sadd.s32 @p2 s20, s31;
	s21 =	sadd.s32 @!p2 s19, s31  }
0x123: {  	s4 =	simm.s32 $0x8  }
0x124: {  	_ =	swait.ge [sflag:s4], $0x1000  }
0x125: {  	[sflag:s4] =	ssyncset.done $0x0  }
0x126: {  	s23 =	simm.s32 @!p2 $0x8;
	[sflag:s4] =	ssyncadd.s32 $0xFFFFF000  }
0x127: {  	_ =	swait.ge @!p2 [sflag:s23], $0x20  }
0x128: {  	s30 =	sadd.s32 $0xFFFFFFA0, s17;
	[sflag:s23] =	ssyncset.done @!p2 $0x0  }
0x129: {  	[sflag:s23] =	ssyncadd.s32 @!p2 $0xFFFFFFE0;
	s23 =	sshrl.u32 s30, $0x3  }
0x12a: {  	s24 =	sadd.s32 s7, s23  }
0x12b: {  	[tilespmem:s18], [sflag:$0x4] =	stream.linear.gather [hbm4b:s24+s3], $0x20, $0x38;
	[tilespmem:$0x19178] =	vst v63  }
0x12c: {  	s25 =	simm.s32 @p2 $0x0;
	s30 =	simm.s32 @p2 $0x3000;
	s24 =	sadd.s32 @p2 $0x600, s22  }
0x12d: {  	[tilespmem:s30], [sflag:$0x4] =	stream.linear.gather @p2 [hbm4b:s24+s25], $0x1000, $0x38;
	[tilespmem:$0x19178] =	vst v63  }
.Ltmp8:
0x12e: {  	_ = 	snop;
	(pc) =	sbr.rel .LBB2_10-.Ltmp8, $4  }
0x12f: {  	s24 =	sadd.s32 @!p2 $0x600, s21;
	s25 =	simm.s32 @!p2 $0x0;
	s30 =	simm.s32 @!p2 $0x3000  }
0x130: {  	[tilespmem:s30], [sflag:$0x4] =	stream.linear.gather @!p2 [hbm4b:s24+s25], $0x1000, $0x38;
	[tilespmem:$0x19178] =	vst v63  }
0x131: {  	s23 =	sadd.s32 @!p2 s9, s23;
	s24 =	simm.s32 @!p2 $0x4180  }
0x132: {  	[tilespmem:s24], [sflag:$0x4] =	stream.linear.gather @!p2 [hbm4b:s23+s25], $0x20, $0x38;
	[tilespmem:$0x19178] =	vst v63  }
.LBB2_18:
0x133: {  	s4 =	rddreg [dreg:$0xf];
	s5 =	simm.s32 $0x4300  }
0x134: {  	[tilespmem:s5], [sflag:$0x3] =	stream.linear.gather [hbm4b:s4+s3], $0x20, $0x38;
	[tilespmem:$0x19178] =	vst v63  }
0x135: {  	s23 =	simm.s32 @p2 $0x0;
	s24 =	simm.s32 @p2 $0x2000;
	s4 =	rddreg [dreg:$0x11]  }
0x136: {  	[tilespmem:s24], [sflag:$0x3] =	stream.linear.gather @p2 [hbm4b:s4+s23], $0x1000, $0x38;
	[tilespmem:$0x19178] =	vst v63  }
0x137: {  	s25 =	simm.s32 @!p2 $0x2000;
	s24 =	simm.s32 @!p2 $0x0;
	s4 =	rddreg [dreg:$0x12]  }
0x138: {  	[tilespmem:s25], [sflag:$0x3] =	stream.linear.gather @!p2 [hbm4b:s4+s24], $0x1000, $0x38;
	[tilespmem:$0x19178] =	vst v63  }
0x139: {  	s25 =	simm.s32 @!p2 $0x4100;
	s4 =	rddreg [dreg:$0x13]  }
0x13a: {  	[tilespmem:s25], [sflag:$0x3] =	stream.linear.gather @!p2 [hbm4b:s4+s24], $0x20, $0x38;
	[tilespmem:$0x19178] =	vst v63  }
0x13b: {  	s30 =	rddreg [dreg:$0x16]  }
0x13c: {  	[tilespmem:s18], [sflag:$0x4] =	stream.linear.gather [hbm4b:s30+s3], $0x20, $0x38;
	[tilespmem:$0x19178] =	vst v63  }
0x13d: {  	s25 =	simm.s32 @p2 $0x3000;
	s4 =	rddreg [dreg:$0x14]  }
0x13e: {  	[tilespmem:s25], [sflag:$0x4] =	stream.linear.gather @p2 [hbm4b:s4+s23], $0x1000, $0x38;
	[tilespmem:$0x19178] =	vst v63  }
0x13f: {  	s23 =	simm.s32 @!p2 $0x3000;
	s4 =	rddreg [dreg:$0x15]  }
0x140: {  	[tilespmem:s23], [sflag:$0x4] =	stream.linear.gather @!p2 [hbm4b:s4+s24], $0x1000, $0x38;
	[tilespmem:$0x19178] =	vst v63  }
0x141: {  	s23 =	simm.s32 @!p2 $0x4180;
	s4 =	rddreg [dreg:$0x17]  }
0x142: {  	[tilespmem:s23], [sflag:$0x4] =	stream.linear.gather @!p2 [hbm4b:s4+s24], $0x20, $0x38;
	[tilespmem:$0x19178] =	vst v63  }
.LBB2_10:
0x143: {  	_ =	swait.ge [sflag:s26], $0x1000  }
0x144: {  	[sflag:s26] =	ssyncset.done $0x0  }
0x145: {  	[sflag:s26] =	ssyncadd.s32 $0xFFFFF000  }
0x146: {  	_ =	swait.ge [sflag:s26], $0x20  }
0x147: {  	[sflag:s26] =	ssyncset.done $0x0  }
0x148: {  	s23 =	simm.s32 @p4 $0x2;
	[sflag:s26] =	ssyncadd.s32 $0xFFFFFFE0  }
0x149: {  	_ =	swait.ge @p4 [sflag:s23], $0x20  }
0x14a: {  	s24 =	simm.s32 @p4 $0x4280;
	[sflag:s23] =	ssyncset.done @p4 $0x0  }
0x14b: {  	s25 =	simm.s32 @p4 $0x1000;
	[sflag:s23] =	ssyncadd.s32 @p4 $0xFFFFFFE0;
	s23 =	simm.s32 @p4 $0x20  }
0x14c: {  	[spmem:s1] =	stream.indirect.scatter.add.f32 @p4 [tilespmem:s25], [sflag:$0x6], $0x80, s24, s23, $0xb8;
	[tilespmem:$0x19178] =	vst v63  }
0x14d: {  	s25 =	simm.s32 @p4 $0x4080  }
0x14e: {  	[spmem:s2] =	stream.indirect.scatter.add.f32 @p4 [tilespmem:s25], [sflag:$0x6], $0x1, s24, s23, $0xb8;
	[tilespmem:$0x19178] =	vst v63  }
0x14f: {  	s24 =	simm.s32 @p4 $0x5  }
0x150: {  	_ =	swait.ge @p4 [sflag:s24], $0x1000  }
0x151: {  	[sflag:s24] =	ssyncset.done @p4 $0x0  }
0x152: {  	[sflag:s24] =	ssyncadd.s32 @p4 $0xFFFFF000  }
0x153: {  	_ =	swait.ge @p4 [sflag:s24], $0x20  }
0x154: {  	s30 =	simm.s32 @!p4 $0x1000;
	[sflag:s24] =	ssyncset.done @p4 $0x0  }
0x155: {  	s25 =	simm.s32 @!p4 $0x4280;
	[sflag:s24] =	ssyncadd.s32 @p4 $0xFFFFFFE0;
	s24 =	simm.s32 @!p4 $0x20  }
0x156: {  	[spmem:s1] =	stream.indirect.scatter.add.f32 @!p4 [tilespmem:s30], [sflag:$0x6], $0x80, s25, s24, $0xb8;
	[tilespmem:$0x19178] =	vst v63  }
0x157: {  	p5 =	seq.s32 s0, $0xFFFFFFB1;
	s25 =	simm.s32 @!p4 $0x5  }
0x158: {  	s16 =	simm.s32 @!p5 $0x0;
	_ =	swait.ge @!p4 [sflag:s25], $0x1000  }
0x159: {  	s30 =	sadd.s32 @!p5 $0xFFFFFFC0, s17;
	[sflag:s25] =	ssyncset.done @!p4 $0x0;
	s4 =	rddreg [dreg:$0x7]  }
0x15a: {  	[sflag:s25] =	ssyncadd.s32 @!p4 $0xFFFFF000;
	p6 =	sne.s32 @!p5 s4, $0x0;
	s25 =	sshrl.u32 @!p5 s30, $0x3  }
0x15b: {  	s29 =	simm.s32 @!p5 $0x4200;
	s30 =	sadd.s32 @!p5 s7, s25;
	p1 =	por !p6, p5  }
0x15c: {  	[tilespmem:s29], [sflag:$0x1] =	stream.linear.gather @!p5 [hbm4b:s30+s16], $0x20, $0x38;
	[tilespmem:$0x19178] =	vst v63  }
0x15d: {  	s29 =	sadd.s32 @!p1 s20, s31  }
0x15e: {  	p6 =	por p6, p5;
	s8 =	simm.s32 @!p1 $0x0;
	s30 =	sadd.s32 @!p1 $0x800, s29  }
0x15f: {  	[tilespmem:s8], [sflag:$0x1] =	stream.linear.gather @!p1 [hbm4b:s30+s8], $0x1000, $0x38;
	[tilespmem:$0x19178] =	vst v63  }
0x160: {  	s30 =	sadd.s32 @!p6 s19, s31  }
0x161: {  	s5 =	simm.s32 @!p6 $0x0;
	s4 =	sadd.s32 @!p6 $0x800, s30  }
0x162: {  	[tilespmem:s5], [sflag:$0x1] =	stream.linear.gather @!p6 [hbm4b:s4+s5], $0x1000, $0x38;
	[tilespmem:$0x19178] =	vst v63  }
0x163: {  	s4 =	sadd.s32 @!p6 s9, s25;
	s25 =	simm.s32 @!p6 $0x4000  }
0x164: {  	[tilespmem:s25], [sflag:$0x1] =	stream.linear.gather @!p6 [hbm4b:s4+s5], $0x20, $0x38;
	[tilespmem:$0x19178] =	vst v63  }
0x165: {  	_ =	swait.ge [sflag:s28], $0x1000  }
0x166: {  	[sflag:s28] =	ssyncset.done $0x0  }
0x167: {  	[sflag:s28] =	ssyncadd.s32 $0xFFFFF000  }
0x168: {  	_ =	swait.ge [sflag:s28], $0x20  }
0x169: {  	[sflag:s28] =	ssyncset.done $0x0  }
0x16a: {  	s4 =	simm.s32 @p4 $0x3;
	[sflag:s28] =	ssyncadd.s32 $0xFFFFFFE0  }
0x16b: {  	_ =	swait.ge @p4 [sflag:s4], $0x20  }
0x16c: {  	[sflag:s4] =	ssyncset.done @p4 $0x0  }
0x16d: {  	s25 =	simm.s32 @p4 $0x2000;
	[sflag:s4] =	ssyncadd.s32 @p4 $0xFFFFFFE0;
	s4 =	simm.s32 @p4 $0x4300  }
0x16e: {  	[spmem:s1] =	stream.indirect.scatter.add.f32 @p4 [tilespmem:s25], [sflag:$0x7], $0x80, s4, s23, $0xb8;
	[tilespmem:$0x19178] =	vst v63  }
0x16f: {  	s25 =	simm.s32 @p4 $0x4100  }
0x170: {  	[spmem:s2] =	stream.indirect.scatter.add.f32 @p4 [tilespmem:s25], [sflag:$0x7], $0x1, s4, s23, $0xb8;
	[tilespmem:$0x19178] =	vst v63  }
0x171: {  	s4 =	simm.s32 @p4 $0x6  }
0x172: {  	_ =	swait.ge @p4 [sflag:s4], $0x1000  }
0x173: {  	[sflag:s4] =	ssyncset.done @p4 $0x0  }
0x174: {  	[sflag:s4] =	ssyncadd.s32 @p4 $0xFFFFF000  }
0x175: {  	_ =	swait.ge @p4 [sflag:s4], $0x20  }
0x176: {  	[sflag:s4] =	ssyncset.done @p4 $0x0  }
0x177: {  	s23 =	simm.s32 @!p4 $0x2000;
	[sflag:s4] =	ssyncadd.s32 @p4 $0xFFFFFFE0;
	s4 =	simm.s32 @!p4 $0x4300  }
0x178: {  	[spmem:s1] =	stream.indirect.scatter.add.f32 @!p4 [tilespmem:s23], [sflag:$0x7], $0x80, s4, s24, $0xb8;
	[tilespmem:$0x19178] =	vst v63  }
0x179: {  	s4 =	simm.s32 @!p4 $0x6  }
0x17a: {  	s23 =	sadd.s32 @!p5 $0xFFFFFFE0, s17;
	_ =	swait.ge @!p4 [sflag:s4], $0x1000  }
0x17b: {  	s23 =	sshrl.u32 @!p5 s23, $0x3;
	[sflag:s4] =	ssyncset.done @!p4 $0x0  }
0x17c: {  	s24 =	simm.s32 @!p5 $0x4280;
	[sflag:s4] =	ssyncadd.s32 @!p4 $0xFFFFF000;
	s4 =	sadd.s32 @!p5 s7, s23  }
0x17d: {  	[tilespmem:s24], [sflag:$0x2] =	stream.linear.gather @!p5 [hbm4b:s4+s16], $0x20, $0x38;
	[tilespmem:$0x19178] =	vst v63  }
0x17e: {  	s4 =	sadd.s32 @!p1 $0xA00, s29;
	s16 =	simm.s32 @!p1 $0x1000  }
0x17f: {  	[tilespmem:s16], [sflag:$0x2] =	stream.linear.gather @!p1 [hbm4b:s4+s8], $0x1000, $0x38;
	[tilespmem:$0x19178] =	vst v63  }
0x180: {  	s4 =	sadd.s32 @!p6 $0xA00, s30;
	s8 =	simm.s32 @!p6 $0x1000  }
0x181: {  	[tilespmem:s8], [sflag:$0x2] =	stream.linear.gather @!p6 [hbm4b:s4+s5], $0x1000, $0x38;
	[tilespmem:$0x19178] =	vst v63  }
0x182: {  	s4 =	sadd.s32 @!p6 s9, s23;
	s8 =	simm.s32 @!p6 $0x4080  }
0x183: {  	[tilespmem:s8], [sflag:$0x2] =	stream.linear.gather @!p6 [hbm4b:s4+s5], $0x20, $0x38;
	[tilespmem:$0x19178] =	vst v63  }
0x184: {  	_ =	swait.ge [sflag:s6], $0x1000  }
.Ltmp9:
0x185: {  	[sflag:s6] =	ssyncset.done $0x0;
	(pc) =	sbr.rel @!p2 .LBB2_11-.Ltmp9, $4  }
0x186: {  	[sflag:s6] =	ssyncadd.s32 $0xFFFFF000  }
0x187: {  	_ =	swait.ge [sflag:s6], $0x20  }
0x188: {  	[sflag:s6] =	ssyncset.done $0x0  }
0x189: {  	[sflag:s6] =	ssyncadd.s32 $0xFFFFFFE0  }
0x18a: {  	p1 =	sne.s32 s0, $0xFFFFFFB1  }
.Ltmp10:
0x18b: {  	s4 =	simm.s32 $0x3000;
	(pc) =	sbr.rel @p1 .LBB2_12-.Ltmp10, $4  }
0x18c: {  	[spmem:s1] =	stream.indirect.scatter.add.f32 [tilespmem:s4], [sflag:$0x8], $0x80, s18, s11, $0xb8;
	[tilespmem:$0x19178] =	vst v63  }
0x18d: {  	_ =	swait.ge [sflag:s10], $0x1000  }
0x18e: {  	[sflag:s10] =	ssyncset.done $0x0  }
0x18f: {  	[sflag:s10] =	ssyncadd.s32 $0xFFFFF000  }
.Ltmp11:
0x190: {  	(pc) =	sbr.rel .LBB2_16-.Ltmp11, $4  }
0x191: {  	s0 =	simm.s32 $0x8  }
0x192: {  	_ =	swait.ge [sflag:s0], $0x1000  }
0x193: {  	[sflag:s0] =	ssyncset.done $0x0  }
0x194: {  	s14 =	sld [smem:$0x7ED];
	[sflag:s0] =	ssyncadd.s32 $0xFFFFF000  }
.LBB2_17:
0x195: {  	_ =	sfence.sel $0x180000  }
0x196: {  	[bflag:$0x0] =	sbarrier.arrive $0xFFFF  }
0x197: {  	_ =	strace $0x9000004D  }
0x198: {  	[bflag:$0x2] =	sbarrier.arrive $0xFFFF  }
0x199: {  	s1 =	sld [smem:$0x7EE];
	_ =	sdelay $0x2  }
0x19a: {  	s0 =	rddreg [dreg:$0x4];
	p0 =	seq.s32 s1, $0x1  }
0x19b: {  	s0 =	sadd.s32 @!p0 $0x100000, s0  }
0x19c: {  	[sflag:s0] =	ssyncadd.tile.s32 @!p0 $0x1;
	_ =	shalt  }
.Lfunc_end2:
_tile_overlayer_lowered:
.L_overlay_start_2:
0x19d: {  	(tag) =	ssettag $0x2  }
0x19e: {  	s0 =	rddreg [dreg:$0x0];
	s2 =	stileid.u32  }
0x19f: {  	s1 =	rddreg [dreg:$0x1];
	p0 =	sne.s32 s2, $0x0  }
0x1a0: {  	s3 =	rddreg [dreg:$0x2];
	[bflag:$0x3] =	sbarrier.arrive $0xFFFF;
	s2 =	simm.s32 @!p0 $0x1C09  }
0x1a1: {  	[timem:s3], [sflag:s2] =	dma.local @!p0 [hbm:s0], s1  }
0x1a2: {  	s0 =	simm.s32 @!p0 $0x9  }
0x1a3: {  	_ =	swait.ge @!p0 [sflag:s0], s1  }
0x1a4: {  	s1 =	ssub.s32 @!p0 $0x0, s1;
	[sflag:s0] =	ssyncset.done @!p0 $0x0  }
0x1a5: {  	[sflag:s0] =	ssyncadd.s32 @!p0 s1  }
0x1a6: {  	[bflag:$0x3] =	sbarrier.arrive $0xFFFF  }
0x1a7: {  	_ =	shalt  }

// kernel: kernel.8.cloned.1.call-start
scs
__scs_entry_jumppad:
0x0: {  	(pc) =	sbr.rel $0x88, $3  }
0x1: {  	(tag) =	ssettag $0x0;
	lr =	simm.s32 $0x1  }
0x2: {  	[smem:$0x3F85] =	sst lr;
	_ =	strace $0xD0000000  }
0x3: {  	_ = 	snop  }
0x4: {  	_ = 	snop  }
0x5: {  	_ = 	snop  }
0x6: {  	_ = 	snop  }
0x7: {  	_ = 	snop  }
__scs_overlays_trampoline_lowered:
0x8: {  	[smem:$0x3F94] =	sst s0  }
0x9: {  	[smem:$0x3F95] =	sst s1  }
0xa: {  	[smem:$0x3F96] =	sst s2  }
0xb: {  	[smem:$0x3F97] =	sst s3  }
0xc: {  	[smem:$0x3F98] =	sst s4  }
0xd: {  	[smem:$0x3F99] =	sst s5  }
0xe: {  	[smem:$0x3F9A] =	sst s6  }
0xf: {  	[smem:$0x3F9B] =	sst s7  }
0x10: {  	[smem:$0x3F9C] =	sst s8  }
0x11: {  	[smem:$0x3F9D] =	sst s9;
	s0 =	simm.s32 @!p0 $0x0  }
0x12: {  	s1 =	sld [smem:$0x3F83];
	s0 =	simm.s32 @p0 $0x1  }
0x13: {  	[smem:$0x3F9E] =	sst s0;
	s0 =	simm.s32 @!p1 $0x0  }
0x14: {  	s2 =	sld [smem:$0x3F82];
	s0 =	simm.s32 @p1 $0x1  }
0x15: {  	[smem:$0x3F9F] =	sst s0;
	s0 =	simm.s32 @!p2 $0x0  }
0x16: {  	s3 =	sld [smem:$0x3FDB];
	s0 =	simm.s32 @p2 $0x1  }
0x17: {  	s4 =	simm.s32 $0x1BF5;
	[smem:$0x3FA1] =	sst s0  }
0x18: {  	s0 =	sld [smem:$0x3F84];
	_ =	swait.ge [sflag:s4], $0x0  }
0x19: {  	s7 =	sld [smem:$0x3F85]  }
0x1a: {  	s8 =	sadd.s32 $0xFFFFE003, lr  }
0x1b: {  	s9 =	sadd.s32 $0xFFFFFEF7, lr;
	s5 =	simm.s32 $0xFFFFFFFF;
	p2 =	slt.u32 s8, $0xFFFFF086  }
0x1c: {  	p1 =	slt.u32 s9, $0xF7A;
	s5 =	simm.s32 @!p2 $0x0  }
0x1d: {  	s5 =	simm.s32 @p1 $0x1;
	p0 =	seq.s32 s7, s2  }
0x1e: {  	s7 =	smul.u32 @!p0 $0xF7A, s2;
	p2 =	seq.s32 @!p0 s5, $0x0  }
0x1f: {  	s9 =	smul.u32 $0xF7A, s1;
	s8 =	simm.s32 @!p0 $0x1BF5;
	p2 =	por !p2, p0  }
0x20: {  	[sflag:s8] =	ssyncset.s32 @!p0 $0xFFFFF086;
	s6 =	sadd.s32 @!p0 s3, s7;
	s7 =	simm.s32 @!p0 $0x108  }
0x21: {  	s3 =	sadd.s32 s3, s9;
	s6 =	sadd.s32 @!p0 $0x88, s6;
	s7 =	simm.s32 @p2 $0x1082  }
0x22: {  	[simem:s7], [sflag:s8] =	dma.local @!p0 [hbm:s6], $0xF7A  }
0x23: {  	s9 =	sor.u32 $0xD0000000, s2;
	s6 =	simm.s32 $0x108;
	_ =	swait.ge @!p0 [sflag:s8], $0x0  }
0x24: {  	s3 =	sadd.s32 $0x88, s3;
	s6 =	simm.s32 @!p1 $0x1082;
	[sflag:s4] =	ssyncset.s32 $0xFFFFF086  }
0x25: {  	[simem:s6], [sflag:s4] =	dma.local [hbm:s3], $0xF7A  }
0x26: {  	[smem:$0x3F85] =	sst s1;
	(tag) =	ssettag s2;
	_ =	strace s9  }
0x27: {  	s1 =	sld [smem:$0x3F95]  }
0x28: {  	s2 =	sld [smem:$0x3F96]  }
0x29: {  	s4 =	sld [smem:$0x3F98]  }
0x2a: {  	p0 =	seq.s32 s5, $0x0;
	s5 =	sld [smem:$0x3F99]  }
0x2b: {  	s6 =	sld [smem:$0x3F9A]  }
0x2c: {  	s7 =	sld [smem:$0x3F9B]  }
0x2d: {  	s3 =	simm.s32 $0x108;
	s8 =	sld [smem:$0x3F9C]  }
0x2e: {  	s3 =	simm.s32 @!p0 $0x1082;
	s9 =	sld [smem:$0x3F9D]  }
0x2f: {  	lr =	sadd.s32 s0, s3;
	s0 =	sld [smem:$0x3F94]  }
0x30: {  	s3 =	sld [smem:$0x3F97]  }
0x31: {  	[smem:$0x3FA0] =	sst s10  }
0x32: {  	s10 =	sld [smem:$0x3F9E];
	_ =	sdelay $0x3  }
0x33: {  	p0 =	seq.s32 s10, $0x1;
	s10 =	sld [smem:$0x3FA0];
	_ =	sdelay $0x3  }
0x34: {  	[smem:$0x3FA0] =	sst s10  }
0x35: {  	s10 =	sld [smem:$0x3F9F];
	_ =	sdelay $0x3  }
0x36: {  	p1 =	seq.s32 s10, $0x1;
	s10 =	sld [smem:$0x3FA0];
	_ =	sdelay $0x3  }
0x37: {  	[smem:$0x3FA0] =	sst s10  }
0x38: {  	s10 =	sld [smem:$0x3FA1]  }
0x39: {  	_ = 	snop;
	(pc) =	sbr.ind lr, $3  }
0x3a: {  	_ = 	snop  }
0x3b: {  	_ = 	snop  }
0x3c: {  	p2 =	seq.s32 s10, $0x1;
	s10 =	sld [smem:$0x3FA0]  }
0x3d: {  	_ =	shalt  }
0x3e: {  	_ =	shalt  }
0x3f: {  	_ =	shalt  }
0x40: {  	_ =	shalt  }
0x41: {  	_ =	shalt  }
0x42: {  	_ =	shalt  }
0x43: {  	_ =	shalt  }
0x44: {  	_ =	shalt  }
0x45: {  	_ =	shalt  }
0x46: {  	_ =	shalt  }
0x47: {  	_ =	shalt  }
0x48: {  	_ =	shalt  }
0x49: {  	_ =	shalt  }
0x4a: {  	_ =	shalt  }
0x4b: {  	_ =	shalt  }
0x4c: {  	_ =	shalt  }
0x4d: {  	_ =	shalt  }
0x4e: {  	_ =	shalt  }
0x4f: {  	_ =	shalt  }
0x50: {  	_ =	shalt  }
0x51: {  	_ =	shalt  }
0x52: {  	_ =	shalt  }
0x53: {  	_ =	shalt  }
0x54: {  	_ =	shalt  }
0x55: {  	_ =	shalt  }
0x56: {  	_ =	shalt  }
0x57: {  	_ =	shalt  }
0x58: {  	_ =	shalt  }
0x59: {  	_ =	shalt  }
0x5a: {  	_ =	shalt  }
0x5b: {  	_ =	shalt  }
0x5c: {  	_ =	shalt  }
0x5d: {  	_ =	shalt  }
0x5e: {  	_ =	shalt  }
0x5f: {  	_ =	shalt  }
0x60: {  	_ =	shalt  }
0x61: {  	_ =	shalt  }
0x62: {  	_ =	shalt  }
0x63: {  	_ =	shalt  }
0x64: {  	_ =	shalt  }
0x65: {  	_ =	shalt  }
0x66: {  	_ =	shalt  }
0x67: {  	_ =	shalt  }
0x68: {  	_ =	shalt  }
0x69: {  	_ =	shalt  }
0x6a: {  	_ =	shalt  }
0x6b: {  	_ =	shalt  }
0x6c: {  	_ =	shalt  }
0x6d: {  	_ =	shalt  }
0x6e: {  	_ =	shalt  }
0x6f: {  	_ =	shalt  }
0x70: {  	_ =	shalt  }
0x71: {  	_ =	shalt  }
0x72: {  	_ =	shalt  }
0x73: {  	_ =	shalt  }
0x74: {  	_ =	shalt  }
0x75: {  	_ =	shalt  }
0x76: {  	_ =	shalt  }
0x77: {  	_ =	shalt  }
0x78: {  	_ =	shalt  }
0x79: {  	_ =	shalt  }
0x7a: {  	_ =	shalt  }
0x7b: {  	_ =	shalt  }
0x7c: {  	_ =	shalt  }
0x7d: {  	_ =	shalt  }
0x7e: {  	_ =	shalt  }
0x7f: {  	_ =	shalt  }
0x80: {  	_ =	shalt  }
0x81: {  	_ =	shalt  }
0x82: {  	_ =	shalt  }
0x83: {  	_ =	shalt  }
0x84: {  	_ =	shalt  }
0x85: {  	_ =	shalt  }
0x86: {  	_ =	shalt  }
0x87: {  	_ =	shalt  }
.Lfunc_end0:
.L_simem_size_0:
called_computation_lowered:
.L_overlay_start_0:
0x88: {  	s2 =	sld [smem:$0x3FD9]  }
0x89: {  	s3 =	sld [smem:$0x3FFE];
	_ =	sdelay $0x1  }
0x8a: {  	s1 =	srdreg.scid  }
0x8b: {  	s0 =	sand.u32 $0x1, s1  }
0x8c: {  	s17 =	sshll.u32 s0, $0xA;
	s2 =	sadd.s32 s3, s2  }
0x8d: {  	s2 =	sadd.s32 s2, s17  }
0x8e: {  	[smem:$0x3FAC] =	sst s2  }
0x8f: {  	_ = 	snop  }
0x90: {  	s2 =	sld [smem:$0x3FC6];
	(tm) =	ssettm $0x1  }
0x91: {  	s18 =	sld [smem:$0x3FFB];
	_ =	sdelay $0x3  }
0x92: {  	_ =	strace s18  }
0x93: {  	s3 =	sld [smem:$0x3FFC];
	_ =	sdelay $0x3  }
0x94: {  	_ =	strace s3  }
0x95: {  	s3 =	sld [smem:$0x3FFD];
	_ =	sdelay $0x3  }
0x96: {  	_ =	strace s3  }
0x97: {  	_ =	strace $0x8FFFFFFF  }
0x98: {  	s19 =	sld [smem:$0x3FDB];
	_ =	sdelay $0x1  }
0x99: {  	s4 =	simm.s32 $_scs_section_size  }
0x9a: {  	s5 =	simm.s32 $_size__tile_overlayer_lowered;
	s6 =	simm.s32 $_tile_overlayer_lowered  }
0x9b: {  	s22 =	simm.s32 $0x1BFF;
	s21 =	sshll.u32 s6, $0x1;
	s3 =	sadd.s32 s4, s19  }
0x9c: {  	s7 =	simm.s32 $0x0;
	s20 =	sshll.u32 s5, $0x1;
	s5 =	sadd.s32 s21, s3  }
0x9d: {  	[timem:s7], [sflag:s22] =	dma.local [hbm:s5], s20  }
0x9e: {  	_ =	swait.ge [sflag:s22], s20  }
0x9f: {  	s4 =	ssub.s32 $0x0, s20;
	[sflag:s22] =	ssyncset.done $0x0  }
0xa0: {  	[sflag:s22] =	ssyncadd.s32 s4;
	_ =	sdelay $0x1  }
0xa1: {  	s23 =	simm.s32 $0x1B8B  }
0xa2: {  	_ =	swait.ge [sflag:s23], $0x1  }
0xa3: {  	[sflag:s23] =	ssyncset.done $0x0  }
0xa4: {  	s25 =	simm.s32 $0x1B8E;
	s24 =	sld [smem:$0x3FFE];
	[sflag:s23] =	ssyncadd.s32 $0xFFFFFFFF  }
0xa5: {  	s26 =	simm.s32 $execute0_lowered;
	[smem:$0x3FD2] =	sst s25  }
0xa6: {  	s5 =	sshll.u32 s26, $0x1;
	_ =	strace $0x80000046;
	[dreg:$0x1] =	wrdreg $0xFFFFFFFF  }
0xa7: {  	s28 =	simm.s32 $_size_execute0_lowered;
	s3 =	sadd.s32 s3, s5;
	[dreg:$0x0] =	wrdreg $0x0  }
0xa8: {  	s5 =	sshll.u32 s28, $0x1;
	[dreg:$0x2] =	wrdreg s3  }
0xa9: {  	[dreg:$0x3] =	wrdreg s5  }
0xaa: {  	[dreg:$0x4] =	wrdreg $0xC0  }
0xab: {  	_ =	task [dreg:s7], $0x5FFFF  }
0xac: {  	[dreg:$0x1] =	wrdreg $0xFFFFFFFF  }
0xad: {  	[dreg:$0x0] =	wrdreg $0x60  }
0xae: {  	[dreg:$0x2] =	wrdreg s24  }
0xaf: {  	[dreg:$0x3] =	wrdreg s2  }
0xb0: {  	[dreg:$0x4] =	wrdreg $0x9  }
0xb1: {  	_ =	task.clear_ibuf [dreg:s7], $0x5FFFF;
	_ =	strace $0x90000046  }
0xb2: {  	s29 =	simm.s32 $0x9;
	_ =	strace $0x80000048  }
0xb3: {  	_ =	swait.ge [sflag:s29], $0x1  }
0xb4: {  	[sflag:s29] =	ssyncadd.s32 $0xFFFFFFFF  }
0xb5: {  	_ =	strace $0x90000048  }
0xb6: {  	_ =	sfence  }
0xb7: {  	s30 =	sld [smem:$0x0];
	_ =	sdelay $0x2  }
0xb8: {  	s31 =	sshll.u32 s1, $0xD;
	s1 =	sshrl.u32 s1, $0x2  }
0xb9: {  	s3 =	sand.u32 $0x4000, s31;
	s1 =	sadd.s32 s1, s30  }
0xba: {  	s0 =	sor.u32 s3, s0;
	s1 =	sshll.u32 s1, $0x11  }
0xbb: {  	s0 =	sor.u32 s1, s0  }
0xbc: {  	s0 =	sadd.s32 $0x8F2B, s0  }
0xbd: {  	[sflag:s0] =	ssyncadd.remote.s32 $0x1  }
0xbe: {  	_ =	sfence.sel $0xFFFF  }
0xbf: {  	[dreg:$0x0] =	wrdreg $0xFFFFFFFF;
	(pc) =	sbr.abs _section_cstart, $3  }
0xc0: {  	[dreg:$0x1] =	wrdreg $0xFFFFFFFF  }
0xc1: {  	_ =	task.clear_ibuf [dreg:s7], $0x2FFFF;
	_ =	strace $0x9FFFFFFF  }
0xc2: {  	(tm) =	ssettm $0x7FFFFFFF  }
0xc3: {  	_ =	shalt  }
tec
execute0_lowered:
.L_overlay_start_1:
0x0: {  	(tag) =	ssettag $0x1  }
0x1: {  	s4 =	rddreg [dreg:$0x0];
	s1 =	srdreg.scid  }
0x2: {  	s0 =	stileid.u32;
	s2 =	rddreg [dreg:$0x1]  }
0x3: {  	s10 =	simm.s32 $0x1400;
	s11 =	simm.s32 $0x80;
	s12 =	simm.s32 $0x5000  }
0x4: {  	s13 =	simm.s32 $0x5080;
	s14 =	simm.s32 $0x1;
	s15 =	simm.s32 $0x2  }
0x5: {  	s16 =	simm.s32 $0x2800;
	s5 =	sand.u32 $0x1, s1;
	s3 =	sshll.u32 s0, $0x1  }
0x6: {  	s17 =	simm.s32 $0x3C00;
	s1 =	rddreg [dreg:$0x2];
	s6 =	sor.u32 s5, s3  }
0x7: {  	s3 =	simm.s32 $0x0;
	s5 =	ssub.s32 $0x2, s5;
	s6 =	smul.u32 $0x280, s6  }
0x8: {  	s18 =	simm.s32 $0x0;
	[smem:$0x7FF] =	sst s3;
	s7 =	sshrl.u32 s5, $0x1  }
0x9: {  	_ =	strace $0x80000047;
	s9 =	ssub.s32 s5, s7;
	s8 =	sadd.s32 s6, s4  }
0xa: {  	s4 =	sadd.s32 $0xA600, s8;
	s5 =	sadd.s32 $0x5600, s8;
	s6 =	sadd.s32 $0xF600, s8  }
0xb: {  	s7 =	sadd.s32 $0x14600, s8;
	s8 =	smax.u32 s9, $0x1;
	s9 =	simm.s32 $0x3  }
.LBB2_1:
0xc: {  	[tilespmem:s3], [sflag:$0x3] =	stream.linear.gather [hbm4b:s4+s3], $0x1400, $0x38;
	[tilespmem:$0x5100] =	vst v63  }
0xd: {  	_ =	swait.ge [sflag:s9], $0x1400  }
0xe: {  	[sflag:s9] =	ssyncset.done $0x0  }
0xf: {  	[sflag:s9] =	ssyncadd.s32 $0xFFFFEC00  }
0x10: {  	[tilespmem:s10], [sflag:$0x3] =	stream.linear.gather [hbm4b:s5+s3], $0x1400, $0x38;
	[tilespmem:$0x5100] =	vst v63  }
0x11: {  	_ =	swait.ge [sflag:s9], $0x1400  }
0x12: {  	[sflag:s9] =	ssyncset.done $0x0  }
0x13: {  	s19 =	simm.s32 $0x0;
	[sflag:s9] =	ssyncadd.s32 $0xFFFFEC00  }
0x14: {  	[tilespmem:s12], [sflag:$0x1] =	stream.indirect.gather [hbm4b:s2+s11], $0x1, s19, s11, $0xb8;
	[tilespmem:$0x5100] =	vst v63  }
0x15: {  	s20 =	simm.s32 $0x80  }
0x16: {  	[tilespmem:s13], [sflag:$0x2] =	stream.indirect.gather [hbm4b:s2+s11], $0x1, s20, s11, $0xb8;
	[tilespmem:$0x5100] =	vst v63  }
0x17: {  	_ =	swait.ge [sflag:s14], $0x80  }
0x18: {  	[sflag:s14] =	ssyncset.done $0x0  }
0x19: {  	[sflag:s14] =	ssyncadd.s32 $0xFFFFFF80  }
0x1a: {  	v0 =	vld [tilespmem:$0x5000];
	_ =	sdelay $0x1  }
0x1b: {  	v1 =	vld [tilespmem:s19+$0x1400];
	_ =	sdelay $0x2  }
0x1c: {  	v6 =	vmul.u32 $0x2710, v0;
	_ =	sdelay $0x1  }
0x1d: {  	[tilespmem:s19+$0x2800] =	vst v0;
	v0 =	vadd.s32 v6, v1  }
0x1e: {  	[tilespmem:s19+$0x3C00] =	vst v0  }
0x1f: {  	v0 =	vld [tilespmem:$0x5010];
	_ =	sdelay $0x1  }
0x20: {  	v2 =	vld [tilespmem:s19+$0x1410];
	_ =	sdelay $0x2  }
0x21: {  	v57 =	vmul.u32 $0x2710, v0;
	_ =	sdelay $0x1  }
0x22: {  	[tilespmem:s19+$0x2810] =	vst v0;
	v0 =	vadd.s32 v57, v2  }
0x23: {  	[tilespmem:s19+$0x3C10] =	vst v0  }
0x24: {  	v0 =	vld [tilespmem:$0x5020];
	_ =	sdelay $0x1  }
0x25: {  	v3 =	vld [tilespmem:s19+$0x1420];
	_ =	sdelay $0x2  }
0x26: {  	v2 =	vmul.u32 $0x2710, v0;
	_ =	sdelay $0x1  }
0x27: {  	[tilespmem:s19+$0x2820] =	vst v0;
	v0 =	vadd.s32 v2, v3  }
0x28: {  	[tilespmem:s19+$0x3C20] =	vst v0  }
0x29: {  	v0 =	vld [tilespmem:$0x5030];
	_ =	sdelay $0x1  }
0x2a: {  	v4 =	vld [tilespmem:s19+$0x1430];
	_ =	sdelay $0x2  }
0x2b: {  	v2 =	vmul.u32 $0x2710, v0;
	_ =	sdelay $0x1  }
0x2c: {  	[tilespmem:s19+$0x2830] =	vst v0;
	v0 =	vadd.s32 v2, v4  }
0x2d: {  	[tilespmem:s19+$0x3C30] =	vst v0  }
0x2e: {  	v0 =	vld [tilespmem:$0x5040];
	_ =	sdelay $0x1  }
0x2f: {  	v5 =	vld [tilespmem:s19+$0x1440];
	_ =	sdelay $0x2  }
0x30: {  	v2 =	vmul.u32 $0x2710, v0;
	_ =	sdelay $0x1  }
0x31: {  	[tilespmem:s19+$0x2840] =	vst v0;
	v0 =	vadd.s32 v2, v5  }
0x32: {  	[tilespmem:s19+$0x3C40] =	vst v0  }
0x33: {  	v0 =	vld [tilespmem:$0x5050];
	_ =	sdelay $0x1  }
0x34: {  	v7 =	vld [tilespmem:s19+$0x1450];
	_ =	sdelay $0x2  }
0x35: {  	v2 =	vmul.u32 $0x2710, v0;
	_ =	sdelay $0x1  }
0x36: {  	[tilespmem:s19+$0x2850] =	vst v0;
	v0 =	vadd.s32 v2, v7  }
0x37: {  	[tilespmem:s19+$0x3C50] =	vst v0  }
0x38: {  	v0 =	vld [tilespmem:$0x5060];
	_ =	sdelay $0x1  }
0x39: {  	v1 =	vld [tilespmem:s19+$0x1460];
	_ =	sdelay $0x2  }
0x3a: {  	v2 =	vmul.u32 $0x2710, v0;
	_ =	sdelay $0x1  }
0x3b: {  	[tilespmem:s19+$0x2860] =	vst v0;
	v0 =	vadd.s32 v2, v1  }
0x3c: {  	[tilespmem:s19+$0x3C60] =	vst v0  }
0x3d: {  	v0 =	vld [tilespmem:$0x5070];
	_ =	sdelay $0x1  }
0x3e: {  	v8 =	vld [tilespmem:s19+$0x1470];
	_ =	sdelay $0x2  }
0x3f: {  	v1 =	vmul.u32 $0x2710, v0;
	_ =	sdelay $0x1  }
0x40: {  	[tilespmem:s19+$0x2870] =	vst v0;
	v0 =	vadd.s32 v1, v8  }
0x41: {  	[tilespmem:s19+$0x3C70] =	vst v0  }
0x42: {  	_ =	swait.ge [sflag:s15], $0x80  }
0x43: {  	[sflag:s15] =	ssyncset.done $0x0  }
0x44: {  	[sflag:s15] =	ssyncadd.s32 $0xFFFFFF80  }
0x45: {  	v0 =	vld [tilespmem:$0x5080];
	_ =	sdelay $0x1  }
0x46: {  	v1 =	vld [tilespmem:s19+$0x1480];
	_ =	sdelay $0x2  }
0x47: {  	v60 =	vmul.u32 $0x2710, v0;
	_ =	sdelay $0x1  }
0x48: {  	[tilespmem:s19+$0x2880] =	vst v0;
	v0 =	vadd.s32 v60, v1  }
0x49: {  	[tilespmem:s19+$0x3C80] =	vst v0  }
0x4a: {  	v0 =	vld [tilespmem:$0x5090];
	_ =	sdelay $0x1  }
0x4b: {  	v2 =	vld [tilespmem:s19+$0x1490];
	_ =	sdelay $0x2  }
0x4c: {  	v62 =	vmul.u32 $0x2710, v0;
	_ =	sdelay $0x1  }
0x4d: {  	[tilespmem:s19+$0x2890] =	vst v0;
	v0 =	vadd.s32 v62, v2  }
0x4e: {  	[tilespmem:s19+$0x3C90] =	vst v0  }
0x4f: {  	v0 =	vld [tilespmem:$0x50A0];
	_ =	sdelay $0x1  }
0x50: {  	v3 =	vld [tilespmem:s19+$0x14A0];
	_ =	sdelay $0x2  }
0x51: {  	v2 =	vmul.u32 $0x2710, v0;
	_ =	sdelay $0x1  }
0x52: {  	[tilespmem:s19+$0x28A0] =	vst v0;
	v0 =	vadd.s32 v2, v3  }
0x53: {  	[tilespmem:s19+$0x3CA0] =	vst v0  }
0x54: {  	v0 =	vld [tilespmem:$0x50B0];
	_ =	sdelay $0x1  }
0x55: {  	v58 =	vld [tilespmem:s19+$0x14B0];
	_ =	sdelay $0x2  }
0x56: {  	v2 =	vmul.u32 $0x2710, v0;
	_ =	sdelay $0x1  }
0x57: {  	[tilespmem:s19+$0x28B0] =	vst v0;
	v0 =	vadd.s32 v2, v58  }
0x58: {  	[tilespmem:s19+$0x3CB0] =	vst v0  }
0x59: {  	v0 =	vld [tilespmem:$0x50C0];
	_ =	sdelay $0x1  }
0x5a: {  	v59 =	vld [tilespmem:s19+$0x14C0];
	_ =	sdelay $0x2  }
0x5b: {  	v2 =	vmul.u32 $0x2710, v0;
	_ =	sdelay $0x1  }
0x5c: {  	[tilespmem:s19+$0x28C0] =	vst v0;
	v0 =	vadd.s32 v2, v59  }
0x5d: {  	[tilespmem:s19+$0x3CC0] =	vst v0  }
0x5e: {  	v0 =	vld [tilespmem:$0x50D0];
	_ =	sdelay $0x1  }
0x5f: {  	v61 =	vld [tilespmem:s19+$0x14D0];
	_ =	sdelay $0x2  }
0x60: {  	v2 =	vmul.u32 $0x2710, v0;
	_ =	sdelay $0x1  }
0x61: {  	[tilespmem:s19+$0x28D0] =	vst v0;
	v0 =	vadd.s32 v2, v61  }
0x62: {  	[tilespmem:s19+$0x3CD0] =	vst v0  }
0x63: {  	v0 =	vld [tilespmem:$0x50E0];
	_ =	sdelay $0x1  }
0x64: {  	v1 =	vld [tilespmem:s19+$0x14E0];
	_ =	sdelay $0x2  }
0x65: {  	v2 =	vmul.u32 $0x2710, v0;
	_ =	sdelay $0x1  }
0x66: {  	[tilespmem:s19+$0x28E0] =	vst v0;
	v0 =	vadd.s32 v2, v1  }
0x67: {  	[tilespmem:s19+$0x3CE0] =	vst v0  }
0x68: {  	v0 =	vld [tilespmem:$0x50F0];
	_ =	sdelay $0x1  }
0x69: {  	v63 =	vld [tilespmem:s19+$0x14F0];
	_ =	sdelay $0x2  }
0x6a: {  	v1 =	vmul.u32 $0x2710, v0;
	_ =	sdelay $0x1  }
0x6b: {  	s21 =	simm.s32 $0x800;
	s20 =	simm.s32 $0x400;
	[tilespmem:s19+$0x28F0] =	vst v0;
	v0 =	vadd.s32 v1, v63  }
.LBB2_2:
0x6c: {  	p0 =	sne.s32 s21, $0x4C00  }
0x6d: {  	[tilespmem:s19+$0x3CF0] =	vst v0;
	s19 =	sshra.s32 s20, $0x2;
	s20 =	smov.u32 s21;
	s21 =	sadd.s32 $0x400, s21  }
0x6e: {  	[tilespmem:s12], [sflag:$0x1] =	stream.indirect.gather [hbm4b:s2+s11], $0x1, s19, s11, $0xb8;
	[tilespmem:$0x5100] =	vst v63  }
0x6f: {  	s22 =	sadd.s32 $0x80, s19  }
0x70: {  	[tilespmem:s13], [sflag:$0x2] =	stream.indirect.gather [hbm4b:s2+s11], $0x1, s22, s11, $0xb8;
	[tilespmem:$0x5100] =	vst v63  }
0x71: {  	_ =	swait.ge [sflag:s14], $0x80  }
0x72: {  	[sflag:s14] =	ssyncset.done $0x0  }
0x73: {  	[sflag:s14] =	ssyncadd.s32 $0xFFFFFF80  }
0x74: {  	v0 =	vld [tilespmem:$0x5000]  }
0x75: {  	v1 =	vld [tilespmem:s19+$0x1400]  }
0x76: {  	v2 =	vld [tilespmem:s19+$0x1410]  }
0x77: {  	v3 =	vld [tilespmem:s19+$0x1420]  }
0x78: {  	v4 =	vld [tilespmem:s19+$0x1430]  }
0x79: {  	v5 =	vmul.u32 $0x2710, v0;
	v6 =	vld [tilespmem:s19+$0x1440]  }
0x7a: {  	v7 =	vld [tilespmem:s19+$0x1450]  }
0x7b: {  	[tilespmem:s19+$0x2800] =	vst v0;
	v0 =	vadd.s32 v5, v1;
	v1 =	vld [tilespmem:s19+$0x1460]  }
0x7c: {  	[tilespmem:s19+$0x3C00] =	vst v0;
	v0 =	vld [tilespmem:s19+$0x1470]  }
0x7d: {  	v5 =	vld [tilespmem:$0x5010];
	_ =	sdelay $0x4  }
0x7e: {  	[tilespmem:s19+$0x2810] =	vst v5;
	v5 =	vmul.u32 $0x2710, v5;
	_ =	sdelay $0x1  }
0x7f: {  	v2 =	vadd.s32 v5, v2  }
0x80: {  	[tilespmem:s19+$0x3C10] =	vst v2  }
0x81: {  	v2 =	vld [tilespmem:$0x5020];
	_ =	sdelay $0x4  }
0x82: {  	[tilespmem:s19+$0x2820] =	vst v2;
	v2 =	vmul.u32 $0x2710, v2;
	_ =	sdelay $0x1  }
0x83: {  	v2 =	vadd.s32 v2, v3  }
0x84: {  	[tilespmem:s19+$0x3C20] =	vst v2  }
0x85: {  	v2 =	vld [tilespmem:$0x5030];
	_ =	sdelay $0x4  }
0x86: {  	[tilespmem:s19+$0x2830] =	vst v2;
	v2 =	vmul.u32 $0x2710, v2;
	_ =	sdelay $0x1  }
0x87: {  	v2 =	vadd.s32 v2, v4  }
0x88: {  	[tilespmem:s19+$0x3C30] =	vst v2  }
0x89: {  	v2 =	vld [tilespmem:$0x5040];
	_ =	sdelay $0x4  }
0x8a: {  	[tilespmem:s19+$0x2840] =	vst v2;
	v2 =	vmul.u32 $0x2710, v2;
	_ =	sdelay $0x1  }
0x8b: {  	v2 =	vadd.s32 v2, v6  }
0x8c: {  	[tilespmem:s19+$0x3C40] =	vst v2  }
0x8d: {  	v2 =	vld [tilespmem:$0x5050];
	_ =	sdelay $0x4  }
0x8e: {  	[tilespmem:s19+$0x2850] =	vst v2;
	v2 =	vmul.u32 $0x2710, v2;
	_ =	sdelay $0x1  }
0x8f: {  	v2 =	vadd.s32 v2, v7  }
0x90: {  	[tilespmem:s19+$0x3C50] =	vst v2  }
0x91: {  	v2 =	vld [tilespmem:$0x5060];
	_ =	sdelay $0x4  }
0x92: {  	[tilespmem:s19+$0x2860] =	vst v2;
	v2 =	vmul.u32 $0x2710, v2;
	_ =	sdelay $0x1  }
0x93: {  	v1 =	vadd.s32 v2, v1  }
0x94: {  	[tilespmem:s19+$0x3C60] =	vst v1  }
0x95: {  	v1 =	vld [tilespmem:$0x5070];
	_ =	sdelay $0x4  }
0x96: {  	[tilespmem:s19+$0x2870] =	vst v1;
	v1 =	vmul.u32 $0x2710, v1;
	_ =	sdelay $0x1  }
0x97: {  	v0 =	vadd.s32 v1, v0  }
0x98: {  	[tilespmem:s19+$0x3C70] =	vst v0  }
0x99: {  	_ =	swait.ge [sflag:s15], $0x80  }
0x9a: {  	[sflag:s15] =	ssyncset.done $0x0  }
0x9b: {  	[sflag:s15] =	ssyncadd.s32 $0xFFFFFF80  }
0x9c: {  	v0 =	vld [tilespmem:$0x5080]  }
0x9d: {  	v1 =	vld [tilespmem:s19+$0x1480]  }
0x9e: {  	v2 =	vld [tilespmem:s19+$0x1490]  }
0x9f: {  	v3 =	vld [tilespmem:s19+$0x14A0]  }
0xa0: {  	v4 =	vld [tilespmem:s19+$0x14B0]  }
0xa1: {  	v5 =	vmul.u32 $0x2710, v0;
	v6 =	vld [tilespmem:s19+$0x14C0]  }
0xa2: {  	v7 =	vld [tilespmem:s19+$0x14D0]  }
0xa3: {  	[tilespmem:s19+$0x2880] =	vst v0;
	v0 =	vadd.s32 v5, v1;
	v1 =	vld [tilespmem:s19+$0x14E0]  }
0xa4: {  	[tilespmem:s19+$0x3C80] =	vst v0;
	v0 =	vld [tilespmem:s19+$0x14F0]  }
0xa5: {  	v5 =	vld [tilespmem:$0x5090];
	_ =	sdelay $0x4  }
0xa6: {  	[tilespmem:s19+$0x2890] =	vst v5;
	v5 =	vmul.u32 $0x2710, v5;
	_ =	sdelay $0x1  }
0xa7: {  	v2 =	vadd.s32 v5, v2  }
0xa8: {  	[tilespmem:s19+$0x3C90] =	vst v2  }
0xa9: {  	v2 =	vld [tilespmem:$0x50A0];
	_ =	sdelay $0x4  }
0xaa: {  	[tilespmem:s19+$0x28A0] =	vst v2;
	v2 =	vmul.u32 $0x2710, v2;
	_ =	sdelay $0x1  }
0xab: {  	v2 =	vadd.s32 v2, v3  }
0xac: {  	[tilespmem:s19+$0x3CA0] =	vst v2  }
0xad: {  	v2 =	vld [tilespmem:$0x50B0];
	_ =	sdelay $0x4  }
0xae: {  	[tilespmem:s19+$0x28B0] =	vst v2;
	v2 =	vmul.u32 $0x2710, v2;
	_ =	sdelay $0x1  }
0xaf: {  	v2 =	vadd.s32 v2, v4  }
0xb0: {  	[tilespmem:s19+$0x3CB0] =	vst v2  }
0xb1: {  	v2 =	vld [tilespmem:$0x50C0];
	_ =	sdelay $0x4  }
0xb2: {  	[tilespmem:s19+$0x28C0] =	vst v2;
	v2 =	vmul.u32 $0x2710, v2;
	_ =	sdelay $0x1  }
0xb3: {  	v2 =	vadd.s32 v2, v6  }
0xb4: {  	[tilespmem:s19+$0x3CC0] =	vst v2  }
0xb5: {  	v2 =	vld [tilespmem:$0x50D0];
	_ =	sdelay $0x4  }
0xb6: {  	[tilespmem:s19+$0x28D0] =	vst v2;
	v2 =	vmul.u32 $0x2710, v2;
	_ =	sdelay $0x1  }
0xb7: {  	v2 =	vadd.s32 v2, v7  }
0xb8: {  	[tilespmem:s19+$0x3CD0] =	vst v2  }
0xb9: {  	v2 =	vld [tilespmem:$0x50E0];
	_ =	sdelay $0x4  }
0xba: {  	[tilespmem:s19+$0x28E0] =	vst v2;
	v2 =	vmul.u32 $0x2710, v2;
	_ =	sdelay $0x1  }
0xbb: {  	v1 =	vadd.s32 v2, v1  }
0xbc: {  	[tilespmem:s19+$0x3CE0] =	vst v1  }
0xbd: {  	v1 =	vld [tilespmem:$0x50F0];
	_ =	sdelay $0x2  }
.Ltmp0:
0xbe: {  	(pc) =	sbr.rel @p0 .LBB2_2-.Ltmp0, $3  }
0xbf: {  	_ = 	snop  }
0xc0: {  	[tilespmem:s19+$0x28F0] =	vst v1;
	v1 =	vmul.u32 $0x2710, v1;
	_ =	sdelay $0x1  }
0xc1: {  	v0 =	vadd.s32 v1, v0  }
0xc2: {  	s20 =	sshra.s32 s20, $0x2;
	[tilespmem:s19+$0x3CF0] =	vst v0  }
0xc3: {  	[tilespmem:s12], [sflag:$0x1] =	stream.indirect.gather [hbm4b:s2+s11], $0x1, s20, s11, $0xb8;
	[tilespmem:$0x5100] =	vst v63  }
0xc4: {  	s31 =	sadd.s32 $0x80, s20  }
0xc5: {  	[tilespmem:s13], [sflag:$0x2] =	stream.indirect.gather [hbm4b:s2+s11], $0x1, s31, s11, $0xb8;
	[tilespmem:$0x5100] =	vst v63  }
0xc6: {  	_ =	swait.ge [sflag:s14], $0x80  }
0xc7: {  	[sflag:s14] =	ssyncset.done $0x0  }
0xc8: {  	[sflag:s14] =	ssyncadd.s32 $0xFFFFFF80  }
0xc9: {  	v16 =	vld [tilespmem:$0x5000];
	_ =	sdelay $0x1  }
0xca: {  	v1 =	vld [tilespmem:s20+$0x1400];
	_ =	sdelay $0x2  }
0xcb: {  	v2 =	vmul.u32 $0x2710, v16;
	_ =	sdelay $0x1  }
0xcc: {  	[tilespmem:s20+$0x2800] =	vst v16;
	v17 =	vadd.s32 v2, v1  }
0xcd: {  	[tilespmem:s20+$0x3C00] =	vst v17  }
0xce: {  	v0 =	vld [tilespmem:$0x5010];
	_ =	sdelay $0x1  }
0xcf: {  	v18 =	vld [tilespmem:s20+$0x1410];
	_ =	sdelay $0x2  }
0xd0: {  	v19 =	vmul.u32 $0x2710, v0;
	_ =	sdelay $0x1  }
0xd1: {  	[tilespmem:s20+$0x2810] =	vst v0;
	v20 =	vadd.s32 v19, v18  }
0xd2: {  	[tilespmem:s20+$0x3C10] =	vst v20  }
0xd3: {  	v0 =	vld [tilespmem:$0x5020];
	_ =	sdelay $0x1  }
0xd4: {  	v21 =	vld [tilespmem:s20+$0x1420];
	_ =	sdelay $0x2  }
0xd5: {  	v22 =	vmul.u32 $0x2710, v0;
	_ =	sdelay $0x1  }
0xd6: {  	[tilespmem:s20+$0x2820] =	vst v0;
	v23 =	vadd.s32 v22, v21  }
0xd7: {  	[tilespmem:s20+$0x3C20] =	vst v23  }
0xd8: {  	v0 =	vld [tilespmem:$0x5030];
	_ =	sdelay $0x1  }
0xd9: {  	v24 =	vld [tilespmem:s20+$0x1430];
	_ =	sdelay $0x2  }
0xda: {  	v25 =	vmul.u32 $0x2710, v0;
	_ =	sdelay $0x1  }
0xdb: {  	[tilespmem:s20+$0x2830] =	vst v0;
	v26 =	vadd.s32 v25, v24  }
0xdc: {  	[tilespmem:s20+$0x3C30] =	vst v26  }
0xdd: {  	v0 =	vld [tilespmem:$0x5040];
	_ =	sdelay $0x1  }
0xde: {  	v27 =	vld [tilespmem:s20+$0x1440];
	_ =	sdelay $0x2  }
0xdf: {  	v28 =	vmul.u32 $0x2710, v0;
	_ =	sdelay $0x1  }
0xe0: {  	[tilespmem:s20+$0x2840] =	vst v0;
	v29 =	vadd.s32 v28, v27  }
0xe1: {  	[tilespmem:s20+$0x3C40] =	vst v29  }
0xe2: {  	v0 =	vld [tilespmem:$0x5050];
	_ =	sdelay $0x1  }
0xe3: {  	v30 =	vld [tilespmem:s20+$0x1450];
	_ =	sdelay $0x2  }
0xe4: {  	v31 =	vmul.u32 $0x2710, v0;
	_ =	sdelay $0x1  }
0xe5: {  	[tilespmem:s20+$0x2850] =	vst v0;
	v32 =	vadd.s32 v31, v30  }
0xe6: {  	[tilespmem:s20+$0x3C50] =	vst v32  }
0xe7: {  	v0 =	vld [tilespmem:$0x5060];
	_ =	sdelay $0x1  }
0xe8: {  	v33 =	vld [tilespmem:s20+$0x1460];
	_ =	sdelay $0x2  }
0xe9: {  	v34 =	vmul.u32 $0x2710, v0;
	_ =	sdelay $0x1  }
0xea: {  	[tilespmem:s20+$0x2860] =	vst v0;
	v35 =	vadd.s32 v34, v33  }
0xeb: {  	[tilespmem:s20+$0x3C60] =	vst v35  }
0xec: {  	v0 =	vld [tilespmem:$0x5070];
	_ =	sdelay $0x1  }
0xed: {  	v36 =	vld [tilespmem:s20+$0x1470];
	_ =	sdelay $0x2  }
0xee: {  	v37 =	vmul.u32 $0x2710, v0;
	_ =	sdelay $0x1  }
0xef: {  	[tilespmem:s20+$0x2870] =	vst v0;
	v38 =	vadd.s32 v37, v36  }
0xf0: {  	[tilespmem:s20+$0x3C70] =	vst v38  }
0xf1: {  	_ =	swait.ge [sflag:s15], $0x80  }
0xf2: {  	[sflag:s15] =	ssyncset.done $0x0  }
0xf3: {  	[sflag:s15] =	ssyncadd.s32 $0xFFFFFF80  }
0xf4: {  	v39 =	vld [tilespmem:$0x5080];
	_ =	sdelay $0x1  }
0xf5: {  	v40 =	vld [tilespmem:s20+$0x1480];
	_ =	sdelay $0x2  }
0xf6: {  	v41 =	vmul.u32 $0x2710, v39;
	_ =	sdelay $0x1  }
0xf7: {  	[tilespmem:s20+$0x2880] =	vst v39;
	v42 =	vadd.s32 v41, v40  }
0xf8: {  	[tilespmem:s20+$0x3C80] =	vst v42  }
0xf9: {  	v0 =	vld [tilespmem:$0x5090];
	_ =	sdelay $0x1  }
0xfa: {  	v43 =	vld [tilespmem:s20+$0x1490];
	_ =	sdelay $0x2  }
0xfb: {  	v44 =	vmul.u32 $0x2710, v0;
	_ =	sdelay $0x1  }
0xfc: {  	[tilespmem:s20+$0x2890] =	vst v0;
	v45 =	vadd.s32 v44, v43  }
0xfd: {  	[tilespmem:s20+$0x3C90] =	vst v45  }
0xfe: {  	v0 =	vld [tilespmem:$0x50A0];
	_ =	sdelay $0x1  }
0xff: {  	v46 =	vld [tilespmem:s20+$0x14A0];
	_ =	sdelay $0x2  }
0x100: {  	v47 =	vmul.u32 $0x2710, v0;
	_ =	sdelay $0x1  }
0x101: {  	[tilespmem:s20+$0x28A0] =	vst v0;
	v48 =	vadd.s32 v47, v46  }
0x102: {  	[tilespmem:s20+$0x3CA0] =	vst v48  }
0x103: {  	v0 =	vld [tilespmem:$0x50B0];
	_ =	sdelay $0x1  }
0x104: {  	v49 =	vld [tilespmem:s20+$0x14B0];
	_ =	sdelay $0x2  }
0x105: {  	v50 =	vmul.u32 $0x2710, v0;
	_ =	sdelay $0x1  }
0x106: {  	[tilespmem:s20+$0x28B0] =	vst v0;
	v51 =	vadd.s32 v50, v49  }
0x107: {  	[tilespmem:s20+$0x3CB0] =	vst v51  }
0x108: {  	v0 =	vld [tilespmem:$0x50C0];
	_ =	sdelay $0x1  }
0x109: {  	v52 =	vld [tilespmem:s20+$0x14C0];
	_ =	sdelay $0x2  }
0x10a: {  	v53 =	vmul.u32 $0x2710, v0;
	_ =	sdelay $0x1  }
0x10b: {  	[tilespmem:s20+$0x28C0] =	vst v0;
	v54 =	vadd.s32 v53, v52  }
0x10c: {  	[tilespmem:s20+$0x3CC0] =	vst v54  }
0x10d: {  	v0 =	vld [tilespmem:$0x50D0];
	_ =	sdelay $0x1  }
0x10e: {  	v55 =	vld [tilespmem:s20+$0x14D0];
	_ =	sdelay $0x2  }
0x10f: {  	v56 =	vmul.u32 $0x2710, v0;
	_ =	sdelay $0x1  }
0x110: {  	[tilespmem:s20+$0x28D0] =	vst v0;
	v57 =	vadd.s32 v56, v55  }
0x111: {  	[tilespmem:s20+$0x3CD0] =	vst v57  }
0x112: {  	v0 =	vld [tilespmem:$0x50E0];
	_ =	sdelay $0x1  }
0x113: {  	v58 =	vld [tilespmem:s20+$0x14E0];
	_ =	sdelay $0x2  }
0x114: {  	v59 =	vmul.u32 $0x2710, v0;
	_ =	sdelay $0x1  }
0x115: {  	[tilespmem:s20+$0x28E0] =	vst v0;
	v60 =	vadd.s32 v59, v58  }
0x116: {  	[tilespmem:s20+$0x3CE0] =	vst v60  }
0x117: {  	v0 =	vld [tilespmem:$0x50F0];
	_ =	sdelay $0x1  }
0x118: {  	v61 =	vld [tilespmem:s20+$0x14F0];
	_ =	sdelay $0x2  }
0x119: {  	v62 =	vmul.u32 $0x2710, v0;
	_ =	sdelay $0x1  }
0x11a: {  	[tilespmem:s20+$0x28F0] =	vst v0;
	v63 =	vadd.s32 v62, v61  }
0x11b: {  	[tilespmem:s20+$0x3CF0] =	vst v63  }
0x11c: {  	[hbm4b:s6+s3] =	stream.linear.scatter [tilespmem:s16], [sflag:$0x3], $0x1400, $0x38;
	[tilespmem:$0x5100] =	vst v63  }
0x11d: {  	s18 =	sadd.s32 $0x1, s18;
	_ =	swait.ge [sflag:s9], $0x1400  }
0x11e: {  	p0 =	sne.s32 s18, s8;
	[sflag:s9] =	ssyncset.done $0x0  }
.Ltmp1:
0x11f: {  	[sflag:s9] =	ssyncadd.s32 $0xFFFFEC00;
	(pc) =	sbr.rel @p0 .LBB2_1-.Ltmp1, $4  }
0x120: {  	[hbm4b:s7+s3] =	stream.linear.scatter [tilespmem:s17], [sflag:$0x3], $0x1400, $0x38;
	[tilespmem:$0x5100] =	vst v63  }
0x121: {  	_ =	swait.ge [sflag:s9], $0x1400  }
0x122: {  	[sflag:s9] =	ssyncset.done $0x0  }
0x123: {  	[sflag:s9] =	ssyncadd.s32 $0xFFFFEC00  }
0x124: {  	_ =	sfence.sel $0x180000  }
0x125: {  	[bflag:$0x0] =	sbarrier.arrive $0xFFFF  }
0x126: {  	p0 =	sne.s32 s0, $0x0;
	_ =	strace $0x90000047  }
0x127: {  	s0 =	sadd.s32 @!p0 $0x100000, s1;
	[bflag:$0x2] =	sbarrier.arrive $0xFFFF  }
0x128: {  	[sflag:s0] =	ssyncadd.tile.s32 @!p0 $0x1;
	_ =	shalt  }
.Lfunc_end2:
_tile_overlayer_lowered:
.L_overlay_start_2:
0x129: {  	(tag) =	ssettag $0x2  }
0x12a: {  	s0 =	rddreg [dreg:$0x0];
	s2 =	stileid.u32  }
0x12b: {  	s1 =	rddreg [dreg:$0x1];
	p0 =	sne.s32 s2, $0x0  }
0x12c: {  	s3 =	rddreg [dreg:$0x2];
	[bflag:$0x3] =	sbarrier.arrive $0xFFFF;
	s2 =	simm.s32 @!p0 $0x1C03  }
0x12d: {  	[timem:s3], [sflag:s2] =	dma.local @!p0 [hbm:s0], s1  }
0x12e: {  	s0 =	simm.s32 @!p0 $0x3  }
0x12f: {  	_ =	swait.ge @!p0 [sflag:s0], s1  }
0x130: {  	s1 =	ssub.s32 @!p0 $0x0, s1;
	[sflag:s0] =	ssyncset.done @!p0 $0x0  }
0x131: {  	[sflag:s0] =	ssyncadd.s32 @!p0 s1  }
0x132: {  	[bflag:$0x3] =	sbarrier.arrive $0xFFFF  }
0x133: {  	_ =	shalt  }

</sc_bundles>
